<compile_context>
chip_gen: v7x
topology: tpu7x:2x2x1
jax: 0.10.2.dev20260603
libtpu: 0.0.44.dev20260713+nightly
codegen_flags: <defaults>
</compile_context>

<pallas_src>
import functools

import jax
import jax.numpy as jnp
from jax import lax
from jax.experimental import pallas as pl
from jax.experimental.pallas import tpu as pltpu
from jax.experimental.pallas import tpu_sc as plsc

_ROWS = 16384
_COLS = 8192
_NIDX = 128
_NC, _NS = 2, 16
_NW = _NC * _NS
_RPW = _ROWS // _NW
_CPD = 4
_UNROLL = 8
_LANES = 16
_IPD = _CPD * _NIDX
_NCHUNK = _RPW // _CPD


def _make_sc_kernel():
    mesh = plsc.VectorSubcoreMesh(core_axis_name="c", subcore_axis_name="s")

    @functools.partial(
        pl.kernel,
        mesh=mesh,
        out_type=jax.ShapeDtypeStruct((_ROWS * _NIDX,), jnp.float32),
        scratch_types=[
            pltpu.VMEM((_NIDX,), jnp.int32),
            pltpu.VMEM((2 * _UNROLL * _IPD,), jnp.int32),
            pltpu.VMEM((_RPW * _NIDX,), jnp.float32),
            pltpu.SemaphoreType.DMA((2,)),
        ],
        compiler_params=pltpu.CompilerParams(use_tc_tiling_on_sc=False),
    )
    def k(x_hbm, idx_hbm, out_hbm, idx0, idxb, obuf, sems):
        wid = lax.axis_index("s") * _NC + lax.axis_index("c")
        r0 = wid * _RPW
        pltpu.sync_copy(idx_hbm, idx0)

        nvec = _NIDX // _LANES

        def init_body(s, carry):
            for rr in range(_CPD):
                base = (r0 + s * _CPD + rr) * _COLS
                for kk in range(nvec):
                    v = idx0[pl.ds(kk * _LANES, _LANES)] + base
                    off = s * _IPD + rr * _NIDX + kk * _LANES
                    idxb[pl.ds(off, _LANES)] = v
            return carry

        lax.fori_loop(0, 2 * _UNROLL, init_body, 0)

        n_iters = _NCHUNK // _UNROLL

        def start_group(t):
            p = lax.rem(t, 2)
            for u in range(_UNROLL):
                c = t * _UNROLL + u
                s = p * _UNROLL + u
                pltpu.make_async_copy(
                    x_hbm.at[idxb.at[pl.ds(s * _IPD, _IPD)]],
                    obuf.at[pl.ds(c * _IPD, _IPD)],
                    sems.at[p],
                ).start()

        def drain_group(t):
            p = lax.rem(t, 2)
            for _ in range(_UNROLL):
                pltpu.make_async_copy(
                    x_hbm.at[idxb.at[pl.ds(0, _IPD)]],
                    obuf.at[pl.ds(0, _IPD)],
                    sems.at[p],
                ).wait()

        def bump_group(t):
            p = lax.rem(t, 2)
            step = 2 * _UNROLL * _CPD * _COLS
            for u in range(_UNROLL):
                s = p * _UNROLL + u
                for kk in range(_IPD // _LANES):
                    off = s * _IPD + kk * _LANES
                    idxb[pl.ds(off, _LANES)] = idxb[pl.ds(off, _LANES)] + step

        def body(t, carry):
            start_group(t)

            @pl.when(t > 0)
            def _():
                drain_group(t - 1)
                bump_group(t - 1)

            return carry

        lax.fori_loop(0, n_iters, body, 0)
        drain_group(n_iters - 1)
        pltpu.sync_copy(obuf, out_hbm.at[pl.ds(r0 * _NIDX, _RPW * _NIDX)])

    return k


def kernel(x, indices):
    out = _make_sc_kernel()(x.reshape(_ROWS * _COLS), indices)
    return out.reshape(_ROWS, _NIDX)

# --- scband reference (transcript-rebuilt; emitter-appended) ---
"""Pipeline reference for scband-restriction-module-5617817223564 (READ-ONLY COPY).

The authoritative reference and input builder live on the scoring server;
editing this copy changes nothing except your own understanding.
"""

import jax, jax.numpy as jnp
import numpy as np


def setup_inputs(seed: int = 0) -> dict:
    key = jax.random.key(seed)
    x = jax.random.normal(key, (16384, 8192), dtype=jnp.float32)
    # module init arg: strided restriction indices, values in [0, 8192)
    indices = jnp.arange(0, 8192, 64, dtype=jnp.int32)  # 128 indices
    return {"x": x, "indices": indices}


def reference(x, indices):
    # RestrictionModule.forward: x[:, self.indices] -> column gather
    return jnp.take(x, indices, axis=1)

if __name__ == "__main__":
    import jax
    _d = setup_inputs()
    print(jax.jit(kernel)(*tuple(_d.values())))

</pallas_src>

<mosaic_0001>
#map = affine_map<(d0, d1) -> (0)>
module attributes {stable_mosaic.version = 14 : i64} {
  func.func @k(%arg0: i32, %arg1: i32, %arg2: memref<134217728xf32, #tpu.memory_space<hbm>>, %arg3: memref<128xi32, #tpu.memory_space<hbm>>, %arg4: memref<2097152xf32, #tpu.memory_space<hbm>>, %arg5: memref<128xi32, #tpu.memory_space<vmem>>, %arg6: memref<8192xi32, #tpu.memory_space<vmem>>, %arg7: memref<65536xf32, #tpu.memory_space<vmem>>, %arg8: memref<2x!tpu.dma_semaphore, #tpu.memory_space<semaphore_mem>>) attributes {dimension_semantics = [#tpu.dimension_semantics<core_parallel>, #tpu.dimension_semantics<subcore_parallel>], iteration_bounds = array<i64: 2, 16>, scalar_prefetch = 0 : i64, scratch_operands = 4 : i64, tpu.core_type = #tpu.core_type<sc_vector_subcore>, window_params = [{transform_indices = #map}, {transform_indices = #map}, {transform_indices = #map}]} {
    %mul3A = arith.constant 2 : i32
    %mul3A_0 = arith.muli %arg1, %mul3A : i32
    %add3A = arith.addi %mul3A_0, %arg0 : i32
    %mul3A_1 = arith.constant 512 : i32
    %mul3A_2 = arith.muli %add3A, %mul3A_1 : i32
    "tpu.region"() ({
      %run_scoped3A = tpu.sem_alloc : memref<!tpu.dma_semaphore, #tpu.memory_space<semaphore_mem>>
      tpu.enqueue_dma source(%arg3 : memref<128xi32, #tpu.memory_space<hbm>>) target(%arg5 : memref<128xi32, #tpu.memory_space<vmem>>) target_semaphore(%run_scoped3A : memref<!tpu.dma_semaphore, #tpu.memory_space<semaphore_mem>>)
      tpu.wait_dma2 semaphore(%run_scoped3A : memref<!tpu.dma_semaphore, #tpu.memory_space<semaphore_mem>>) src(%arg3 : memref<128xi32, #tpu.memory_space<hbm>>) dst(%arg5 : memref<128xi32, #tpu.memory_space<vmem>>)
      tpu.yield
    }) : () -> ()
    %scan3A = arith.constant 0 : i32
    %scan3A_3 = arith.constant 0 : i32
    %scan3A_4 = arith.constant 16 : i32
    %scan3A_5 = arith.addi %scan3A_3, %scan3A_4 : i32
    %scan3A_6 = arith.constant 1 : i32
    scf.for %scan3A_81 = %scan3A_3 to %scan3A_5 step %scan3A_6  : i32 {
      %mul3A_82 = arith.constant 4 : i32
      %mul3A_83 = arith.muli %scan3A_81, %mul3A_82 : i32
      %add3A_84 = arith.addi %mul3A_2, %mul3A_83 : i32
      %add3A_85 = arith.constant 0 : i32
      %add3A_86 = arith.addi %add3A_84, %add3A_85 : i32
      %mul3A_87 = arith.constant 8192 : i32
      %mul3A_88 = arith.muli %add3A_86, %mul3A_87 : i32
      %get3A = arith.constant 0 : index
      %get3A_89 = tpu.vector_load %arg5[%get3A] {strides = array<i32>} : memref<128xi32, #tpu.memory_space<vmem>>, vector<16xi32>,
      %get3A_90 = vector.shape_cast %get3A_89 : vector<16xi32> to vector<16xi32>
      %add3A_91 = vector.broadcast %mul3A_88 : i32 to vector<16xi32>
      %add3A_92 = arith.addi %get3A_90, %add3A_91 : vector<16xi32>
      %mul3A_93 = arith.constant 512 : i32
      %mul3A_94 = arith.muli %scan3A_81, %mul3A_93 : i32
      %add3A_95 = arith.constant 0 : i32
      %add3A_96 = arith.addi %mul3A_94, %add3A_95 : i32
      %add3A_97 = arith.constant 0 : i32
      %add3A_98 = arith.addi %add3A_96, %add3A_97 : i32
      %swap3A = arith.index_cast %add3A_98 : i32 to index
      %swap3A_99 = tpu.vector_load %arg6[%swap3A] {strides = array<i32>} : memref<8192xi32, #tpu.memory_space<vmem>>, vector<16xi32>,
      %swap3A_100 = vector.shape_cast %swap3A_99 : vector<16xi32> to vector<16xi32>
      %swap3A_101 = vector.shape_cast %add3A_92 : vector<16xi32> to vector<16xi32>
      tpu.vector_store %arg6[%swap3A], %swap3A_101 {strides = array<i32>} : memref<8192xi32, #tpu.memory_space<vmem>>, vector<16xi32>,
      %get3A_102 = arith.constant 16 : index
      %get3A_103 = tpu.vector_load %arg5[%get3A_102] {strides = array<i32>} : memref<128xi32, #tpu.memory_space<vmem>>, vector<16xi32>,
      %get3A_104 = vector.shape_cast %get3A_103 : vector<16xi32> to vector<16xi32>
      %add3A_105 = vector.broadcast %mul3A_88 : i32 to vector<16xi32>
      %add3A_106 = arith.addi %get3A_104, %add3A_105 : vector<16xi32>
      %mul3A_107 = arith.constant 512 : i32
      %mul3A_108 = arith.muli %scan3A_81, %mul3A_107 : i32
      %add3A_109 = arith.constant 0 : i32
      %add3A_110 = arith.addi %mul3A_108, %add3A_109 : i32
      %add3A_111 = arith.constant 16 : i32
      %add3A_112 = arith.addi %add3A_110, %add3A_111 : i32
      %swap3A_113 = arith.index_cast %add3A_112 : i32 to index
      %swap3A_114 = tpu.vector_load %arg6[%swap3A_113] {strides = array<i32>} : memref<8192xi32, #tpu.memory_space<vmem>>, vector<16xi32>,
      %swap3A_115 = vector.shape_cast %swap3A_114 : vector<16xi32> to vector<16xi32>
      %swap3A_116 = vector.shape_cast %add3A_106 : vector<16xi32> to vector<16xi32>
      tpu.vector_store %arg6[%swap3A_113], %swap3A_116 {strides = array<i32>} : memref<8192xi32, #tpu.memory_space<vmem>>, vector<16xi32>,
      %get3A_117 = arith.constant 32 : index
      %get3A_118 = tpu.vector_load %arg5[%get3A_117] {strides = array<i32>} : memref<128xi32, #tpu.memory_space<vmem>>, vector<16xi32>,
      %get3A_119 = vector.shape_cast %get3A_118 : vector<16xi32> to vector<16xi32>
      %add3A_120 = vector.broadcast %mul3A_88 : i32 to vector<16xi32>
      %add3A_121 = arith.addi %get3A_119, %add3A_120 : vector<16xi32>
      %mul3A_122 = arith.constant 512 : i32
      %mul3A_123 = arith.muli %scan3A_81, %mul3A_122 : i32
      %add3A_124 = arith.constant 0 : i32
      %add3A_125 = arith.addi %mul3A_123, %add3A_124 : i32
      %add3A_126 = arith.constant 32 : i32
      %add3A_127 = arith.addi %add3A_125, %add3A_126 : i32
      %swap3A_128 = arith.index_cast %add3A_127 : i32 to index
      %swap3A_129 = tpu.vector_load %arg6[%swap3A_128] {strides = array<i32>} : memref<8192xi32, #tpu.memory_space<vmem>>, vector<16xi32>,
      %swap3A_130 = vector.shape_cast %swap3A_129 : vector<16xi32> to vector<16xi32>
      %swap3A_131 = vector.shape_cast %add3A_121 : vector<16xi32> to vector<16xi32>
      tpu.vector_store %arg6[%swap3A_128], %swap3A_131 {strides = array<i32>} : memref<8192xi32, #tpu.memory_space<vmem>>, vector<16xi32>,
      %get3A_132 = arith.constant 48 : index
      %get3A_133 = tpu.vector_load %arg5[%get3A_132] {strides = array<i32>} : memref<128xi32, #tpu.memory_space<vmem>>, vector<16xi32>,
      %get3A_134 = vector.shape_cast %get3A_133 : vector<16xi32> to vector<16xi32>
      %add3A_135 = vector.broadcast %mul3A_88 : i32 to vector<16xi32>
      %add3A_136 = arith.addi %get3A_134, %add3A_135 : vector<16xi32>
      %mul3A_137 = arith.constant 512 : i32
      %mul3A_138 = arith.muli %scan3A_81, %mul3A_137 : i32
      %add3A_139 = arith.constant 0 : i32
      %add3A_140 = arith.addi %mul3A_138, %add3A_139 : i32
      %add3A_141 = arith.constant 48 : i32
      %add3A_142 = arith.addi %add3A_140, %add3A_141 : i32
      %swap3A_143 = arith.index_cast %add3A_142 : i32 to index
      %swap3A_144 = tpu.vector_load %arg6[%swap3A_143] {strides = array<i32>} : memref<8192xi32, #tpu.memory_space<vmem>>, vector<16xi32>,
      %swap3A_145 = vector.shape_cast %swap3A_144 : vector<16xi32> to vector<16xi32>
      %swap3A_146 = vector.shape_cast %add3A_136 : vector<16xi32> to vector<16xi32>
      tpu.vector_store %arg6[%swap3A_143], %swap3A_146 {strides = array<i32>} : memref<8192xi32, #tpu.memory_space<vmem>>, vector<16xi32>,
      %get3A_147 = arith.constant 64 : index
      %get3A_148 = tpu.vector_load %arg5[%get3A_147] {strides = array<i32>} : memref<128xi32, #tpu.memory_space<vmem>>, vector<16xi32>,
      %get3A_149 = vector.shape_cast %get3A_148 : vector<16xi32> to vector<16xi32>
      %add3A_150 = vector.broadcast %mul3A_88 : i32 to vector<16xi32>
      %add3A_151 = arith.addi %get3A_149, %add3A_150 : vector<16xi32>
      %mul3A_152 = arith.constant 512 : i32
      %mul3A_153 = arith.muli %scan3A_81, %mul3A_152 : i32
      %add3A_154 = arith.constant 0 : i32
      %add3A_155 = arith.addi %mul3A_153, %add3A_154 : i32
      %add3A_156 = arith.constant 64 : i32
      %add3A_157 = arith.addi %add3A_155, %add3A_156 : i32
      %swap3A_158 = arith.index_cast %add3A_157 : i32 to index
      %swap3A_159 = tpu.vector_load %arg6[%swap3A_158] {strides = array<i32>} : memref<8192xi32, #tpu.memory_space<vmem>>, vector<16xi32>,
      %swap3A_160 = vector.shape_cast %swap3A_159 : vector<16xi32> to vector<16xi32>
      %swap3A_161 = vector.shape_cast %add3A_151 : vector<16xi32> to vector<16xi32>
      tpu.vector_store %arg6[%swap3A_158], %swap3A_161 {strides = array<i32>} : memref<8192xi32, #tpu.memory_space<vmem>>, vector<16xi32>,
      %get3A_162 = arith.constant 80 : index
      %get3A_163 = tpu.vector_load %arg5[%get3A_162] {strides = array<i32>} : memref<128xi32, #tpu.memory_space<vmem>>, vector<16xi32>,
      %get3A_164 = vector.shape_cast %get3A_163 : vector<16xi32> to vector<16xi32>
      %add3A_165 = vector.broadcast %mul3A_88 : i32 to vector<16xi32>
      %add3A_166 = arith.addi %get3A_164, %add3A_165 : vector<16xi32>
      %mul3A_167 = arith.constant 512 : i32
      %mul3A_168 = arith.muli %scan3A_81, %mul3A_167 : i32
      %add3A_169 = arith.constant 0 : i32
      %add3A_170 = arith.addi %mul3A_168, %add3A_169 : i32
      %add3A_171 = arith.constant 80 : i32
      %add3A_172 = arith.addi %add3A_170, %add3A_171 : i32
      %swap3A_173 = arith.index_cast %add3A_172 : i32 to index
      %swap3A_174 = tpu.vector_load %arg6[%swap3A_173] {strides = array<i32>} : memref<8192xi32, #tpu.memory_space<vmem>>, vector<16xi32>,
      %swap3A_175 = vector.shape_cast %swap3A_174 : vector<16xi32> to vector<16xi32>
      %swap3A_176 = vector.shape_cast %add3A_166 : vector<16xi32> to vector<16xi32>
      tpu.vector_store %arg6[%swap3A_173], %swap3A_176 {strides = array<i32>} : memref<8192xi32, #tpu.memory_space<vmem>>, vector<16xi32>,
      %get3A_177 = arith.constant 96 : index
      %get3A_178 = tpu.vector_load %arg5[%get3A_177] {strides = array<i32>} : memref<128xi32, #tpu.memory_space<vmem>>, vector<16xi32>,
      %get3A_179 = vector.shape_cast %get3A_178 : vector<16xi32> to vector<16xi32>
      %add3A_180 = vector.broadcast %mul3A_88 : i32 to vector<16xi32>
      %add3A_181 = arith.addi %get3A_179, %add3A_180 : vector<16xi32>
      %mul3A_182 = arith.constant 512 : i32
      %mul3A_183 = arith.muli %scan3A_81, %mul3A_182 : i32
      %add3A_184 = arith.constant 0 : i32
      %add3A_185 = arith.addi %mul3A_183, %add3A_184 : i32
      %add3A_186 = arith.constant 96 : i32
      %add3A_187 = arith.addi %add3A_185, %add3A_186 : i32
      %swap3A_188 = arith.index_cast %add3A_187 : i32 to index
      %swap3A_189 = tpu.vector_load %arg6[%swap3A_188] {strides = array<i32>} : memref<8192xi32, #tpu.memory_space<vmem>>, vector<16xi32>,
      %swap3A_190 = vector.shape_cast %swap3A_189 : vector<16xi32> to vector<16xi32>
      %swap3A_191 = vector.shape_cast %add3A_181 : vector<16xi32> to vector<16xi32>
      tpu.vector_store %arg6[%swap3A_188], %swap3A_191 {strides = array<i32>} : memref<8192xi32, #tpu.memory_space<vmem>>, vector<16xi32>,
      %get3A_192 = arith.constant 112 : index
      %get3A_193 = tpu.vector_load %arg5[%get3A_192] {strides = array<i32>} : memref<128xi32, #tpu.memory_space<vmem>>, vector<16xi32>,
      %get3A_194 = vector.shape_cast %get3A_193 : vector<16xi32> to vector<16xi32>
      %add3A_195 = vector.broadcast %mul3A_88 : i32 to vector<16xi32>
      %add3A_196 = arith.addi %get3A_194, %add3A_195 : vector<16xi32>
      %mul3A_197 = arith.constant 512 : i32
      %mul3A_198 = arith.muli %scan3A_81, %mul3A_197 : i32
      %add3A_199 = arith.constant 0 : i32
      %add3A_200 = arith.addi %mul3A_198, %add3A_199 : i32
      %add3A_201 = arith.constant 112 : i32
      %add3A_202 = arith.addi %add3A_200, %add3A_201 : i32
      %swap3A_203 = arith.index_cast %add3A_202 : i32 to index
      %swap3A_204 = tpu.vector_load %arg6[%swap3A_203] {strides = array<i32>} : memref<8192xi32, #tpu.memory_space<vmem>>, vector<16xi32>,
      %swap3A_205 = vector.shape_cast %swap3A_204 : vector<16xi32> to vector<16xi32>
      %swap3A_206 = vector.shape_cast %add3A_196 : vector<16xi32> to vector<16xi32>
      tpu.vector_store %arg6[%swap3A_203], %swap3A_206 {strides = array<i32>} : memref<8192xi32, #tpu.memory_space<vmem>>, vector<16xi32>,
      %mul3A_207 = arith.constant 4 : i32
      %mul3A_208 = arith.muli %scan3A_81, %mul3A_207 : i32
      %add3A_209 = arith.addi %mul3A_2, %mul3A_208 : i32
      %add3A_210 = arith.constant 1 : i32
      %add3A_211 = arith.addi %add3A_209, %add3A_210 : i32
      %mul3A_212 = arith.constant 8192 : i32
      %mul3A_213 = arith.muli %add3A_211, %mul3A_212 : i32
      %get3A_214 = arith.constant 0 : index
      %get3A_215 = tpu.vector_load %arg5[%get3A_214] {strides = array<i32>} : memref<128xi32, #tpu.memory_space<vmem>>, vector<16xi32>,
      %get3A_216 = vector.shape_cast %get3A_215 : vector<16xi32> to vector<16xi32>
      %add3A_217 = vector.broadcast %mul3A_213 : i32 to vector<16xi32>
      %add3A_218 = arith.addi %get3A_216, %add3A_217 : vector<16xi32>
      %mul3A_219 = arith.constant 512 : i32
      %mul3A_220 = arith.muli %scan3A_81, %mul3A_219 : i32
      %add3A_221 = arith.constant 128 : i32
      %add3A_222 = arith.addi %mul3A_220, %add3A_221 : i32
      %add3A_223 = arith.constant 0 : i32
      %add3A_224 = arith.addi %add3A_222, %add3A_223 : i32
      %swap3A_225 = arith.index_cast %add3A_224 : i32 to index
      %swap3A_226 = tpu.vector_load %arg6[%swap3A_225] {strides = array<i32>} : memref<8192xi32, #tpu.memory_space<vmem>>, vector<16xi32>,
      %swap3A_227 = vector.shape_cast %swap3A_226 : vector<16xi32> to vector<16xi32>
      %swap3A_228 = vector.shape_cast %add3A_218 : vector<16xi32> to vector<16xi32>
      tpu.vector_store %arg6[%swap3A_225], %swap3A_228 {strides = array<i32>} : memref<8192xi32, #tpu.memory_space<vmem>>, vector<16xi32>,
      %get3A_229 = arith.constant 16 : index
      %get3A_230 = tpu.vector_load %arg5[%get3A_229] {strides = array<i32>} : memref<128xi32, #tpu.memory_space<vmem>>, vector<16xi32>,
      %get3A_231 = vector.shape_cast %get3A_230 : vector<16xi32> to vector<16xi32>
      %add3A_232 = vector.broadcast %mul3A_213 : i32 to vector<16xi32>
      %add3A_233 = arith.addi %get3A_231, %add3A_232 : vector<16xi32>
      %mul3A_234 = arith.constant 512 : i32
      %mul3A_235 = arith.muli %scan3A_81, %mul3A_234 : i32
      %add3A_236 = arith.constant 128 : i32
      %add3A_237 = arith.addi %mul3A_235, %add3A_236 : i32
      %add3A_238 = arith.constant 16 : i32
      %add3A_239 = arith.addi %add3A_237, %add3A_238 : i32
      %swap3A_240 = arith.index_cast %add3A_239 : i32 to index
      %swap3A_241 = tpu.vector_load %arg6[%swap3A_240] {strides = array<i32>} : memref<8192xi32, #tpu.memory_space<vmem>>, vector<16xi32>,
      %swap3A_242 = vector.shape_cast %swap3A_241 : vector<16xi32> to vector<16xi32>
      %swap3A_243 = vector.shape_cast %add3A_233 : vector<16xi32> to vector<16xi32>
      tpu.vector_store %arg6[%swap3A_240], %swap3A_243 {strides = array<i32>} : memref<8192xi32, #tpu.memory_space<vmem>>, vector<16xi32>,
      %get3A_244 = arith.constant 32 : index
      %get3A_245 = tpu.vector_load %arg5[%get3A_244] {strides = array<i32>} : memref<128xi32, #tpu.memory_space<vmem>>, vector<16xi32>,
      %get3A_246 = vector.shape_cast %get3A_245 : vector<16xi32> to vector<16xi32>
      %add3A_247 = vector.broadcast %mul3A_213 : i32 to vector<16xi32>
      %add3A_248 = arith.addi %get3A_246, %add3A_247 : vector<16xi32>
      %mul3A_249 = arith.constant 512 : i32
      %mul3A_250 = arith.muli %scan3A_81, %mul3A_249 : i32
      %add3A_251 = arith.constant 128 : i32
      %add3A_252 = arith.addi %mul3A_250, %add3A_251 : i32
      %add3A_253 = arith.constant 32 : i32
      %add3A_254 = arith.addi %add3A_252, %add3A_253 : i32
      %swap3A_255 = arith.index_cast %add3A_254 : i32 to index
      %swap3A_256 = tpu.vector_load %arg6[%swap3A_255] {strides = array<i32>} : memref<8192xi32, #tpu.memory_space<vmem>>, vector<16xi32>,
      %swap3A_257 = vector.shape_cast %swap3A_256 : vector<16xi32> to vector<16xi32>
      %swap3A_258 = vector.shape_cast %add3A_248 : vector<16xi32> to vector<16xi32>
      tpu.vector_store %arg6[%swap3A_255], %swap3A_258 {strides = array<i32>} : memref<8192xi32, #tpu.memory_space<vmem>>, vector<16xi32>,
      %get3A_259 = arith.constant 48 : index
      %get3A_260 = tpu.vector_load %arg5[%get3A_259] {strides = array<i32>} : memref<128xi32, #tpu.memory_space<vmem>>, vector<16xi32>,
      %get3A_261 = vector.shape_cast %get3A_260 : vector<16xi32> to vector<16xi32>
      %add3A_262 = vector.broadcast %mul3A_213 : i32 to vector<16xi32>
      %add3A_263 = arith.addi %get3A_261, %add3A_262 : vector<16xi32>
      %mul3A_264 = arith.constant 512 : i32
      %mul3A_265 = arith.muli %scan3A_81, %mul3A_264 : i32
      %add3A_266 = arith.constant 128 : i32
      %add3A_267 = arith.addi %mul3A_265, %add3A_266 : i32
      %add3A_268 = arith.constant 48 : i32
      %add3A_269 = arith.addi %add3A_267, %add3A_268 : i32
      %swap3A_270 = arith.index_cast %add3A_269 : i32 to index
      %swap3A_271 = tpu.vector_load %arg6[%swap3A_270] {strides = array<i32>} : memref<8192xi32, #tpu.memory_space<vmem>>, vector<16xi32>,
      %swap3A_272 = vector.shape_cast %swap3A_271 : vector<16xi32> to vector<16xi32>
      %swap3A_273 = vector.shape_cast %add3A_263 : vector<16xi32> to vector<16xi32>
      tpu.vector_store %arg6[%swap3A_270], %swap3A_273 {strides = array<i32>} : memref<8192xi32, #tpu.memory_space<vmem>>, vector<16xi32>,
      %get3A_274 = arith.constant 64 : index
      %get3A_275 = tpu.vector_load %arg5[%get3A_274] {strides = array<i32>} : memref<128xi32, #tpu.memory_space<vmem>>, vector<16xi32>,
      %get3A_276 = vector.shape_cast %get3A_275 : vector<16xi32> to vector<16xi32>
      %add3A_277 = vector.broadcast %mul3A_213 : i32 to vector<16xi32>
      %add3A_278 = arith.addi %get3A_276, %add3A_277 : vector<16xi32>
      %mul3A_279 = arith.constant 512 : i32
      %mul3A_280 = arith.muli %scan3A_81, %mul3A_279 : i32
      %add3A_281 = arith.constant 128 : i32
      %add3A_282 = arith.addi %mul3A_280, %add3A_281 : i32
      %add3A_283 = arith.constant 64 : i32
      %add3A_284 = arith.addi %add3A_282, %add3A_283 : i32
      %swap3A_285 = arith.index_cast %add3A_284 : i32 to index
      %swap3A_286 = tpu.vector_load %arg6[%swap3A_285] {strides = array<i32>} : memref<8192xi32, #tpu.memory_space<vmem>>, vector<16xi32>,
      %swap3A_287 = vector.shape_cast %swap3A_286 : vector<16xi32> to vector<16xi32>
      %swap3A_288 = vector.shape_cast %add3A_278 : vector<16xi32> to vector<16xi32>
      tpu.vector_store %arg6[%swap3A_285], %swap3A_288 {strides = array<i32>} : memref<8192xi32, #tpu.memory_space<vmem>>, vector<16xi32>,
      %get3A_289 = arith.constant 80 : index
      %get3A_290 = tpu.vector_load %arg5[%get3A_289] {strides = array<i32>} : memref<128xi32, #tpu.memory_space<vmem>>, vector<16xi32>,
      %get3A_291 = vector.shape_cast %get3A_290 : vector<16xi32> to vector<16xi32>
      %add3A_292 = vector.broadcast %mul3A_213 : i32 to vector<16xi32>
      %add3A_293 = arith.addi %get3A_291, %add3A_292 : vector<16xi32>
      %mul3A_294 = arith.constant 512 : i32
      %mul3A_295 = arith.muli %scan3A_81, %mul3A_294 : i32
      %add3A_296 = arith.constant 128 : i32
      %add3A_297 = arith.addi %mul3A_295, %add3A_296 : i32
      %add3A_298 = arith.constant 80 : i32
      %add3A_299 = arith.addi %add3A_297, %add3A_298 : i32
      %swap3A_300 = arith.index_cast %add3A_299 : i32 to index
      %swap3A_301 = tpu.vector_load %arg6[%swap3A_300] {strides = array<i32>} : memref<8192xi32, #tpu.memory_space<vmem>>, vector<16xi32>,
      %swap3A_302 = vector.shape_cast %swap3A_301 : vector<16xi32> to vector<16xi32>
      %swap3A_303 = vector.shape_cast %add3A_293 : vector<16xi32> to vector<16xi32>
      tpu.vector_store %arg6[%swap3A_300], %swap3A_303 {strides = array<i32>} : memref<8192xi32, #tpu.memory_space<vmem>>, vector<16xi32>,
      %get3A_304 = arith.constant 96 : index
      %get3A_305 = tpu.vector_load %arg5[%get3A_304] {strides = array<i32>} : memref<128xi32, #tpu.memory_space<vmem>>, vector<16xi32>,
      %get3A_306 = vector.shape_cast %get3A_305 : vector<16xi32> to vector<16xi32>
      %add3A_307 = vector.broadcast %mul3A_213 : i32 to vector<16xi32>
      %add3A_308 = arith.addi %get3A_306, %add3A_307 : vector<16xi32>
      %mul3A_309 = arith.constant 512 : i32
      %mul3A_310 = arith.muli %scan3A_81, %mul3A_309 : i32
      %add3A_311 = arith.constant 128 : i32
      %add3A_312 = arith.addi %mul3A_310, %add3A_311 : i32
      %add3A_313 = arith.constant 96 : i32
      %add3A_314 = arith.addi %add3A_312, %add3A_313 : i32
      %swap3A_315 = arith.index_cast %add3A_314 : i32 to index
      %swap3A_316 = tpu.vector_load %arg6[%swap3A_315] {strides = array<i32>} : memref<8192xi32, #tpu.memory_space<vmem>>, vector<16xi32>,
      %swap3A_317 = vector.shape_cast %swap3A_316 : vector<16xi32> to vector<16xi32>
      %swap3A_318 = vector.shape_cast %add3A_308 : vector<16xi32> to vector<16xi32>
      tpu.vector_store %arg6[%swap3A_315], %swap3A_318 {strides = array<i32>} : memref<8192xi32, #tpu.memory_space<vmem>>, vector<16xi32>,
      %get3A_319 = arith.constant 112 : index
      %get3A_320 = tpu.vector_load %arg5[%get3A_319] {strides = array<i32>} : memref<128xi32, #tpu.memory_space<vmem>>, vector<16xi32>,
      %get3A_321 = vector.shape_cast %get3A_320 : vector<16xi32> to vector<16xi32>
      %add3A_322 = vector.broadcast %mul3A_213 : i32 to vector<16xi32>
      %add3A_323 = arith.addi %get3A_321, %add3A_322 : vector<16xi32>
      %mul3A_324 = arith.constant 512 : i32
      %mul3A_325 = arith.muli %scan3A_81, %mul3A_324 : i32
      %add3A_326 = arith.constant 128 : i32
      %add3A_327 = arith.addi %mul3A_325, %add3A_326 : i32
      %add3A_328 = arith.constant 112 : i32
      %add3A_329 = arith.addi %add3A_327, %add3A_328 : i32
      %swap3A_330 = arith.index_cast %add3A_329 : i32 to index
      %swap3A_331 = tpu.vector_load %arg6[%swap3A_330] {strides = array<i32>} : memref<8192xi32, #tpu.memory_space<vmem>>, vector<16xi32>,
      %swap3A_332 = vector.shape_cast %swap3A_331 : vector<16xi32> to vector<16xi32>
      %swap3A_333 = vector.shape_cast %add3A_323 : vector<16xi32> to vector<16xi32>
      tpu.vector_store %arg6[%swap3A_330], %swap3A_333 {strides = array<i32>} : memref<8192xi32, #tpu.memory_space<vmem>>, vector<16xi32>,
      %mul3A_334 = arith.constant 4 : i32
      %mul3A_335 = arith.muli %scan3A_81, %mul3A_334 : i32
      %add3A_336 = arith.addi %mul3A_2, %mul3A_335 : i32
      %add3A_337 = arith.constant 2 : i32
      %add3A_338 = arith.addi %add3A_336, %add3A_337 : i32
      %mul3A_339 = arith.constant 8192 : i32
      %mul3A_340 = arith.muli %add3A_338, %mul3A_339 : i32
      %get3A_341 = arith.constant 0 : index
      %get3A_342 = tpu.vector_load %arg5[%get3A_341] {strides = array<i32>} : memref<128xi32, #tpu.memory_space<vmem>>, vector<16xi32>,
      %get3A_343 = vector.shape_cast %get3A_342 : vector<16xi32> to vector<16xi32>
      %add3A_344 = vector.broadcast %mul3A_340 : i32 to vector<16xi32>
      %add3A_345 = arith.addi %get3A_343, %add3A_344 : vector<16xi32>
      %mul3A_346 = arith.constant 512 : i32
      %mul3A_347 = arith.muli %scan3A_81, %mul3A_346 : i32
      %add3A_348 = arith.constant 256 : i32
      %add3A_349 = arith.addi %mul3A_347, %add3A_348 : i32
      %add3A_350 = arith.constant 0 : i32
      %add3A_351 = arith.addi %add3A_349, %add3A_350 : i32
      %swap3A_352 = arith.index_cast %add3A_351 : i32 to index
      %swap3A_353 = tpu.vector_load %arg6[%swap3A_352] {strides = array<i32>} : memref<8192xi32, #tpu.memory_space<vmem>>, vector<16xi32>,
      %swap3A_354 = vector.shape_cast %swap3A_353 : vector<16xi32> to vector<16xi32>
      %swap3A_355 = vector.shape_cast %add3A_345 : vector<16xi32> to vector<16xi32>
      tpu.vector_store %arg6[%swap3A_352], %swap3A_355 {strides = array<i32>} : memref<8192xi32, #tpu.memory_space<vmem>>, vector<16xi32>,
      %get3A_356 = arith.constant 16 : index
      %get3A_357 = tpu.vector_load %arg5[%get3A_356] {strides = array<i32>} : memref<128xi32, #tpu.memory_space<vmem>>, vector<16xi32>,
      %get3A_358 = vector.shape_cast %get3A_357 : vector<16xi32> to vector<16xi32>
      %add3A_359 = vector.broadcast %mul3A_340 : i32 to vector<16xi32>
      %add3A_360 = arith.addi %get3A_358, %add3A_359 : vector<16xi32>
      %mul3A_361 = arith.constant 512 : i32
      %mul3A_362 = arith.muli %scan3A_81, %mul3A_361 : i32
      %add3A_363 = arith.constant 256 : i32
      %add3A_364 = arith.addi %mul3A_362, %add3A_363 : i32
      %add3A_365 = arith.constant 16 : i32
      %add3A_366 = arith.addi %add3A_364, %add3A_365 : i32
      %swap3A_367 = arith.index_cast %add3A_366 : i32 to index
      %swap3A_368 = tpu.vector_load %arg6[%swap3A_367] {strides = array<i32>} : memref<8192xi32, #tpu.memory_space<vmem>>, vector<16xi32>,
      %swap3A_369 = vector.shape_cast %swap3A_368 : vector<16xi32> to vector<16xi32>
      %swap3A_370 = vector.shape_cast %add3A_360 : vector<16xi32> to vector<16xi32>
      tpu.vector_store %arg6[%swap3A_367], %swap3A_370 {strides = array<i32>} : memref<8192xi32, #tpu.memory_space<vmem>>, vector<16xi32>,
      %get3A_371 = arith.constant 32 : index
      %get3A_372 = tpu.vector_load %arg5[%get3A_371] {strides = array<i32>} : memref<128xi32, #tpu.memory_space<vmem>>, vector<16xi32>,
      %get3A_373 = vector.shape_cast %get3A_372 : vector<16xi32> to vector<16xi32>
      %add3A_374 = vector.broadcast %mul3A_340 : i32 to vector<16xi32>
      %add3A_375 = arith.addi %get3A_373, %add3A_374 : vector<16xi32>
      %mul3A_376 = arith.constant 512 : i32
      %mul3A_377 = arith.muli %scan3A_81, %mul3A_376 : i32
      %add3A_378 = arith.constant 256 : i32
      %add3A_379 = arith.addi %mul3A_377, %add3A_378 : i32
      %add3A_380 = arith.constant 32 : i32
      %add3A_381 = arith.addi %add3A_379, %add3A_380 : i32
      %swap3A_382 = arith.index_cast %add3A_381 : i32 to index
      %swap3A_383 = tpu.vector_load %arg6[%swap3A_382] {strides = array<i32>} : memref<8192xi32, #tpu.memory_space<vmem>>, vector<16xi32>,
      %swap3A_384 = vector.shape_cast %swap3A_383 : vector<16xi32> to vector<16xi32>
      %swap3A_385 = vector.shape_cast %add3A_375 : vector<16xi32> to vector<16xi32>
      tpu.vector_store %arg6[%swap3A_382], %swap3A_385 {strides = array<i32>} : memref<8192xi32, #tpu.memory_space<vmem>>, vector<16xi32>,
      %get3A_386 = arith.constant 48 : index
      %get3A_387 = tpu.vector_load %arg5[%get3A_386] {strides = array<i32>} : memref<128xi32, #tpu.memory_space<vmem>>, vector<16xi32>,
      %get3A_388 = vector.shape_cast %get3A_387 : vector<16xi32> to vector<16xi32>
      %add3A_389 = vector.broadcast %mul3A_340 : i32 to vector<16xi32>
      %add3A_390 = arith.addi %get3A_388, %add3A_389 : vector<16xi32>
      %mul3A_391 = arith.constant 512 : i32
      %mul3A_392 = arith.muli %scan3A_81, %mul3A_391 : i32
      %add3A_393 = arith.constant 256 : i32
      %add3A_394 = arith.addi %mul3A_392, %add3A_393 : i32
      %add3A_395 = arith.constant 48 : i32
      %add3A_396 = arith.addi %add3A_394, %add3A_395 : i32
      %swap3A_397 = arith.index_cast %add3A_396 : i32 to index
      %swap3A_398 = tpu.vector_load %arg6[%swap3A_397] {strides = array<i32>} : memref<8192xi32, #tpu.memory_space<vmem>>, vector<16xi32>,
      %swap3A_399 = vector.shape_cast %swap3A_398 : vector<16xi32> to vector<16xi32>
      %swap3A_400 = vector.shape_cast %add3A_390 : vector<16xi32> to vector<16xi32>
      tpu.vector_store %arg6[%swap3A_397], %swap3A_400 {strides = array<i32>} : memref<8192xi32, #tpu.memory_space<vmem>>, vector<16xi32>,
      %get3A_401 = arith.constant 64 : index
      %get3A_402 = tpu.vector_load %arg5[%get3A_401] {strides = array<i32>} : memref<128xi32, #tpu.memory_space<vmem>>, vector<16xi32>,
      %get3A_403 = vector.shape_cast %get3A_402 : vector<16xi32> to vector<16xi32>
      %add3A_404 = vector.broadcast %mul3A_340 : i32 to vector<16xi32>
      %add3A_405 = arith.addi %get3A_403, %add3A_404 : vector<16xi32>
      %mul3A_406 = arith.constant 512 : i32
      %mul3A_407 = arith.muli %scan3A_81, %mul3A_406 : i32
      %add3A_408 = arith.constant 256 : i32
      %add3A_409 = arith.addi %mul3A_407, %add3A_408 : i32
      %add3A_410 = arith.constant 64 : i32
      %add3A_411 = arith.addi %add3A_409, %add3A_410 : i32
      %swap3A_412 = arith.index_cast %add3A_411 : i32 to index
      %swap3A_413 = tpu.vector_load %arg6[%swap3A_412] {strides = array<i32>} : memref<8192xi32, #tpu.memory_space<vmem>>, vector<16xi32>,
      %swap3A_414 = vector.shape_cast %swap3A_413 : vector<16xi32> to vector<16xi32>
      %swap3A_415 = vector.shape_cast %add3A_405 : vector<16xi32> to vector<16xi32>
      tpu.vector_store %arg6[%swap3A_412], %swap3A_415 {strides = array<i32>} : memref<8192xi32, #tpu.memory_space<vmem>>, vector<16xi32>,
      %get3A_416 = arith.constant 80 : index
      %get3A_417 = tpu.vector_load %arg5[%get3A_416] {strides = array<i32>} : memref<128xi32, #tpu.memory_space<vmem>>, vector<16xi32>,
      %get3A_418 = vector.shape_cast %get3A_417 : vector<16xi32> to vector<16xi32>
      %add3A_419 = vector.broadcast %mul3A_340 : i32 to vector<16xi32>
      %add3A_420 = arith.addi %get3A_418, %add3A_419 : vector<16xi32>
      %mul3A_421 = arith.constant 512 : i32
      %mul3A_422 = arith.muli %scan3A_81, %mul3A_421 : i32
      %add3A_423 = arith.constant 256 : i32
      %add3A_424 = arith.addi %mul3A_422, %add3A_423 : i32
      %add3A_425 = arith.constant 80 : i32
      %add3A_426 = arith.addi %add3A_424, %add3A_425 : i32
      %swap3A_427 = arith.index_cast %add3A_426 : i32 to index
      %swap3A_428 = tpu.vector_load %arg6[%swap3A_427] {strides = array<i32>} : memref<8192xi32, #tpu.memory_space<vmem>>, vector<16xi32>,
      %swap3A_429 = vector.shape_cast %swap3A_428 : vector<16xi32> to vector<16xi32>
      %swap3A_430 = vector.shape_cast %add3A_420 : vector<16xi32> to vector<16xi32>
      tpu.vector_store %arg6[%swap3A_427], %swap3A_430 {strides = array<i32>} : memref<8192xi32, #tpu.memory_space<vmem>>, vector<16xi32>,
      %get3A_431 = arith.constant 96 : index
      %get3A_432 = tpu.vector_load %arg5[%get3A_431] {strides = array<i32>} : memref<128xi32, #tpu.memory_space<vmem>>, vector<16xi32>,
      %get3A_433 = vector.shape_cast %get3A_432 : vector<16xi32> to vector<16xi32>
      %add3A_434 = vector.broadcast %mul3A_340 : i32 to vector<16xi32>
      %add3A_435 = arith.addi %get3A_433, %add3A_434 : vector<16xi32>
      %mul3A_436 = arith.constant 512 : i32
      %mul3A_437 = arith.muli %scan3A_81, %mul3A_436 : i32
      %add3A_438 = arith.constant 256 : i32
      %add3A_439 = arith.addi %mul3A_437, %add3A_438 : i32
      %add3A_440 = arith.constant 96 : i32
      %add3A_441 = arith.addi %add3A_439, %add3A_440 : i32
      %swap3A_442 = arith.index_cast %add3A_441 : i32 to index
      %swap3A_443 = tpu.vector_load %arg6[%swap3A_442] {strides = array<i32>} : memref<8192xi32, #tpu.memory_space<vmem>>, vector<16xi32>,
      %swap3A_444 = vector.shape_cast %swap3A_443 : vector<16xi32> to vector<16xi32>
      %swap3A_445 = vector.shape_cast %add3A_435 : vector<16xi32> to vector<16xi32>
      tpu.vector_store %arg6[%swap3A_442], %swap3A_445 {strides = array<i32>} : memref<8192xi32, #tpu.memory_space<vmem>>, vector<16xi32>,
      %get3A_446 = arith.constant 112 : index
      %get3A_447 = tpu.vector_load %arg5[%get3A_446] {strides = array<i32>} : memref<128xi32, #tpu.memory_space<vmem>>, vector<16xi32>,
      %get3A_448 = vector.shape_cast %get3A_447 : vector<16xi32> to vector<16xi32>
      %add3A_449 = vector.broadcast %mul3A_340 : i32 to vector<16xi32>
      %add3A_450 = arith.addi %get3A_448, %add3A_449 : vector<16xi32>
      %mul3A_451 = arith.constant 512 : i32
      %mul3A_452 = arith.muli %scan3A_81, %mul3A_451 : i32
      %add3A_453 = arith.constant 256 : i32
      %add3A_454 = arith.addi %mul3A_452, %add3A_453 : i32
      %add3A_455 = arith.constant 112 : i32
      %add3A_456 = arith.addi %add3A_454, %add3A_455 : i32
      %swap3A_457 = arith.index_cast %add3A_456 : i32 to index
      %swap3A_458 = tpu.vector_load %arg6[%swap3A_457] {strides = array<i32>} : memref<8192xi32, #tpu.memory_space<vmem>>, vector<16xi32>,
      %swap3A_459 = vector.shape_cast %swap3A_458 : vector<16xi32> to vector<16xi32>
      %swap3A_460 = vector.shape_cast %add3A_450 : vector<16xi32> to vector<16xi32>
      tpu.vector_store %arg6[%swap3A_457], %swap3A_460 {strides = array<i32>} : memref<8192xi32, #tpu.memory_space<vmem>>, vector<16xi32>,
      %mul3A_461 = arith.constant 4 : i32
      %mul3A_462 = arith.muli %scan3A_81, %mul3A_461 : i32
      %add3A_463 = arith.addi %mul3A_2, %mul3A_462 : i32
      %add3A_464 = arith.constant 3 : i32
      %add3A_465 = arith.addi %add3A_463, %add3A_464 : i32
      %mul3A_466 = arith.constant 8192 : i32
      %mul3A_467 = arith.muli %add3A_465, %mul3A_466 : i32
      %get3A_468 = arith.constant 0 : index
      %get3A_469 = tpu.vector_load %arg5[%get3A_468] {strides = array<i32>} : memref<128xi32, #tpu.memory_space<vmem>>, vector<16xi32>,
      %get3A_470 = vector.shape_cast %get3A_469 : vector<16xi32> to vector<16xi32>
      %add3A_471 = vector.broadcast %mul3A_467 : i32 to vector<16xi32>
      %add3A_472 = arith.addi %get3A_470, %add3A_471 : vector<16xi32>
      %mul3A_473 = arith.constant 512 : i32
      %mul3A_474 = arith.muli %scan3A_81, %mul3A_473 : i32
      %add3A_475 = arith.constant 384 : i32
      %add3A_476 = arith.addi %mul3A_474, %add3A_475 : i32
      %add3A_477 = arith.constant 0 : i32
      %add3A_478 = arith.addi %add3A_476, %add3A_477 : i32
      %swap3A_479 = arith.index_cast %add3A_478 : i32 to index
      %swap3A_480 = tpu.vector_load %arg6[%swap3A_479] {strides = array<i32>} : memref<8192xi32, #tpu.memory_space<vmem>>, vector<16xi32>,
      %swap3A_481 = vector.shape_cast %swap3A_480 : vector<16xi32> to vector<16xi32>
      %swap3A_482 = vector.shape_cast %add3A_472 : vector<16xi32> to vector<16xi32>
      tpu.vector_store %arg6[%swap3A_479], %swap3A_482 {strides = array<i32>} : memref<8192xi32, #tpu.memory_space<vmem>>, vector<16xi32>,
      %get3A_483 = arith.constant 16 : index
      %get3A_484 = tpu.vector_load %arg5[%get3A_483] {strides = array<i32>} : memref<128xi32, #tpu.memory_space<vmem>>, vector<16xi32>,
      %get3A_485 = vector.shape_cast %get3A_484 : vector<16xi32> to vector<16xi32>
      %add3A_486 = vector.broadcast %mul3A_467 : i32 to vector<16xi32>
      %add3A_487 = arith.addi %get3A_485, %add3A_486 : vector<16xi32>
      %mul3A_488 = arith.constant 512 : i32
      %mul3A_489 = arith.muli %scan3A_81, %mul3A_488 : i32
      %add3A_490 = arith.constant 384 : i32
      %add3A_491 = arith.addi %mul3A_489, %add3A_490 : i32
      %add3A_492 = arith.constant 16 : i32
      %add3A_493 = arith.addi %add3A_491, %add3A_492 : i32
      %swap3A_494 = arith.index_cast %add3A_493 : i32 to index
      %swap3A_495 = tpu.vector_load %arg6[%swap3A_494] {strides = array<i32>} : memref<8192xi32, #tpu.memory_space<vmem>>, vector<16xi32>,
      %swap3A_496 = vector.shape_cast %swap3A_495 : vector<16xi32> to vector<16xi32>
      %swap3A_497 = vector.shape_cast %add3A_487 : vector<16xi32> to vector<16xi32>
      tpu.vector_store %arg6[%swap3A_494], %swap3A_497 {strides = array<i32>} : memref<8192xi32, #tpu.memory_space<vmem>>, vector<16xi32>,
      %get3A_498 = arith.constant 32 : index
      %get3A_499 = tpu.vector_load %arg5[%get3A_498] {strides = array<i32>} : memref<128xi32, #tpu.memory_space<vmem>>, vector<16xi32>,
      %get3A_500 = vector.shape_cast %get3A_499 : vector<16xi32> to vector<16xi32>
      %add3A_501 = vector.broadcast %mul3A_467 : i32 to vector<16xi32>
      %add3A_502 = arith.addi %get3A_500, %add3A_501 : vector<16xi32>
      %mul3A_503 = arith.constant 512 : i32
      %mul3A_504 = arith.muli %scan3A_81, %mul3A_503 : i32
      %add3A_505 = arith.constant 384 : i32
      %add3A_506 = arith.addi %mul3A_504, %add3A_505 : i32
      %add3A_507 = arith.constant 32 : i32
      %add3A_508 = arith.addi %add3A_506, %add3A_507 : i32
      %swap3A_509 = arith.index_cast %add3A_508 : i32 to index
      %swap3A_510 = tpu.vector_load %arg6[%swap3A_509] {strides = array<i32>} : memref<8192xi32, #tpu.memory_space<vmem>>, vector<16xi32>,
      %swap3A_511 = vector.shape_cast %swap3A_510 : vector<16xi32> to vector<16xi32>
      %swap3A_512 = vector.shape_cast %add3A_502 : vector<16xi32> to vector<16xi32>
      tpu.vector_store %arg6[%swap3A_509], %swap3A_512 {strides = array<i32>} : memref<8192xi32, #tpu.memory_space<vmem>>, vector<16xi32>,
      %get3A_513 = arith.constant 48 : index
      %get3A_514 = tpu.vector_load %arg5[%get3A_513] {strides = array<i32>} : memref<128xi32, #tpu.memory_space<vmem>>, vector<16xi32>,
      %get3A_515 = vector.shape_cast %get3A_514 : vector<16xi32> to vector<16xi32>
      %add3A_516 = vector.broadcast %mul3A_467 : i32 to vector<16xi32>
      %add3A_517 = arith.addi %get3A_515, %add3A_516 : vector<16xi32>
      %mul3A_518 = arith.constant 512 : i32
      %mul3A_519 = arith.muli %scan3A_81, %mul3A_518 : i32
      %add3A_520 = arith.constant 384 : i32
      %add3A_521 = arith.addi %mul3A_519, %add3A_520 : i32
      %add3A_522 = arith.constant 48 : i32
      %add3A_523 = arith.addi %add3A_521, %add3A_522 : i32
      %swap3A_524 = arith.index_cast %add3A_523 : i32 to index
      %swap3A_525 = tpu.vector_load %arg6[%swap3A_524] {strides = array<i32>} : memref<8192xi32, #tpu.memory_space<vmem>>, vector<16xi32>,
      %swap3A_526 = vector.shape_cast %swap3A_525 : vector<16xi32> to vector<16xi32>
      %swap3A_527 = vector.shape_cast %add3A_517 : vector<16xi32> to vector<16xi32>
      tpu.vector_store %arg6[%swap3A_524], %swap3A_527 {strides = array<i32>} : memref<8192xi32, #tpu.memory_space<vmem>>, vector<16xi32>,
      %get3A_528 = arith.constant 64 : index
      %get3A_529 = tpu.vector_load %arg5[%get3A_528] {strides = array<i32>} : memref<128xi32, #tpu.memory_space<vmem>>, vector<16xi32>,
      %get3A_530 = vector.shape_cast %get3A_529 : vector<16xi32> to vector<16xi32>
      %add3A_531 = vector.broadcast %mul3A_467 : i32 to vector<16xi32>
      %add3A_532 = arith.addi %get3A_530, %add3A_531 : vector<16xi32>
      %mul3A_533 = arith.constant 512 : i32
      %mul3A_534 = arith.muli %scan3A_81, %mul3A_533 : i32
      %add3A_535 = arith.constant 384 : i32
      %add3A_536 = arith.addi %mul3A_534, %add3A_535 : i32
      %add3A_537 = arith.constant 64 : i32
      %add3A_538 = arith.addi %add3A_536, %add3A_537 : i32
      %swap3A_539 = arith.index_cast %add3A_538 : i32 to index
      %swap3A_540 = tpu.vector_load %arg6[%swap3A_539] {strides = array<i32>} : memref<8192xi32, #tpu.memory_space<vmem>>, vector<16xi32>,
      %swap3A_541 = vector.shape_cast %swap3A_540 : vector<16xi32> to vector<16xi32>
      %swap3A_542 = vector.shape_cast %add3A_532 : vector<16xi32> to vector<16xi32>
      tpu.vector_store %arg6[%swap3A_539], %swap3A_542 {strides = array<i32>} : memref<8192xi32, #tpu.memory_space<vmem>>, vector<16xi32>,
      %get3A_543 = arith.constant 80 : index
      %get3A_544 = tpu.vector_load %arg5[%get3A_543] {strides = array<i32>} : memref<128xi32, #tpu.memory_space<vmem>>, vector<16xi32>,
      %get3A_545 = vector.shape_cast %get3A_544 : vector<16xi32> to vector<16xi32>
      %add3A_546 = vector.broadcast %mul3A_467 : i32 to vector<16xi32>
      %add3A_547 = arith.addi %get3A_545, %add3A_546 : vector<16xi32>
      %mul3A_548 = arith.constant 512 : i32
      %mul3A_549 = arith.muli %scan3A_81, %mul3A_548 : i32
      %add3A_550 = arith.constant 384 : i32
      %add3A_551 = arith.addi %mul3A_549, %add3A_550 : i32
      %add3A_552 = arith.constant 80 : i32
      %add3A_553 = arith.addi %add3A_551, %add3A_552 : i32
      %swap3A_554 = arith.index_cast %add3A_553 : i32 to index
      %swap3A_555 = tpu.vector_load %arg6[%swap3A_554] {strides = array<i32>} : memref<8192xi32, #tpu.memory_space<vmem>>, vector<16xi32>,
      %swap3A_556 = vector.shape_cast %swap3A_555 : vector<16xi32> to vector<16xi32>
      %swap3A_557 = vector.shape_cast %add3A_547 : vector<16xi32> to vector<16xi32>
      tpu.vector_store %arg6[%swap3A_554], %swap3A_557 {strides = array<i32>} : memref<8192xi32, #tpu.memory_space<vmem>>, vector<16xi32>,
      %get3A_558 = arith.constant 96 : index
      %get3A_559 = tpu.vector_load %arg5[%get3A_558] {strides = array<i32>} : memref<128xi32, #tpu.memory_space<vmem>>, vector<16xi32>,
      %get3A_560 = vector.shape_cast %get3A_559 : vector<16xi32> to vector<16xi32>
      %add3A_561 = vector.broadcast %mul3A_467 : i32 to vector<16xi32>
      %add3A_562 = arith.addi %get3A_560, %add3A_561 : vector<16xi32>
      %mul3A_563 = arith.constant 512 : i32
      %mul3A_564 = arith.muli %scan3A_81, %mul3A_563 : i32
      %add3A_565 = arith.constant 384 : i32
      %add3A_566 = arith.addi %mul3A_564, %add3A_565 : i32
      %add3A_567 = arith.constant 96 : i32
      %add3A_568 = arith.addi %add3A_566, %add3A_567 : i32
      %swap3A_569 = arith.index_cast %add3A_568 : i32 to index
      %swap3A_570 = tpu.vector_load %arg6[%swap3A_569] {strides = array<i32>} : memref<8192xi32, #tpu.memory_space<vmem>>, vector<16xi32>,
      %swap3A_571 = vector.shape_cast %swap3A_570 : vector<16xi32> to vector<16xi32>
      %swap3A_572 = vector.shape_cast %add3A_562 : vector<16xi32> to vector<16xi32>
      tpu.vector_store %arg6[%swap3A_569], %swap3A_572 {strides = array<i32>} : memref<8192xi32, #tpu.memory_space<vmem>>, vector<16xi32>,
      %get3A_573 = arith.constant 112 : index
      %get3A_574 = tpu.vector_load %arg5[%get3A_573] {strides = array<i32>} : memref<128xi32, #tpu.memory_space<vmem>>, vector<16xi32>,
      %get3A_575 = vector.shape_cast %get3A_574 : vector<16xi32> to vector<16xi32>
      %add3A_576 = vector.broadcast %mul3A_467 : i32 to vector<16xi32>
      %add3A_577 = arith.addi %get3A_575, %add3A_576 : vector<16xi32>
      %mul3A_578 = arith.constant 512 : i32
      %mul3A_579 = arith.muli %scan3A_81, %mul3A_578 : i32
      %add3A_580 = arith.constant 384 : i32
      %add3A_581 = arith.addi %mul3A_579, %add3A_580 : i32
      %add3A_582 = arith.constant 112 : i32
      %add3A_583 = arith.addi %add3A_581, %add3A_582 : i32
      %swap3A_584 = arith.index_cast %add3A_583 : i32 to index
      %swap3A_585 = tpu.vector_load %arg6[%swap3A_584] {strides = array<i32>} : memref<8192xi32, #tpu.memory_space<vmem>>, vector<16xi32>,
      %swap3A_586 = vector.shape_cast %swap3A_585 : vector<16xi32> to vector<16xi32>
      %swap3A_587 = vector.shape_cast %add3A_577 : vector<16xi32> to vector<16xi32>
      tpu.vector_store %arg6[%swap3A_584], %swap3A_587 {strides = array<i32>} : memref<8192xi32, #tpu.memory_space<vmem>>, vector<16xi32>,
    }
    %scan3A_7 = arith.constant 16 : i32
    %scan3A_8 = arith.constant 0 : i32
    %scan3A_9 = arith.constant 0 : i32
    %scan3A_10 = arith.constant 16 : i32
    %scan3A_11 = arith.addi %scan3A_9, %scan3A_10 : i32
    %scan3A_12 = arith.constant 1 : i32
    scf.for %scan3A_81 = %scan3A_9 to %scan3A_11 step %scan3A_12  : i32 {
      %rem3A_82 = arith.constant 2 : i32
      %rem3A_83 = arith.remsi %scan3A_81, %rem3A_82 : i32
      %mul3A_84 = arith.constant 8 : i32
      %mul3A_85 = arith.muli %scan3A_81, %mul3A_84 : i32
      %add3A_86 = arith.constant 0 : i32
      %add3A_87 = arith.addi %mul3A_85, %add3A_86 : i32
      %mul3A_88 = arith.constant 8 : i32
      %mul3A_89 = arith.muli %rem3A_83, %mul3A_88 : i32
      %add3A_90 = arith.constant 0 : i32
      %add3A_91 = arith.addi %mul3A_89, %add3A_90 : i32
      %mul3A_92 = arith.constant 512 : i32
      %mul3A_93 = arith.muli %add3A_91, %mul3A_92 : i32
      %mul3A_94 = arith.constant 512 : i32
      %mul3A_95 = arith.muli %add3A_87, %mul3A_94 : i32
      %dma_start3A = tpu.memref_slice %arg7[%mul3A_95] : memref<65536xf32, #tpu.memory_space<vmem>> -> memref<512xf32, #tpu.memory_space<vmem>>
      %dma_start3A_96 = tpu.memref_slice %arg6[%mul3A_93] : memref<8192xi32, #tpu.memory_space<vmem>> -> memref<512xi32, #tpu.memory_space<vmem>>
      %dma_start3A_97 = arith.constant 0 : i32
      %dma_start3A_98 = tpu.memref_slice %arg2[%dma_start3A_97] : memref<134217728xf32, #tpu.memory_space<hbm>> -> memref<134217728xf32, #tpu.memory_space<hbm>>
      %dma_start3A_99 = tpu.memref_slice %arg8[%rem3A_83] : memref<2x!tpu.dma_semaphore, #tpu.memory_space<semaphore_mem>> -> memref<1x!tpu.dma_semaphore, #tpu.memory_space<semaphore_mem>>
      %dma_start3A_100 = tpu.memref_squeeze %dma_start3A_99 : memref<1x!tpu.dma_semaphore, #tpu.memory_space<semaphore_mem>> -> memref<!tpu.dma_semaphore, #tpu.memory_space<semaphore_mem>>
      tpu.enqueue_indirect_dma source(%dma_start3A_98 : memref<134217728xf32, #tpu.memory_space<hbm>>) target(%dma_start3A : memref<512xf32, #tpu.memory_space<vmem>>) offsets(%dma_start3A_96 : memref<512xi32, #tpu.memory_space<vmem>>) semaphore(%dma_start3A_100 : memref<!tpu.dma_semaphore, #tpu.memory_space<semaphore_mem>>)
      %mul3A_101 = arith.constant 8 : i32
      %mul3A_102 = arith.muli %scan3A_81, %mul3A_101 : i32
      %add3A_103 = arith.constant 1 : i32
      %add3A_104 = arith.addi %mul3A_102, %add3A_103 : i32
      %mul3A_105 = arith.constant 8 : i32
      %mul3A_106 = arith.muli %rem3A_83, %mul3A_105 : i32
      %add3A_107 = arith.constant 1 : i32
      %add3A_108 = arith.addi %mul3A_106, %add3A_107 : i32
      %mul3A_109 = arith.constant 512 : i32
      %mul3A_110 = arith.muli %add3A_108, %mul3A_109 : i32
      %mul3A_111 = arith.constant 512 : i32
      %mul3A_112 = arith.muli %add3A_104, %mul3A_111 : i32
      %dma_start3A_113 = tpu.memref_slice %arg7[%mul3A_112] : memref<65536xf32, #tpu.memory_space<vmem>> -> memref<512xf32, #tpu.memory_space<vmem>>
      %dma_start3A_114 = tpu.memref_slice %arg6[%mul3A_110] : memref<8192xi32, #tpu.memory_space<vmem>> -> memref<512xi32, #tpu.memory_space<vmem>>
      %dma_start3A_115 = arith.constant 0 : i32
      %dma_start3A_116 = tpu.memref_slice %arg2[%dma_start3A_115] : memref<134217728xf32, #tpu.memory_space<hbm>> -> memref<134217728xf32, #tpu.memory_space<hbm>>
      %dma_start3A_117 = tpu.memref_slice %arg8[%rem3A_83] : memref<2x!tpu.dma_semaphore, #tpu.memory_space<semaphore_mem>> -> memref<1x!tpu.dma_semaphore, #tpu.memory_space<semaphore_mem>>
      %dma_start3A_118 = tpu.memref_squeeze %dma_start3A_117 : memref<1x!tpu.dma_semaphore, #tpu.memory_space<semaphore_mem>> -> memref<!tpu.dma_semaphore, #tpu.memory_space<semaphore_mem>>
      tpu.enqueue_indirect_dma source(%dma_start3A_116 : memref<134217728xf32, #tpu.memory_space<hbm>>) target(%dma_start3A_113 : memref<512xf32, #tpu.memory_space<vmem>>) offsets(%dma_start3A_114 : memref<512xi32, #tpu.memory_space<vmem>>) semaphore(%dma_start3A_118 : memref<!tpu.dma_semaphore, #tpu.memory_space<semaphore_mem>>)
      %mul3A_119 = arith.constant 8 : i32
      %mul3A_120 = arith.muli %scan3A_81, %mul3A_119 : i32
      %add3A_121 = arith.constant 2 : i32
      %add3A_122 = arith.addi %mul3A_120, %add3A_121 : i32
      %mul3A_123 = arith.constant 8 : i32
      %mul3A_124 = arith.muli %rem3A_83, %mul3A_123 : i32
      %add3A_125 = arith.constant 2 : i32
      %add3A_126 = arith.addi %mul3A_124, %add3A_125 : i32
      %mul3A_127 = arith.constant 512 : i32
      %mul3A_128 = arith.muli %add3A_126, %mul3A_127 : i32
      %mul3A_129 = arith.constant 512 : i32
      %mul3A_130 = arith.muli %add3A_122, %mul3A_129 : i32
      %dma_start3A_131 = tpu.memref_slice %arg7[%mul3A_130] : memref<65536xf32, #tpu.memory_space<vmem>> -> memref<512xf32, #tpu.memory_space<vmem>>
      %dma_start3A_132 = tpu.memref_slice %arg6[%mul3A_128] : memref<8192xi32, #tpu.memory_space<vmem>> -> memref<512xi32, #tpu.memory_space<vmem>>
      %dma_start3A_133 = arith.constant 0 : i32
      %dma_start3A_134 = tpu.memref_slice %arg2[%dma_start3A_133] : memref<134217728xf32, #tpu.memory_space<hbm>> -> memref<134217728xf32, #tpu.memory_space<hbm>>
      %dma_start3A_135 = tpu.memref_slice %arg8[%rem3A_83] : memref<2x!tpu.dma_semaphore, #tpu.memory_space<semaphore_mem>> -> memref<1x!tpu.dma_semaphore, #tpu.memory_space<semaphore_mem>>
      %dma_start3A_136 = tpu.memref_squeeze %dma_start3A_135 : memref<1x!tpu.dma_semaphore, #tpu.memory_space<semaphore_mem>> -> memref<!tpu.dma_semaphore, #tpu.memory_space<semaphore_mem>>
      tpu.enqueue_indirect_dma source(%dma_start3A_134 : memref<134217728xf32, #tpu.memory_space<hbm>>) target(%dma_start3A_131 : memref<512xf32, #tpu.memory_space<vmem>>) offsets(%dma_start3A_132 : memref<512xi32, #tpu.memory_space<vmem>>) semaphore(%dma_start3A_136 : memref<!tpu.dma_semaphore, #tpu.memory_space<semaphore_mem>>)
      %mul3A_137 = arith.constant 8 : i32
      %mul3A_138 = arith.muli %scan3A_81, %mul3A_137 : i32
      %add3A_139 = arith.constant 3 : i32
      %add3A_140 = arith.addi %mul3A_138, %add3A_139 : i32
      %mul3A_141 = arith.constant 8 : i32
      %mul3A_142 = arith.muli %rem3A_83, %mul3A_141 : i32
      %add3A_143 = arith.constant 3 : i32
      %add3A_144 = arith.addi %mul3A_142, %add3A_143 : i32
      %mul3A_145 = arith.constant 512 : i32
      %mul3A_146 = arith.muli %add3A_144, %mul3A_145 : i32
      %mul3A_147 = arith.constant 512 : i32
      %mul3A_148 = arith.muli %add3A_140, %mul3A_147 : i32
      %dma_start3A_149 = tpu.memref_slice %arg7[%mul3A_148] : memref<65536xf32, #tpu.memory_space<vmem>> -> memref<512xf32, #tpu.memory_space<vmem>>
      %dma_start3A_150 = tpu.memref_slice %arg6[%mul3A_146] : memref<8192xi32, #tpu.memory_space<vmem>> -> memref<512xi32, #tpu.memory_space<vmem>>
      %dma_start3A_151 = arith.constant 0 : i32
      %dma_start3A_152 = tpu.memref_slice %arg2[%dma_start3A_151] : memref<134217728xf32, #tpu.memory_space<hbm>> -> memref<134217728xf32, #tpu.memory_space<hbm>>
      %dma_start3A_153 = tpu.memref_slice %arg8[%rem3A_83] : memref<2x!tpu.dma_semaphore, #tpu.memory_space<semaphore_mem>> -> memref<1x!tpu.dma_semaphore, #tpu.memory_space<semaphore_mem>>
      %dma_start3A_154 = tpu.memref_squeeze %dma_start3A_153 : memref<1x!tpu.dma_semaphore, #tpu.memory_space<semaphore_mem>> -> memref<!tpu.dma_semaphore, #tpu.memory_space<semaphore_mem>>
      tpu.enqueue_indirect_dma source(%dma_start3A_152 : memref<134217728xf32, #tpu.memory_space<hbm>>) target(%dma_start3A_149 : memref<512xf32, #tpu.memory_space<vmem>>) offsets(%dma_start3A_150 : memref<512xi32, #tpu.memory_space<vmem>>) semaphore(%dma_start3A_154 : memref<!tpu.dma_semaphore, #tpu.memory_space<semaphore_mem>>)
      %mul3A_155 = arith.constant 8 : i32
      %mul3A_156 = arith.muli %scan3A_81, %mul3A_155 : i32
      %add3A_157 = arith.constant 4 : i32
      %add3A_158 = arith.addi %mul3A_156, %add3A_157 : i32
      %mul3A_159 = arith.constant 8 : i32
      %mul3A_160 = arith.muli %rem3A_83, %mul3A_159 : i32
      %add3A_161 = arith.constant 4 : i32
      %add3A_162 = arith.addi %mul3A_160, %add3A_161 : i32
      %mul3A_163 = arith.constant 512 : i32
      %mul3A_164 = arith.muli %add3A_162, %mul3A_163 : i32
      %mul3A_165 = arith.constant 512 : i32
      %mul3A_166 = arith.muli %add3A_158, %mul3A_165 : i32
      %dma_start3A_167 = tpu.memref_slice %arg7[%mul3A_166] : memref<65536xf32, #tpu.memory_space<vmem>> -> memref<512xf32, #tpu.memory_space<vmem>>
      %dma_start3A_168 = tpu.memref_slice %arg6[%mul3A_164] : memref<8192xi32, #tpu.memory_space<vmem>> -> memref<512xi32, #tpu.memory_space<vmem>>
      %dma_start3A_169 = arith.constant 0 : i32
      %dma_start3A_170 = tpu.memref_slice %arg2[%dma_start3A_169] : memref<134217728xf32, #tpu.memory_space<hbm>> -> memref<134217728xf32, #tpu.memory_space<hbm>>
      %dma_start3A_171 = tpu.memref_slice %arg8[%rem3A_83] : memref<2x!tpu.dma_semaphore, #tpu.memory_space<semaphore_mem>> -> memref<1x!tpu.dma_semaphore, #tpu.memory_space<semaphore_mem>>
      %dma_start3A_172 = tpu.memref_squeeze %dma_start3A_171 : memref<1x!tpu.dma_semaphore, #tpu.memory_space<semaphore_mem>> -> memref<!tpu.dma_semaphore, #tpu.memory_space<semaphore_mem>>
      tpu.enqueue_indirect_dma source(%dma_start3A_170 : memref<134217728xf32, #tpu.memory_space<hbm>>) target(%dma_start3A_167 : memref<512xf32, #tpu.memory_space<vmem>>) offsets(%dma_start3A_168 : memref<512xi32, #tpu.memory_space<vmem>>) semaphore(%dma_start3A_172 : memref<!tpu.dma_semaphore, #tpu.memory_space<semaphore_mem>>)
      %mul3A_173 = arith.constant 8 : i32
      %mul3A_174 = arith.muli %scan3A_81, %mul3A_173 : i32
      %add3A_175 = arith.constant 5 : i32
      %add3A_176 = arith.addi %mul3A_174, %add3A_175 : i32
      %mul3A_177 = arith.constant 8 : i32
      %mul3A_178 = arith.muli %rem3A_83, %mul3A_177 : i32
      %add3A_179 = arith.constant 5 : i32
      %add3A_180 = arith.addi %mul3A_178, %add3A_179 : i32
      %mul3A_181 = arith.constant 512 : i32
      %mul3A_182 = arith.muli %add3A_180, %mul3A_181 : i32
      %mul3A_183 = arith.constant 512 : i32
      %mul3A_184 = arith.muli %add3A_176, %mul3A_183 : i32
      %dma_start3A_185 = tpu.memref_slice %arg7[%mul3A_184] : memref<65536xf32, #tpu.memory_space<vmem>> -> memref<512xf32, #tpu.memory_space<vmem>>
      %dma_start3A_186 = tpu.memref_slice %arg6[%mul3A_182] : memref<8192xi32, #tpu.memory_space<vmem>> -> memref<512xi32, #tpu.memory_space<vmem>>
      %dma_start3A_187 = arith.constant 0 : i32
      %dma_start3A_188 = tpu.memref_slice %arg2[%dma_start3A_187] : memref<134217728xf32, #tpu.memory_space<hbm>> -> memref<134217728xf32, #tpu.memory_space<hbm>>
      %dma_start3A_189 = tpu.memref_slice %arg8[%rem3A_83] : memref<2x!tpu.dma_semaphore, #tpu.memory_space<semaphore_mem>> -> memref<1x!tpu.dma_semaphore, #tpu.memory_space<semaphore_mem>>
      %dma_start3A_190 = tpu.memref_squeeze %dma_start3A_189 : memref<1x!tpu.dma_semaphore, #tpu.memory_space<semaphore_mem>> -> memref<!tpu.dma_semaphore, #tpu.memory_space<semaphore_mem>>
      tpu.enqueue_indirect_dma source(%dma_start3A_188 : memref<134217728xf32, #tpu.memory_space<hbm>>) target(%dma_start3A_185 : memref<512xf32, #tpu.memory_space<vmem>>) offsets(%dma_start3A_186 : memref<512xi32, #tpu.memory_space<vmem>>) semaphore(%dma_start3A_190 : memref<!tpu.dma_semaphore, #tpu.memory_space<semaphore_mem>>)
      %mul3A_191 = arith.constant 8 : i32
      %mul3A_192 = arith.muli %scan3A_81, %mul3A_191 : i32
      %add3A_193 = arith.constant 6 : i32
      %add3A_194 = arith.addi %mul3A_192, %add3A_193 : i32
      %mul3A_195 = arith.constant 8 : i32
      %mul3A_196 = arith.muli %rem3A_83, %mul3A_195 : i32
      %add3A_197 = arith.constant 6 : i32
      %add3A_198 = arith.addi %mul3A_196, %add3A_197 : i32
      %mul3A_199 = arith.constant 512 : i32
      %mul3A_200 = arith.muli %add3A_198, %mul3A_199 : i32
      %mul3A_201 = arith.constant 512 : i32
      %mul3A_202 = arith.muli %add3A_194, %mul3A_201 : i32
      %dma_start3A_203 = tpu.memref_slice %arg7[%mul3A_202] : memref<65536xf32, #tpu.memory_space<vmem>> -> memref<512xf32, #tpu.memory_space<vmem>>
      %dma_start3A_204 = tpu.memref_slice %arg6[%mul3A_200] : memref<8192xi32, #tpu.memory_space<vmem>> -> memref<512xi32, #tpu.memory_space<vmem>>
      %dma_start3A_205 = arith.constant 0 : i32
      %dma_start3A_206 = tpu.memref_slice %arg2[%dma_start3A_205] : memref<134217728xf32, #tpu.memory_space<hbm>> -> memref<134217728xf32, #tpu.memory_space<hbm>>
      %dma_start3A_207 = tpu.memref_slice %arg8[%rem3A_83] : memref<2x!tpu.dma_semaphore, #tpu.memory_space<semaphore_mem>> -> memref<1x!tpu.dma_semaphore, #tpu.memory_space<semaphore_mem>>
      %dma_start3A_208 = tpu.memref_squeeze %dma_start3A_207 : memref<1x!tpu.dma_semaphore, #tpu.memory_space<semaphore_mem>> -> memref<!tpu.dma_semaphore, #tpu.memory_space<semaphore_mem>>
      tpu.enqueue_indirect_dma source(%dma_start3A_206 : memref<134217728xf32, #tpu.memory_space<hbm>>) target(%dma_start3A_203 : memref<512xf32, #tpu.memory_space<vmem>>) offsets(%dma_start3A_204 : memref<512xi32, #tpu.memory_space<vmem>>) semaphore(%dma_start3A_208 : memref<!tpu.dma_semaphore, #tpu.memory_space<semaphore_mem>>)
      %mul3A_209 = arith.constant 8 : i32
      %mul3A_210 = arith.muli %scan3A_81, %mul3A_209 : i32
      %add3A_211 = arith.constant 7 : i32
      %add3A_212 = arith.addi %mul3A_210, %add3A_211 : i32
      %mul3A_213 = arith.constant 8 : i32
      %mul3A_214 = arith.muli %rem3A_83, %mul3A_213 : i32
      %add3A_215 = arith.constant 7 : i32
      %add3A_216 = arith.addi %mul3A_214, %add3A_215 : i32
      %mul3A_217 = arith.constant 512 : i32
      %mul3A_218 = arith.muli %add3A_216, %mul3A_217 : i32
      %mul3A_219 = arith.constant 512 : i32
      %mul3A_220 = arith.muli %add3A_212, %mul3A_219 : i32
      %dma_start3A_221 = tpu.memref_slice %arg7[%mul3A_220] : memref<65536xf32, #tpu.memory_space<vmem>> -> memref<512xf32, #tpu.memory_space<vmem>>
      %dma_start3A_222 = tpu.memref_slice %arg6[%mul3A_218] : memref<8192xi32, #tpu.memory_space<vmem>> -> memref<512xi32, #tpu.memory_space<vmem>>
      %dma_start3A_223 = arith.constant 0 : i32
      %dma_start3A_224 = tpu.memref_slice %arg2[%dma_start3A_223] : memref<134217728xf32, #tpu.memory_space<hbm>> -> memref<134217728xf32, #tpu.memory_space<hbm>>
      %dma_start3A_225 = tpu.memref_slice %arg8[%rem3A_83] : memref<2x!tpu.dma_semaphore, #tpu.memory_space<semaphore_mem>> -> memref<1x!tpu.dma_semaphore, #tpu.memory_space<semaphore_mem>>
      %dma_start3A_226 = tpu.memref_squeeze %dma_start3A_225 : memref<1x!tpu.dma_semaphore, #tpu.memory_space<semaphore_mem>> -> memref<!tpu.dma_semaphore, #tpu.memory_space<semaphore_mem>>
      tpu.enqueue_indirect_dma source(%dma_start3A_224 : memref<134217728xf32, #tpu.memory_space<hbm>>) target(%dma_start3A_221 : memref<512xf32, #tpu.memory_space<vmem>>) offsets(%dma_start3A_222 : memref<512xi32, #tpu.memory_space<vmem>>) semaphore(%dma_start3A_226 : memref<!tpu.dma_semaphore, #tpu.memory_space<semaphore_mem>>)
      %gt3A = arith.constant 0 : i32
      %gt3A_227 = arith.cmpi sgt, %scan3A_81, %gt3A : i32
      %convert_element_type3A = arith.extui %gt3A_227 : i1 to i32
      %cond3A = arith.constant 0 : i32
      %cond3A_228 = arith.cmpi ne, %convert_element_type3A, %cond3A : i32
      scf.if %cond3A_228 {
        %sub3A = arith.constant 1 : i32
        %sub3A_229 = arith.subi %scan3A_81, %sub3A : i32
        %rem3A_230 = arith.constant 2 : i32
        %rem3A_231 = arith.remsi %sub3A_229, %rem3A_230 : i32
        %dma_wait3A_232 = arith.constant 0 : i32
        %dma_wait3A_233 = tpu.memref_slice %arg7[%dma_wait3A_232] : memref<65536xf32, #tpu.memory_space<vmem>> -> memref<512xf32, #tpu.memory_space<vmem>>
        %dma_wait3A_234 = arith.constant 0 : i32
        %dma_wait3A_235 = tpu.memref_slice %arg6[%dma_wait3A_234] : memref<8192xi32, #tpu.memory_space<vmem>> -> memref<512xi32, #tpu.memory_space<vmem>>
        %dma_wait3A_236 = arith.constant 0 : i32
        %dma_wait3A_237 = tpu.memref_slice %arg2[%dma_wait3A_236] : memref<134217728xf32, #tpu.memory_space<hbm>> -> memref<134217728xf32, #tpu.memory_space<hbm>>
        %dma_wait3A_238 = tpu.memref_slice %arg8[%rem3A_231] : memref<2x!tpu.dma_semaphore, #tpu.memory_space<semaphore_mem>> -> memref<1x!tpu.dma_semaphore, #tpu.memory_space<semaphore_mem>>
        %dma_wait3A_239 = tpu.memref_squeeze %dma_wait3A_238 : memref<1x!tpu.dma_semaphore, #tpu.memory_space<semaphore_mem>> -> memref<!tpu.dma_semaphore, #tpu.memory_space<semaphore_mem>>
        tpu.wait_indirect_dma semaphore(%dma_wait3A_239 : memref<!tpu.dma_semaphore, #tpu.memory_space<semaphore_mem>>) src(%dma_wait3A_237 : memref<134217728xf32, #tpu.memory_space<hbm>>) dst(%dma_wait3A_233 : memref<512xf32, #tpu.memory_space<vmem>>)
        %dma_wait3A_240 = arith.constant 0 : i32
        %dma_wait3A_241 = tpu.memref_slice %arg7[%dma_wait3A_240] : memref<65536xf32, #tpu.memory_space<vmem>> -> memref<512xf32, #tpu.memory_space<vmem>>
        %dma_wait3A_242 = arith.constant 0 : i32
        %dma_wait3A_243 = tpu.memref_slice %arg6[%dma_wait3A_242] : memref<8192xi32, #tpu.memory_space<vmem>> -> memref<512xi32, #tpu.memory_space<vmem>>
        %dma_wait3A_244 = arith.constant 0 : i32
        %dma_wait3A_245 = tpu.memref_slice %arg2[%dma_wait3A_244] : memref<134217728xf32, #tpu.memory_space<hbm>> -> memref<134217728xf32, #tpu.memory_space<hbm>>
        %dma_wait3A_246 = tpu.memref_slice %arg8[%rem3A_231] : memref<2x!tpu.dma_semaphore, #tpu.memory_space<semaphore_mem>> -> memref<1x!tpu.dma_semaphore, #tpu.memory_space<semaphore_mem>>
        %dma_wait3A_247 = tpu.memref_squeeze %dma_wait3A_246 : memref<1x!tpu.dma_semaphore, #tpu.memory_space<semaphore_mem>> -> memref<!tpu.dma_semaphore, #tpu.memory_space<semaphore_mem>>
        tpu.wait_indirect_dma semaphore(%dma_wait3A_247 : memref<!tpu.dma_semaphore, #tpu.memory_space<semaphore_mem>>) src(%dma_wait3A_245 : memref<134217728xf32, #tpu.memory_space<hbm>>) dst(%dma_wait3A_241 : memref<512xf32, #tpu.memory_space<vmem>>)
        %dma_wait3A_248 = arith.constant 0 : i32
        %dma_wait3A_249 = tpu.memref_slice %arg7[%dma_wait3A_248] : memref<65536xf32, #tpu.memory_space<vmem>> -> memref<512xf32, #tpu.memory_space<vmem>>
        %dma_wait3A_250 = arith.constant 0 : i32
        %dma_wait3A_251 = tpu.memref_slice %arg6[%dma_wait3A_250] : memref<8192xi32, #tpu.memory_space<vmem>> -> memref<512xi32, #tpu.memory_space<vmem>>
        %dma_wait3A_252 = arith.constant 0 : i32
        %dma_wait3A_253 = tpu.memref_slice %arg2[%dma_wait3A_252] : memref<134217728xf32, #tpu.memory_space<hbm>> -> memref<134217728xf32, #tpu.memory_space<hbm>>
        %dma_wait3A_254 = tpu.memref_slice %arg8[%rem3A_231] : memref<2x!tpu.dma_semaphore, #tpu.memory_space<semaphore_mem>> -> memref<1x!tpu.dma_semaphore, #tpu.memory_space<semaphore_mem>>
        %dma_wait3A_255 = tpu.memref_squeeze %dma_wait3A_254 : memref<1x!tpu.dma_semaphore, #tpu.memory_space<semaphore_mem>> -> memref<!tpu.dma_semaphore, #tpu.memory_space<semaphore_mem>>
        tpu.wait_indirect_dma semaphore(%dma_wait3A_255 : memref<!tpu.dma_semaphore, #tpu.memory_space<semaphore_mem>>) src(%dma_wait3A_253 : memref<134217728xf32, #tpu.memory_space<hbm>>) dst(%dma_wait3A_249 : memref<512xf32, #tpu.memory_space<vmem>>)
        %dma_wait3A_256 = arith.constant 0 : i32
        %dma_wait3A_257 = tpu.memref_slice %arg7[%dma_wait3A_256] : memref<65536xf32, #tpu.memory_space<vmem>> -> memref<512xf32, #tpu.memory_space<vmem>>
        %dma_wait3A_258 = arith.constant 0 : i32
        %dma_wait3A_259 = tpu.memref_slice %arg6[%dma_wait3A_258] : memref<8192xi32, #tpu.memory_space<vmem>> -> memref<512xi32, #tpu.memory_space<vmem>>
        %dma_wait3A_260 = arith.constant 0 : i32
        %dma_wait3A_261 = tpu.memref_slice %arg2[%dma_wait3A_260] : memref<134217728xf32, #tpu.memory_space<hbm>> -> memref<134217728xf32, #tpu.memory_space<hbm>>
        %dma_wait3A_262 = tpu.memref_slice %arg8[%rem3A_231] : memref<2x!tpu.dma_semaphore, #tpu.memory_space<semaphore_mem>> -> memref<1x!tpu.dma_semaphore, #tpu.memory_space<semaphore_mem>>
        %dma_wait3A_263 = tpu.memref_squeeze %dma_wait3A_262 : memref<1x!tpu.dma_semaphore, #tpu.memory_space<semaphore_mem>> -> memref<!tpu.dma_semaphore, #tpu.memory_space<semaphore_mem>>
        tpu.wait_indirect_dma semaphore(%dma_wait3A_263 : memref<!tpu.dma_semaphore, #tpu.memory_space<semaphore_mem>>) src(%dma_wait3A_261 : memref<134217728xf32, #tpu.memory_space<hbm>>) dst(%dma_wait3A_257 : memref<512xf32, #tpu.memory_space<vmem>>)
        %dma_wait3A_264 = arith.constant 0 : i32
        %dma_wait3A_265 = tpu.memref_slice %arg7[%dma_wait3A_264] : memref<65536xf32, #tpu.memory_space<vmem>> -> memref<512xf32, #tpu.memory_space<vmem>>
        %dma_wait3A_266 = arith.constant 0 : i32
        %dma_wait3A_267 = tpu.memref_slice %arg6[%dma_wait3A_266] : memref<8192xi32, #tpu.memory_space<vmem>> -> memref<512xi32, #tpu.memory_space<vmem>>
        %dma_wait3A_268 = arith.constant 0 : i32
        %dma_wait3A_269 = tpu.memref_slice %arg2[%dma_wait3A_268] : memref<134217728xf32, #tpu.memory_space<hbm>> -> memref<134217728xf32, #tpu.memory_space<hbm>>
        %dma_wait3A_270 = tpu.memref_slice %arg8[%rem3A_231] : memref<2x!tpu.dma_semaphore, #tpu.memory_space<semaphore_mem>> -> memref<1x!tpu.dma_semaphore, #tpu.memory_space<semaphore_mem>>
        %dma_wait3A_271 = tpu.memref_squeeze %dma_wait3A_270 : memref<1x!tpu.dma_semaphore, #tpu.memory_space<semaphore_mem>> -> memref<!tpu.dma_semaphore, #tpu.memory_space<semaphore_mem>>
        tpu.wait_indirect_dma semaphore(%dma_wait3A_271 : memref<!tpu.dma_semaphore, #tpu.memory_space<semaphore_mem>>) src(%dma_wait3A_269 : memref<134217728xf32, #tpu.memory_space<hbm>>) dst(%dma_wait3A_265 : memref<512xf32, #tpu.memory_space<vmem>>)
        %dma_wait3A_272 = arith.constant 0 : i32
        %dma_wait3A_273 = tpu.memref_slice %arg7[%dma_wait3A_272] : memref<65536xf32, #tpu.memory_space<vmem>> -> memref<512xf32, #tpu.memory_space<vmem>>
        %dma_wait3A_274 = arith.constant 0 : i32
        %dma_wait3A_275 = tpu.memref_slice %arg6[%dma_wait3A_274] : memref<8192xi32, #tpu.memory_space<vmem>> -> memref<512xi32, #tpu.memory_space<vmem>>
        %dma_wait3A_276 = arith.constant 0 : i32
        %dma_wait3A_277 = tpu.memref_slice %arg2[%dma_wait3A_276] : memref<134217728xf32, #tpu.memory_space<hbm>> -> memref<134217728xf32, #tpu.memory_space<hbm>>
        %dma_wait3A_278 = tpu.memref_slice %arg8[%rem3A_231] : memref<2x!tpu.dma_semaphore, #tpu.memory_space<semaphore_mem>> -> memref<1x!tpu.dma_semaphore, #tpu.memory_space<semaphore_mem>>
        %dma_wait3A_279 = tpu.memref_squeeze %dma_wait3A_278 : memref<1x!tpu.dma_semaphore, #tpu.memory_space<semaphore_mem>> -> memref<!tpu.dma_semaphore, #tpu.memory_space<semaphore_mem>>
        tpu.wait_indirect_dma semaphore(%dma_wait3A_279 : memref<!tpu.dma_semaphore, #tpu.memory_space<semaphore_mem>>) src(%dma_wait3A_277 : memref<134217728xf32, #tpu.memory_space<hbm>>) dst(%dma_wait3A_273 : memref<512xf32, #tpu.memory_space<vmem>>)
        %dma_wait3A_280 = arith.constant 0 : i32
        %dma_wait3A_281 = tpu.memref_slice %arg7[%dma_wait3A_280] : memref<65536xf32, #tpu.memory_space<vmem>> -> memref<512xf32, #tpu.memory_space<vmem>>
        %dma_wait3A_282 = arith.constant 0 : i32
        %dma_wait3A_283 = tpu.memref_slice %arg6[%dma_wait3A_282] : memref<8192xi32, #tpu.memory_space<vmem>> -> memref<512xi32, #tpu.memory_space<vmem>>
        %dma_wait3A_284 = arith.constant 0 : i32
        %dma_wait3A_285 = tpu.memref_slice %arg2[%dma_wait3A_284] : memref<134217728xf32, #tpu.memory_space<hbm>> -> memref<134217728xf32, #tpu.memory_space<hbm>>
        %dma_wait3A_286 = tpu.memref_slice %arg8[%rem3A_231] : memref<2x!tpu.dma_semaphore, #tpu.memory_space<semaphore_mem>> -> memref<1x!tpu.dma_semaphore, #tpu.memory_space<semaphore_mem>>
        %dma_wait3A_287 = tpu.memref_squeeze %dma_wait3A_286 : memref<1x!tpu.dma_semaphore, #tpu.memory_space<semaphore_mem>> -> memref<!tpu.dma_semaphore, #tpu.memory_space<semaphore_mem>>
        tpu.wait_indirect_dma semaphore(%dma_wait3A_287 : memref<!tpu.dma_semaphore, #tpu.memory_space<semaphore_mem>>) src(%dma_wait3A_285 : memref<134217728xf32, #tpu.memory_space<hbm>>) dst(%dma_wait3A_281 : memref<512xf32, #tpu.memory_space<vmem>>)
        %dma_wait3A_288 = arith.constant 0 : i32
        %dma_wait3A_289 = tpu.memref_slice %arg7[%dma_wait3A_288] : memref<65536xf32, #tpu.memory_space<vmem>> -> memref<512xf32, #tpu.memory_space<vmem>>
        %dma_wait3A_290 = arith.constant 0 : i32
        %dma_wait3A_291 = tpu.memref_slice %arg6[%dma_wait3A_290] : memref<8192xi32, #tpu.memory_space<vmem>> -> memref<512xi32, #tpu.memory_space<vmem>>
        %dma_wait3A_292 = arith.constant 0 : i32
        %dma_wait3A_293 = tpu.memref_slice %arg2[%dma_wait3A_292] : memref<134217728xf32, #tpu.memory_space<hbm>> -> memref<134217728xf32, #tpu.memory_space<hbm>>
        %dma_wait3A_294 = tpu.memref_slice %arg8[%rem3A_231] : memref<2x!tpu.dma_semaphore, #tpu.memory_space<semaphore_mem>> -> memref<1x!tpu.dma_semaphore, #tpu.memory_space<semaphore_mem>>
        %dma_wait3A_295 = tpu.memref_squeeze %dma_wait3A_294 : memref<1x!tpu.dma_semaphore, #tpu.memory_space<semaphore_mem>> -> memref<!tpu.dma_semaphore, #tpu.memory_space<semaphore_mem>>
        tpu.wait_indirect_dma semaphore(%dma_wait3A_295 : memref<!tpu.dma_semaphore, #tpu.memory_space<semaphore_mem>>) src(%dma_wait3A_293 : memref<134217728xf32, #tpu.memory_space<hbm>>) dst(%dma_wait3A_289 : memref<512xf32, #tpu.memory_space<vmem>>)
        %sub3A_296 = arith.constant 1 : i32
        %sub3A_297 = arith.subi %scan3A_81, %sub3A_296 : i32
        %rem3A_298 = arith.constant 2 : i32
        %rem3A_299 = arith.remsi %sub3A_297, %rem3A_298 : i32
        %mul3A_300 = arith.constant 8 : i32
        %mul3A_301 = arith.muli %rem3A_299, %mul3A_300 : i32
        %add3A_302 = arith.constant 0 : i32
        %add3A_303 = arith.addi %mul3A_301, %add3A_302 : i32
        %mul3A_304 = arith.constant 512 : i32
        %mul3A_305 = arith.muli %add3A_303, %mul3A_304 : i32
        %add3A_306 = arith.constant 0 : i32
        %add3A_307 = arith.addi %mul3A_305, %add3A_306 : i32
        %get3A = arith.index_cast %add3A_307 : i32 to index
        %get3A_308 = tpu.vector_load %arg6[%get3A] {strides = array<i32>} : memref<8192xi32, #tpu.memory_space<vmem>>, vector<16xi32>,
        %get3A_309 = vector.shape_cast %get3A_308 : vector<16xi32> to vector<16xi32>
        %add3A_310 = arith.constant 524288 : i32
        %add3A_311 = vector.broadcast %add3A_310 : i32 to vector<16xi32>
        %add3A_312 = arith.addi %get3A_309, %add3A_311 : vector<16xi32>
        %swap3A = arith.index_cast %add3A_307 : i32 to index
        %swap3A_313 = tpu.vector_load %arg6[%swap3A] {strides = array<i32>} : memref<8192xi32, #tpu.memory_space<vmem>>, vector<16xi32>,
        %swap3A_314 = vector.shape_cast %swap3A_313 : vector<16xi32> to vector<16xi32>
        %swap3A_315 = vector.shape_cast %add3A_312 : vector<16xi32> to vector<16xi32>
        tpu.vector_store %arg6[%swap3A], %swap3A_315 {strides = array<i32>} : memref<8192xi32, #tpu.memory_space<vmem>>, vector<16xi32>,
        %mul3A_316 = arith.constant 512 : i32
        %mul3A_317 = arith.muli %add3A_303, %mul3A_316 : i32
        %add3A_318 = arith.constant 16 : i32
        %add3A_319 = arith.addi %mul3A_317, %add3A_318 : i32
        %get3A_320 = arith.index_cast %add3A_319 : i32 to index
        %get3A_321 = tpu.vector_load %arg6[%get3A_320] {strides = array<i32>} : memref<8192xi32, #tpu.memory_space<vmem>>, vector<16xi32>,
        %get3A_322 = vector.shape_cast %get3A_321 : vector<16xi32> to vector<16xi32>
        %add3A_323 = arith.constant 524288 : i32
        %add3A_324 = vector.broadcast %add3A_323 : i32 to vector<16xi32>
        %add3A_325 = arith.addi %get3A_322, %add3A_324 : vector<16xi32>
        %swap3A_326 = arith.index_cast %add3A_319 : i32 to index
        %swap3A_327 = tpu.vector_load %arg6[%swap3A_326] {strides = array<i32>} : memref<8192xi32, #tpu.memory_space<vmem>>, vector<16xi32>,
        %swap3A_328 = vector.shape_cast %swap3A_327 : vector<16xi32> to vector<16xi32>
        %swap3A_329 = vector.shape_cast %add3A_325 : vector<16xi32> to vector<16xi32>
        tpu.vector_store %arg6[%swap3A_326], %swap3A_329 {strides = array<i32>} : memref<8192xi32, #tpu.memory_space<vmem>>, vector<16xi32>,
        %mul3A_330 = arith.constant 512 : i32
        %mul3A_331 = arith.muli %add3A_303, %mul3A_330 : i32
        %add3A_332 = arith.constant 32 : i32
        %add3A_333 = arith.addi %mul3A_331, %add3A_332 : i32
        %get3A_334 = arith.index_cast %add3A_333 : i32 to index
        %get3A_335 = tpu.vector_load %arg6[%get3A_334] {strides = array<i32>} : memref<8192xi32, #tpu.memory_space<vmem>>, vector<16xi32>,
        %get3A_336 = vector.shape_cast %get3A_335 : vector<16xi32> to vector<16xi32>
        %add3A_337 = arith.constant 524288 : i32
        %add3A_338 = vector.broadcast %add3A_337 : i32 to vector<16xi32>
        %add3A_339 = arith.addi %get3A_336, %add3A_338 : vector<16xi32>
        %swap3A_340 = arith.index_cast %add3A_333 : i32 to index
        %swap3A_341 = tpu.vector_load %arg6[%swap3A_340] {strides = array<i32>} : memref<8192xi32, #tpu.memory_space<vmem>>, vector<16xi32>,
        %swap3A_342 = vector.shape_cast %swap3A_341 : vector<16xi32> to vector<16xi32>
        %swap3A_343 = vector.shape_cast %add3A_339 : vector<16xi32> to vector<16xi32>
        tpu.vector_store %arg6[%swap3A_340], %swap3A_343 {strides = array<i32>} : memref<8192xi32, #tpu.memory_space<vmem>>, vector<16xi32>,
        %mul3A_344 = arith.constant 512 : i32
        %mul3A_345 = arith.muli %add3A_303, %mul3A_344 : i32
        %add3A_346 = arith.constant 48 : i32
        %add3A_347 = arith.addi %mul3A_345, %add3A_346 : i32
        %get3A_348 = arith.index_cast %add3A_347 : i32 to index
        %get3A_349 = tpu.vector_load %arg6[%get3A_348] {strides = array<i32>} : memref<8192xi32, #tpu.memory_space<vmem>>, vector<16xi32>,
        %get3A_350 = vector.shape_cast %get3A_349 : vector<16xi32> to vector<16xi32>
        %add3A_351 = arith.constant 524288 : i32
        %add3A_352 = vector.broadcast %add3A_351 : i32 to vector<16xi32>
        %add3A_353 = arith.addi %get3A_350, %add3A_352 : vector<16xi32>
        %swap3A_354 = arith.index_cast %add3A_347 : i32 to index
        %swap3A_355 = tpu.vector_load %arg6[%swap3A_354] {strides = array<i32>} : memref<8192xi32, #tpu.memory_space<vmem>>, vector<16xi32>,
        %swap3A_356 = vector.shape_cast %swap3A_355 : vector<16xi32> to vector<16xi32>
        %swap3A_357 = vector.shape_cast %add3A_353 : vector<16xi32> to vector<16xi32>
        tpu.vector_store %arg6[%swap3A_354], %swap3A_357 {strides = array<i32>} : memref<8192xi32, #tpu.memory_space<vmem>>, vector<16xi32>,
        %mul3A_358 = arith.constant 512 : i32
        %mul3A_359 = arith.muli %add3A_303, %mul3A_358 : i32
        %add3A_360 = arith.constant 64 : i32
        %add3A_361 = arith.addi %mul3A_359, %add3A_360 : i32
        %get3A_362 = arith.index_cast %add3A_361 : i32 to index
        %get3A_363 = tpu.vector_load %arg6[%get3A_362] {strides = array<i32>} : memref<8192xi32, #tpu.memory_space<vmem>>, vector<16xi32>,
        %get3A_364 = vector.shape_cast %get3A_363 : vector<16xi32> to vector<16xi32>
        %add3A_365 = arith.constant 524288 : i32
        %add3A_366 = vector.broadcast %add3A_365 : i32 to vector<16xi32>
        %add3A_367 = arith.addi %get3A_364, %add3A_366 : vector<16xi32>
        %swap3A_368 = arith.index_cast %add3A_361 : i32 to index
        %swap3A_369 = tpu.vector_load %arg6[%swap3A_368] {strides = array<i32>} : memref<8192xi32, #tpu.memory_space<vmem>>, vector<16xi32>,
        %swap3A_370 = vector.shape_cast %swap3A_369 : vector<16xi32> to vector<16xi32>
        %swap3A_371 = vector.shape_cast %add3A_367 : vector<16xi32> to vector<16xi32>
        tpu.vector_store %arg6[%swap3A_368], %swap3A_371 {strides = array<i32>} : memref<8192xi32, #tpu.memory_space<vmem>>, vector<16xi32>,
        %mul3A_372 = arith.constant 512 : i32
        %mul3A_373 = arith.muli %add3A_303, %mul3A_372 : i32
        %add3A_374 = arith.constant 80 : i32
        %add3A_375 = arith.addi %mul3A_373, %add3A_374 : i32
        %get3A_376 = arith.index_cast %add3A_375 : i32 to index
        %get3A_377 = tpu.vector_load %arg6[%get3A_376] {strides = array<i32>} : memref<8192xi32, #tpu.memory_space<vmem>>, vector<16xi32>,
        %get3A_378 = vector.shape_cast %get3A_377 : vector<16xi32> to vector<16xi32>
        %add3A_379 = arith.constant 524288 : i32
        %add3A_380 = vector.broadcast %add3A_379 : i32 to vector<16xi32>
        %add3A_381 = arith.addi %get3A_378, %add3A_380 : vector<16xi32>
        %swap3A_382 = arith.index_cast %add3A_375 : i32 to index
        %swap3A_383 = tpu.vector_load %arg6[%swap3A_382] {strides = array<i32>} : memref<8192xi32, #tpu.memory_space<vmem>>, vector<16xi32>,
        %swap3A_384 = vector.shape_cast %swap3A_383 : vector<16xi32> to vector<16xi32>
        %swap3A_385 = vector.shape_cast %add3A_381 : vector<16xi32> to vector<16xi32>
        tpu.vector_store %arg6[%swap3A_382], %swap3A_385 {strides = array<i32>} : memref<8192xi32, #tpu.memory_space<vmem>>, vector<16xi32>,
        %mul3A_386 = arith.constant 512 : i32
        %mul3A_387 = arith.muli %add3A_303, %mul3A_386 : i32
        %add3A_388 = arith.constant 96 : i32
        %add3A_389 = arith.addi %mul3A_387, %add3A_388 : i32
        %get3A_390 = arith.index_cast %add3A_389 : i32 to index
        %get3A_391 = tpu.vector_load %arg6[%get3A_390] {strides = array<i32>} : memref<8192xi32, #tpu.memory_space<vmem>>, vector<16xi32>,
        %get3A_392 = vector.shape_cast %get3A_391 : vector<16xi32> to vector<16xi32>
        %add3A_393 = arith.constant 524288 : i32
        %add3A_394 = vector.broadcast %add3A_393 : i32 to vector<16xi32>
        %add3A_395 = arith.addi %get3A_392, %add3A_394 : vector<16xi32>
        %swap3A_396 = arith.index_cast %add3A_389 : i32 to index
        %swap3A_397 = tpu.vector_load %arg6[%swap3A_396] {strides = array<i32>} : memref<8192xi32, #tpu.memory_space<vmem>>, vector<16xi32>,
        %swap3A_398 = vector.shape_cast %swap3A_397 : vector<16xi32> to vector<16xi32>
        %swap3A_399 = vector.shape_cast %add3A_395 : vector<16xi32> to vector<16xi32>
        tpu.vector_store %arg6[%swap3A_396], %swap3A_399 {strides = array<i32>} : memref<8192xi32, #tpu.memory_space<vmem>>, vector<16xi32>,
        %mul3A_400 = arith.constant 512 : i32
        %mul3A_401 = arith.muli %add3A_303, %mul3A_400 : i32
        %add3A_402 = arith.constant 112 : i32
        %add3A_403 = arith.addi %mul3A_401, %add3A_402 : i32
        %get3A_404 = arith.index_cast %add3A_403 : i32 to index
        %get3A_405 = tpu.vector_load %arg6[%get3A_404] {strides = array<i32>} : memref<8192xi32, #tpu.memory_space<vmem>>, vector<16xi32>,
        %get3A_406 = vector.shape_cast %get3A_405 : vector<16xi32> to vector<16xi32>
        %add3A_407 = arith.constant 524288 : i32
        %add3A_408 = vector.broadcast %add3A_407 : i32 to vector<16xi32>
        %add3A_409 = arith.addi %get3A_406, %add3A_408 : vector<16xi32>
        %swap3A_410 = arith.index_cast %add3A_403 : i32 to index
        %swap3A_411 = tpu.vector_load %arg6[%swap3A_410] {strides = array<i32>} : memref<8192xi32, #tpu.memory_space<vmem>>, vector<16xi32>,
        %swap3A_412 = vector.shape_cast %swap3A_411 : vector<16xi32> to vector<16xi32>
        %swap3A_413 = vector.shape_cast %add3A_409 : vector<16xi32> to vector<16xi32>
        tpu.vector_store %arg6[%swap3A_410], %swap3A_413 {strides = array<i32>} : memref<8192xi32, #tpu.memory_space<vmem>>, vector<16xi32>,
        %mul3A_414 = arith.constant 512 : i32
        %mul3A_415 = arith.muli %add3A_303, %mul3A_414 : i32
        %add3A_416 = arith.constant 128 : i32
        %add3A_417 = arith.addi %mul3A_415, %add3A_416 : i32
        %get3A_418 = arith.index_cast %add3A_417 : i32 to index
        %get3A_419 = tpu.vector_load %arg6[%get3A_418] {strides = array<i32>} : memref<8192xi32, #tpu.memory_space<vmem>>, vector<16xi32>,
        %get3A_420 = vector.shape_cast %get3A_419 : vector<16xi32> to vector<16xi32>
        %add3A_421 = arith.constant 524288 : i32
        %add3A_422 = vector.broadcast %add3A_421 : i32 to vector<16xi32>
        %add3A_423 = arith.addi %get3A_420, %add3A_422 : vector<16xi32>
        %swap3A_424 = arith.index_cast %add3A_417 : i32 to index
        %swap3A_425 = tpu.vector_load %arg6[%swap3A_424] {strides = array<i32>} : memref<8192xi32, #tpu.memory_space<vmem>>, vector<16xi32>,
        %swap3A_426 = vector.shape_cast %swap3A_425 : vector<16xi32> to vector<16xi32>
        %swap3A_427 = vector.shape_cast %add3A_423 : vector<16xi32> to vector<16xi32>
        tpu.vector_store %arg6[%swap3A_424], %swap3A_427 {strides = array<i32>} : memref<8192xi32, #tpu.memory_space<vmem>>, vector<16xi32>,
        %mul3A_428 = arith.constant 512 : i32
        %mul3A_429 = arith.muli %add3A_303, %mul3A_428 : i32
        %add3A_430 = arith.constant 144 : i32
        %add3A_431 = arith.addi %mul3A_429, %add3A_430 : i32
        %get3A_432 = arith.index_cast %add3A_431 : i32 to index
        %get3A_433 = tpu.vector_load %arg6[%get3A_432] {strides = array<i32>} : memref<8192xi32, #tpu.memory_space<vmem>>, vector<16xi32>,
        %get3A_434 = vector.shape_cast %get3A_433 : vector<16xi32> to vector<16xi32>
        %add3A_435 = arith.constant 524288 : i32
        %add3A_436 = vector.broadcast %add3A_435 : i32 to vector<16xi32>
        %add3A_437 = arith.addi %get3A_434, %add3A_436 : vector<16xi32>
        %swap3A_438 = arith.index_cast %add3A_431 : i32 to index
        %swap3A_439 = tpu.vector_load %arg6[%swap3A_438] {strides = array<i32>} : memref<8192xi32, #tpu.memory_space<vmem>>, vector<16xi32>,
        %swap3A_440 = vector.shape_cast %swap3A_439 : vector<16xi32> to vector<16xi32>
        %swap3A_441 = vector.shape_cast %add3A_437 : vector<16xi32> to vector<16xi32>
        tpu.vector_store %arg6[%swap3A_438], %swap3A_441 {strides = array<i32>} : memref<8192xi32, #tpu.memory_space<vmem>>, vector<16xi32>,
        %mul3A_442 = arith.constant 512 : i32
        %mul3A_443 = arith.muli %add3A_303, %mul3A_442 : i32
        %add3A_444 = arith.constant 160 : i32
        %add3A_445 = arith.addi %mul3A_443, %add3A_444 : i32
        %get3A_446 = arith.index_cast %add3A_445 : i32 to index
        %get3A_447 = tpu.vector_load %arg6[%get3A_446] {strides = array<i32>} : memref<8192xi32, #tpu.memory_space<vmem>>, vector<16xi32>,
        %get3A_448 = vector.shape_cast %get3A_447 : vector<16xi32> to vector<16xi32>
        %add3A_449 = arith.constant 524288 : i32
        %add3A_450 = vector.broadcast %add3A_449 : i32 to vector<16xi32>
        %add3A_451 = arith.addi %get3A_448, %add3A_450 : vector<16xi32>
        %swap3A_452 = arith.index_cast %add3A_445 : i32 to index
        %swap3A_453 = tpu.vector_load %arg6[%swap3A_452] {strides = array<i32>} : memref<8192xi32, #tpu.memory_space<vmem>>, vector<16xi32>,
        %swap3A_454 = vector.shape_cast %swap3A_453 : vector<16xi32> to vector<16xi32>
        %swap3A_455 = vector.shape_cast %add3A_451 : vector<16xi32> to vector<16xi32>
        tpu.vector_store %arg6[%swap3A_452], %swap3A_455 {strides = array<i32>} : memref<8192xi32, #tpu.memory_space<vmem>>, vector<16xi32>,
        %mul3A_456 = arith.constant 512 : i32
        %mul3A_457 = arith.muli %add3A_303, %mul3A_456 : i32
        %add3A_458 = arith.constant 176 : i32
        %add3A_459 = arith.addi %mul3A_457, %add3A_458 : i32
        %get3A_460 = arith.index_cast %add3A_459 : i32 to index
        %get3A_461 = tpu.vector_load %arg6[%get3A_460] {strides = array<i32>} : memref<8192xi32, #tpu.memory_space<vmem>>, vector<16xi32>,
        %get3A_462 = vector.shape_cast %get3A_461 : vector<16xi32> to vector<16xi32>
        %add3A_463 = arith.constant 524288 : i32
        %add3A_464 = vector.broadcast %add3A_463 : i32 to vector<16xi32>
        %add3A_465 = arith.addi %get3A_462, %add3A_464 : vector<16xi32>
        %swap3A_466 = arith.index_cast %add3A_459 : i32 to index
        %swap3A_467 = tpu.vector_load %arg6[%swap3A_466] {strides = array<i32>} : memref<8192xi32, #tpu.memory_space<vmem>>, vector<16xi32>,
        %swap3A_468 = vector.shape_cast %swap3A_467 : vector<16xi32> to vector<16xi32>
        %swap3A_469 = vector.shape_cast %add3A_465 : vector<16xi32> to vector<16xi32>
        tpu.vector_store %arg6[%swap3A_466], %swap3A_469 {strides = array<i32>} : memref<8192xi32, #tpu.memory_space<vmem>>, vector<16xi32>,
        %mul3A_470 = arith.constant 512 : i32
        %mul3A_471 = arith.muli %add3A_303, %mul3A_470 : i32
        %add3A_472 = arith.constant 192 : i32
        %add3A_473 = arith.addi %mul3A_471, %add3A_472 : i32
        %get3A_474 = arith.index_cast %add3A_473 : i32 to index
        %get3A_475 = tpu.vector_load %arg6[%get3A_474] {strides = array<i32>} : memref<8192xi32, #tpu.memory_space<vmem>>, vector<16xi32>,
        %get3A_476 = vector.shape_cast %get3A_475 : vector<16xi32> to vector<16xi32>
        %add3A_477 = arith.constant 524288 : i32
        %add3A_478 = vector.broadcast %add3A_477 : i32 to vector<16xi32>
        %add3A_479 = arith.addi %get3A_476, %add3A_478 : vector<16xi32>
        %swap3A_480 = arith.index_cast %add3A_473 : i32 to index
        %swap3A_481 = tpu.vector_load %arg6[%swap3A_480] {strides = array<i32>} : memref<8192xi32, #tpu.memory_space<vmem>>, vector<16xi32>,
        %swap3A_482 = vector.shape_cast %swap3A_481 : vector<16xi32> to vector<16xi32>
        %swap3A_483 = vector.shape_cast %add3A_479 : vector<16xi32> to vector<16xi32>
        tpu.vector_store %arg6[%swap3A_480], %swap3A_483 {strides = array<i32>} : memref<8192xi32, #tpu.memory_space<vmem>>, vector<16xi32>,
        %mul3A_484 = arith.constant 512 : i32
        %mul3A_485 = arith.muli %add3A_303, %mul3A_484 : i32
        %add3A_486 = arith.constant 208 : i32
        %add3A_487 = arith.addi %mul3A_485, %add3A_486 : i32
        %get3A_488 = arith.index_cast %add3A_487 : i32 to index
        %get3A_489 = tpu.vector_load %arg6[%get3A_488] {strides = array<i32>} : memref<8192xi32, #tpu.memory_space<vmem>>, vector<16xi32>,
        %get3A_490 = vector.shape_cast %get3A_489 : vector<16xi32> to vector<16xi32>
        %add3A_491 = arith.constant 524288 : i32
        %add3A_492 = vector.broadcast %add3A_491 : i32 to vector<16xi32>
        %add3A_493 = arith.addi %get3A_490, %add3A_492 : vector<16xi32>
        %swap3A_494 = arith.index_cast %add3A_487 : i32 to index
        %swap3A_495 = tpu.vector_load %arg6[%swap3A_494] {strides = array<i32>} : memref<8192xi32, #tpu.memory_space<vmem>>, vector<16xi32>,
        %swap3A_496 = vector.shape_cast %swap3A_495 : vector<16xi32> to vector<16xi32>
        %swap3A_497 = vector.shape_cast %add3A_493 : vector<16xi32> to vector<16xi32>
        tpu.vector_store %arg6[%swap3A_494], %swap3A_497 {strides = array<i32>} : memref<8192xi32, #tpu.memory_space<vmem>>, vector<16xi32>,
        %mul3A_498 = arith.constant 512 : i32
        %mul3A_499 = arith.muli %add3A_303, %mul3A_498 : i32
        %add3A_500 = arith.constant 224 : i32
        %add3A_501 = arith.addi %mul3A_499, %add3A_500 : i32
        %get3A_502 = arith.index_cast %add3A_501 : i32 to index
        %get3A_503 = tpu.vector_load %arg6[%get3A_502] {strides = array<i32>} : memref<8192xi32, #tpu.memory_space<vmem>>, vector<16xi32>,
        %get3A_504 = vector.shape_cast %get3A_503 : vector<16xi32> to vector<16xi32>
        %add3A_505 = arith.constant 524288 : i32
        %add3A_506 = vector.broadcast %add3A_505 : i32 to vector<16xi32>
        %add3A_507 = arith.addi %get3A_504, %add3A_506 : vector<16xi32>
        %swap3A_508 = arith.index_cast %add3A_501 : i32 to index
        %swap3A_509 = tpu.vector_load %arg6[%swap3A_508] {strides = array<i32>} : memref<8192xi32, #tpu.memory_space<vmem>>, vector<16xi32>,
        %swap3A_510 = vector.shape_cast %swap3A_509 : vector<16xi32> to vector<16xi32>
        %swap3A_511 = vector.shape_cast %add3A_507 : vector<16xi32> to vector<16xi32>
        tpu.vector_store %arg6[%swap3A_508], %swap3A_511 {strides = array<i32>} : memref<8192xi32, #tpu.memory_space<vmem>>, vector<16xi32>,
        %mul3A_512 = arith.constant 512 : i32
        %mul3A_513 = arith.muli %add3A_303, %mul3A_512 : i32
        %add3A_514 = arith.constant 240 : i32
        %add3A_515 = arith.addi %mul3A_513, %add3A_514 : i32
        %get3A_516 = arith.index_cast %add3A_515 : i32 to index
        %get3A_517 = tpu.vector_load %arg6[%get3A_516] {strides = array<i32>} : memref<8192xi32, #tpu.memory_space<vmem>>, vector<16xi32>,
        %get3A_518 = vector.shape_cast %get3A_517 : vector<16xi32> to vector<16xi32>
        %add3A_519 = arith.constant 524288 : i32
        %add3A_520 = vector.broadcast %add3A_519 : i32 to vector<16xi32>
        %add3A_521 = arith.addi %get3A_518, %add3A_520 : vector<16xi32>
        %swap3A_522 = arith.index_cast %add3A_515 : i32 to index
        %swap3A_523 = tpu.vector_load %arg6[%swap3A_522] {strides = array<i32>} : memref<8192xi32, #tpu.memory_space<vmem>>, vector<16xi32>,
        %swap3A_524 = vector.shape_cast %swap3A_523 : vector<16xi32> to vector<16xi32>
        %swap3A_525 = vector.shape_cast %add3A_521 : vector<16xi32> to vector<16xi32>
        tpu.vector_store %arg6[%swap3A_522], %swap3A_525 {strides = array<i32>} : memref<8192xi32, #tpu.memory_space<vmem>>, vector<16xi32>,
        %mul3A_526 = arith.constant 512 : i32
        %mul3A_527 = arith.muli %add3A_303, %mul3A_526 : i32
        %add3A_528 = arith.constant 256 : i32
        %add3A_529 = arith.addi %mul3A_527, %add3A_528 : i32
        %get3A_530 = arith.index_cast %add3A_529 : i32 to index
        %get3A_531 = tpu.vector_load %arg6[%get3A_530] {strides = array<i32>} : memref<8192xi32, #tpu.memory_space<vmem>>, vector<16xi32>,
        %get3A_532 = vector.shape_cast %get3A_531 : vector<16xi32> to vector<16xi32>
        %add3A_533 = arith.constant 524288 : i32
        %add3A_534 = vector.broadcast %add3A_533 : i32 to vector<16xi32>
        %add3A_535 = arith.addi %get3A_532, %add3A_534 : vector<16xi32>
        %swap3A_536 = arith.index_cast %add3A_529 : i32 to index
        %swap3A_537 = tpu.vector_load %arg6[%swap3A_536] {strides = array<i32>} : memref<8192xi32, #tpu.memory_space<vmem>>, vector<16xi32>,
        %swap3A_538 = vector.shape_cast %swap3A_537 : vector<16xi32> to vector<16xi32>
        %swap3A_539 = vector.shape_cast %add3A_535 : vector<16xi32> to vector<16xi32>
        tpu.vector_store %arg6[%swap3A_536], %swap3A_539 {strides = array<i32>} : memref<8192xi32, #tpu.memory_space<vmem>>, vector<16xi32>,
        %mul3A_540 = arith.constant 512 : i32
        %mul3A_541 = arith.muli %add3A_303, %mul3A_540 : i32
        %add3A_542 = arith.constant 272 : i32
        %add3A_543 = arith.addi %mul3A_541, %add3A_542 : i32
        %get3A_544 = arith.index_cast %add3A_543 : i32 to index
        %get3A_545 = tpu.vector_load %arg6[%get3A_544] {strides = array<i32>} : memref<8192xi32, #tpu.memory_space<vmem>>, vector<16xi32>,
        %get3A_546 = vector.shape_cast %get3A_545 : vector<16xi32> to vector<16xi32>
        %add3A_547 = arith.constant 524288 : i32
        %add3A_548 = vector.broadcast %add3A_547 : i32 to vector<16xi32>
        %add3A_549 = arith.addi %get3A_546, %add3A_548 : vector<16xi32>
        %swap3A_550 = arith.index_cast %add3A_543 : i32 to index
        %swap3A_551 = tpu.vector_load %arg6[%swap3A_550] {strides = array<i32>} : memref<8192xi32, #tpu.memory_space<vmem>>, vector<16xi32>,
        %swap3A_552 = vector.shape_cast %swap3A_551 : vector<16xi32> to vector<16xi32>
        %swap3A_553 = vector.shape_cast %add3A_549 : vector<16xi32> to vector<16xi32>
        tpu.vector_store %arg6[%swap3A_550], %swap3A_553 {strides = array<i32>} : memref<8192xi32, #tpu.memory_space<vmem>>, vector<16xi32>,
        %mul3A_554 = arith.constant 512 : i32
        %mul3A_555 = arith.muli %add3A_303, %mul3A_554 : i32
        %add3A_556 = arith.constant 288 : i32
        %add3A_557 = arith.addi %mul3A_555, %add3A_556 : i32
        %get3A_558 = arith.index_cast %add3A_557 : i32 to index
        %get3A_559 = tpu.vector_load %arg6[%get3A_558] {strides = array<i32>} : memref<8192xi32, #tpu.memory_space<vmem>>, vector<16xi32>,
        %get3A_560 = vector.shape_cast %get3A_559 : vector<16xi32> to vector<16xi32>
        %add3A_561 = arith.constant 524288 : i32
        %add3A_562 = vector.broadcast %add3A_561 : i32 to vector<16xi32>
        %add3A_563 = arith.addi %get3A_560, %add3A_562 : vector<16xi32>
        %swap3A_564 = arith.index_cast %add3A_557 : i32 to index
        %swap3A_565 = tpu.vector_load %arg6[%swap3A_564] {strides = array<i32>} : memref<8192xi32, #tpu.memory_space<vmem>>, vector<16xi32>,
        %swap3A_566 = vector.shape_cast %swap3A_565 : vector<16xi32> to vector<16xi32>
        %swap3A_567 = vector.shape_cast %add3A_563 : vector<16xi32> to vector<16xi32>
        tpu.vector_store %arg6[%swap3A_564], %swap3A_567 {strides = array<i32>} : memref<8192xi32, #tpu.memory_space<vmem>>, vector<16xi32>,
        %mul3A_568 = arith.constant 512 : i32
        %mul3A_569 = arith.muli %add3A_303, %mul3A_568 : i32
        %add3A_570 = arith.constant 304 : i32
        %add3A_571 = arith.addi %mul3A_569, %add3A_570 : i32
        %get3A_572 = arith.index_cast %add3A_571 : i32 to index
        %get3A_573 = tpu.vector_load %arg6[%get3A_572] {strides = array<i32>} : memref<8192xi32, #tpu.memory_space<vmem>>, vector<16xi32>,
        %get3A_574 = vector.shape_cast %get3A_573 : vector<16xi32> to vector<16xi32>
        %add3A_575 = arith.constant 524288 : i32
        %add3A_576 = vector.broadcast %add3A_575 : i32 to vector<16xi32>
        %add3A_577 = arith.addi %get3A_574, %add3A_576 : vector<16xi32>
        %swap3A_578 = arith.index_cast %add3A_571 : i32 to index
        %swap3A_579 = tpu.vector_load %arg6[%swap3A_578] {strides = array<i32>} : memref<8192xi32, #tpu.memory_space<vmem>>, vector<16xi32>,
        %swap3A_580 = vector.shape_cast %swap3A_579 : vector<16xi32> to vector<16xi32>
        %swap3A_581 = vector.shape_cast %add3A_577 : vector<16xi32> to vector<16xi32>
        tpu.vector_store %arg6[%swap3A_578], %swap3A_581 {strides = array<i32>} : memref<8192xi32, #tpu.memory_space<vmem>>, vector<16xi32>,
        %mul3A_582 = arith.constant 512 : i32
        %mul3A_583 = arith.muli %add3A_303, %mul3A_582 : i32
        %add3A_584 = arith.constant 320 : i32
        %add3A_585 = arith.addi %mul3A_583, %add3A_584 : i32
        %get3A_586 = arith.index_cast %add3A_585 : i32 to index
        %get3A_587 = tpu.vector_load %arg6[%get3A_586] {strides = array<i32>} : memref<8192xi32, #tpu.memory_space<vmem>>, vector<16xi32>,
        %get3A_588 = vector.shape_cast %get3A_587 : vector<16xi32> to vector<16xi32>
        %add3A_589 = arith.constant 524288 : i32
        %add3A_590 = vector.broadcast %add3A_589 : i32 to vector<16xi32>
        %add3A_591 = arith.addi %get3A_588, %add3A_590 : vector<16xi32>
        %swap3A_592 = arith.index_cast %add3A_585 : i32 to index
        %swap3A_593 = tpu.vector_load %arg6[%swap3A_592] {strides = array<i32>} : memref<8192xi32, #tpu.memory_space<vmem>>, vector<16xi32>,
        %swap3A_594 = vector.shape_cast %swap3A_593 : vector<16xi32> to vector<16xi32>
        %swap3A_595 = vector.shape_cast %add3A_591 : vector<16xi32> to vector<16xi32>
        tpu.vector_store %arg6[%swap3A_592], %swap3A_595 {strides = array<i32>} : memref<8192xi32, #tpu.memory_space<vmem>>, vector<16xi32>,
        %mul3A_596 = arith.constant 512 : i32
        %mul3A_597 = arith.muli %add3A_303, %mul3A_596 : i32
        %add3A_598 = arith.constant 336 : i32
        %add3A_599 = arith.addi %mul3A_597, %add3A_598 : i32
        %get3A_600 = arith.index_cast %add3A_599 : i32 to index
        %get3A_601 = tpu.vector_load %arg6[%get3A_600] {strides = array<i32>} : memref<8192xi32, #tpu.memory_space<vmem>>, vector<16xi32>,
        %get3A_602 = vector.shape_cast %get3A_601 : vector<16xi32> to vector<16xi32>
        %add3A_603 = arith.constant 524288 : i32
        %add3A_604 = vector.broadcast %add3A_603 : i32 to vector<16xi32>
        %add3A_605 = arith.addi %get3A_602, %add3A_604 : vector<16xi32>
        %swap3A_606 = arith.index_cast %add3A_599 : i32 to index
        %swap3A_607 = tpu.vector_load %arg6[%swap3A_606] {strides = array<i32>} : memref<8192xi32, #tpu.memory_space<vmem>>, vector<16xi32>,
        %swap3A_608 = vector.shape_cast %swap3A_607 : vector<16xi32> to vector<16xi32>
        %swap3A_609 = vector.shape_cast %add3A_605 : vector<16xi32> to vector<16xi32>
        tpu.vector_store %arg6[%swap3A_606], %swap3A_609 {strides = array<i32>} : memref<8192xi32, #tpu.memory_space<vmem>>, vector<16xi32>,
        %mul3A_610 = arith.constant 512 : i32
        %mul3A_611 = arith.muli %add3A_303, %mul3A_610 : i32
        %add3A_612 = arith.constant 352 : i32
        %add3A_613 = arith.addi %mul3A_611, %add3A_612 : i32
        %get3A_614 = arith.index_cast %add3A_613 : i32 to index
        %get3A_615 = tpu.vector_load %arg6[%get3A_614] {strides = array<i32>} : memref<8192xi32, #tpu.memory_space<vmem>>, vector<16xi32>,
        %get3A_616 = vector.shape_cast %get3A_615 : vector<16xi32> to vector<16xi32>
        %add3A_617 = arith.constant 524288 : i32
        %add3A_618 = vector.broadcast %add3A_617 : i32 to vector<16xi32>
        %add3A_619 = arith.addi %get3A_616, %add3A_618 : vector<16xi32>
        %swap3A_620 = arith.index_cast %add3A_613 : i32 to index
        %swap3A_621 = tpu.vector_load %arg6[%swap3A_620] {strides = array<i32>} : memref<8192xi32, #tpu.memory_space<vmem>>, vector<16xi32>,
        %swap3A_622 = vector.shape_cast %swap3A_621 : vector<16xi32> to vector<16xi32>
        %swap3A_623 = vector.shape_cast %add3A_619 : vector<16xi32> to vector<16xi32>
        tpu.vector_store %arg6[%swap3A_620], %swap3A_623 {strides = array<i32>} : memref<8192xi32, #tpu.memory_space<vmem>>, vector<16xi32>,
        %mul3A_624 = arith.constant 512 : i32
        %mul3A_625 = arith.muli %add3A_303, %mul3A_624 : i32
        %add3A_626 = arith.constant 368 : i32
        %add3A_627 = arith.addi %mul3A_625, %add3A_626 : i32
        %get3A_628 = arith.index_cast %add3A_627 : i32 to index
        %get3A_629 = tpu.vector_load %arg6[%get3A_628] {strides = array<i32>} : memref<8192xi32, #tpu.memory_space<vmem>>, vector<16xi32>,
        %get3A_630 = vector.shape_cast %get3A_629 : vector<16xi32> to vector<16xi32>
        %add3A_631 = arith.constant 524288 : i32
        %add3A_632 = vector.broadcast %add3A_631 : i32 to vector<16xi32>
        %add3A_633 = arith.addi %get3A_630, %add3A_632 : vector<16xi32>
        %swap3A_634 = arith.index_cast %add3A_627 : i32 to index
        %swap3A_635 = tpu.vector_load %arg6[%swap3A_634] {strides = array<i32>} : memref<8192xi32, #tpu.memory_space<vmem>>, vector<16xi32>,
        %swap3A_636 = vector.shape_cast %swap3A_635 : vector<16xi32> to vector<16xi32>
        %swap3A_637 = vector.shape_cast %add3A_633 : vector<16xi32> to vector<16xi32>
        tpu.vector_store %arg6[%swap3A_634], %swap3A_637 {strides = array<i32>} : memref<8192xi32, #tpu.memory_space<vmem>>, vector<16xi32>,
        %mul3A_638 = arith.constant 512 : i32
        %mul3A_639 = arith.muli %add3A_303, %mul3A_638 : i32
        %add3A_640 = arith.constant 384 : i32
        %add3A_641 = arith.addi %mul3A_639, %add3A_640 : i32
        %get3A_642 = arith.index_cast %add3A_641 : i32 to index
        %get3A_643 = tpu.vector_load %arg6[%get3A_642] {strides = array<i32>} : memref<8192xi32, #tpu.memory_space<vmem>>, vector<16xi32>,
        %get3A_644 = vector.shape_cast %get3A_643 : vector<16xi32> to vector<16xi32>
        %add3A_645 = arith.constant 524288 : i32
        %add3A_646 = vector.broadcast %add3A_645 : i32 to vector<16xi32>
        %add3A_647 = arith.addi %get3A_644, %add3A_646 : vector<16xi32>
        %swap3A_648 = arith.index_cast %add3A_641 : i32 to index
        %swap3A_649 = tpu.vector_load %arg6[%swap3A_648] {strides = array<i32>} : memref<8192xi32, #tpu.memory_space<vmem>>, vector<16xi32>,
        %swap3A_650 = vector.shape_cast %swap3A_649 : vector<16xi32> to vector<16xi32>
        %swap3A_651 = vector.shape_cast %add3A_647 : vector<16xi32> to vector<16xi32>
        tpu.vector_store %arg6[%swap3A_648], %swap3A_651 {strides = array<i32>} : memref<8192xi32, #tpu.memory_space<vmem>>, vector<16xi32>,
        %mul3A_652 = arith.constant 512 : i32
        %mul3A_653 = arith.muli %add3A_303, %mul3A_652 : i32
        %add3A_654 = arith.constant 400 : i32
        %add3A_655 = arith.addi %mul3A_653, %add3A_654 : i32
        %get3A_656 = arith.index_cast %add3A_655 : i32 to index
        %get3A_657 = tpu.vector_load %arg6[%get3A_656] {strides = array<i32>} : memref<8192xi32, #tpu.memory_space<vmem>>, vector<16xi32>,
        %get3A_658 = vector.shape_cast %get3A_657 : vector<16xi32> to vector<16xi32>
        %add3A_659 = arith.constant 524288 : i32
        %add3A_660 = vector.broadcast %add3A_659 : i32 to vector<16xi32>
        %add3A_661 = arith.addi %get3A_658, %add3A_660 : vector<16xi32>
        %swap3A_662 = arith.index_cast %add3A_655 : i32 to index
        %swap3A_663 = tpu.vector_load %arg6[%swap3A_662] {strides = array<i32>} : memref<8192xi32, #tpu.memory_space<vmem>>, vector<16xi32>,
        %swap3A_664 = vector.shape_cast %swap3A_663 : vector<16xi32> to vector<16xi32>
        %swap3A_665 = vector.shape_cast %add3A_661 : vector<16xi32> to vector<16xi32>
        tpu.vector_store %arg6[%swap3A_662], %swap3A_665 {strides = array<i32>} : memref<8192xi32, #tpu.memory_space<vmem>>, vector<16xi32>,
        %mul3A_666 = arith.constant 512 : i32
        %mul3A_667 = arith.muli %add3A_303, %mul3A_666 : i32
        %add3A_668 = arith.constant 416 : i32
        %add3A_669 = arith.addi %mul3A_667, %add3A_668 : i32
        %get3A_670 = arith.index_cast %add3A_669 : i32 to index
        %get3A_671 = tpu.vector_load %arg6[%get3A_670] {strides = array<i32>} : memref<8192xi32, #tpu.memory_space<vmem>>, vector<16xi32>,
        %get3A_672 = vector.shape_cast %get3A_671 : vector<16xi32> to vector<16xi32>
        %add3A_673 = arith.constant 524288 : i32
        %add3A_674 = vector.broadcast %add3A_673 : i32 to vector<16xi32>
        %add3A_675 = arith.addi %get3A_672, %add3A_674 : vector<16xi32>
        %swap3A_676 = arith.index_cast %add3A_669 : i32 to index
        %swap3A_677 = tpu.vector_load %arg6[%swap3A_676] {strides = array<i32>} : memref<8192xi32, #tpu.memory_space<vmem>>, vector<16xi32>,
        %swap3A_678 = vector.shape_cast %swap3A_677 : vector<16xi32> to vector<16xi32>
        %swap3A_679 = vector.shape_cast %add3A_675 : vector<16xi32> to vector<16xi32>
        tpu.vector_store %arg6[%swap3A_676], %swap3A_679 {strides = array<i32>} : memref<8192xi32, #tpu.memory_space<vmem>>, vector<16xi32>,
        %mul3A_680 = arith.constant 512 : i32
        %mul3A_681 = arith.muli %add3A_303, %mul3A_680 : i32
        %add3A_682 = arith.constant 432 : i32
        %add3A_683 = arith.addi %mul3A_681, %add3A_682 : i32
        %get3A_684 = arith.index_cast %add3A_683 : i32 to index
        %get3A_685 = tpu.vector_load %arg6[%get3A_684] {strides = array<i32>} : memref<8192xi32, #tpu.memory_space<vmem>>, vector<16xi32>,
        %get3A_686 = vector.shape_cast %get3A_685 : vector<16xi32> to vector<16xi32>
        %add3A_687 = arith.constant 524288 : i32
        %add3A_688 = vector.broadcast %add3A_687 : i32 to vector<16xi32>
        %add3A_689 = arith.addi %get3A_686, %add3A_688 : vector<16xi32>
        %swap3A_690 = arith.index_cast %add3A_683 : i32 to index
        %swap3A_691 = tpu.vector_load %arg6[%swap3A_690] {strides = array<i32>} : memref<8192xi32, #tpu.memory_space<vmem>>, vector<16xi32>,
        %swap3A_692 = vector.shape_cast %swap3A_691 : vector<16xi32> to vector<16xi32>
        %swap3A_693 = vector.shape_cast %add3A_689 : vector<16xi32> to vector<16xi32>
        tpu.vector_store %arg6[%swap3A_690], %swap3A_693 {strides = array<i32>} : memref<8192xi32, #tpu.memory_space<vmem>>, vector<16xi32>,
        %mul3A_694 = arith.constant 512 : i32
        %mul3A_695 = arith.muli %add3A_303, %mul3A_694 : i32
        %add3A_696 = arith.constant 448 : i32
        %add3A_697 = arith.addi %mul3A_695, %add3A_696 : i32
        %get3A_698 = arith.index_cast %add3A_697 : i32 to index
        %get3A_699 = tpu.vector_load %arg6[%get3A_698] {strides = array<i32>} : memref<8192xi32, #tpu.memory_space<vmem>>, vector<16xi32>,
        %get3A_700 = vector.shape_cast %get3A_699 : vector<16xi32> to vector<16xi32>
        %add3A_701 = arith.constant 524288 : i32
        %add3A_702 = vector.broadcast %add3A_701 : i32 to vector<16xi32>
        %add3A_703 = arith.addi %get3A_700, %add3A_702 : vector<16xi32>
        %swap3A_704 = arith.index_cast %add3A_697 : i32 to index
        %swap3A_705 = tpu.vector_load %arg6[%swap3A_704] {strides = array<i32>} : memref<8192xi32, #tpu.memory_space<vmem>>, vector<16xi32>,
        %swap3A_706 = vector.shape_cast %swap3A_705 : vector<16xi32> to vector<16xi32>
        %swap3A_707 = vector.shape_cast %add3A_703 : vector<16xi32> to vector<16xi32>
        tpu.vector_store %arg6[%swap3A_704], %swap3A_707 {strides = array<i32>} : memref<8192xi32, #tpu.memory_space<vmem>>, vector<16xi32>,
        %mul3A_708 = arith.constant 512 : i32
        %mul3A_709 = arith.muli %add3A_303, %mul3A_708 : i32
        %add3A_710 = arith.constant 464 : i32
        %add3A_711 = arith.addi %mul3A_709, %add3A_710 : i32
        %get3A_712 = arith.index_cast %add3A_711 : i32 to index
        %get3A_713 = tpu.vector_load %arg6[%get3A_712] {strides = array<i32>} : memref<8192xi32, #tpu.memory_space<vmem>>, vector<16xi32>,
        %get3A_714 = vector.shape_cast %get3A_713 : vector<16xi32> to vector<16xi32>
        %add3A_715 = arith.constant 524288 : i32
        %add3A_716 = vector.broadcast %add3A_715 : i32 to vector<16xi32>
        %add3A_717 = arith.addi %get3A_714, %add3A_716 : vector<16xi32>
        %swap3A_718 = arith.index_cast %add3A_711 : i32 to index
        %swap3A_719 = tpu.vector_load %arg6[%swap3A_718] {strides = array<i32>} : memref<8192xi32, #tpu.memory_space<vmem>>, vector<16xi32>,
        %swap3A_720 = vector.shape_cast %swap3A_719 : vector<16xi32> to vector<16xi32>
        %swap3A_721 = vector.shape_cast %add3A_717 : vector<16xi32> to vector<16xi32>
        tpu.vector_store %arg6[%swap3A_718], %swap3A_721 {strides = array<i32>} : memref<8192xi32, #tpu.memory_space<vmem>>, vector<16xi32>,
        %mul3A_722 = arith.constant 512 : i32
        %mul3A_723 = arith.muli %add3A_303, %mul3A_722 : i32
        %add3A_724 = arith.constant 480 : i32
        %add3A_725 = arith.addi %mul3A_723, %add3A_724 : i32
        %get3A_726 = arith.index_cast %add3A_725 : i32 to index
        %get3A_727 = tpu.vector_load %arg6[%get3A_726] {strides = array<i32>} : memref<8192xi32, #tpu.memory_space<vmem>>, vector<16xi32>,
        %get3A_728 = vector.shape_cast %get3A_727 : vector<16xi32> to vector<16xi32>
        %add3A_729 = arith.constant 524288 : i32
        %add3A_730 = vector.broadcast %add3A_729 : i32 to vector<16xi32>
        %add3A_731 = arith.addi %get3A_728, %add3A_730 : vector<16xi32>
        %swap3A_732 = arith.index_cast %add3A_725 : i32 to index
        %swap3A_733 = tpu.vector_load %arg6[%swap3A_732] {strides = array<i32>} : memref<8192xi32, #tpu.memory_space<vmem>>, vector<16xi32>,
        %swap3A_734 = vector.shape_cast %swap3A_733 : vector<16xi32> to vector<16xi32>
        %swap3A_735 = vector.shape_cast %add3A_731 : vector<16xi32> to vector<16xi32>
        tpu.vector_store %arg6[%swap3A_732], %swap3A_735 {strides = array<i32>} : memref<8192xi32, #tpu.memory_space<vmem>>, vector<16xi32>,
        %mul3A_736 = arith.constant 512 : i32
        %mul3A_737 = arith.muli %add3A_303, %mul3A_736 : i32
        %add3A_738 = arith.constant 496 : i32
        %add3A_739 = arith.addi %mul3A_737, %add3A_738 : i32
        %get3A_740 = arith.index_cast %add3A_739 : i32 to index
        %get3A_741 = tpu.vector_load %arg6[%get3A_740] {strides = array<i32>} : memref<8192xi32, #tpu.memory_space<vmem>>, vector<16xi32>,
        %get3A_742 = vector.shape_cast %get3A_741 : vector<16xi32> to vector<16xi32>
        %add3A_743 = arith.constant 524288 : i32
        %add3A_744 = vector.broadcast %add3A_743 : i32 to vector<16xi32>
        %add3A_745 = arith.addi %get3A_742, %add3A_744 : vector<16xi32>
        %swap3A_746 = arith.index_cast %add3A_739 : i32 to index
        %swap3A_747 = tpu.vector_load %arg6[%swap3A_746] {strides = array<i32>} : memref<8192xi32, #tpu.memory_space<vmem>>, vector<16xi32>,
        %swap3A_748 = vector.shape_cast %swap3A_747 : vector<16xi32> to vector<16xi32>
        %swap3A_749 = vector.shape_cast %add3A_745 : vector<16xi32> to vector<16xi32>
        tpu.vector_store %arg6[%swap3A_746], %swap3A_749 {strides = array<i32>} : memref<8192xi32, #tpu.memory_space<vmem>>, vector<16xi32>,
        %mul3A_750 = arith.constant 8 : i32
        %mul3A_751 = arith.muli %rem3A_299, %mul3A_750 : i32
        %add3A_752 = arith.constant 1 : i32
        %add3A_753 = arith.addi %mul3A_751, %add3A_752 : i32
        %mul3A_754 = arith.constant 512 : i32
        %mul3A_755 = arith.muli %add3A_753, %mul3A_754 : i32
        %add3A_756 = arith.constant 0 : i32
        %add3A_757 = arith.addi %mul3A_755, %add3A_756 : i32
        %get3A_758 = arith.index_cast %add3A_757 : i32 to index
        %get3A_759 = tpu.vector_load %arg6[%get3A_758] {strides = array<i32>} : memref<8192xi32, #tpu.memory_space<vmem>>, vector<16xi32>,
        %get3A_760 = vector.shape_cast %get3A_759 : vector<16xi32> to vector<16xi32>
        %add3A_761 = arith.constant 524288 : i32
        %add3A_762 = vector.broadcast %add3A_761 : i32 to vector<16xi32>
        %add3A_763 = arith.addi %get3A_760, %add3A_762 : vector<16xi32>
        %swap3A_764 = arith.index_cast %add3A_757 : i32 to index
        %swap3A_765 = tpu.vector_load %arg6[%swap3A_764] {strides = array<i32>} : memref<8192xi32, #tpu.memory_space<vmem>>, vector<16xi32>,
        %swap3A_766 = vector.shape_cast %swap3A_765 : vector<16xi32> to vector<16xi32>
        %swap3A_767 = vector.shape_cast %add3A_763 : vector<16xi32> to vector<16xi32>
        tpu.vector_store %arg6[%swap3A_764], %swap3A_767 {strides = array<i32>} : memref<8192xi32, #tpu.memory_space<vmem>>, vector<16xi32>,
        %mul3A_768 = arith.constant 512 : i32
        %mul3A_769 = arith.muli %add3A_753, %mul3A_768 : i32
        %add3A_770 = arith.constant 16 : i32
        %add3A_771 = arith.addi %mul3A_769, %add3A_770 : i32
        %get3A_772 = arith.index_cast %add3A_771 : i32 to index
        %get3A_773 = tpu.vector_load %arg6[%get3A_772] {strides = array<i32>} : memref<8192xi32, #tpu.memory_space<vmem>>, vector<16xi32>,
        %get3A_774 = vector.shape_cast %get3A_773 : vector<16xi32> to vector<16xi32>
        %add3A_775 = arith.constant 524288 : i32
        %add3A_776 = vector.broadcast %add3A_775 : i32 to vector<16xi32>
        %add3A_777 = arith.addi %get3A_774, %add3A_776 : vector<16xi32>
        %swap3A_778 = arith.index_cast %add3A_771 : i32 to index
        %swap3A_779 = tpu.vector_load %arg6[%swap3A_778] {strides = array<i32>} : memref<8192xi32, #tpu.memory_space<vmem>>, vector<16xi32>,
        %swap3A_780 = vector.shape_cast %swap3A_779 : vector<16xi32> to vector<16xi32>
        %swap3A_781 = vector.shape_cast %add3A_777 : vector<16xi32> to vector<16xi32>
        tpu.vector_store %arg6[%swap3A_778], %swap3A_781 {strides = array<i32>} : memref<8192xi32, #tpu.memory_space<vmem>>, vector<16xi32>,
        %mul3A_782 = arith.constant 512 : i32
        %mul3A_783 = arith.muli %add3A_753, %mul3A_782 : i32
        %add3A_784 = arith.constant 32 : i32
        %add3A_785 = arith.addi %mul3A_783, %add3A_784 : i32
        %get3A_786 = arith.index_cast %add3A_785 : i32 to index
        %get3A_787 = tpu.vector_load %arg6[%get3A_786] {strides = array<i32>} : memref<8192xi32, #tpu.memory_space<vmem>>, vector<16xi32>,
        %get3A_788 = vector.shape_cast %get3A_787 : vector<16xi32> to vector<16xi32>
        %add3A_789 = arith.constant 524288 : i32
        %add3A_790 = vector.broadcast %add3A_789 : i32 to vector<16xi32>
        %add3A_791 = arith.addi %get3A_788, %add3A_790 : vector<16xi32>
        %swap3A_792 = arith.index_cast %add3A_785 : i32 to index
        %swap3A_793 = tpu.vector_load %arg6[%swap3A_792] {strides = array<i32>} : memref<8192xi32, #tpu.memory_space<vmem>>, vector<16xi32>,
        %swap3A_794 = vector.shape_cast %swap3A_793 : vector<16xi32> to vector<16xi32>
        %swap3A_795 = vector.shape_cast %add3A_791 : vector<16xi32> to vector<16xi32>
        tpu.vector_store %arg6[%swap3A_792], %swap3A_795 {strides = array<i32>} : memref<8192xi32, #tpu.memory_space<vmem>>, vector<16xi32>,
        %mul3A_796 = arith.constant 512 : i32
        %mul3A_797 = arith.muli %add3A_753, %mul3A_796 : i32
        %add3A_798 = arith.constant 48 : i32
        %add3A_799 = arith.addi %mul3A_797, %add3A_798 : i32
        %get3A_800 = arith.index_cast %add3A_799 : i32 to index
        %get3A_801 = tpu.vector_load %arg6[%get3A_800] {strides = array<i32>} : memref<8192xi32, #tpu.memory_space<vmem>>, vector<16xi32>,
        %get3A_802 = vector.shape_cast %get3A_801 : vector<16xi32> to vector<16xi32>
        %add3A_803 = arith.constant 524288 : i32
        %add3A_804 = vector.broadcast %add3A_803 : i32 to vector<16xi32>
        %add3A_805 = arith.addi %get3A_802, %add3A_804 : vector<16xi32>
        %swap3A_806 = arith.index_cast %add3A_799 : i32 to index
        %swap3A_807 = tpu.vector_load %arg6[%swap3A_806] {strides = array<i32>} : memref<8192xi32, #tpu.memory_space<vmem>>, vector<16xi32>,
        %swap3A_808 = vector.shape_cast %swap3A_807 : vector<16xi32> to vector<16xi32>
        %swap3A_809 = vector.shape_cast %add3A_805 : vector<16xi32> to vector<16xi32>
        tpu.vector_store %arg6[%swap3A_806], %swap3A_809 {strides = array<i32>} : memref<8192xi32, #tpu.memory_space<vmem>>, vector<16xi32>,
        %mul3A_810 = arith.constant 512 : i32
        %mul3A_811 = arith.muli %add3A_753, %mul3A_810 : i32
        %add3A_812 = arith.constant 64 : i32
        %add3A_813 = arith.addi %mul3A_811, %add3A_812 : i32
        %get3A_814 = arith.index_cast %add3A_813 : i32 to index
        %get3A_815 = tpu.vector_load %arg6[%get3A_814] {strides = array<i32>} : memref<8192xi32, #tpu.memory_space<vmem>>, vector<16xi32>,
        %get3A_816 = vector.shape_cast %get3A_815 : vector<16xi32> to vector<16xi32>
        %add3A_817 = arith.constant 524288 : i32
        %add3A_818 = vector.broadcast %add3A_817 : i32 to vector<16xi32>
        %add3A_819 = arith.addi %get3A_816, %add3A_818 : vector<16xi32>
        %swap3A_820 = arith.index_cast %add3A_813 : i32 to index
        %swap3A_821 = tpu.vector_load %arg6[%swap3A_820] {strides = array<i32>} : memref<8192xi32, #tpu.memory_space<vmem>>, vector<16xi32>,
        %swap3A_822 = vector.shape_cast %swap3A_821 : vector<16xi32> to vector<16xi32>
        %swap3A_823 = vector.shape_cast %add3A_819 : vector<16xi32> to vector<16xi32>
        tpu.vector_store %arg6[%swap3A_820], %swap3A_823 {strides = array<i32>} : memref<8192xi32, #tpu.memory_space<vmem>>, vector<16xi32>,
        %mul3A_824 = arith.constant 512 : i32
        %mul3A_825 = arith.muli %add3A_753, %mul3A_824 : i32
        %add3A_826 = arith.constant 80 : i32
        %add3A_827 = arith.addi %mul3A_825, %add3A_826 : i32
        %get3A_828 = arith.index_cast %add3A_827 : i32 to index
        %get3A_829 = tpu.vector_load %arg6[%get3A_828] {strides = array<i32>} : memref<8192xi32, #tpu.memory_space<vmem>>, vector<16xi32>,
        %get3A_830 = vector.shape_cast %get3A_829 : vector<16xi32> to vector<16xi32>
        %add3A_831 = arith.constant 524288 : i32
        %add3A_832 = vector.broadcast %add3A_831 : i32 to vector<16xi32>
        %add3A_833 = arith.addi %get3A_830, %add3A_832 : vector<16xi32>
        %swap3A_834 = arith.index_cast %add3A_827 : i32 to index
        %swap3A_835 = tpu.vector_load %arg6[%swap3A_834] {strides = array<i32>} : memref<8192xi32, #tpu.memory_space<vmem>>, vector<16xi32>,
        %swap3A_836 = vector.shape_cast %swap3A_835 : vector<16xi32> to vector<16xi32>
        %swap3A_837 = vector.shape_cast %add3A_833 : vector<16xi32> to vector<16xi32>
        tpu.vector_store %arg6[%swap3A_834], %swap3A_837 {strides = array<i32>} : memref<8192xi32, #tpu.memory_space<vmem>>, vector<16xi32>,
        %mul3A_838 = arith.constant 512 : i32
        %mul3A_839 = arith.muli %add3A_753, %mul3A_838 : i32
        %add3A_840 = arith.constant 96 : i32
        %add3A_841 = arith.addi %mul3A_839, %add3A_840 : i32
        %get3A_842 = arith.index_cast %add3A_841 : i32 to index
        %get3A_843 = tpu.vector_load %arg6[%get3A_842] {strides = array<i32>} : memref<8192xi32, #tpu.memory_space<vmem>>, vector<16xi32>,
        %get3A_844 = vector.shape_cast %get3A_843 : vector<16xi32> to vector<16xi32>
        %add3A_845 = arith.constant 524288 : i32
        %add3A_846 = vector.broadcast %add3A_845 : i32 to vector<16xi32>
        %add3A_847 = arith.addi %get3A_844, %add3A_846 : vector<16xi32>
        %swap3A_848 = arith.index_cast %add3A_841 : i32 to index
        %swap3A_849 = tpu.vector_load %arg6[%swap3A_848] {strides = array<i32>} : memref<8192xi32, #tpu.memory_space<vmem>>, vector<16xi32>,
        %swap3A_850 = vector.shape_cast %swap3A_849 : vector<16xi32> to vector<16xi32>
        %swap3A_851 = vector.shape_cast %add3A_847 : vector<16xi32> to vector<16xi32>
        tpu.vector_store %arg6[%swap3A_848], %swap3A_851 {strides = array<i32>} : memref<8192xi32, #tpu.memory_space<vmem>>, vector<16xi32>,
        %mul3A_852 = arith.constant 512 : i32
        %mul3A_853 = arith.muli %add3A_753, %mul3A_852 : i32
        %add3A_854 = arith.constant 112 : i32
        %add3A_855 = arith.addi %mul3A_853, %add3A_854 : i32
        %get3A_856 = arith.index_cast %add3A_855 : i32 to index
        %get3A_857 = tpu.vector_load %arg6[%get3A_856] {strides = array<i32>} : memref<8192xi32, #tpu.memory_space<vmem>>, vector<16xi32>,
        %get3A_858 = vector.shape_cast %get3A_857 : vector<16xi32> to vector<16xi32>
        %add3A_859 = arith.constant 524288 : i32
        %add3A_860 = vector.broadcast %add3A_859 : i32 to vector<16xi32>
        %add3A_861 = arith.addi %get3A_858, %add3A_860 : vector<16xi32>
        %swap3A_862 = arith.index_cast %add3A_855 : i32 to index
        %swap3A_863 = tpu.vector_load %arg6[%swap3A_862] {strides = array<i32>} : memref<8192xi32, #tpu.memory_space<vmem>>, vector<16xi32>,
        %swap3A_864 = vector.shape_cast %swap3A_863 : vector<16xi32> to vector<16xi32>
        %swap3A_865 = vector.shape_cast %add3A_861 : vector<16xi32> to vector<16xi32>
        tpu.vector_store %arg6[%swap3A_862], %swap3A_865 {strides = array<i32>} : memref<8192xi32, #tpu.memory_space<vmem>>, vector<16xi32>,
        %mul3A_866 = arith.constant 512 : i32
        %mul3A_867 = arith.muli %add3A_753, %mul3A_866 : i32
        %add3A_868 = arith.constant 128 : i32
        %add3A_869 = arith.addi %mul3A_867, %add3A_868 : i32
        %get3A_870 = arith.index_cast %add3A_869 : i32 to index
        %get3A_871 = tpu.vector_load %arg6[%get3A_870] {strides = array<i32>} : memref<8192xi32, #tpu.memory_space<vmem>>, vector<16xi32>,
        %get3A_872 = vector.shape_cast %get3A_871 : vector<16xi32> to vector<16xi32>
        %add3A_873 = arith.constant 524288 : i32
        %add3A_874 = vector.broadcast %add3A_873 : i32 to vector<16xi32>
        %add3A_875 = arith.addi %get3A_872, %add3A_874 : vector<16xi32>
        %swap3A_876 = arith.index_cast %add3A_869 : i32 to index
        %swap3A_877 = tpu.vector_load %arg6[%swap3A_876] {strides = array<i32>} : memref<8192xi32, #tpu.memory_space<vmem>>, vector<16xi32>,
        %swap3A_878 = vector.shape_cast %swap3A_877 : vector<16xi32> to vector<16xi32>
        %swap3A_879 = vector.shape_cast %add3A_875 : vector<16xi32> to vector<16xi32>
        tpu.vector_store %arg6[%swap3A_876], %swap3A_879 {strides = array<i32>} : memref<8192xi32, #tpu.memory_space<vmem>>, vector<16xi32>,
        %mul3A_880 = arith.constant 512 : i32
        %mul3A_881 = arith.muli %add3A_753, %mul3A_880 : i32
        %add3A_882 = arith.constant 144 : i32
        %add3A_883 = arith.addi %mul3A_881, %add3A_882 : i32
        %get3A_884 = arith.index_cast %add3A_883 : i32 to index
        %get3A_885 = tpu.vector_load %arg6[%get3A_884] {strides = array<i32>} : memref<8192xi32, #tpu.memory_space<vmem>>, vector<16xi32>,
        %get3A_886 = vector.shape_cast %get3A_885 : vector<16xi32> to vector<16xi32>
        %add3A_887 = arith.constant 524288 : i32
        %add3A_888 = vector.broadcast %add3A_887 : i32 to vector<16xi32>
        %add3A_889 = arith.addi %get3A_886, %add3A_888 : vector<16xi32>
        %swap3A_890 = arith.index_cast %add3A_883 : i32 to index
        %swap3A_891 = tpu.vector_load %arg6[%swap3A_890] {strides = array<i32>} : memref<8192xi32, #tpu.memory_space<vmem>>, vector<16xi32>,
        %swap3A_892 = vector.shape_cast %swap3A_891 : vector<16xi32> to vector<16xi32>
        %swap3A_893 = vector.shape_cast %add3A_889 : vector<16xi32> to vector<16xi32>
        tpu.vector_store %arg6[%swap3A_890], %swap3A_893 {strides = array<i32>} : memref<8192xi32, #tpu.memory_space<vmem>>, vector<16xi32>,
        %mul3A_894 = arith.constant 512 : i32
        %mul3A_895 = arith.muli %add3A_753, %mul3A_894 : i32
        %add3A_896 = arith.constant 160 : i32
        %add3A_897 = arith.addi %mul3A_895, %add3A_896 : i32
        %get3A_898 = arith.index_cast %add3A_897 : i32 to index
        %get3A_899 = tpu.vector_load %arg6[%get3A_898] {strides = array<i32>} : memref<8192xi32, #tpu.memory_space<vmem>>, vector<16xi32>,
        %get3A_900 = vector.shape_cast %get3A_899 : vector<16xi32> to vector<16xi32>
        %add3A_901 = arith.constant 524288 : i32
        %add3A_902 = vector.broadcast %add3A_901 : i32 to vector<16xi32>
        %add3A_903 = arith.addi %get3A_900, %add3A_902 : vector<16xi32>
        %swap3A_904 = arith.index_cast %add3A_897 : i32 to index
        %swap3A_905 = tpu.vector_load %arg6[%swap3A_904] {strides = array<i32>} : memref<8192xi32, #tpu.memory_space<vmem>>, vector<16xi32>,
        %swap3A_906 = vector.shape_cast %swap3A_905 : vector<16xi32> to vector<16xi32>
        %swap3A_907 = vector.shape_cast %add3A_903 : vector<16xi32> to vector<16xi32>
        tpu.vector_store %arg6[%swap3A_904], %swap3A_907 {strides = array<i32>} : memref<8192xi32, #tpu.memory_space<vmem>>, vector<16xi32>,
        %mul3A_908 = arith.constant 512 : i32
        %mul3A_909 = arith.muli %add3A_753, %mul3A_908 : i32
        %add3A_910 = arith.constant 176 : i32
        %add3A_911 = arith.addi %mul3A_909, %add3A_910 : i32
        %get3A_912 = arith.index_cast %add3A_911 : i32 to index
        %get3A_913 = tpu.vector_load %arg6[%get3A_912] {strides = array<i32>} : memref<8192xi32, #tpu.memory_space<vmem>>, vector<16xi32>,
        %get3A_914 = vector.shape_cast %get3A_913 : vector<16xi32> to vector<16xi32>
        %add3A_915 = arith.constant 524288 : i32
        %add3A_916 = vector.broadcast %add3A_915 : i32 to vector<16xi32>
        %add3A_917 = arith.addi %get3A_914, %add3A_916 : vector<16xi32>
        %swap3A_918 = arith.index_cast %add3A_911 : i32 to index
        %swap3A_919 = tpu.vector_load %arg6[%swap3A_918] {strides = array<i32>} : memref<8192xi32, #tpu.memory_space<vmem>>, vector<16xi32>,
        %swap3A_920 = vector.shape_cast %swap3A_919 : vector<16xi32> to vector<16xi32>
        %swap3A_921 = vector.shape_cast %add3A_917 : vector<16xi32> to vector<16xi32>
        tpu.vector_store %arg6[%swap3A_918], %swap3A_921 {strides = array<i32>} : memref<8192xi32, #tpu.memory_space<vmem>>, vector<16xi32>,
        %mul3A_922 = arith.constant 512 : i32
        %mul3A_923 = arith.muli %add3A_753, %mul3A_922 : i32
        %add3A_924 = arith.constant 192 : i32
        %add3A_925 = arith.addi %mul3A_923, %add3A_924 : i32
        %get3A_926 = arith.index_cast %add3A_925 : i32 to index
        %get3A_927 = tpu.vector_load %arg6[%get3A_926] {strides = array<i32>} : memref<8192xi32, #tpu.memory_space<vmem>>, vector<16xi32>,
        %get3A_928 = vector.shape_cast %get3A_927 : vector<16xi32> to vector<16xi32>
        %add3A_929 = arith.constant 524288 : i32
        %add3A_930 = vector.broadcast %add3A_929 : i32 to vector<16xi32>
        %add3A_931 = arith.addi %get3A_928, %add3A_930 : vector<16xi32>
        %swap3A_932 = arith.index_cast %add3A_925 : i32 to index
        %swap3A_933 = tpu.vector_load %arg6[%swap3A_932] {strides = array<i32>} : memref<8192xi32, #tpu.memory_space<vmem>>, vector<16xi32>,
        %swap3A_934 = vector.shape_cast %swap3A_933 : vector<16xi32> to vector<16xi32>
        %swap3A_935 = vector.shape_cast %add3A_931 : vector<16xi32> to vector<16xi32>
        tpu.vector_store %arg6[%swap3A_932], %swap3A_935 {strides = array<i32>} : memref<8192xi32, #tpu.memory_space<vmem>>, vector<16xi32>,
        %mul3A_936 = arith.constant 512 : i32
        %mul3A_937 = arith.muli %add3A_753, %mul3A_936 : i32
        %add3A_938 = arith.constant 208 : i32
        %add3A_939 = arith.addi %mul3A_937, %add3A_938 : i32
        %get3A_940 = arith.index_cast %add3A_939 : i32 to index
        %get3A_941 = tpu.vector_load %arg6[%get3A_940] {strides = array<i32>} : memref<8192xi32, #tpu.memory_space<vmem>>, vector<16xi32>,
        %get3A_942 = vector.shape_cast %get3A_941 : vector<16xi32> to vector<16xi32>
        %add3A_943 = arith.constant 524288 : i32
        %add3A_944 = vector.broadcast %add3A_943 : i32 to vector<16xi32>
        %add3A_945 = arith.addi %get3A_942, %add3A_944 : vector<16xi32>
        %swap3A_946 = arith.index_cast %add3A_939 : i32 to index
        %swap3A_947 = tpu.vector_load %arg6[%swap3A_946] {strides = array<i32>} : memref<8192xi32, #tpu.memory_space<vmem>>, vector<16xi32>,
        %swap3A_948 = vector.shape_cast %swap3A_947 : vector<16xi32> to vector<16xi32>
        %swap3A_949 = vector.shape_cast %add3A_945 : vector<16xi32> to vector<16xi32>
        tpu.vector_store %arg6[%swap3A_946], %swap3A_949 {strides = array<i32>} : memref<8192xi32, #tpu.memory_space<vmem>>, vector<16xi32>,
        %mul3A_950 = arith.constant 512 : i32
        %mul3A_951 = arith.muli %add3A_753, %mul3A_950 : i32
        %add3A_952 = arith.constant 224 : i32
        %add3A_953 = arith.addi %mul3A_951, %add3A_952 : i32
        %get3A_954 = arith.index_cast %add3A_953 : i32 to index
        %get3A_955 = tpu.vector_load %arg6[%get3A_954] {strides = array<i32>} : memref<8192xi32, #tpu.memory_space<vmem>>, vector<16xi32>,
        %get3A_956 = vector.shape_cast %get3A_955 : vector<16xi32> to vector<16xi32>
        %add3A_957 = arith.constant 524288 : i32
        %add3A_958 = vector.broadcast %add3A_957 : i32 to vector<16xi32>
        %add3A_959 = arith.addi %get3A_956, %add3A_958 : vector<16xi32>
        %swap3A_960 = arith.index_cast %add3A_953 : i32 to index
        %swap3A_961 = tpu.vector_load %arg6[%swap3A_960] {strides = array<i32>} : memref<8192xi32, #tpu.memory_space<vmem>>, vector<16xi32>,
        %swap3A_962 = vector.shape_cast %swap3A_961 : vector<16xi32> to vector<16xi32>
        %swap3A_963 = vector.shape_cast %add3A_959 : vector<16xi32> to vector<16xi32>
        tpu.vector_store %arg6[%swap3A_960], %swap3A_963 {strides = array<i32>} : memref<8192xi32, #tpu.memory_space<vmem>>, vector<16xi32>,
        %mul3A_964 = arith.constant 512 : i32
        %mul3A_965 = arith.muli %add3A_753, %mul3A_964 : i32
        %add3A_966 = arith.constant 240 : i32
        %add3A_967 = arith.addi %mul3A_965, %add3A_966 : i32
        %get3A_968 = arith.index_cast %add3A_967 : i32 to index
        %get3A_969 = tpu.vector_load %arg6[%get3A_968] {strides = array<i32>} : memref<8192xi32, #tpu.memory_space<vmem>>, vector<16xi32>,
        %get3A_970 = vector.shape_cast %get3A_969 : vector<16xi32> to vector<16xi32>
        %add3A_971 = arith.constant 524288 : i32
        %add3A_972 = vector.broadcast %add3A_971 : i32 to vector<16xi32>
        %add3A_973 = arith.addi %get3A_970, %add3A_972 : vector<16xi32>
        %swap3A_974 = arith.index_cast %add3A_967 : i32 to index
        %swap3A_975 = tpu.vector_load %arg6[%swap3A_974] {strides = array<i32>} : memref<8192xi32, #tpu.memory_space<vmem>>, vector<16xi32>,
        %swap3A_976 = vector.shape_cast %swap3A_975 : vector<16xi32> to vector<16xi32>
        %swap3A_977 = vector.shape_cast %add3A_973 : vector<16xi32> to vector<16xi32>
        tpu.vector_store %arg6[%swap3A_974], %swap3A_977 {strides = array<i32>} : memref<8192xi32, #tpu.memory_space<vmem>>, vector<16xi32>,
        %mul3A_978 = arith.constant 512 : i32
        %mul3A_979 = arith.muli %add3A_753, %mul3A_978 : i32
        %add3A_980 = arith.constant 256 : i32
        %add3A_981 = arith.addi %mul3A_979, %add3A_980 : i32
        %get3A_982 = arith.index_cast %add3A_981 : i32 to index
        %get3A_983 = tpu.vector_load %arg6[%get3A_982] {strides = array<i32>} : memref<8192xi32, #tpu.memory_space<vmem>>, vector<16xi32>,
        %get3A_984 = vector.shape_cast %get3A_983 : vector<16xi32> to vector<16xi32>
        %add3A_985 = arith.constant 524288 : i32
        %add3A_986 = vector.broadcast %add3A_985 : i32 to vector<16xi32>
        %add3A_987 = arith.addi %get3A_984, %add3A_986 : vector<16xi32>
        %swap3A_988 = arith.index_cast %add3A_981 : i32 to index
        %swap3A_989 = tpu.vector_load %arg6[%swap3A_988] {strides = array<i32>} : memref<8192xi32, #tpu.memory_space<vmem>>, vector<16xi32>,
        %swap3A_990 = vector.shape_cast %swap3A_989 : vector<16xi32> to vector<16xi32>
        %swap3A_991 = vector.shape_cast %add3A_987 : vector<16xi32> to vector<16xi32>
        tpu.vector_store %arg6[%swap3A_988], %swap3A_991 {strides = array<i32>} : memref<8192xi32, #tpu.memory_space<vmem>>, vector<16xi32>,
        %mul3A_992 = arith.constant 512 : i32
        %mul3A_993 = arith.muli %add3A_753, %mul3A_992 : i32
        %add3A_994 = arith.constant 272 : i32
        %add3A_995 = arith.addi %mul3A_993, %add3A_994 : i32
        %get3A_996 = arith.index_cast %add3A_995 : i32 to index
        %get3A_997 = tpu.vector_load %arg6[%get3A_996] {strides = array<i32>} : memref<8192xi32, #tpu.memory_space<vmem>>, vector<16xi32>,
        %get3A_998 = vector.shape_cast %get3A_997 : vector<16xi32> to vector<16xi32>
        %add3A_999 = arith.constant 524288 : i32
        %add3A_1000 = vector.broadcast %add3A_999 : i32 to vector<16xi32>
        %add3A_1001 = arith.addi %get3A_998, %add3A_1000 : vector<16xi32>
        %swap3A_1002 = arith.index_cast %add3A_995 : i32 to index
        %swap3A_1003 = tpu.vector_load %arg6[%swap3A_1002] {strides = array<i32>} : memref<8192xi32, #tpu.memory_space<vmem>>, vector<16xi32>,
        %swap3A_1004 = vector.shape_cast %swap3A_1003 : vector<16xi32> to vector<16xi32>
        %swap3A_1005 = vector.shape_cast %add3A_1001 : vector<16xi32> to vector<16xi32>
        tpu.vector_store %arg6[%swap3A_1002], %swap3A_1005 {strides = array<i32>} : memref<8192xi32, #tpu.memory_space<vmem>>, vector<16xi32>,
        %mul3A_1006 = arith.constant 512 : i32
        %mul3A_1007 = arith.muli %add3A_753, %mul3A_1006 : i32
        %add3A_1008 = arith.constant 288 : i32
        %add3A_1009 = arith.addi %mul3A_1007, %add3A_1008 : i32
        %get3A_1010 = arith.index_cast %add3A_1009 : i32 to index
        %get3A_1011 = tpu.vector_load %arg6[%get3A_1010] {strides = array<i32>} : memref<8192xi32, #tpu.memory_space<vmem>>, vector<16xi32>,
        %get3A_1012 = vector.shape_cast %get3A_1011 : vector<16xi32> to vector<16xi32>
        %add3A_1013 = arith.constant 524288 : i32
        %add3A_1014 = vector.broadcast %add3A_1013 : i32 to vector<16xi32>
        %add3A_1015 = arith.addi %get3A_1012, %add3A_1014 : vector<16xi32>
        %swap3A_1016 = arith.index_cast %add3A_1009 : i32 to index
        %swap3A_1017 = tpu.vector_load %arg6[%swap3A_1016] {strides = array<i32>} : memref<8192xi32, #tpu.memory_space<vmem>>, vector<16xi32>,
        %swap3A_1018 = vector.shape_cast %swap3A_1017 : vector<16xi32> to vector<16xi32>
        %swap3A_1019 = vector.shape_cast %add3A_1015 : vector<16xi32> to vector<16xi32>
        tpu.vector_store %arg6[%swap3A_1016], %swap3A_1019 {strides = array<i32>} : memref<8192xi32, #tpu.memory_space<vmem>>, vector<16xi32>,
        %mul3A_1020 = arith.constant 512 : i32
        %mul3A_1021 = arith.muli %add3A_753, %mul3A_1020 : i32
        %add3A_1022 = arith.constant 304 : i32
        %add3A_1023 = arith.addi %mul3A_1021, %add3A_1022 : i32
        %get3A_1024 = arith.index_cast %add3A_1023 : i32 to index
        %get3A_1025 = tpu.vector_load %arg6[%get3A_1024] {strides = array<i32>} : memref<8192xi32, #tpu.memory_space<vmem>>, vector<16xi32>,
        %get3A_1026 = vector.shape_cast %get3A_1025 : vector<16xi32> to vector<16xi32>
        %add3A_1027 = arith.constant 524288 : i32
        %add3A_1028 = vector.broadcast %add3A_1027 : i32 to vector<16xi32>
        %add3A_1029 = arith.addi %get3A_1026, %add3A_1028 : vector<16xi32>
        %swap3A_1030 = arith.index_cast %add3A_1023 : i32 to index
        %swap3A_1031 = tpu.vector_load %arg6[%swap3A_1030] {strides = array<i32>} : memref<8192xi32, #tpu.memory_space<vmem>>, vector<16xi32>,
        %swap3A_1032 = vector.shape_cast %swap3A_1031 : vector<16xi32> to vector<16xi32>
        %swap3A_1033 = vector.shape_cast %add3A_1029 : vector<16xi32> to vector<16xi32>
        tpu.vector_store %arg6[%swap3A_1030], %swap3A_1033 {strides = array<i32>} : memref<8192xi32, #tpu.memory_space<vmem>>, vector<16xi32>,
        %mul3A_1034 = arith.constant 512 : i32
        %mul3A_1035 = arith.muli %add3A_753, %mul3A_1034 : i32
        %add3A_1036 = arith.constant 320 : i32
        %add3A_1037 = arith.addi %mul3A_1035, %add3A_1036 : i32
        %get3A_1038 = arith.index_cast %add3A_1037 : i32 to index
        %get3A_1039 = tpu.vector_load %arg6[%get3A_1038] {strides = array<i32>} : memref<8192xi32, #tpu.memory_space<vmem>>, vector<16xi32>,
        %get3A_1040 = vector.shape_cast %get3A_1039 : vector<16xi32> to vector<16xi32>
        %add3A_1041 = arith.constant 524288 : i32
        %add3A_1042 = vector.broadcast %add3A_1041 : i32 to vector<16xi32>
        %add3A_1043 = arith.addi %get3A_1040, %add3A_1042 : vector<16xi32>
        %swap3A_1044 = arith.index_cast %add3A_1037 : i32 to index
        %swap3A_1045 = tpu.vector_load %arg6[%swap3A_1044] {strides = array<i32>} : memref<8192xi32, #tpu.memory_space<vmem>>, vector<16xi32>,
        %swap3A_1046 = vector.shape_cast %swap3A_1045 : vector<16xi32> to vector<16xi32>
        %swap3A_1047 = vector.shape_cast %add3A_1043 : vector<16xi32> to vector<16xi32>
        tpu.vector_store %arg6[%swap3A_1044], %swap3A_1047 {strides = array<i32>} : memref<8192xi32, #tpu.memory_space<vmem>>, vector<16xi32>,
        %mul3A_1048 = arith.constant 512 : i32
        %mul3A_1049 = arith.muli %add3A_753, %mul3A_1048 : i32
        %add3A_1050 = arith.constant 336 : i32
        %add3A_1051 = arith.addi %mul3A_1049, %add3A_1050 : i32
        %get3A_1052 = arith.index_cast %add3A_1051 : i32 to index
        %get3A_1053 = tpu.vector_load %arg6[%get3A_1052] {strides = array<i32>} : memref<8192xi32, #tpu.memory_space<vmem>>, vector<16xi32>,
        %get3A_1054 = vector.shape_cast %get3A_1053 : vector<16xi32> to vector<16xi32>
        %add3A_1055 = arith.constant 524288 : i32
        %add3A_1056 = vector.broadcast %add3A_1055 : i32 to vector<16xi32>
        %add3A_1057 = arith.addi %get3A_1054, %add3A_1056 : vector<16xi32>
        %swap3A_1058 = arith.index_cast %add3A_1051 : i32 to index
        %swap3A_1059 = tpu.vector_load %arg6[%swap3A_1058] {strides = array<i32>} : memref<8192xi32, #tpu.memory_space<vmem>>, vector<16xi32>,
        %swap3A_1060 = vector.shape_cast %swap3A_1059 : vector<16xi32> to vector<16xi32>
        %swap3A_1061 = vector.shape_cast %add3A_1057 : vector<16xi32> to vector<16xi32>
        tpu.vector_store %arg6[%swap3A_1058], %swap3A_1061 {strides = array<i32>} : memref<8192xi32, #tpu.memory_space<vmem>>, vector<16xi32>,
        %mul3A_1062 = arith.constant 512 : i32
        %mul3A_1063 = arith.muli %add3A_753, %mul3A_1062 : i32
        %add3A_1064 = arith.constant 352 : i32
        %add3A_1065 = arith.addi %mul3A_1063, %add3A_1064 : i32
        %get3A_1066 = arith.index_cast %add3A_1065 : i32 to index
        %get3A_1067 = tpu.vector_load %arg6[%get3A_1066] {strides = array<i32>} : memref<8192xi32, #tpu.memory_space<vmem>>, vector<16xi32>,
        %get3A_1068 = vector.shape_cast %get3A_1067 : vector<16xi32> to vector<16xi32>
        %add3A_1069 = arith.constant 524288 : i32
        %add3A_1070 = vector.broadcast %add3A_1069 : i32 to vector<16xi32>
        %add3A_1071 = arith.addi %get3A_1068, %add3A_1070 : vector<16xi32>
        %swap3A_1072 = arith.index_cast %add3A_1065 : i32 to index
        %swap3A_1073 = tpu.vector_load %arg6[%swap3A_1072] {strides = array<i32>} : memref<8192xi32, #tpu.memory_space<vmem>>, vector<16xi32>,
        %swap3A_1074 = vector.shape_cast %swap3A_1073 : vector<16xi32> to vector<16xi32>
        %swap3A_1075 = vector.shape_cast %add3A_1071 : vector<16xi32> to vector<16xi32>
        tpu.vector_store %arg6[%swap3A_1072], %swap3A_1075 {strides = array<i32>} : memref<8192xi32, #tpu.memory_space<vmem>>, vector<16xi32>,
        %mul3A_1076 = arith.constant 512 : i32
        %mul3A_1077 = arith.muli %add3A_753, %mul3A_1076 : i32
        %add3A_1078 = arith.constant 368 : i32
        %add3A_1079 = arith.addi %mul3A_1077, %add3A_1078 : i32
        %get3A_1080 = arith.index_cast %add3A_1079 : i32 to index
        %get3A_1081 = tpu.vector_load %arg6[%get3A_1080] {strides = array<i32>} : memref<8192xi32, #tpu.memory_space<vmem>>, vector<16xi32>,
        %get3A_1082 = vector.shape_cast %get3A_1081 : vector<16xi32> to vector<16xi32>
        %add3A_1083 = arith.constant 524288 : i32
        %add3A_1084 = vector.broadcast %add3A_1083 : i32 to vector<16xi32>
        %add3A_1085 = arith.addi %get3A_1082, %add3A_1084 : vector<16xi32>
        %swap3A_1086 = arith.index_cast %add3A_1079 : i32 to index
        %swap3A_1087 = tpu.vector_load %arg6[%swap3A_1086] {strides = array<i32>} : memref<8192xi32, #tpu.memory_space<vmem>>, vector<16xi32>,
        %swap3A_1088 = vector.shape_cast %swap3A_1087 : vector<16xi32> to vector<16xi32>
        %swap3A_1089 = vector.shape_cast %add3A_1085 : vector<16xi32> to vector<16xi32>
        tpu.vector_store %arg6[%swap3A_1086], %swap3A_1089 {strides = array<i32>} : memref<8192xi32, #tpu.memory_space<vmem>>, vector<16xi32>,
        %mul3A_1090 = arith.constant 512 : i32
        %mul3A_1091 = arith.muli %add3A_753, %mul3A_1090 : i32
        %add3A_1092 = arith.constant 384 : i32
        %add3A_1093 = arith.addi %mul3A_1091, %add3A_1092 : i32
        %get3A_1094 = arith.index_cast %add3A_1093 : i32 to index
        %get3A_1095 = tpu.vector_load %arg6[%get3A_1094] {strides = array<i32>} : memref<8192xi32, #tpu.memory_space<vmem>>, vector<16xi32>,
        %get3A_1096 = vector.shape_cast %get3A_1095 : vector<16xi32> to vector<16xi32>
        %add3A_1097 = arith.constant 524288 : i32
        %add3A_1098 = vector.broadcast %add3A_1097 : i32 to vector<16xi32>
        %add3A_1099 = arith.addi %get3A_1096, %add3A_1098 : vector<16xi32>
        %swap3A_1100 = arith.index_cast %add3A_1093 : i32 to index
        %swap3A_1101 = tpu.vector_load %arg6[%swap3A_1100] {strides = array<i32>} : memref<8192xi32, #tpu.memory_space<vmem>>, vector<16xi32>,
        %swap3A_1102 = vector.shape_cast %swap3A_1101 : vector<16xi32> to vector<16xi32>
        %swap3A_1103 = vector.shape_cast %add3A_1099 : vector<16xi32> to vector<16xi32>
        tpu.vector_store %arg6[%swap3A_1100], %swap3A_1103 {strides = array<i32>} : memref<8192xi32, #tpu.memory_space<vmem>>, vector<16xi32>,
        %mul3A_1104 = arith.constant 512 : i32
        %mul3A_1105 = arith.muli %add3A_753, %mul3A_1104 : i32
        %add3A_1106 = arith.constant 400 : i32
        %add3A_1107 = arith.addi %mul3A_1105, %add3A_1106 : i32
        %get3A_1108 = arith.index_cast %add3A_1107 : i32 to index
        %get3A_1109 = tpu.vector_load %arg6[%get3A_1108] {strides = array<i32>} : memref<8192xi32, #tpu.memory_space<vmem>>, vector<16xi32>,
        %get3A_1110 = vector.shape_cast %get3A_1109 : vector<16xi32> to vector<16xi32>
        %add3A_1111 = arith.constant 524288 : i32
        %add3A_1112 = vector.broadcast %add3A_1111 : i32 to vector<16xi32>
        %add3A_1113 = arith.addi %get3A_1110, %add3A_1112 : vector<16xi32>
        %swap3A_1114 = arith.index_cast %add3A_1107 : i32 to index
        %swap3A_1115 = tpu.vector_load %arg6[%swap3A_1114] {strides = array<i32>} : memref<8192xi32, #tpu.memory_space<vmem>>, vector<16xi32>,
        %swap3A_1116 = vector.shape_cast %swap3A_1115 : vector<16xi32> to vector<16xi32>
        %swap3A_1117 = vector.shape_cast %add3A_1113 : vector<16xi32> to vector<16xi32>
        tpu.vector_store %arg6[%swap3A_1114], %swap3A_1117 {strides = array<i32>} : memref<8192xi32, #tpu.memory_space<vmem>>, vector<16xi32>,
        %mul3A_1118 = arith.constant 512 : i32
        %mul3A_1119 = arith.muli %add3A_753, %mul3A_1118 : i32
        %add3A_1120 = arith.constant 416 : i32
        %add3A_1121 = arith.addi %mul3A_1119, %add3A_1120 : i32
        %get3A_1122 = arith.index_cast %add3A_1121 : i32 to index
        %get3A_1123 = tpu.vector_load %arg6[%get3A_1122] {strides = array<i32>} : memref<8192xi32, #tpu.memory_space<vmem>>, vector<16xi32>,
        %get3A_1124 = vector.shape_cast %get3A_1123 : vector<16xi32> to vector<16xi32>
        %add3A_1125 = arith.constant 524288 : i32
        %add3A_1126 = vector.broadcast %add3A_1125 : i32 to vector<16xi32>
        %add3A_1127 = arith.addi %get3A_1124, %add3A_1126 : vector<16xi32>
        %swap3A_1128 = arith.index_cast %add3A_1121 : i32 to index
        %swap3A_1129 = tpu.vector_load %arg6[%swap3A_1128] {strides = array<i32>} : memref<8192xi32, #tpu.memory_space<vmem>>, vector<16xi32>,
        %swap3A_1130 = vector.shape_cast %swap3A_1129 : vector<16xi32> to vector<16xi32>
        %swap3A_1131 = vector.shape_cast %add3A_1127 : vector<16xi32> to vector<16xi32>
        tpu.vector_store %arg6[%swap3A_1128], %swap3A_1131 {strides = array<i32>} : memref<8192xi32, #tpu.memory_space<vmem>>, vector<16xi32>,
        %mul3A_1132 = arith.constant 512 : i32
        %mul3A_1133 = arith.muli %add3A_753, %mul3A_1132 : i32
        %add3A_1134 = arith.constant 432 : i32
        %add3A_1135 = arith.addi %mul3A_1133, %add3A_1134 : i32
        %get3A_1136 = arith.index_cast %add3A_1135 : i32 to index
        %get3A_1137 = tpu.vector_load %arg6[%get3A_1136] {strides = array<i32>} : memref<8192xi32, #tpu.memory_space<vmem>>, vector<16xi32>,
        %get3A_1138 = vector.shape_cast %get3A_1137 : vector<16xi32> to vector<16xi32>
        %add3A_1139 = arith.constant 524288 : i32
        %add3A_1140 = vector.broadcast %add3A_1139 : i32 to vector<16xi32>
        %add3A_1141 = arith.addi %get3A_1138, %add3A_1140 : vector<16xi32>
        %swap3A_1142 = arith.index_cast %add3A_1135 : i32 to index
        %swap3A_1143 = tpu.vector_load %arg6[%swap3A_1142] {strides = array<i32>} : memref<8192xi32, #tpu.memory_space<vmem>>, vector<16xi32>,
        %swap3A_1144 = vector.shape_cast %swap3A_1143 : vector<16xi32> to vector<16xi32>
        %swap3A_1145 = vector.shape_cast %add3A_1141 : vector<16xi32> to vector<16xi32>
        tpu.vector_store %arg6[%swap3A_1142], %swap3A_1145 {strides = array<i32>} : memref<8192xi32, #tpu.memory_space<vmem>>, vector<16xi32>,
        %mul3A_1146 = arith.constant 512 : i32
        %mul3A_1147 = arith.muli %add3A_753, %mul3A_1146 : i32
        %add3A_1148 = arith.constant 448 : i32
        %add3A_1149 = arith.addi %mul3A_1147, %add3A_1148 : i32
        %get3A_1150 = arith.index_cast %add3A_1149 : i32 to index
        %get3A_1151 = tpu.vector_load %arg6[%get3A_1150] {strides = array<i32>} : memref<8192xi32, #tpu.memory_space<vmem>>, vector<16xi32>,
        %get3A_1152 = vector.shape_cast %get3A_1151 : vector<16xi32> to vector<16xi32>
        %add3A_1153 = arith.constant 524288 : i32
        %add3A_1154 = vector.broadcast %add3A_1153 : i32 to vector<16xi32>
        %add3A_1155 = arith.addi %get3A_1152, %add3A_1154 : vector<16xi32>
        %swap3A_1156 = arith.index_cast %add3A_1149 : i32 to index
        %swap3A_1157 = tpu.vector_load %arg6[%swap3A_1156] {strides = array<i32>} : memref<8192xi32, #tpu.memory_space<vmem>>, vector<16xi32>,
        %swap3A_1158 = vector.shape_cast %swap3A_1157 : vector<16xi32> to vector<16xi32>
        %swap3A_1159 = vector.shape_cast %add3A_1155 : vector<16xi32> to vector<16xi32>
        tpu.vector_store %arg6[%swap3A_1156], %swap3A_1159 {strides = array<i32>} : memref<8192xi32, #tpu.memory_space<vmem>>, vector<16xi32>,
        %mul3A_1160 = arith.constant 512 : i32
        %mul3A_1161 = arith.muli %add3A_753, %mul3A_1160 : i32
        %add3A_1162 = arith.constant 464 : i32
        %add3A_1163 = arith.addi %mul3A_1161, %add3A_1162 : i32
        %get3A_1164 = arith.index_cast %add3A_1163 : i32 to index
        %get3A_1165 = tpu.vector_load %arg6[%get3A_1164] {strides = array<i32>} : memref<8192xi32, #tpu.memory_space<vmem>>, vector<16xi32>,
        %get3A_1166 = vector.shape_cast %get3A_1165 : vector<16xi32> to vector<16xi32>
        %add3A_1167 = arith.constant 524288 : i32
        %add3A_1168 = vector.broadcast %add3A_1167 : i32 to vector<16xi32>
        %add3A_1169 = arith.addi %get3A_1166, %add3A_1168 : vector<16xi32>
        %swap3A_1170 = arith.index_cast %add3A_1163 : i32 to index
        %swap3A_1171 = tpu.vector_load %arg6[%swap3A_1170] {strides = array<i32>} : memref<8192xi32, #tpu.memory_space<vmem>>, vector<16xi32>,
        %swap3A_1172 = vector.shape_cast %swap3A_1171 : vector<16xi32> to vector<16xi32>
        %swap3A_1173 = vector.shape_cast %add3A_1169 : vector<16xi32> to vector<16xi32>
        tpu.vector_store %arg6[%swap3A_1170], %swap3A_1173 {strides = array<i32>} : memref<8192xi32, #tpu.memory_space<vmem>>, vector<16xi32>,
        %mul3A_1174 = arith.constant 512 : i32
        %mul3A_1175 = arith.muli %add3A_753, %mul3A_1174 : i32
        %add3A_1176 = arith.constant 480 : i32
        %add3A_1177 = arith.addi %mul3A_1175, %add3A_1176 : i32
        %get3A_1178 = arith.index_cast %add3A_1177 : i32 to index
        %get3A_1179 = tpu.vector_load %arg6[%get3A_1178] {strides = array<i32>} : memref<8192xi32, #tpu.memory_space<vmem>>, vector<16xi32>,
        %get3A_1180 = vector.shape_cast %get3A_1179 : vector<16xi32> to vector<16xi32>
        %add3A_1181 = arith.constant 524288 : i32
        %add3A_1182 = vector.broadcast %add3A_1181 : i32 to vector<16xi32>
        %add3A_1183 = arith.addi %get3A_1180, %add3A_1182 : vector<16xi32>
        %swap3A_1184 = arith.index_cast %add3A_1177 : i32 to index
        %swap3A_1185 = tpu.vector_load %arg6[%swap3A_1184] {strides = array<i32>} : memref<8192xi32, #tpu.memory_space<vmem>>, vector<16xi32>,
        %swap3A_1186 = vector.shape_cast %swap3A_1185 : vector<16xi32> to vector<16xi32>
        %swap3A_1187 = vector.shape_cast %add3A_1183 : vector<16xi32> to vector<16xi32>
        tpu.vector_store %arg6[%swap3A_1184], %swap3A_1187 {strides = array<i32>} : memref<8192xi32, #tpu.memory_space<vmem>>, vector<16xi32>,
        %mul3A_1188 = arith.constant 512 : i32
        %mul3A_1189 = arith.muli %add3A_753, %mul3A_1188 : i32
        %add3A_1190 = arith.constant 496 : i32
        %add3A_1191 = arith.addi %mul3A_1189, %add3A_1190 : i32
        %get3A_1192 = arith.index_cast %add3A_1191 : i32 to index
        %get3A_1193 = tpu.vector_load %arg6[%get3A_1192] {strides = array<i32>} : memref<8192xi32, #tpu.memory_space<vmem>>, vector<16xi32>,
        %get3A_1194 = vector.shape_cast %get3A_1193 : vector<16xi32> to vector<16xi32>
        %add3A_1195 = arith.constant 524288 : i32
        %add3A_1196 = vector.broadcast %add3A_1195 : i32 to vector<16xi32>
        %add3A_1197 = arith.addi %get3A_1194, %add3A_1196 : vector<16xi32>
        %swap3A_1198 = arith.index_cast %add3A_1191 : i32 to index
        %swap3A_1199 = tpu.vector_load %arg6[%swap3A_1198] {strides = array<i32>} : memref<8192xi32, #tpu.memory_space<vmem>>, vector<16xi32>,
        %swap3A_1200 = vector.shape_cast %swap3A_1199 : vector<16xi32> to vector<16xi32>
        %swap3A_1201 = vector.shape_cast %add3A_1197 : vector<16xi32> to vector<16xi32>
        tpu.vector_store %arg6[%swap3A_1198], %swap3A_1201 {strides = array<i32>} : memref<8192xi32, #tpu.memory_space<vmem>>, vector<16xi32>,
        %mul3A_1202 = arith.constant 8 : i32
        %mul3A_1203 = arith.muli %rem3A_299, %mul3A_1202 : i32
        %add3A_1204 = arith.constant 2 : i32
        %add3A_1205 = arith.addi %mul3A_1203, %add3A_1204 : i32
        %mul3A_1206 = arith.constant 512 : i32
        %mul3A_1207 = arith.muli %add3A_1205, %mul3A_1206 : i32
        %add3A_1208 = arith.constant 0 : i32
        %add3A_1209 = arith.addi %mul3A_1207, %add3A_1208 : i32
        %get3A_1210 = arith.index_cast %add3A_1209 : i32 to index
        %get3A_1211 = tpu.vector_load %arg6[%get3A_1210] {strides = array<i32>} : memref<8192xi32, #tpu.memory_space<vmem>>, vector<16xi32>,
        %get3A_1212 = vector.shape_cast %get3A_1211 : vector<16xi32> to vector<16xi32>
        %add3A_1213 = arith.constant 524288 : i32
        %add3A_1214 = vector.broadcast %add3A_1213 : i32 to vector<16xi32>
        %add3A_1215 = arith.addi %get3A_1212, %add3A_1214 : vector<16xi32>
        %swap3A_1216 = arith.index_cast %add3A_1209 : i32 to index
        %swap3A_1217 = tpu.vector_load %arg6[%swap3A_1216] {strides = array<i32>} : memref<8192xi32, #tpu.memory_space<vmem>>, vector<16xi32>,
        %swap3A_1218 = vector.shape_cast %swap3A_1217 : vector<16xi32> to vector<16xi32>
        %swap3A_1219 = vector.shape_cast %add3A_1215 : vector<16xi32> to vector<16xi32>
        tpu.vector_store %arg6[%swap3A_1216], %swap3A_1219 {strides = array<i32>} : memref<8192xi32, #tpu.memory_space<vmem>>, vector<16xi32>,
        %mul3A_1220 = arith.constant 512 : i32
        %mul3A_1221 = arith.muli %add3A_1205, %mul3A_1220 : i32
        %add3A_1222 = arith.constant 16 : i32
        %add3A_1223 = arith.addi %mul3A_1221, %add3A_1222 : i32
        %get3A_1224 = arith.index_cast %add3A_1223 : i32 to index
        %get3A_1225 = tpu.vector_load %arg6[%get3A_1224] {strides = array<i32>} : memref<8192xi32, #tpu.memory_space<vmem>>, vector<16xi32>,
        %get3A_1226 = vector.shape_cast %get3A_1225 : vector<16xi32> to vector<16xi32>
        %add3A_1227 = arith.constant 524288 : i32
        %add3A_1228 = vector.broadcast %add3A_1227 : i32 to vector<16xi32>
        %add3A_1229 = arith.addi %get3A_1226, %add3A_1228 : vector<16xi32>
        %swap3A_1230 = arith.index_cast %add3A_1223 : i32 to index
        %swap3A_1231 = tpu.vector_load %arg6[%swap3A_1230] {strides = array<i32>} : memref<8192xi32, #tpu.memory_space<vmem>>, vector<16xi32>,
        %swap3A_1232 = vector.shape_cast %swap3A_1231 : vector<16xi32> to vector<16xi32>
        %swap3A_1233 = vector.shape_cast %add3A_1229 : vector<16xi32> to vector<16xi32>
        tpu.vector_store %arg6[%swap3A_1230], %swap3A_1233 {strides = array<i32>} : memref<8192xi32, #tpu.memory_space<vmem>>, vector<16xi32>,
        %mul3A_1234 = arith.constant 512 : i32
        %mul3A_1235 = arith.muli %add3A_1205, %mul3A_1234 : i32
        %add3A_1236 = arith.constant 32 : i32
        %add3A_1237 = arith.addi %mul3A_1235, %add3A_1236 : i32
        %get3A_1238 = arith.index_cast %add3A_1237 : i32 to index
        %get3A_1239 = tpu.vector_load %arg6[%get3A_1238] {strides = array<i32>} : memref<8192xi32, #tpu.memory_space<vmem>>, vector<16xi32>,
        %get3A_1240 = vector.shape_cast %get3A_1239 : vector<16xi32> to vector<16xi32>
        %add3A_1241 = arith.constant 524288 : i32
        %add3A_1242 = vector.broadcast %add3A_1241 : i32 to vector<16xi32>
        %add3A_1243 = arith.addi %get3A_1240, %add3A_1242 : vector<16xi32>
        %swap3A_1244 = arith.index_cast %add3A_1237 : i32 to index
        %swap3A_1245 = tpu.vector_load %arg6[%swap3A_1244] {strides = array<i32>} : memref<8192xi32, #tpu.memory_space<vmem>>, vector<16xi32>,
        %swap3A_1246 = vector.shape_cast %swap3A_1245 : vector<16xi32> to vector<16xi32>
        %swap3A_1247 = vector.shape_cast %add3A_1243 : vector<16xi32> to vector<16xi32>
        tpu.vector_store %arg6[%swap3A_1244], %swap3A_1247 {strides = array<i32>} : memref<8192xi32, #tpu.memory_space<vmem>>, vector<16xi32>,
        %mul3A_1248 = arith.constant 512 : i32
        %mul3A_1249 = arith.muli %add3A_1205, %mul3A_1248 : i32
        %add3A_1250 = arith.constant 48 : i32
        %add3A_1251 = arith.addi %mul3A_1249, %add3A_1250 : i32
        %get3A_1252 = arith.index_cast %add3A_1251 : i32 to index
        %get3A_1253 = tpu.vector_load %arg6[%get3A_1252] {strides = array<i32>} : memref<8192xi32, #tpu.memory_space<vmem>>, vector<16xi32>,
        %get3A_1254 = vector.shape_cast %get3A_1253 : vector<16xi32> to vector<16xi32>
        %add3A_1255 = arith.constant 524288 : i32
        %add3A_1256 = vector.broadcast %add3A_1255 : i32 to vector<16xi32>
        %add3A_1257 = arith.addi %get3A_1254, %add3A_1256 : vector<16xi32>
        %swap3A_1258 = arith.index_cast %add3A_1251 : i32 to index
        %swap3A_1259 = tpu.vector_load %arg6[%swap3A_1258] {strides = array<i32>} : memref<8192xi32, #tpu.memory_space<vmem>>, vector<16xi32>,
        %swap3A_1260 = vector.shape_cast %swap3A_1259 : vector<16xi32> to vector<16xi32>
        %swap3A_1261 = vector.shape_cast %add3A_1257 : vector<16xi32> to vector<16xi32>
        tpu.vector_store %arg6[%swap3A_1258], %swap3A_1261 {strides = array<i32>} : memref<8192xi32, #tpu.memory_space<vmem>>, vector<16xi32>,
        %mul3A_1262 = arith.constant 512 : i32
        %mul3A_1263 = arith.muli %add3A_1205, %mul3A_1262 : i32
        %add3A_1264 = arith.constant 64 : i32
        %add3A_1265 = arith.addi %mul3A_1263, %add3A_1264 : i32
        %get3A_1266 = arith.index_cast %add3A_1265 : i32 to index
        %get3A_1267 = tpu.vector_load %arg6[%get3A_1266] {strides = array<i32>} : memref<8192xi32, #tpu.memory_space<vmem>>, vector<16xi32>,
        %get3A_1268 = vector.shape_cast %get3A_1267 : vector<16xi32> to vector<16xi32>
        %add3A_1269 = arith.constant 524288 : i32
        %add3A_1270 = vector.broadcast %add3A_1269 : i32 to vector<16xi32>
        %add3A_1271 = arith.addi %get3A_1268, %add3A_1270 : vector<16xi32>
        %swap3A_1272 = arith.index_cast %add3A_1265 : i32 to index
        %swap3A_1273 = tpu.vector_load %arg6[%swap3A_1272] {strides = array<i32>} : memref<8192xi32, #tpu.memory_space<vmem>>, vector<16xi32>,
        %swap3A_1274 = vector.shape_cast %swap3A_1273 : vector<16xi32> to vector<16xi32>
        %swap3A_1275 = vector.shape_cast %add3A_1271 : vector<16xi32> to vector<16xi32>
        tpu.vector_store %arg6[%swap3A_1272], %swap3A_1275 {strides = array<i32>} : memref<8192xi32, #tpu.memory_space<vmem>>, vector<16xi32>,
        %mul3A_1276 = arith.constant 512 : i32
        %mul3A_1277 = arith.muli %add3A_1205, %mul3A_1276 : i32
        %add3A_1278 = arith.constant 80 : i32
        %add3A_1279 = arith.addi %mul3A_1277, %add3A_1278 : i32
        %get3A_1280 = arith.index_cast %add3A_1279 : i32 to index
        %get3A_1281 = tpu.vector_load %arg6[%get3A_1280] {strides = array<i32>} : memref<8192xi32, #tpu.memory_space<vmem>>, vector<16xi32>,
        %get3A_1282 = vector.shape_cast %get3A_1281 : vector<16xi32> to vector<16xi32>
        %add3A_1283 = arith.constant 524288 : i32
        %add3A_1284 = vector.broadcast %add3A_1283 : i32 to vector<16xi32>
        %add3A_1285 = arith.addi %get3A_1282, %add3A_1284 : vector<16xi32>
        %swap3A_1286 = arith.index_cast %add3A_1279 : i32 to index
        %swap3A_1287 = tpu.vector_load %arg6[%swap3A_1286] {strides = array<i32>} : memref<8192xi32, #tpu.memory_space<vmem>>, vector<16xi32>,
        %swap3A_1288 = vector.shape_cast %swap3A_1287 : vector<16xi32> to vector<16xi32>
        %swap3A_1289 = vector.shape_cast %add3A_1285 : vector<16xi32> to vector<16xi32>
        tpu.vector_store %arg6[%swap3A_1286], %swap3A_1289 {strides = array<i32>} : memref<8192xi32, #tpu.memory_space<vmem>>, vector<16xi32>,
        %mul3A_1290 = arith.constant 512 : i32
        %mul3A_1291 = arith.muli %add3A_1205, %mul3A_1290 : i32
        %add3A_1292 = arith.constant 96 : i32
        %add3A_1293 = arith.addi %mul3A_1291, %add3A_1292 : i32
        %get3A_1294 = arith.index_cast %add3A_1293 : i32 to index
        %get3A_1295 = tpu.vector_load %arg6[%get3A_1294] {strides = array<i32>} : memref<8192xi32, #tpu.memory_space<vmem>>, vector<16xi32>,
        %get3A_1296 = vector.shape_cast %get3A_1295 : vector<16xi32> to vector<16xi32>
        %add3A_1297 = arith.constant 524288 : i32
        %add3A_1298 = vector.broadcast %add3A_1297 : i32 to vector<16xi32>
        %add3A_1299 = arith.addi %get3A_1296, %add3A_1298 : vector<16xi32>
        %swap3A_1300 = arith.index_cast %add3A_1293 : i32 to index
        %swap3A_1301 = tpu.vector_load %arg6[%swap3A_1300] {strides = array<i32>} : memref<8192xi32, #tpu.memory_space<vmem>>, vector<16xi32>,
        %swap3A_1302 = vector.shape_cast %swap3A_1301 : vector<16xi32> to vector<16xi32>
        %swap3A_1303 = vector.shape_cast %add3A_1299 : vector<16xi32> to vector<16xi32>
        tpu.vector_store %arg6[%swap3A_1300], %swap3A_1303 {strides = array<i32>} : memref<8192xi32, #tpu.memory_space<vmem>>, vector<16xi32>,
        %mul3A_1304 = arith.constant 512 : i32
        %mul3A_1305 = arith.muli %add3A_1205, %mul3A_1304 : i32
        %add3A_1306 = arith.constant 112 : i32
        %add3A_1307 = arith.addi %mul3A_1305, %add3A_1306 : i32
        %get3A_1308 = arith.index_cast %add3A_1307 : i32 to index
        %get3A_1309 = tpu.vector_load %arg6[%get3A_1308] {strides = array<i32>} : memref<8192xi32, #tpu.memory_space<vmem>>, vector<16xi32>,
        %get3A_1310 = vector.shape_cast %get3A_1309 : vector<16xi32> to vector<16xi32>
        %add3A_1311 = arith.constant 524288 : i32
        %add3A_1312 = vector.broadcast %add3A_1311 : i32 to vector<16xi32>
        %add3A_1313 = arith.addi %get3A_1310, %add3A_1312 : vector<16xi32>
        %swap3A_1314 = arith.index_cast %add3A_1307 : i32 to index
        %swap3A_1315 = tpu.vector_load %arg6[%swap3A_1314] {strides = array<i32>} : memref<8192xi32, #tpu.memory_space<vmem>>, vector<16xi32>,
        %swap3A_1316 = vector.shape_cast %swap3A_1315 : vector<16xi32> to vector<16xi32>
        %swap3A_1317 = vector.shape_cast %add3A_1313 : vector<16xi32> to vector<16xi32>
        tpu.vector_store %arg6[%swap3A_1314], %swap3A_1317 {strides = array<i32>} : memref<8192xi32, #tpu.memory_space<vmem>>, vector<16xi32>,
        %mul3A_1318 = arith.constant 512 : i32
        %mul3A_1319 = arith.muli %add3A_1205, %mul3A_1318 : i32
        %add3A_1320 = arith.constant 128 : i32
        %add3A_1321 = arith.addi %mul3A_1319, %add3A_1320 : i32
        %get3A_1322 = arith.index_cast %add3A_1321 : i32 to index
        %get3A_1323 = tpu.vector_load %arg6[%get3A_1322] {strides = array<i32>} : memref<8192xi32, #tpu.memory_space<vmem>>, vector<16xi32>,
        %get3A_1324 = vector.shape_cast %get3A_1323 : vector<16xi32> to vector<16xi32>
        %add3A_1325 = arith.constant 524288 : i32
        %add3A_1326 = vector.broadcast %add3A_1325 : i32 to vector<16xi32>
        %add3A_1327 = arith.addi %get3A_1324, %add3A_1326 : vector<16xi32>
        %swap3A_1328 = arith.index_cast %add3A_1321 : i32 to index
        %swap3A_1329 = tpu.vector_load %arg6[%swap3A_1328] {strides = array<i32>} : memref<8192xi32, #tpu.memory_space<vmem>>, vector<16xi32>,
        %swap3A_1330 = vector.shape_cast %swap3A_1329 : vector<16xi32> to vector<16xi32>
        %swap3A_1331 = vector.shape_cast %add3A_1327 : vector<16xi32> to vector<16xi32>
        tpu.vector_store %arg6[%swap3A_1328], %swap3A_1331 {strides = array<i32>} : memref<8192xi32, #tpu.memory_space<vmem>>, vector<16xi32>,
        %mul3A_1332 = arith.constant 512 : i32
        %mul3A_1333 = arith.muli %add3A_1205, %mul3A_1332 : i32
        %add3A_1334 = arith.constant 144 : i32
        %add3A_1335 = arith.addi %mul3A_1333, %add3A_1334 : i32
        %get3A_1336 = arith.index_cast %add3A_1335 : i32 to index
        %get3A_1337 = tpu.vector_load %arg6[%get3A_1336] {strides = array<i32>} : memref<8192xi32, #tpu.memory_space<vmem>>, vector<16xi32>,
        %get3A_1338 = vector.shape_cast %get3A_1337 : vector<16xi32> to vector<16xi32>
        %add3A_1339 = arith.constant 524288 : i32
        %add3A_1340 = vector.broadcast %add3A_1339 : i32 to vector<16xi32>
        %add3A_1341 = arith.addi %get3A_1338, %add3A_1340 : vector<16xi32>
        %swap3A_1342 = arith.index_cast %add3A_1335 : i32 to index
        %swap3A_1343 = tpu.vector_load %arg6[%swap3A_1342] {strides = array<i32>} : memref<8192xi32, #tpu.memory_space<vmem>>, vector<16xi32>,
        %swap3A_1344 = vector.shape_cast %swap3A_1343 : vector<16xi32> to vector<16xi32>
        %swap3A_1345 = vector.shape_cast %add3A_1341 : vector<16xi32> to vector<16xi32>
        tpu.vector_store %arg6[%swap3A_1342], %swap3A_1345 {strides = array<i32>} : memref<8192xi32, #tpu.memory_space<vmem>>, vector<16xi32>,
        %mul3A_1346 = arith.constant 512 : i32
        %mul3A_1347 = arith.muli %add3A_1205, %mul3A_1346 : i32
        %add3A_1348 = arith.constant 160 : i32
        %add3A_1349 = arith.addi %mul3A_1347, %add3A_1348 : i32
        %get3A_1350 = arith.index_cast %add3A_1349 : i32 to index
        %get3A_1351 = tpu.vector_load %arg6[%get3A_1350] {strides = array<i32>} : memref<8192xi32, #tpu.memory_space<vmem>>, vector<16xi32>,
        %get3A_1352 = vector.shape_cast %get3A_1351 : vector<16xi32> to vector<16xi32>
        %add3A_1353 = arith.constant 524288 : i32
        %add3A_1354 = vector.broadcast %add3A_1353 : i32 to vector<16xi32>
        %add3A_1355 = arith.addi %get3A_1352, %add3A_1354 : vector<16xi32>
        %swap3A_1356 = arith.index_cast %add3A_1349 : i32 to index
        %swap3A_1357 = tpu.vector_load %arg6[%swap3A_1356] {strides = array<i32>} : memref<8192xi32, #tpu.memory_space<vmem>>, vector<16xi32>,
        %swap3A_1358 = vector.shape_cast %swap3A_1357 : vector<16xi32> to vector<16xi32>
        %swap3A_1359 = vector.shape_cast %add3A_1355 : vector<16xi32> to vector<16xi32>
        tpu.vector_store %arg6[%swap3A_1356], %swap3A_1359 {strides = array<i32>} : memref<8192xi32, #tpu.memory_space<vmem>>, vector<16xi32>,
        %mul3A_1360 = arith.constant 512 : i32
        %mul3A_1361 = arith.muli %add3A_1205, %mul3A_1360 : i32
        %add3A_1362 = arith.constant 176 : i32
        %add3A_1363 = arith.addi %mul3A_1361, %add3A_1362 : i32
        %get3A_1364 = arith.index_cast %add3A_1363 : i32 to index
        %get3A_1365 = tpu.vector_load %arg6[%get3A_1364] {strides = array<i32>} : memref<8192xi32, #tpu.memory_space<vmem>>, vector<16xi32>,
        %get3A_1366 = vector.shape_cast %get3A_1365 : vector<16xi32> to vector<16xi32>
        %add3A_1367 = arith.constant 524288 : i32
        %add3A_1368 = vector.broadcast %add3A_1367 : i32 to vector<16xi32>
        %add3A_1369 = arith.addi %get3A_1366, %add3A_1368 : vector<16xi32>
        %swap3A_1370 = arith.index_cast %add3A_1363 : i32 to index
        %swap3A_1371 = tpu.vector_load %arg6[%swap3A_1370] {strides = array<i32>} : memref<8192xi32, #tpu.memory_space<vmem>>, vector<16xi32>,
        %swap3A_1372 = vector.shape_cast %swap3A_1371 : vector<16xi32> to vector<16xi32>
        %swap3A_1373 = vector.shape_cast %add3A_1369 : vector<16xi32> to vector<16xi32>
        tpu.vector_store %arg6[%swap3A_1370], %swap3A_1373 {strides = array<i32>} : memref<8192xi32, #tpu.memory_space<vmem>>, vector<16xi32>,
        %mul3A_1374 = arith.constant 512 : i32
        %mul3A_1375 = arith.muli %add3A_1205, %mul3A_1374 : i32
        %add3A_1376 = arith.constant 192 : i32
        %add3A_1377 = arith.addi %mul3A_1375, %add3A_1376 : i32
        %get3A_1378 = arith.index_cast %add3A_1377 : i32 to index
        %get3A_1379 = tpu.vector_load %arg6[%get3A_1378] {strides = array<i32>} : memref<8192xi32, #tpu.memory_space<vmem>>, vector<16xi32>,
        %get3A_1380 = vector.shape_cast %get3A_1379 : vector<16xi32> to vector<16xi32>
        %add3A_1381 = arith.constant 524288 : i32
        %add3A_1382 = vector.broadcast %add3A_1381 : i32 to vector<16xi32>
        %add3A_1383 = arith.addi %get3A_1380, %add3A_1382 : vector<16xi32>
        %swap3A_1384 = arith.index_cast %add3A_1377 : i32 to index
        %swap3A_1385 = tpu.vector_load %arg6[%swap3A_1384] {strides = array<i32>} : memref<8192xi32, #tpu.memory_space<vmem>>, vector<16xi32>,
        %swap3A_1386 = vector.shape_cast %swap3A_1385 : vector<16xi32> to vector<16xi32>
        %swap3A_1387 = vector.shape_cast %add3A_1383 : vector<16xi32> to vector<16xi32>
        tpu.vector_store %arg6[%swap3A_1384], %swap3A_1387 {strides = array<i32>} : memref<8192xi32, #tpu.memory_space<vmem>>, vector<16xi32>,
        %mul3A_1388 = arith.constant 512 : i32
        %mul3A_1389 = arith.muli %add3A_1205, %mul3A_1388 : i32
        %add3A_1390 = arith.constant 208 : i32
        %add3A_1391 = arith.addi %mul3A_1389, %add3A_1390 : i32
        %get3A_1392 = arith.index_cast %add3A_1391 : i32 to index
        %get3A_1393 = tpu.vector_load %arg6[%get3A_1392] {strides = array<i32>} : memref<8192xi32, #tpu.memory_space<vmem>>, vector<16xi32>,
        %get3A_1394 = vector.shape_cast %get3A_1393 : vector<16xi32> to vector<16xi32>
        %add3A_1395 = arith.constant 524288 : i32
        %add3A_1396 = vector.broadcast %add3A_1395 : i32 to vector<16xi32>
        %add3A_1397 = arith.addi %get3A_1394, %add3A_1396 : vector<16xi32>
        %swap3A_1398 = arith.index_cast %add3A_1391 : i32 to index
        %swap3A_1399 = tpu.vector_load %arg6[%swap3A_1398] {strides = array<i32>} : memref<8192xi32, #tpu.memory_space<vmem>>, vector<16xi32>,
        %swap3A_1400 = vector.shape_cast %swap3A_1399 : vector<16xi32> to vector<16xi32>
        %swap3A_1401 = vector.shape_cast %add3A_1397 : vector<16xi32> to vector<16xi32>
        tpu.vector_store %arg6[%swap3A_1398], %swap3A_1401 {strides = array<i32>} : memref<8192xi32, #tpu.memory_space<vmem>>, vector<16xi32>,
        %mul3A_1402 = arith.constant 512 : i32
        %mul3A_1403 = arith.muli %add3A_1205, %mul3A_1402 : i32
        %add3A_1404 = arith.constant 224 : i32
        %add3A_1405 = arith.addi %mul3A_1403, %add3A_1404 : i32
        %get3A_1406 = arith.index_cast %add3A_1405 : i32 to index
        %get3A_1407 = tpu.vector_load %arg6[%get3A_1406] {strides = array<i32>} : memref<8192xi32, #tpu.memory_space<vmem>>, vector<16xi32>,
        %get3A_1408 = vector.shape_cast %get3A_1407 : vector<16xi32> to vector<16xi32>
        %add3A_1409 = arith.constant 524288 : i32
        %add3A_1410 = vector.broadcast %add3A_1409 : i32 to vector<16xi32>
        %add3A_1411 = arith.addi %get3A_1408, %add3A_1410 : vector<16xi32>
        %swap3A_1412 = arith.index_cast %add3A_1405 : i32 to index
        %swap3A_1413 = tpu.vector_load %arg6[%swap3A_1412] {strides = array<i32>} : memref<8192xi32, #tpu.memory_space<vmem>>, vector<16xi32>,
        %swap3A_1414 = vector.shape_cast %swap3A_1413 : vector<16xi32> to vector<16xi32>
        %swap3A_1415 = vector.shape_cast %add3A_1411 : vector<16xi32> to vector<16xi32>
        tpu.vector_store %arg6[%swap3A_1412], %swap3A_1415 {strides = array<i32>} : memref<8192xi32, #tpu.memory_space<vmem>>, vector<16xi32>,
        %mul3A_1416 = arith.constant 512 : i32
        %mul3A_1417 = arith.muli %add3A_1205, %mul3A_1416 : i32
        %add3A_1418 = arith.constant 240 : i32
        %add3A_1419 = arith.addi %mul3A_1417, %add3A_1418 : i32
        %get3A_1420 = arith.index_cast %add3A_1419 : i32 to index
        %get3A_1421 = tpu.vector_load %arg6[%get3A_1420] {strides = array<i32>} : memref<8192xi32, #tpu.memory_space<vmem>>, vector<16xi32>,
        %get3A_1422 = vector.shape_cast %get3A_1421 : vector<16xi32> to vector<16xi32>
        %add3A_1423 = arith.constant 524288 : i32
        %add3A_1424 = vector.broadcast %add3A_1423 : i32 to vector<16xi32>
        %add3A_1425 = arith.addi %get3A_1422, %add3A_1424 : vector<16xi32>
        %swap3A_1426 = arith.index_cast %add3A_1419 : i32 to index
        %swap3A_1427 = tpu.vector_load %arg6[%swap3A_1426] {strides = array<i32>} : memref<8192xi32, #tpu.memory_space<vmem>>, vector<16xi32>,
        %swap3A_1428 = vector.shape_cast %swap3A_1427 : vector<16xi32> to vector<16xi32>
        %swap3A_1429 = vector.shape_cast %add3A_1425 : vector<16xi32> to vector<16xi32>
        tpu.vector_store %arg6[%swap3A_1426], %swap3A_1429 {strides = array<i32>} : memref<8192xi32, #tpu.memory_space<vmem>>, vector<16xi32>,
        %mul3A_1430 = arith.constant 512 : i32
        %mul3A_1431 = arith.muli %add3A_1205, %mul3A_1430 : i32
        %add3A_1432 = arith.constant 256 : i32
        %add3A_1433 = arith.addi %mul3A_1431, %add3A_1432 : i32
        %get3A_1434 = arith.index_cast %add3A_1433 : i32 to index
        %get3A_1435 = tpu.vector_load %arg6[%get3A_1434] {strides = array<i32>} : memref<8192xi32, #tpu.memory_space<vmem>>, vector<16xi32>,
        %get3A_1436 = vector.shape_cast %get3A_1435 : vector<16xi32> to vector<16xi32>
        %add3A_1437 = arith.constant 524288 : i32
        %add3A_1438 = vector.broadcast %add3A_1437 : i32 to vector<16xi32>
        %add3A_1439 = arith.addi %get3A_1436, %add3A_1438 : vector<16xi32>
        %swap3A_1440 = arith.index_cast %add3A_1433 : i32 to index
        %swap3A_1441 = tpu.vector_load %arg6[%swap3A_1440] {strides = array<i32>} : memref<8192xi32, #tpu.memory_space<vmem>>, vector<16xi32>,
        %swap3A_1442 = vector.shape_cast %swap3A_1441 : vector<16xi32> to vector<16xi32>
        %swap3A_1443 = vector.shape_cast %add3A_1439 : vector<16xi32> to vector<16xi32>
        tpu.vector_store %arg6[%swap3A_1440], %swap3A_1443 {strides = array<i32>} : memref<8192xi32, #tpu.memory_space<vmem>>, vector<16xi32>,
        %mul3A_1444 = arith.constant 512 : i32
        %mul3A_1445 = arith.muli %add3A_1205, %mul3A_1444 : i32
        %add3A_1446 = arith.constant 272 : i32
        %add3A_1447 = arith.addi %mul3A_1445, %add3A_1446 : i32
        %get3A_1448 = arith.index_cast %add3A_1447 : i32 to index
        %get3A_1449 = tpu.vector_load %arg6[%get3A_1448] {strides = array<i32>} : memref<8192xi32, #tpu.memory_space<vmem>>, vector<16xi32>,
        %get3A_1450 = vector.shape_cast %get3A_1449 : vector<16xi32> to vector<16xi32>
        %add3A_1451 = arith.constant 524288 : i32
        %add3A_1452 = vector.broadcast %add3A_1451 : i32 to vector<16xi32>
        %add3A_1453 = arith.addi %get3A_1450, %add3A_1452 : vector<16xi32>
        %swap3A_1454 = arith.index_cast %add3A_1447 : i32 to index
        %swap3A_1455 = tpu.vector_load %arg6[%swap3A_1454] {strides = array<i32>} : memref<8192xi32, #tpu.memory_space<vmem>>, vector<16xi32>,
        %swap3A_1456 = vector.shape_cast %swap3A_1455 : vector<16xi32> to vector<16xi32>
        %swap3A_1457 = vector.shape_cast %add3A_1453 : vector<16xi32> to vector<16xi32>
        tpu.vector_store %arg6[%swap3A_1454], %swap3A_1457 {strides = array<i32>} : memref<8192xi32, #tpu.memory_space<vmem>>, vector<16xi32>,
        %mul3A_1458 = arith.constant 512 : i32
        %mul3A_1459 = arith.muli %add3A_1205, %mul3A_1458 : i32
        %add3A_1460 = arith.constant 288 : i32
        %add3A_1461 = arith.addi %mul3A_1459, %add3A_1460 : i32
        %get3A_1462 = arith.index_cast %add3A_1461 : i32 to index
        %get3A_1463 = tpu.vector_load %arg6[%get3A_1462] {strides = array<i32>} : memref<8192xi32, #tpu.memory_space<vmem>>, vector<16xi32>,
        %get3A_1464 = vector.shape_cast %get3A_1463 : vector<16xi32> to vector<16xi32>
        %add3A_1465 = arith.constant 524288 : i32
        %add3A_1466 = vector.broadcast %add3A_1465 : i32 to vector<16xi32>
        %add3A_1467 = arith.addi %get3A_1464, %add3A_1466 : vector<16xi32>
        %swap3A_1468 = arith.index_cast %add3A_1461 : i32 to index
        %swap3A_1469 = tpu.vector_load %arg6[%swap3A_1468] {strides = array<i32>} : memref<8192xi32, #tpu.memory_space<vmem>>, vector<16xi32>,
        %swap3A_1470 = vector.shape_cast %swap3A_1469 : vector<16xi32> to vector<16xi32>
        %swap3A_1471 = vector.shape_cast %add3A_1467 : vector<16xi32> to vector<16xi32>
        tpu.vector_store %arg6[%swap3A_1468], %swap3A_1471 {strides = array<i32>} : memref<8192xi32, #tpu.memory_space<vmem>>, vector<16xi32>,
        %mul3A_1472 = arith.constant 512 : i32
        %mul3A_1473 = arith.muli %add3A_1205, %mul3A_1472 : i32
        %add3A_1474 = arith.constant 304 : i32
        %add3A_1475 = arith.addi %mul3A_1473, %add3A_1474 : i32
        %get3A_1476 = arith.index_cast %add3A_1475 : i32 to index
        %get3A_1477 = tpu.vector_load %arg6[%get3A_1476] {strides = array<i32>} : memref<8192xi32, #tpu.memory_space<vmem>>, vector<16xi32>,
        %get3A_1478 = vector.shape_cast %get3A_1477 : vector<16xi32> to vector<16xi32>
        %add3A_1479 = arith.constant 524288 : i32
        %add3A_1480 = vector.broadcast %add3A_1479 : i32 to vector<16xi32>
        %add3A_1481 = arith.addi %get3A_1478, %add3A_1480 : vector<16xi32>
        %swap3A_1482 = arith.index_cast %add3A_1475 : i32 to index
        %swap3A_1483 = tpu.vector_load %arg6[%swap3A_1482] {strides = array<i32>} : memref<8192xi32, #tpu.memory_space<vmem>>, vector<16xi32>,
        %swap3A_1484 = vector.shape_cast %swap3A_1483 : vector<16xi32> to vector<16xi32>
        %swap3A_1485 = vector.shape_cast %add3A_1481 : vector<16xi32> to vector<16xi32>
        tpu.vector_store %arg6[%swap3A_1482], %swap3A_1485 {strides = array<i32>} : memref<8192xi32, #tpu.memory_space<vmem>>, vector<16xi32>,
        %mul3A_1486 = arith.constant 512 : i32
        %mul3A_1487 = arith.muli %add3A_1205, %mul3A_1486 : i32
        %add3A_1488 = arith.constant 320 : i32
        %add3A_1489 = arith.addi %mul3A_1487, %add3A_1488 : i32
        %get3A_1490 = arith.index_cast %add3A_1489 : i32 to index
        %get3A_1491 = tpu.vector_load %arg6[%get3A_1490] {strides = array<i32>} : memref<8192xi32, #tpu.memory_space<vmem>>, vector<16xi32>,
        %get3A_1492 = vector.shape_cast %get3A_1491 : vector<16xi32> to vector<16xi32>
        %add3A_1493 = arith.constant 524288 : i32
        %add3A_1494 = vector.broadcast %add3A_1493 : i32 to vector<16xi32>
        %add3A_1495 = arith.addi %get3A_1492, %add3A_1494 : vector<16xi32>
        %swap3A_1496 = arith.index_cast %add3A_1489 : i32 to index
        %swap3A_1497 = tpu.vector_load %arg6[%swap3A_1496] {strides = array<i32>} : memref<8192xi32, #tpu.memory_space<vmem>>, vector<16xi32>,
        %swap3A_1498 = vector.shape_cast %swap3A_1497 : vector<16xi32> to vector<16xi32>
        %swap3A_1499 = vector.shape_cast %add3A_1495 : vector<16xi32> to vector<16xi32>
        tpu.vector_store %arg6[%swap3A_1496], %swap3A_1499 {strides = array<i32>} : memref<8192xi32, #tpu.memory_space<vmem>>, vector<16xi32>,
        %mul3A_1500 = arith.constant 512 : i32
        %mul3A_1501 = arith.muli %add3A_1205, %mul3A_1500 : i32
        %add3A_1502 = arith.constant 336 : i32
        %add3A_1503 = arith.addi %mul3A_1501, %add3A_1502 : i32
        %get3A_1504 = arith.index_cast %add3A_1503 : i32 to index
        %get3A_1505 = tpu.vector_load %arg6[%get3A_1504] {strides = array<i32>} : memref<8192xi32, #tpu.memory_space<vmem>>, vector<16xi32>,
        %get3A_1506 = vector.shape_cast %get3A_1505 : vector<16xi32> to vector<16xi32>
        %add3A_1507 = arith.constant 524288 : i32
        %add3A_1508 = vector.broadcast %add3A_1507 : i32 to vector<16xi32>
        %add3A_1509 = arith.addi %get3A_1506, %add3A_1508 : vector<16xi32>
        %swap3A_1510 = arith.index_cast %add3A_1503 : i32 to index
        %swap3A_1511 = tpu.vector_load %arg6[%swap3A_1510] {strides = array<i32>} : memref<8192xi32, #tpu.memory_space<vmem>>, vector<16xi32>,
        %swap3A_1512 = vector.shape_cast %swap3A_1511 : vector<16xi32> to vector<16xi32>
        %swap3A_1513 = vector.shape_cast %add3A_1509 : vector<16xi32> to vector<16xi32>
        tpu.vector_store %arg6[%swap3A_1510], %swap3A_1513 {strides = array<i32>} : memref<8192xi32, #tpu.memory_space<vmem>>, vector<16xi32>,
        %mul3A_1514 = arith.constant 512 : i32
        %mul3A_1515 = arith.muli %add3A_1205, %mul3A_1514 : i32
        %add3A_1516 = arith.constant 352 : i32
        %add3A_1517 = arith.addi %mul3A_1515, %add3A_1516 : i32
        %get3A_1518 = arith.index_cast %add3A_1517 : i32 to index
        %get3A_1519 = tpu.vector_load %arg6[%get3A_1518] {strides = array<i32>} : memref<8192xi32, #tpu.memory_space<vmem>>, vector<16xi32>,
        %get3A_1520 = vector.shape_cast %get3A_1519 : vector<16xi32> to vector<16xi32>
        %add3A_1521 = arith.constant 524288 : i32
        %add3A_1522 = vector.broadcast %add3A_1521 : i32 to vector<16xi32>
        %add3A_1523 = arith.addi %get3A_1520, %add3A_1522 : vector<16xi32>
        %swap3A_1524 = arith.index_cast %add3A_1517 : i32 to index
        %swap3A_1525 = tpu.vector_load %arg6[%swap3A_1524] {strides = array<i32>} : memref<8192xi32, #tpu.memory_space<vmem>>, vector<16xi32>,
        %swap3A_1526 = vector.shape_cast %swap3A_1525 : vector<16xi32> to vector<16xi32>
        %swap3A_1527 = vector.shape_cast %add3A_1523 : vector<16xi32> to vector<16xi32>
        tpu.vector_store %arg6[%swap3A_1524], %swap3A_1527 {strides = array<i32>} : memref<8192xi32, #tpu.memory_space<vmem>>, vector<16xi32>,
        %mul3A_1528 = arith.constant 512 : i32
        %mul3A_1529 = arith.muli %add3A_1205, %mul3A_1528 : i32
        %add3A_1530 = arith.constant 368 : i32
        %add3A_1531 = arith.addi %mul3A_1529, %add3A_1530 : i32
        %get3A_1532 = arith.index_cast %add3A_1531 : i32 to index
        %get3A_1533 = tpu.vector_load %arg6[%get3A_1532] {strides = array<i32>} : memref<8192xi32, #tpu.memory_space<vmem>>, vector<16xi32>,
        %get3A_1534 = vector.shape_cast %get3A_1533 : vector<16xi32> to vector<16xi32>
        %add3A_1535 = arith.constant 524288 : i32
        %add3A_1536 = vector.broadcast %add3A_1535 : i32 to vector<16xi32>
        %add3A_1537 = arith.addi %get3A_1534, %add3A_1536 : vector<16xi32>
        %swap3A_1538 = arith.index_cast %add3A_1531 : i32 to index
        %swap3A_1539 = tpu.vector_load %arg6[%swap3A_1538] {strides = array<i32>} : memref<8192xi32, #tpu.memory_space<vmem>>, vector<16xi32>,
        %swap3A_1540 = vector.shape_cast %swap3A_1539 : vector<16xi32> to vector<16xi32>
        %swap3A_1541 = vector.shape_cast %add3A_1537 : vector<16xi32> to vector<16xi32>
        tpu.vector_store %arg6[%swap3A_1538], %swap3A_1541 {strides = array<i32>} : memref<8192xi32, #tpu.memory_space<vmem>>, vector<16xi32>,
        %mul3A_1542 = arith.constant 512 : i32
        %mul3A_1543 = arith.muli %add3A_1205, %mul3A_1542 : i32
        %add3A_1544 = arith.constant 384 : i32
        %add3A_1545 = arith.addi %mul3A_1543, %add3A_1544 : i32
        %get3A_1546 = arith.index_cast %add3A_1545 : i32 to index
        %get3A_1547 = tpu.vector_load %arg6[%get3A_1546] {strides = array<i32>} : memref<8192xi32, #tpu.memory_space<vmem>>, vector<16xi32>,
        %get3A_1548 = vector.shape_cast %get3A_1547 : vector<16xi32> to vector<16xi32>
        %add3A_1549 = arith.constant 524288 : i32
        %add3A_1550 = vector.broadcast %add3A_1549 : i32 to vector<16xi32>
        %add3A_1551 = arith.addi %get3A_1548, %add3A_1550 : vector<16xi32>
        %swap3A_1552 = arith.index_cast %add3A_1545 : i32 to index
        %swap3A_1553 = tpu.vector_load %arg6[%swap3A_1552] {strides = array<i32>} : memref<8192xi32, #tpu.memory_space<vmem>>, vector<16xi32>,
        %swap3A_1554 = vector.shape_cast %swap3A_1553 : vector<16xi32> to vector<16xi32>
        %swap3A_1555 = vector.shape_cast %add3A_1551 : vector<16xi32> to vector<16xi32>
        tpu.vector_store %arg6[%swap3A_1552], %swap3A_1555 {strides = array<i32>} : memref<8192xi32, #tpu.memory_space<vmem>>, vector<16xi32>,
        %mul3A_1556 = arith.constant 512 : i32
        %mul3A_1557 = arith.muli %add3A_1205, %mul3A_1556 : i32
        %add3A_1558 = arith.constant 400 : i32
        %add3A_1559 = arith.addi %mul3A_1557, %add3A_1558 : i32
        %get3A_1560 = arith.index_cast %add3A_1559 : i32 to index
        %get3A_1561 = tpu.vector_load %arg6[%get3A_1560] {strides = array<i32>} : memref<8192xi32, #tpu.memory_space<vmem>>, vector<16xi32>,
        %get3A_1562 = vector.shape_cast %get3A_1561 : vector<16xi32> to vector<16xi32>
        %add3A_1563 = arith.constant 524288 : i32
        %add3A_1564 = vector.broadcast %add3A_1563 : i32 to vector<16xi32>
        %add3A_1565 = arith.addi %get3A_1562, %add3A_1564 : vector<16xi32>
        %swap3A_1566 = arith.index_cast %add3A_1559 : i32 to index
        %swap3A_1567 = tpu.vector_load %arg6[%swap3A_1566] {strides = array<i32>} : memref<8192xi32, #tpu.memory_space<vmem>>, vector<16xi32>,
        %swap3A_1568 = vector.shape_cast %swap3A_1567 : vector<16xi32> to vector<16xi32>
        %swap3A_1569 = vector.shape_cast %add3A_1565 : vector<16xi32> to vector<16xi32>
        tpu.vector_store %arg6[%swap3A_1566], %swap3A_1569 {strides = array<i32>} : memref<8192xi32, #tpu.memory_space<vmem>>, vector<16xi32>,
        %mul3A_1570 = arith.constant 512 : i32
        %mul3A_1571 = arith.muli %add3A_1205, %mul3A_1570 : i32
        %add3A_1572 = arith.constant 416 : i32
        %add3A_1573 = arith.addi %mul3A_1571, %add3A_1572 : i32
        %get3A_1574 = arith.index_cast %add3A_1573 : i32 to index
        %get3A_1575 = tpu.vector_load %arg6[%get3A_1574] {strides = array<i32>} : memref<8192xi32, #tpu.memory_space<vmem>>, vector<16xi32>,
        %get3A_1576 = vector.shape_cast %get3A_1575 : vector<16xi32> to vector<16xi32>
        %add3A_1577 = arith.constant 524288 : i32
        %add3A_1578 = vector.broadcast %add3A_1577 : i32 to vector<16xi32>
        %add3A_1579 = arith.addi %get3A_1576, %add3A_1578 : vector<16xi32>
        %swap3A_1580 = arith.index_cast %add3A_1573 : i32 to index
        %swap3A_1581 = tpu.vector_load %arg6[%swap3A_1580] {strides = array<i32>} : memref<8192xi32, #tpu.memory_space<vmem>>, vector<16xi32>,
        %swap3A_1582 = vector.shape_cast %swap3A_1581 : vector<16xi32> to vector<16xi32>
        %swap3A_1583 = vector.shape_cast %add3A_1579 : vector<16xi32> to vector<16xi32>
        tpu.vector_store %arg6[%swap3A_1580], %swap3A_1583 {strides = array<i32>} : memref<8192xi32, #tpu.memory_space<vmem>>, vector<16xi32>,
        %mul3A_1584 = arith.constant 512 : i32
        %mul3A_1585 = arith.muli %add3A_1205, %mul3A_1584 : i32
        %add3A_1586 = arith.constant 432 : i32
        %add3A_1587 = arith.addi %mul3A_1585, %add3A_1586 : i32
        %get3A_1588 = arith.index_cast %add3A_1587 : i32 to index
        %get3A_1589 = tpu.vector_load %arg6[%get3A_1588] {strides = array<i32>} : memref<8192xi32, #tpu.memory_space<vmem>>, vector<16xi32>,
        %get3A_1590 = vector.shape_cast %get3A_1589 : vector<16xi32> to vector<16xi32>
        %add3A_1591 = arith.constant 524288 : i32
        %add3A_1592 = vector.broadcast %add3A_1591 : i32 to vector<16xi32>
        %add3A_1593 = arith.addi %get3A_1590, %add3A_1592 : vector<16xi32>
        %swap3A_1594 = arith.index_cast %add3A_1587 : i32 to index
        %swap3A_1595 = tpu.vector_load %arg6[%swap3A_1594] {strides = array<i32>} : memref<8192xi32, #tpu.memory_space<vmem>>, vector<16xi32>,
        %swap3A_1596 = vector.shape_cast %swap3A_1595 : vector<16xi32> to vector<16xi32>
        %swap3A_1597 = vector.shape_cast %add3A_1593 : vector<16xi32> to vector<16xi32>
        tpu.vector_store %arg6[%swap3A_1594], %swap3A_1597 {strides = array<i32>} : memref<8192xi32, #tpu.memory_space<vmem>>, vector<16xi32>,
        %mul3A_1598 = arith.constant 512 : i32
        %mul3A_1599 = arith.muli %add3A_1205, %mul3A_1598 : i32
        %add3A_1600 = arith.constant 448 : i32
        %add3A_1601 = arith.addi %mul3A_1599, %add3A_1600 : i32
        %get3A_1602 = arith.index_cast %add3A_1601 : i32 to index
        %get3A_1603 = tpu.vector_load %arg6[%get3A_1602] {strides = array<i32>} : memref<8192xi32, #tpu.memory_space<vmem>>, vector<16xi32>,
        %get3A_1604 = vector.shape_cast %get3A_1603 : vector<16xi32> to vector<16xi32>
        %add3A_1605 = arith.constant 524288 : i32
        %add3A_1606 = vector.broadcast %add3A_1605 : i32 to vector<16xi32>
        %add3A_1607 = arith.addi %get3A_1604, %add3A_1606 : vector<16xi32>
        %swap3A_1608 = arith.index_cast %add3A_1601 : i32 to index
        %swap3A_1609 = tpu.vector_load %arg6[%swap3A_1608] {strides = array<i32>} : memref<8192xi32, #tpu.memory_space<vmem>>, vector<16xi32>,
        %swap3A_1610 = vector.shape_cast %swap3A_1609 : vector<16xi32> to vector<16xi32>
        %swap3A_1611 = vector.shape_cast %add3A_1607 : vector<16xi32> to vector<16xi32>
        tpu.vector_store %arg6[%swap3A_1608], %swap3A_1611 {strides = array<i32>} : memref<8192xi32, #tpu.memory_space<vmem>>, vector<16xi32>,
        %mul3A_1612 = arith.constant 512 : i32
        %mul3A_1613 = arith.muli %add3A_1205, %mul3A_1612 : i32
        %add3A_1614 = arith.constant 464 : i32
        %add3A_1615 = arith.addi %mul3A_1613, %add3A_1614 : i32
        %get3A_1616 = arith.index_cast %add3A_1615 : i32 to index
        %get3A_1617 = tpu.vector_load %arg6[%get3A_1616] {strides = array<i32>} : memref<8192xi32, #tpu.memory_space<vmem>>, vector<16xi32>,
        %get3A_1618 = vector.shape_cast %get3A_1617 : vector<16xi32> to vector<16xi32>
        %add3A_1619 = arith.constant 524288 : i32
        %add3A_1620 = vector.broadcast %add3A_1619 : i32 to vector<16xi32>
        %add3A_1621 = arith.addi %get3A_1618, %add3A_1620 : vector<16xi32>
        %swap3A_1622 = arith.index_cast %add3A_1615 : i32 to index
        %swap3A_1623 = tpu.vector_load %arg6[%swap3A_1622] {strides = array<i32>} : memref<8192xi32, #tpu.memory_space<vmem>>, vector<16xi32>,
        %swap3A_1624 = vector.shape_cast %swap3A_1623 : vector<16xi32> to vector<16xi32>
        %swap3A_1625 = vector.shape_cast %add3A_1621 : vector<16xi32> to vector<16xi32>
        tpu.vector_store %arg6[%swap3A_1622], %swap3A_1625 {strides = array<i32>} : memref<8192xi32, #tpu.memory_space<vmem>>, vector<16xi32>,
        %mul3A_1626 = arith.constant 512 : i32
        %mul3A_1627 = arith.muli %add3A_1205, %mul3A_1626 : i32
        %add3A_1628 = arith.constant 480 : i32
        %add3A_1629 = arith.addi %mul3A_1627, %add3A_1628 : i32
        %get3A_1630 = arith.index_cast %add3A_1629 : i32 to index
        %get3A_1631 = tpu.vector_load %arg6[%get3A_1630] {strides = array<i32>} : memref<8192xi32, #tpu.memory_space<vmem>>, vector<16xi32>,
        %get3A_1632 = vector.shape_cast %get3A_1631 : vector<16xi32> to vector<16xi32>
        %add3A_1633 = arith.constant 524288 : i32
        %add3A_1634 = vector.broadcast %add3A_1633 : i32 to vector<16xi32>
        %add3A_1635 = arith.addi %get3A_1632, %add3A_1634 : vector<16xi32>
        %swap3A_1636 = arith.index_cast %add3A_1629 : i32 to index
        %swap3A_1637 = tpu.vector_load %arg6[%swap3A_1636] {strides = array<i32>} : memref<8192xi32, #tpu.memory_space<vmem>>, vector<16xi32>,
        %swap3A_1638 = vector.shape_cast %swap3A_1637 : vector<16xi32> to vector<16xi32>
        %swap3A_1639 = vector.shape_cast %add3A_1635 : vector<16xi32> to vector<16xi32>
        tpu.vector_store %arg6[%swap3A_1636], %swap3A_1639 {strides = array<i32>} : memref<8192xi32, #tpu.memory_space<vmem>>, vector<16xi32>,
        %mul3A_1640 = arith.constant 512 : i32
        %mul3A_1641 = arith.muli %add3A_1205, %mul3A_1640 : i32
        %add3A_1642 = arith.constant 496 : i32
        %add3A_1643 = arith.addi %mul3A_1641, %add3A_1642 : i32
        %get3A_1644 = arith.index_cast %add3A_1643 : i32 to index
        %get3A_1645 = tpu.vector_load %arg6[%get3A_1644] {strides = array<i32>} : memref<8192xi32, #tpu.memory_space<vmem>>, vector<16xi32>,
        %get3A_1646 = vector.shape_cast %get3A_1645 : vector<16xi32> to vector<16xi32>
        %add3A_1647 = arith.constant 524288 : i32
        %add3A_1648 = vector.broadcast %add3A_1647 : i32 to vector<16xi32>
        %add3A_1649 = arith.addi %get3A_1646, %add3A_1648 : vector<16xi32>
        %swap3A_1650 = arith.index_cast %add3A_1643 : i32 to index
        %swap3A_1651 = tpu.vector_load %arg6[%swap3A_1650] {strides = array<i32>} : memref<8192xi32, #tpu.memory_space<vmem>>, vector<16xi32>,
        %swap3A_1652 = vector.shape_cast %swap3A_1651 : vector<16xi32> to vector<16xi32>
        %swap3A_1653 = vector.shape_cast %add3A_1649 : vector<16xi32> to vector<16xi32>
        tpu.vector_store %arg6[%swap3A_1650], %swap3A_1653 {strides = array<i32>} : memref<8192xi32, #tpu.memory_space<vmem>>, vector<16xi32>,
        %mul3A_1654 = arith.constant 8 : i32
        %mul3A_1655 = arith.muli %rem3A_299, %mul3A_1654 : i32
        %add3A_1656 = arith.constant 3 : i32
        %add3A_1657 = arith.addi %mul3A_1655, %add3A_1656 : i32
        %mul3A_1658 = arith.constant 512 : i32
        %mul3A_1659 = arith.muli %add3A_1657, %mul3A_1658 : i32
        %add3A_1660 = arith.constant 0 : i32
        %add3A_1661 = arith.addi %mul3A_1659, %add3A_1660 : i32
        %get3A_1662 = arith.index_cast %add3A_1661 : i32 to index
        %get3A_1663 = tpu.vector_load %arg6[%get3A_1662] {strides = array<i32>} : memref<8192xi32, #tpu.memory_space<vmem>>, vector<16xi32>,
        %get3A_1664 = vector.shape_cast %get3A_1663 : vector<16xi32> to vector<16xi32>
        %add3A_1665 = arith.constant 524288 : i32
        %add3A_1666 = vector.broadcast %add3A_1665 : i32 to vector<16xi32>
        %add3A_1667 = arith.addi %get3A_1664, %add3A_1666 : vector<16xi32>
        %swap3A_1668 = arith.index_cast %add3A_1661 : i32 to index
        %swap3A_1669 = tpu.vector_load %arg6[%swap3A_1668] {strides = array<i32>} : memref<8192xi32, #tpu.memory_space<vmem>>, vector<16xi32>,
        %swap3A_1670 = vector.shape_cast %swap3A_1669 : vector<16xi32> to vector<16xi32>
        %swap3A_1671 = vector.shape_cast %add3A_1667 : vector<16xi32> to vector<16xi32>
        tpu.vector_store %arg6[%swap3A_1668], %swap3A_1671 {strides = array<i32>} : memref<8192xi32, #tpu.memory_space<vmem>>, vector<16xi32>,
        %mul3A_1672 = arith.constant 512 : i32
        %mul3A_1673 = arith.muli %add3A_1657, %mul3A_1672 : i32
        %add3A_1674 = arith.constant 16 : i32
        %add3A_1675 = arith.addi %mul3A_1673, %add3A_1674 : i32
        %get3A_1676 = arith.index_cast %add3A_1675 : i32 to index
        %get3A_1677 = tpu.vector_load %arg6[%get3A_1676] {strides = array<i32>} : memref<8192xi32, #tpu.memory_space<vmem>>, vector<16xi32>,
        %get3A_1678 = vector.shape_cast %get3A_1677 : vector<16xi32> to vector<16xi32>
        %add3A_1679 = arith.constant 524288 : i32
        %add3A_1680 = vector.broadcast %add3A_1679 : i32 to vector<16xi32>
        %add3A_1681 = arith.addi %get3A_1678, %add3A_1680 : vector<16xi32>
        %swap3A_1682 = arith.index_cast %add3A_1675 : i32 to index
        %swap3A_1683 = tpu.vector_load %arg6[%swap3A_1682] {strides = array<i32>} : memref<8192xi32, #tpu.memory_space<vmem>>, vector<16xi32>,
        %swap3A_1684 = vector.shape_cast %swap3A_1683 : vector<16xi32> to vector<16xi32>
        %swap3A_1685 = vector.shape_cast %add3A_1681 : vector<16xi32> to vector<16xi32>
        tpu.vector_store %arg6[%swap3A_1682], %swap3A_1685 {strides = array<i32>} : memref<8192xi32, #tpu.memory_space<vmem>>, vector<16xi32>,
        %mul3A_1686 = arith.constant 512 : i32
        %mul3A_1687 = arith.muli %add3A_1657, %mul3A_1686 : i32
        %add3A_1688 = arith.constant 32 : i32
        %add3A_1689 = arith.addi %mul3A_1687, %add3A_1688 : i32
        %get3A_1690 = arith.index_cast %add3A_1689 : i32 to index
        %get3A_1691 = tpu.vector_load %arg6[%get3A_1690] {strides = array<i32>} : memref<8192xi32, #tpu.memory_space<vmem>>, vector<16xi32>,
        %get3A_1692 = vector.shape_cast %get3A_1691 : vector<16xi32> to vector<16xi32>
        %add3A_1693 = arith.constant 524288 : i32
        %add3A_1694 = vector.broadcast %add3A_1693 : i32 to vector<16xi32>
        %add3A_1695 = arith.addi %get3A_1692, %add3A_1694 : vector<16xi32>
        %swap3A_1696 = arith.index_cast %add3A_1689 : i32 to index
        %swap3A_1697 = tpu.vector_load %arg6[%swap3A_1696] {strides = array<i32>} : memref<8192xi32, #tpu.memory_space<vmem>>, vector<16xi32>,
        %swap3A_1698 = vector.shape_cast %swap3A_1697 : vector<16xi32> to vector<16xi32>
        %swap3A_1699 = vector.shape_cast %add3A_1695 : vector<16xi32> to vector<16xi32>
        tpu.vector_store %arg6[%swap3A_1696], %swap3A_1699 {strides = array<i32>} : memref<8192xi32, #tpu.memory_space<vmem>>, vector<16xi32>,
        %mul3A_1700 = arith.constant 512 : i32
        %mul3A_1701 = arith.muli %add3A_1657, %mul3A_1700 : i32
        %add3A_1702 = arith.constant 48 : i32
        %add3A_1703 = arith.addi %mul3A_1701, %add3A_1702 : i32
        %get3A_1704 = arith.index_cast %add3A_1703 : i32 to index
        %get3A_1705 = tpu.vector_load %arg6[%get3A_1704] {strides = array<i32>} : memref<8192xi32, #tpu.memory_space<vmem>>, vector<16xi32>,
        %get3A_1706 = vector.shape_cast %get3A_1705 : vector<16xi32> to vector<16xi32>
        %add3A_1707 = arith.constant 524288 : i32
        %add3A_1708 = vector.broadcast %add3A_1707 : i32 to vector<16xi32>
        %add3A_1709 = arith.addi %get3A_1706, %add3A_1708 : vector<16xi32>
        %swap3A_1710 = arith.index_cast %add3A_1703 : i32 to index
        %swap3A_1711 = tpu.vector_load %arg6[%swap3A_1710] {strides = array<i32>} : memref<8192xi32, #tpu.memory_space<vmem>>, vector<16xi32>,
        %swap3A_1712 = vector.shape_cast %swap3A_1711 : vector<16xi32> to vector<16xi32>
        %swap3A_1713 = vector.shape_cast %add3A_1709 : vector<16xi32> to vector<16xi32>
        tpu.vector_store %arg6[%swap3A_1710], %swap3A_1713 {strides = array<i32>} : memref<8192xi32, #tpu.memory_space<vmem>>, vector<16xi32>,
        %mul3A_1714 = arith.constant 512 : i32
        %mul3A_1715 = arith.muli %add3A_1657, %mul3A_1714 : i32
        %add3A_1716 = arith.constant 64 : i32
        %add3A_1717 = arith.addi %mul3A_1715, %add3A_1716 : i32
        %get3A_1718 = arith.index_cast %add3A_1717 : i32 to index
        %get3A_1719 = tpu.vector_load %arg6[%get3A_1718] {strides = array<i32>} : memref<8192xi32, #tpu.memory_space<vmem>>, vector<16xi32>,
        %get3A_1720 = vector.shape_cast %get3A_1719 : vector<16xi32> to vector<16xi32>
        %add3A_1721 = arith.constant 524288 : i32
        %add3A_1722 = vector.broadcast %add3A_1721 : i32 to vector<16xi32>
        %add3A_1723 = arith.addi %get3A_1720, %add3A_1722 : vector<16xi32>
        %swap3A_1724 = arith.index_cast %add3A_1717 : i32 to index
        %swap3A_1725 = tpu.vector_load %arg6[%swap3A_1724] {strides = array<i32>} : memref<8192xi32, #tpu.memory_space<vmem>>, vector<16xi32>,
        %swap3A_1726 = vector.shape_cast %swap3A_1725 : vector<16xi32> to vector<16xi32>
        %swap3A_1727 = vector.shape_cast %add3A_1723 : vector<16xi32> to vector<16xi32>
        tpu.vector_store %arg6[%swap3A_1724], %swap3A_1727 {strides = array<i32>} : memref<8192xi32, #tpu.memory_space<vmem>>, vector<16xi32>,
        %mul3A_1728 = arith.constant 512 : i32
        %mul3A_1729 = arith.muli %add3A_1657, %mul3A_1728 : i32
        %add3A_1730 = arith.constant 80 : i32
        %add3A_1731 = arith.addi %mul3A_1729, %add3A_1730 : i32
        %get3A_1732 = arith.index_cast %add3A_1731 : i32 to index
        %get3A_1733 = tpu.vector_load %arg6[%get3A_1732] {strides = array<i32>} : memref<8192xi32, #tpu.memory_space<vmem>>, vector<16xi32>,
        %get3A_1734 = vector.shape_cast %get3A_1733 : vector<16xi32> to vector<16xi32>
        %add3A_1735 = arith.constant 524288 : i32
        %add3A_1736 = vector.broadcast %add3A_1735 : i32 to vector<16xi32>
        %add3A_1737 = arith.addi %get3A_1734, %add3A_1736 : vector<16xi32>
        %swap3A_1738 = arith.index_cast %add3A_1731 : i32 to index
        %swap3A_1739 = tpu.vector_load %arg6[%swap3A_1738] {strides = array<i32>} : memref<8192xi32, #tpu.memory_space<vmem>>, vector<16xi32>,
        %swap3A_1740 = vector.shape_cast %swap3A_1739 : vector<16xi32> to vector<16xi32>
        %swap3A_1741 = vector.shape_cast %add3A_1737 : vector<16xi32> to vector<16xi32>
        tpu.vector_store %arg6[%swap3A_1738], %swap3A_1741 {strides = array<i32>} : memref<8192xi32, #tpu.memory_space<vmem>>, vector<16xi32>,
        %mul3A_1742 = arith.constant 512 : i32
        %mul3A_1743 = arith.muli %add3A_1657, %mul3A_1742 : i32
        %add3A_1744 = arith.constant 96 : i32
        %add3A_1745 = arith.addi %mul3A_1743, %add3A_1744 : i32
        %get3A_1746 = arith.index_cast %add3A_1745 : i32 to index
        %get3A_1747 = tpu.vector_load %arg6[%get3A_1746] {strides = array<i32>} : memref<8192xi32, #tpu.memory_space<vmem>>, vector<16xi32>,
        %get3A_1748 = vector.shape_cast %get3A_1747 : vector<16xi32> to vector<16xi32>
        %add3A_1749 = arith.constant 524288 : i32
        %add3A_1750 = vector.broadcast %add3A_1749 : i32 to vector<16xi32>
        %add3A_1751 = arith.addi %get3A_1748, %add3A_1750 : vector<16xi32>
        %swap3A_1752 = arith.index_cast %add3A_1745 : i32 to index
        %swap3A_1753 = tpu.vector_load %arg6[%swap3A_1752] {strides = array<i32>} : memref<8192xi32, #tpu.memory_space<vmem>>, vector<16xi32>,
        %swap3A_1754 = vector.shape_cast %swap3A_1753 : vector<16xi32> to vector<16xi32>
        %swap3A_1755 = vector.shape_cast %add3A_1751 : vector<16xi32> to vector<16xi32>
        tpu.vector_store %arg6[%swap3A_1752], %swap3A_1755 {strides = array<i32>} : memref<8192xi32, #tpu.memory_space<vmem>>, vector<16xi32>,
        %mul3A_1756 = arith.constant 512 : i32
        %mul3A_1757 = arith.muli %add3A_1657, %mul3A_1756 : i32
        %add3A_1758 = arith.constant 112 : i32
        %add3A_1759 = arith.addi %mul3A_1757, %add3A_1758 : i32
        %get3A_1760 = arith.index_cast %add3A_1759 : i32 to index
        %get3A_1761 = tpu.vector_load %arg6[%get3A_1760] {strides = array<i32>} : memref<8192xi32, #tpu.memory_space<vmem>>, vector<16xi32>,
        %get3A_1762 = vector.shape_cast %get3A_1761 : vector<16xi32> to vector<16xi32>
        %add3A_1763 = arith.constant 524288 : i32
        %add3A_1764 = vector.broadcast %add3A_1763 : i32 to vector<16xi32>
        %add3A_1765 = arith.addi %get3A_1762, %add3A_1764 : vector<16xi32>
        %swap3A_1766 = arith.index_cast %add3A_1759 : i32 to index
        %swap3A_1767 = tpu.vector_load %arg6[%swap3A_1766] {strides = array<i32>} : memref<8192xi32, #tpu.memory_space<vmem>>, vector<16xi32>,
        %swap3A_1768 = vector.shape_cast %swap3A_1767 : vector<16xi32> to vector<16xi32>
        %swap3A_1769 = vector.shape_cast %add3A_1765 : vector<16xi32> to vector<16xi32>
        tpu.vector_store %arg6[%swap3A_1766], %swap3A_1769 {strides = array<i32>} : memref<8192xi32, #tpu.memory_space<vmem>>, vector<16xi32>,
        %mul3A_1770 = arith.constant 512 : i32
        %mul3A_1771 = arith.muli %add3A_1657, %mul3A_1770 : i32
        %add3A_1772 = arith.constant 128 : i32
        %add3A_1773 = arith.addi %mul3A_1771, %add3A_1772 : i32
        %get3A_1774 = arith.index_cast %add3A_1773 : i32 to index
        %get3A_1775 = tpu.vector_load %arg6[%get3A_1774] {strides = array<i32>} : memref<8192xi32, #tpu.memory_space<vmem>>, vector<16xi32>,
        %get3A_1776 = vector.shape_cast %get3A_1775 : vector<16xi32> to vector<16xi32>
        %add3A_1777 = arith.constant 524288 : i32
        %add3A_1778 = vector.broadcast %add3A_1777 : i32 to vector<16xi32>
        %add3A_1779 = arith.addi %get3A_1776, %add3A_1778 : vector<16xi32>
        %swap3A_1780 = arith.index_cast %add3A_1773 : i32 to index
        %swap3A_1781 = tpu.vector_load %arg6[%swap3A_1780] {strides = array<i32>} : memref<8192xi32, #tpu.memory_space<vmem>>, vector<16xi32>,
        %swap3A_1782 = vector.shape_cast %swap3A_1781 : vector<16xi32> to vector<16xi32>
        %swap3A_1783 = vector.shape_cast %add3A_1779 : vector<16xi32> to vector<16xi32>
        tpu.vector_store %arg6[%swap3A_1780], %swap3A_1783 {strides = array<i32>} : memref<8192xi32, #tpu.memory_space<vmem>>, vector<16xi32>,
        %mul3A_1784 = arith.constant 512 : i32
        %mul3A_1785 = arith.muli %add3A_1657, %mul3A_1784 : i32
        %add3A_1786 = arith.constant 144 : i32
        %add3A_1787 = arith.addi %mul3A_1785, %add3A_1786 : i32
        %get3A_1788 = arith.index_cast %add3A_1787 : i32 to index
        %get3A_1789 = tpu.vector_load %arg6[%get3A_1788] {strides = array<i32>} : memref<8192xi32, #tpu.memory_space<vmem>>, vector<16xi32>,
        %get3A_1790 = vector.shape_cast %get3A_1789 : vector<16xi32> to vector<16xi32>
        %add3A_1791 = arith.constant 524288 : i32
        %add3A_1792 = vector.broadcast %add3A_1791 : i32 to vector<16xi32>
        %add3A_1793 = arith.addi %get3A_1790, %add3A_1792 : vector<16xi32>
        %swap3A_1794 = arith.index_cast %add3A_1787 : i32 to index
        %swap3A_1795 = tpu.vector_load %arg6[%swap3A_1794] {strides = array<i32>} : memref<8192xi32, #tpu.memory_space<vmem>>, vector<16xi32>,
        %swap3A_1796 = vector.shape_cast %swap3A_1795 : vector<16xi32> to vector<16xi32>
        %swap3A_1797 = vector.shape_cast %add3A_1793 : vector<16xi32> to vector<16xi32>
        tpu.vector_store %arg6[%swap3A_1794], %swap3A_1797 {strides = array<i32>} : memref<8192xi32, #tpu.memory_space<vmem>>, vector<16xi32>,
        %mul3A_1798 = arith.constant 512 : i32
        %mul3A_1799 = arith.muli %add3A_1657, %mul3A_1798 : i32
        %add3A_1800 = arith.constant 160 : i32
        %add3A_1801 = arith.addi %mul3A_1799, %add3A_1800 : i32
        %get3A_1802 = arith.index_cast %add3A_1801 : i32 to index
        %get3A_1803 = tpu.vector_load %arg6[%get3A_1802] {strides = array<i32>} : memref<8192xi32, #tpu.memory_space<vmem>>, vector<16xi32>,
        %get3A_1804 = vector.shape_cast %get3A_1803 : vector<16xi32> to vector<16xi32>
        %add3A_1805 = arith.constant 524288 : i32
        %add3A_1806 = vector.broadcast %add3A_1805 : i32 to vector<16xi32>
        %add3A_1807 = arith.addi %get3A_1804, %add3A_1806 : vector<16xi32>
        %swap3A_1808 = arith.index_cast %add3A_1801 : i32 to index
        %swap3A_1809 = tpu.vector_load %arg6[%swap3A_1808] {strides = array<i32>} : memref<8192xi32, #tpu.memory_space<vmem>>, vector<16xi32>,
        %swap3A_1810 = vector.shape_cast %swap3A_1809 : vector<16xi32> to vector<16xi32>
        %swap3A_1811 = vector.shape_cast %add3A_1807 : vector<16xi32> to vector<16xi32>
        tpu.vector_store %arg6[%swap3A_1808], %swap3A_1811 {strides = array<i32>} : memref<8192xi32, #tpu.memory_space<vmem>>, vector<16xi32>,
        %mul3A_1812 = arith.constant 512 : i32
        %mul3A_1813 = arith.muli %add3A_1657, %mul3A_1812 : i32
        %add3A_1814 = arith.constant 176 : i32
        %add3A_1815 = arith.addi %mul3A_1813, %add3A_1814 : i32
        %get3A_1816 = arith.index_cast %add3A_1815 : i32 to index
        %get3A_1817 = tpu.vector_load %arg6[%get3A_1816] {strides = array<i32>} : memref<8192xi32, #tpu.memory_space<vmem>>, vector<16xi32>,
        %get3A_1818 = vector.shape_cast %get3A_1817 : vector<16xi32> to vector<16xi32>
        %add3A_1819 = arith.constant 524288 : i32
        %add3A_1820 = vector.broadcast %add3A_1819 : i32 to vector<16xi32>
        %add3A_1821 = arith.addi %get3A_1818, %add3A_1820 : vector<16xi32>
        %swap3A_1822 = arith.index_cast %add3A_1815 : i32 to index
        %swap3A_1823 = tpu.vector_load %arg6[%swap3A_1822] {strides = array<i32>} : memref<8192xi32, #tpu.memory_space<vmem>>, vector<16xi32>,
        %swap3A_1824 = vector.shape_cast %swap3A_1823 : vector<16xi32> to vector<16xi32>
        %swap3A_1825 = vector.shape_cast %add3A_1821 : vector<16xi32> to vector<16xi32>
        tpu.vector_store %arg6[%swap3A_1822], %swap3A_1825 {strides = array<i32>} : memref<8192xi32, #tpu.memory_space<vmem>>, vector<16xi32>,
        %mul3A_1826 = arith.constant 512 : i32
        %mul3A_1827 = arith.muli %add3A_1657, %mul3A_1826 : i32
        %add3A_1828 = arith.constant 192 : i32
        %add3A_1829 = arith.addi %mul3A_1827, %add3A_1828 : i32
        %get3A_1830 = arith.index_cast %add3A_1829 : i32 to index
        %get3A_1831 = tpu.vector_load %arg6[%get3A_1830] {strides = array<i32>} : memref<8192xi32, #tpu.memory_space<vmem>>, vector<16xi32>,
        %get3A_1832 = vector.shape_cast %get3A_1831 : vector<16xi32> to vector<16xi32>
        %add3A_1833 = arith.constant 524288 : i32
        %add3A_1834 = vector.broadcast %add3A_1833 : i32 to vector<16xi32>
        %add3A_1835 = arith.addi %get3A_1832, %add3A_1834 : vector<16xi32>
        %swap3A_1836 = arith.index_cast %add3A_1829 : i32 to index
        %swap3A_1837 = tpu.vector_load %arg6[%swap3A_1836] {strides = array<i32>} : memref<8192xi32, #tpu.memory_space<vmem>>, vector<16xi32>,
        %swap3A_1838 = vector.shape_cast %swap3A_1837 : vector<16xi32> to vector<16xi32>
        %swap3A_1839 = vector.shape_cast %add3A_1835 : vector<16xi32> to vector<16xi32>
        tpu.vector_store %arg6[%swap3A_1836], %swap3A_1839 {strides = array<i32>} : memref<8192xi32, #tpu.memory_space<vmem>>, vector<16xi32>,
        %mul3A_1840 = arith.constant 512 : i32
        %mul3A_1841 = arith.muli %add3A_1657, %mul3A_1840 : i32
        %add3A_1842 = arith.constant 208 : i32
        %add3A_1843 = arith.addi %mul3A_1841, %add3A_1842 : i32
        %get3A_1844 = arith.index_cast %add3A_1843 : i32 to index
        %get3A_1845 = tpu.vector_load %arg6[%get3A_1844] {strides = array<i32>} : memref<8192xi32, #tpu.memory_space<vmem>>, vector<16xi32>,
        %get3A_1846 = vector.shape_cast %get3A_1845 : vector<16xi32> to vector<16xi32>
        %add3A_1847 = arith.constant 524288 : i32
        %add3A_1848 = vector.broadcast %add3A_1847 : i32 to vector<16xi32>
        %add3A_1849 = arith.addi %get3A_1846, %add3A_1848 : vector<16xi32>
        %swap3A_1850 = arith.index_cast %add3A_1843 : i32 to index
        %swap3A_1851 = tpu.vector_load %arg6[%swap3A_1850] {strides = array<i32>} : memref<8192xi32, #tpu.memory_space<vmem>>, vector<16xi32>,
        %swap3A_1852 = vector.shape_cast %swap3A_1851 : vector<16xi32> to vector<16xi32>
        %swap3A_1853 = vector.shape_cast %add3A_1849 : vector<16xi32> to vector<16xi32>
        tpu.vector_store %arg6[%swap3A_1850], %swap3A_1853 {strides = array<i32>} : memref<8192xi32, #tpu.memory_space<vmem>>, vector<16xi32>,
        %mul3A_1854 = arith.constant 512 : i32
        %mul3A_1855 = arith.muli %add3A_1657, %mul3A_1854 : i32
        %add3A_1856 = arith.constant 224 : i32
        %add3A_1857 = arith.addi %mul3A_1855, %add3A_1856 : i32
        %get3A_1858 = arith.index_cast %add3A_1857 : i32 to index
        %get3A_1859 = tpu.vector_load %arg6[%get3A_1858] {strides = array<i32>} : memref<8192xi32, #tpu.memory_space<vmem>>, vector<16xi32>,
        %get3A_1860 = vector.shape_cast %get3A_1859 : vector<16xi32> to vector<16xi32>
        %add3A_1861 = arith.constant 524288 : i32
        %add3A_1862 = vector.broadcast %add3A_1861 : i32 to vector<16xi32>
        %add3A_1863 = arith.addi %get3A_1860, %add3A_1862 : vector<16xi32>
        %swap3A_1864 = arith.index_cast %add3A_1857 : i32 to index
        %swap3A_1865 = tpu.vector_load %arg6[%swap3A_1864] {strides = array<i32>} : memref<8192xi32, #tpu.memory_space<vmem>>, vector<16xi32>,
        %swap3A_1866 = vector.shape_cast %swap3A_1865 : vector<16xi32> to vector<16xi32>
        %swap3A_1867 = vector.shape_cast %add3A_1863 : vector<16xi32> to vector<16xi32>
        tpu.vector_store %arg6[%swap3A_1864], %swap3A_1867 {strides = array<i32>} : memref<8192xi32, #tpu.memory_space<vmem>>, vector<16xi32>,
        %mul3A_1868 = arith.constant 512 : i32
        %mul3A_1869 = arith.muli %add3A_1657, %mul3A_1868 : i32
        %add3A_1870 = arith.constant 240 : i32
        %add3A_1871 = arith.addi %mul3A_1869, %add3A_1870 : i32
        %get3A_1872 = arith.index_cast %add3A_1871 : i32 to index
        %get3A_1873 = tpu.vector_load %arg6[%get3A_1872] {strides = array<i32>} : memref<8192xi32, #tpu.memory_space<vmem>>, vector<16xi32>,
        %get3A_1874 = vector.shape_cast %get3A_1873 : vector<16xi32> to vector<16xi32>
        %add3A_1875 = arith.constant 524288 : i32
        %add3A_1876 = vector.broadcast %add3A_1875 : i32 to vector<16xi32>
        %add3A_1877 = arith.addi %get3A_1874, %add3A_1876 : vector<16xi32>
        %swap3A_1878 = arith.index_cast %add3A_1871 : i32 to index
        %swap3A_1879 = tpu.vector_load %arg6[%swap3A_1878] {strides = array<i32>} : memref<8192xi32, #tpu.memory_space<vmem>>, vector<16xi32>,
        %swap3A_1880 = vector.shape_cast %swap3A_1879 : vector<16xi32> to vector<16xi32>
        %swap3A_1881 = vector.shape_cast %add3A_1877 : vector<16xi32> to vector<16xi32>
        tpu.vector_store %arg6[%swap3A_1878], %swap3A_1881 {strides = array<i32>} : memref<8192xi32, #tpu.memory_space<vmem>>, vector<16xi32>,
        %mul3A_1882 = arith.constant 512 : i32
        %mul3A_1883 = arith.muli %add3A_1657, %mul3A_1882 : i32
        %add3A_1884 = arith.constant 256 : i32
        %add3A_1885 = arith.addi %mul3A_1883, %add3A_1884 : i32
        %get3A_1886 = arith.index_cast %add3A_1885 : i32 to index
        %get3A_1887 = tpu.vector_load %arg6[%get3A_1886] {strides = array<i32>} : memref<8192xi32, #tpu.memory_space<vmem>>, vector<16xi32>,
        %get3A_1888 = vector.shape_cast %get3A_1887 : vector<16xi32> to vector<16xi32>
        %add3A_1889 = arith.constant 524288 : i32
        %add3A_1890 = vector.broadcast %add3A_1889 : i32 to vector<16xi32>
        %add3A_1891 = arith.addi %get3A_1888, %add3A_1890 : vector<16xi32>
        %swap3A_1892 = arith.index_cast %add3A_1885 : i32 to index
        %swap3A_1893 = tpu.vector_load %arg6[%swap3A_1892] {strides = array<i32>} : memref<8192xi32, #tpu.memory_space<vmem>>, vector<16xi32>,
        %swap3A_1894 = vector.shape_cast %swap3A_1893 : vector<16xi32> to vector<16xi32>
        %swap3A_1895 = vector.shape_cast %add3A_1891 : vector<16xi32> to vector<16xi32>
        tpu.vector_store %arg6[%swap3A_1892], %swap3A_1895 {strides = array<i32>} : memref<8192xi32, #tpu.memory_space<vmem>>, vector<16xi32>,
        %mul3A_1896 = arith.constant 512 : i32
        %mul3A_1897 = arith.muli %add3A_1657, %mul3A_1896 : i32
        %add3A_1898 = arith.constant 272 : i32
        %add3A_1899 = arith.addi %mul3A_1897, %add3A_1898 : i32
        %get3A_1900 = arith.index_cast %add3A_1899 : i32 to index
        %get3A_1901 = tpu.vector_load %arg6[%get3A_1900] {strides = array<i32>} : memref<8192xi32, #tpu.memory_space<vmem>>, vector<16xi32>,
        %get3A_1902 = vector.shape_cast %get3A_1901 : vector<16xi32> to vector<16xi32>
        %add3A_1903 = arith.constant 524288 : i32
        %add3A_1904 = vector.broadcast %add3A_1903 : i32 to vector<16xi32>
        %add3A_1905 = arith.addi %get3A_1902, %add3A_1904 : vector<16xi32>
        %swap3A_1906 = arith.index_cast %add3A_1899 : i32 to index
        %swap3A_1907 = tpu.vector_load %arg6[%swap3A_1906] {strides = array<i32>} : memref<8192xi32, #tpu.memory_space<vmem>>, vector<16xi32>,
        %swap3A_1908 = vector.shape_cast %swap3A_1907 : vector<16xi32> to vector<16xi32>
        %swap3A_1909 = vector.shape_cast %add3A_1905 : vector<16xi32> to vector<16xi32>
        tpu.vector_store %arg6[%swap3A_1906], %swap3A_1909 {strides = array<i32>} : memref<8192xi32, #tpu.memory_space<vmem>>, vector<16xi32>,
        %mul3A_1910 = arith.constant 512 : i32
        %mul3A_1911 = arith.muli %add3A_1657, %mul3A_1910 : i32
        %add3A_1912 = arith.constant 288 : i32
        %add3A_1913 = arith.addi %mul3A_1911, %add3A_1912 : i32
        %get3A_1914 = arith.index_cast %add3A_1913 : i32 to index
        %get3A_1915 = tpu.vector_load %arg6[%get3A_1914] {strides = array<i32>} : memref<8192xi32, #tpu.memory_space<vmem>>, vector<16xi32>,
        %get3A_1916 = vector.shape_cast %get3A_1915 : vector<16xi32> to vector<16xi32>
        %add3A_1917 = arith.constant 524288 : i32
        %add3A_1918 = vector.broadcast %add3A_1917 : i32 to vector<16xi32>
        %add3A_1919 = arith.addi %get3A_1916, %add3A_1918 : vector<16xi32>
        %swap3A_1920 = arith.index_cast %add3A_1913 : i32 to index
        %swap3A_1921 = tpu.vector_load %arg6[%swap3A_1920] {strides = array<i32>} : memref<8192xi32, #tpu.memory_space<vmem>>, vector<16xi32>,
        %swap3A_1922 = vector.shape_cast %swap3A_1921 : vector<16xi32> to vector<16xi32>
        %swap3A_1923 = vector.shape_cast %add3A_1919 : vector<16xi32> to vector<16xi32>
        tpu.vector_store %arg6[%swap3A_1920], %swap3A_1923 {strides = array<i32>} : memref<8192xi32, #tpu.memory_space<vmem>>, vector<16xi32>,
        %mul3A_1924 = arith.constant 512 : i32
        %mul3A_1925 = arith.muli %add3A_1657, %mul3A_1924 : i32
        %add3A_1926 = arith.constant 304 : i32
        %add3A_1927 = arith.addi %mul3A_1925, %add3A_1926 : i32
        %get3A_1928 = arith.index_cast %add3A_1927 : i32 to index
        %get3A_1929 = tpu.vector_load %arg6[%get3A_1928] {strides = array<i32>} : memref<8192xi32, #tpu.memory_space<vmem>>, vector<16xi32>,
        %get3A_1930 = vector.shape_cast %get3A_1929 : vector<16xi32> to vector<16xi32>
        %add3A_1931 = arith.constant 524288 : i32
        %add3A_1932 = vector.broadcast %add3A_1931 : i32 to vector<16xi32>
        %add3A_1933 = arith.addi %get3A_1930, %add3A_1932 : vector<16xi32>
        %swap3A_1934 = arith.index_cast %add3A_1927 : i32 to index
        %swap3A_1935 = tpu.vector_load %arg6[%swap3A_1934] {strides = array<i32>} : memref<8192xi32, #tpu.memory_space<vmem>>, vector<16xi32>,
        %swap3A_1936 = vector.shape_cast %swap3A_1935 : vector<16xi32> to vector<16xi32>
        %swap3A_1937 = vector.shape_cast %add3A_1933 : vector<16xi32> to vector<16xi32>
        tpu.vector_store %arg6[%swap3A_1934], %swap3A_1937 {strides = array<i32>} : memref<8192xi32, #tpu.memory_space<vmem>>, vector<16xi32>,
        %mul3A_1938 = arith.constant 512 : i32
        %mul3A_1939 = arith.muli %add3A_1657, %mul3A_1938 : i32
        %add3A_1940 = arith.constant 320 : i32
        %add3A_1941 = arith.addi %mul3A_1939, %add3A_1940 : i32
        %get3A_1942 = arith.index_cast %add3A_1941 : i32 to index
        %get3A_1943 = tpu.vector_load %arg6[%get3A_1942] {strides = array<i32>} : memref<8192xi32, #tpu.memory_space<vmem>>, vector<16xi32>,
        %get3A_1944 = vector.shape_cast %get3A_1943 : vector<16xi32> to vector<16xi32>
        %add3A_1945 = arith.constant 524288 : i32
        %add3A_1946 = vector.broadcast %add3A_1945 : i32 to vector<16xi32>
        %add3A_1947 = arith.addi %get3A_1944, %add3A_1946 : vector<16xi32>
        %swap3A_1948 = arith.index_cast %add3A_1941 : i32 to index
        %swap3A_1949 = tpu.vector_load %arg6[%swap3A_1948] {strides = array<i32>} : memref<8192xi32, #tpu.memory_space<vmem>>, vector<16xi32>,
        %swap3A_1950 = vector.shape_cast %swap3A_1949 : vector<16xi32> to vector<16xi32>
        %swap3A_1951 = vector.shape_cast %add3A_1947 : vector<16xi32> to vector<16xi32>
        tpu.vector_store %arg6[%swap3A_1948], %swap3A_1951 {strides = array<i32>} : memref<8192xi32, #tpu.memory_space<vmem>>, vector<16xi32>,
        %mul3A_1952 = arith.constant 512 : i32
        %mul3A_1953 = arith.muli %add3A_1657, %mul3A_1952 : i32
        %add3A_1954 = arith.constant 336 : i32
        %add3A_1955 = arith.addi %mul3A_1953, %add3A_1954 : i32
        %get3A_1956 = arith.index_cast %add3A_1955 : i32 to index
        %get3A_1957 = tpu.vector_load %arg6[%get3A_1956] {strides = array<i32>} : memref<8192xi32, #tpu.memory_space<vmem>>, vector<16xi32>,
        %get3A_1958 = vector.shape_cast %get3A_1957 : vector<16xi32> to vector<16xi32>
        %add3A_1959 = arith.constant 524288 : i32
        %add3A_1960 = vector.broadcast %add3A_1959 : i32 to vector<16xi32>
        %add3A_1961 = arith.addi %get3A_1958, %add3A_1960 : vector<16xi32>
        %swap3A_1962 = arith.index_cast %add3A_1955 : i32 to index
        %swap3A_1963 = tpu.vector_load %arg6[%swap3A_1962] {strides = array<i32>} : memref<8192xi32, #tpu.memory_space<vmem>>, vector<16xi32>,
        %swap3A_1964 = vector.shape_cast %swap3A_1963 : vector<16xi32> to vector<16xi32>
        %swap3A_1965 = vector.shape_cast %add3A_1961 : vector<16xi32> to vector<16xi32>
        tpu.vector_store %arg6[%swap3A_1962], %swap3A_1965 {strides = array<i32>} : memref<8192xi32, #tpu.memory_space<vmem>>, vector<16xi32>,
        %mul3A_1966 = arith.constant 512 : i32
        %mul3A_1967 = arith.muli %add3A_1657, %mul3A_1966 : i32
        %add3A_1968 = arith.constant 352 : i32
        %add3A_1969 = arith.addi %mul3A_1967, %add3A_1968 : i32
        %get3A_1970 = arith.index_cast %add3A_1969 : i32 to index
        %get3A_1971 = tpu.vector_load %arg6[%get3A_1970] {strides = array<i32>} : memref<8192xi32, #tpu.memory_space<vmem>>, vector<16xi32>,
        %get3A_1972 = vector.shape_cast %get3A_1971 : vector<16xi32> to vector<16xi32>
        %add3A_1973 = arith.constant 524288 : i32
        %add3A_1974 = vector.broadcast %add3A_1973 : i32 to vector<16xi32>
        %add3A_1975 = arith.addi %get3A_1972, %add3A_1974 : vector<16xi32>
        %swap3A_1976 = arith.index_cast %add3A_1969 : i32 to index
        %swap3A_1977 = tpu.vector_load %arg6[%swap3A_1976] {strides = array<i32>} : memref<8192xi32, #tpu.memory_space<vmem>>, vector<16xi32>,
        %swap3A_1978 = vector.shape_cast %swap3A_1977 : vector<16xi32> to vector<16xi32>
        %swap3A_1979 = vector.shape_cast %add3A_1975 : vector<16xi32> to vector<16xi32>
        tpu.vector_store %arg6[%swap3A_1976], %swap3A_1979 {strides = array<i32>} : memref<8192xi32, #tpu.memory_space<vmem>>, vector<16xi32>,
        %mul3A_1980 = arith.constant 512 : i32
        %mul3A_1981 = arith.muli %add3A_1657, %mul3A_1980 : i32
        %add3A_1982 = arith.constant 368 : i32
        %add3A_1983 = arith.addi %mul3A_1981, %add3A_1982 : i32
        %get3A_1984 = arith.index_cast %add3A_1983 : i32 to index
        %get3A_1985 = tpu.vector_load %arg6[%get3A_1984] {strides = array<i32>} : memref<8192xi32, #tpu.memory_space<vmem>>, vector<16xi32>,
        %get3A_1986 = vector.shape_cast %get3A_1985 : vector<16xi32> to vector<16xi32>
        %add3A_1987 = arith.constant 524288 : i32
        %add3A_1988 = vector.broadcast %add3A_1987 : i32 to vector<16xi32>
        %add3A_1989 = arith.addi %get3A_1986, %add3A_1988 : vector<16xi32>
        %swap3A_1990 = arith.index_cast %add3A_1983 : i32 to index
        %swap3A_1991 = tpu.vector_load %arg6[%swap3A_1990] {strides = array<i32>} : memref<8192xi32, #tpu.memory_space<vmem>>, vector<16xi32>,
        %swap3A_1992 = vector.shape_cast %swap3A_1991 : vector<16xi32> to vector<16xi32>
        %swap3A_1993 = vector.shape_cast %add3A_1989 : vector<16xi32> to vector<16xi32>
        tpu.vector_store %arg6[%swap3A_1990], %swap3A_1993 {strides = array<i32>} : memref<8192xi32, #tpu.memory_space<vmem>>, vector<16xi32>,
        %mul3A_1994 = arith.constant 512 : i32
        %mul3A_1995 = arith.muli %add3A_1657, %mul3A_1994 : i32
        %add3A_1996 = arith.constant 384 : i32
        %add3A_1997 = arith.addi %mul3A_1995, %add3A_1996 : i32
        %get3A_1998 = arith.index_cast %add3A_1997 : i32 to index
        %get3A_1999 = tpu.vector_load %arg6[%get3A_1998] {strides = array<i32>} : memref<8192xi32, #tpu.memory_space<vmem>>, vector<16xi32>,
        %get3A_2000 = vector.shape_cast %get3A_1999 : vector<16xi32> to vector<16xi32>
        %add3A_2001 = arith.constant 524288 : i32
        %add3A_2002 = vector.broadcast %add3A_2001 : i32 to vector<16xi32>
        %add3A_2003 = arith.addi %get3A_2000, %add3A_2002 : vector<16xi32>
        %swap3A_2004 = arith.index_cast %add3A_1997 : i32 to index
        %swap3A_2005 = tpu.vector_load %arg6[%swap3A_2004] {strides = array<i32>} : memref<8192xi32, #tpu.memory_space<vmem>>, vector<16xi32>,
        %swap3A_2006 = vector.shape_cast %swap3A_2005 : vector<16xi32> to vector<16xi32>
        %swap3A_2007 = vector.shape_cast %add3A_2003 : vector<16xi32> to vector<16xi32>
        tpu.vector_store %arg6[%swap3A_2004], %swap3A_2007 {strides = array<i32>} : memref<8192xi32, #tpu.memory_space<vmem>>, vector<16xi32>,
        %mul3A_2008 = arith.constant 512 : i32
        %mul3A_2009 = arith.muli %add3A_1657, %mul3A_2008 : i32
        %add3A_2010 = arith.constant 400 : i32
        %add3A_2011 = arith.addi %mul3A_2009, %add3A_2010 : i32
        %get3A_2012 = arith.index_cast %add3A_2011 : i32 to index
        %get3A_2013 = tpu.vector_load %arg6[%get3A_2012] {strides = array<i32>} : memref<8192xi32, #tpu.memory_space<vmem>>, vector<16xi32>,
        %get3A_2014 = vector.shape_cast %get3A_2013 : vector<16xi32> to vector<16xi32>
        %add3A_2015 = arith.constant 524288 : i32
        %add3A_2016 = vector.broadcast %add3A_2015 : i32 to vector<16xi32>
        %add3A_2017 = arith.addi %get3A_2014, %add3A_2016 : vector<16xi32>
        %swap3A_2018 = arith.index_cast %add3A_2011 : i32 to index
        %swap3A_2019 = tpu.vector_load %arg6[%swap3A_2018] {strides = array<i32>} : memref<8192xi32, #tpu.memory_space<vmem>>, vector<16xi32>,
        %swap3A_2020 = vector.shape_cast %swap3A_2019 : vector<16xi32> to vector<16xi32>
        %swap3A_2021 = vector.shape_cast %add3A_2017 : vector<16xi32> to vector<16xi32>
        tpu.vector_store %arg6[%swap3A_2018], %swap3A_2021 {strides = array<i32>} : memref<8192xi32, #tpu.memory_space<vmem>>, vector<16xi32>,
        %mul3A_2022 = arith.constant 512 : i32
        %mul3A_2023 = arith.muli %add3A_1657, %mul3A_2022 : i32
        %add3A_2024 = arith.constant 416 : i32
        %add3A_2025 = arith.addi %mul3A_2023, %add3A_2024 : i32
        %get3A_2026 = arith.index_cast %add3A_2025 : i32 to index
        %get3A_2027 = tpu.vector_load %arg6[%get3A_2026] {strides = array<i32>} : memref<8192xi32, #tpu.memory_space<vmem>>, vector<16xi32>,
        %get3A_2028 = vector.shape_cast %get3A_2027 : vector<16xi32> to vector<16xi32>
        %add3A_2029 = arith.constant 524288 : i32
        %add3A_2030 = vector.broadcast %add3A_2029 : i32 to vector<16xi32>
        %add3A_2031 = arith.addi %get3A_2028, %add3A_2030 : vector<16xi32>
        %swap3A_2032 = arith.index_cast %add3A_2025 : i32 to index
        %swap3A_2033 = tpu.vector_load %arg6[%swap3A_2032] {strides = array<i32>} : memref<8192xi32, #tpu.memory_space<vmem>>, vector<16xi32>,
        %swap3A_2034 = vector.shape_cast %swap3A_2033 : vector<16xi32> to vector<16xi32>
        %swap3A_2035 = vector.shape_cast %add3A_2031 : vector<16xi32> to vector<16xi32>
        tpu.vector_store %arg6[%swap3A_2032], %swap3A_2035 {strides = array<i32>} : memref<8192xi32, #tpu.memory_space<vmem>>, vector<16xi32>,
        %mul3A_2036 = arith.constant 512 : i32
        %mul3A_2037 = arith.muli %add3A_1657, %mul3A_2036 : i32
        %add3A_2038 = arith.constant 432 : i32
        %add3A_2039 = arith.addi %mul3A_2037, %add3A_2038 : i32
        %get3A_2040 = arith.index_cast %add3A_2039 : i32 to index
        %get3A_2041 = tpu.vector_load %arg6[%get3A_2040] {strides = array<i32>} : memref<8192xi32, #tpu.memory_space<vmem>>, vector<16xi32>,
        %get3A_2042 = vector.shape_cast %get3A_2041 : vector<16xi32> to vector<16xi32>
        %add3A_2043 = arith.constant 524288 : i32
        %add3A_2044 = vector.broadcast %add3A_2043 : i32 to vector<16xi32>
        %add3A_2045 = arith.addi %get3A_2042, %add3A_2044 : vector<16xi32>
        %swap3A_2046 = arith.index_cast %add3A_2039 : i32 to index
        %swap3A_2047 = tpu.vector_load %arg6[%swap3A_2046] {strides = array<i32>} : memref<8192xi32, #tpu.memory_space<vmem>>, vector<16xi32>,
        %swap3A_2048 = vector.shape_cast %swap3A_2047 : vector<16xi32> to vector<16xi32>
        %swap3A_2049 = vector.shape_cast %add3A_2045 : vector<16xi32> to vector<16xi32>
        tpu.vector_store %arg6[%swap3A_2046], %swap3A_2049 {strides = array<i32>} : memref<8192xi32, #tpu.memory_space<vmem>>, vector<16xi32>,
        %mul3A_2050 = arith.constant 512 : i32
        %mul3A_2051 = arith.muli %add3A_1657, %mul3A_2050 : i32
        %add3A_2052 = arith.constant 448 : i32
        %add3A_2053 = arith.addi %mul3A_2051, %add3A_2052 : i32
        %get3A_2054 = arith.index_cast %add3A_2053 : i32 to index
        %get3A_2055 = tpu.vector_load %arg6[%get3A_2054] {strides = array<i32>} : memref<8192xi32, #tpu.memory_space<vmem>>, vector<16xi32>,
        %get3A_2056 = vector.shape_cast %get3A_2055 : vector<16xi32> to vector<16xi32>
        %add3A_2057 = arith.constant 524288 : i32
        %add3A_2058 = vector.broadcast %add3A_2057 : i32 to vector<16xi32>
        %add3A_2059 = arith.addi %get3A_2056, %add3A_2058 : vector<16xi32>
        %swap3A_2060 = arith.index_cast %add3A_2053 : i32 to index
        %swap3A_2061 = tpu.vector_load %arg6[%swap3A_2060] {strides = array<i32>} : memref<8192xi32, #tpu.memory_space<vmem>>, vector<16xi32>,
        %swap3A_2062 = vector.shape_cast %swap3A_2061 : vector<16xi32> to vector<16xi32>
        %swap3A_2063 = vector.shape_cast %add3A_2059 : vector<16xi32> to vector<16xi32>
        tpu.vector_store %arg6[%swap3A_2060], %swap3A_2063 {strides = array<i32>} : memref<8192xi32, #tpu.memory_space<vmem>>, vector<16xi32>,
        %mul3A_2064 = arith.constant 512 : i32
        %mul3A_2065 = arith.muli %add3A_1657, %mul3A_2064 : i32
        %add3A_2066 = arith.constant 464 : i32
        %add3A_2067 = arith.addi %mul3A_2065, %add3A_2066 : i32
        %get3A_2068 = arith.index_cast %add3A_2067 : i32 to index
        %get3A_2069 = tpu.vector_load %arg6[%get3A_2068] {strides = array<i32>} : memref<8192xi32, #tpu.memory_space<vmem>>, vector<16xi32>,
        %get3A_2070 = vector.shape_cast %get3A_2069 : vector<16xi32> to vector<16xi32>
        %add3A_2071 = arith.constant 524288 : i32
        %add3A_2072 = vector.broadcast %add3A_2071 : i32 to vector<16xi32>
        %add3A_2073 = arith.addi %get3A_2070, %add3A_2072 : vector<16xi32>
        %swap3A_2074 = arith.index_cast %add3A_2067 : i32 to index
        %swap3A_2075 = tpu.vector_load %arg6[%swap3A_2074] {strides = array<i32>} : memref<8192xi32, #tpu.memory_space<vmem>>, vector<16xi32>,
        %swap3A_2076 = vector.shape_cast %swap3A_2075 : vector<16xi32> to vector<16xi32>
        %swap3A_2077 = vector.shape_cast %add3A_2073 : vector<16xi32> to vector<16xi32>
        tpu.vector_store %arg6[%swap3A_2074], %swap3A_2077 {strides = array<i32>} : memref<8192xi32, #tpu.memory_space<vmem>>, vector<16xi32>,
        %mul3A_2078 = arith.constant 512 : i32
        %mul3A_2079 = arith.muli %add3A_1657, %mul3A_2078 : i32
        %add3A_2080 = arith.constant 480 : i32
        %add3A_2081 = arith.addi %mul3A_2079, %add3A_2080 : i32
        %get3A_2082 = arith.index_cast %add3A_2081 : i32 to index
        %get3A_2083 = tpu.vector_load %arg6[%get3A_2082] {strides = array<i32>} : memref<8192xi32, #tpu.memory_space<vmem>>, vector<16xi32>,
        %get3A_2084 = vector.shape_cast %get3A_2083 : vector<16xi32> to vector<16xi32>
        %add3A_2085 = arith.constant 524288 : i32
        %add3A_2086 = vector.broadcast %add3A_2085 : i32 to vector<16xi32>
        %add3A_2087 = arith.addi %get3A_2084, %add3A_2086 : vector<16xi32>
        %swap3A_2088 = arith.index_cast %add3A_2081 : i32 to index
        %swap3A_2089 = tpu.vector_load %arg6[%swap3A_2088] {strides = array<i32>} : memref<8192xi32, #tpu.memory_space<vmem>>, vector<16xi32>,
        %swap3A_2090 = vector.shape_cast %swap3A_2089 : vector<16xi32> to vector<16xi32>
        %swap3A_2091 = vector.shape_cast %add3A_2087 : vector<16xi32> to vector<16xi32>
        tpu.vector_store %arg6[%swap3A_2088], %swap3A_2091 {strides = array<i32>} : memref<8192xi32, #tpu.memory_space<vmem>>, vector<16xi32>,
        %mul3A_2092 = arith.constant 512 : i32
        %mul3A_2093 = arith.muli %add3A_1657, %mul3A_2092 : i32
        %add3A_2094 = arith.constant 496 : i32
        %add3A_2095 = arith.addi %mul3A_2093, %add3A_2094 : i32
        %get3A_2096 = arith.index_cast %add3A_2095 : i32 to index
        %get3A_2097 = tpu.vector_load %arg6[%get3A_2096] {strides = array<i32>} : memref<8192xi32, #tpu.memory_space<vmem>>, vector<16xi32>,
        %get3A_2098 = vector.shape_cast %get3A_2097 : vector<16xi32> to vector<16xi32>
        %add3A_2099 = arith.constant 524288 : i32
        %add3A_2100 = vector.broadcast %add3A_2099 : i32 to vector<16xi32>
        %add3A_2101 = arith.addi %get3A_2098, %add3A_2100 : vector<16xi32>
        %swap3A_2102 = arith.index_cast %add3A_2095 : i32 to index
        %swap3A_2103 = tpu.vector_load %arg6[%swap3A_2102] {strides = array<i32>} : memref<8192xi32, #tpu.memory_space<vmem>>, vector<16xi32>,
        %swap3A_2104 = vector.shape_cast %swap3A_2103 : vector<16xi32> to vector<16xi32>
        %swap3A_2105 = vector.shape_cast %add3A_2101 : vector<16xi32> to vector<16xi32>
        tpu.vector_store %arg6[%swap3A_2102], %swap3A_2105 {strides = array<i32>} : memref<8192xi32, #tpu.memory_space<vmem>>, vector<16xi32>,
        %mul3A_2106 = arith.constant 8 : i32
        %mul3A_2107 = arith.muli %rem3A_299, %mul3A_2106 : i32
        %add3A_2108 = arith.constant 4 : i32
        %add3A_2109 = arith.addi %mul3A_2107, %add3A_2108 : i32
        %mul3A_2110 = arith.constant 512 : i32
        %mul3A_2111 = arith.muli %add3A_2109, %mul3A_2110 : i32
        %add3A_2112 = arith.constant 0 : i32
        %add3A_2113 = arith.addi %mul3A_2111, %add3A_2112 : i32
        %get3A_2114 = arith.index_cast %add3A_2113 : i32 to index
        %get3A_2115 = tpu.vector_load %arg6[%get3A_2114] {strides = array<i32>} : memref<8192xi32, #tpu.memory_space<vmem>>, vector<16xi32>,
        %get3A_2116 = vector.shape_cast %get3A_2115 : vector<16xi32> to vector<16xi32>
        %add3A_2117 = arith.constant 524288 : i32
        %add3A_2118 = vector.broadcast %add3A_2117 : i32 to vector<16xi32>
        %add3A_2119 = arith.addi %get3A_2116, %add3A_2118 : vector<16xi32>
        %swap3A_2120 = arith.index_cast %add3A_2113 : i32 to index
        %swap3A_2121 = tpu.vector_load %arg6[%swap3A_2120] {strides = array<i32>} : memref<8192xi32, #tpu.memory_space<vmem>>, vector<16xi32>,
        %swap3A_2122 = vector.shape_cast %swap3A_2121 : vector<16xi32> to vector<16xi32>
        %swap3A_2123 = vector.shape_cast %add3A_2119 : vector<16xi32> to vector<16xi32>
        tpu.vector_store %arg6[%swap3A_2120], %swap3A_2123 {strides = array<i32>} : memref<8192xi32, #tpu.memory_space<vmem>>, vector<16xi32>,
        %mul3A_2124 = arith.constant 512 : i32
        %mul3A_2125 = arith.muli %add3A_2109, %mul3A_2124 : i32
        %add3A_2126 = arith.constant 16 : i32
        %add3A_2127 = arith.addi %mul3A_2125, %add3A_2126 : i32
        %get3A_2128 = arith.index_cast %add3A_2127 : i32 to index
        %get3A_2129 = tpu.vector_load %arg6[%get3A_2128] {strides = array<i32>} : memref<8192xi32, #tpu.memory_space<vmem>>, vector<16xi32>,
        %get3A_2130 = vector.shape_cast %get3A_2129 : vector<16xi32> to vector<16xi32>
        %add3A_2131 = arith.constant 524288 : i32
        %add3A_2132 = vector.broadcast %add3A_2131 : i32 to vector<16xi32>
        %add3A_2133 = arith.addi %get3A_2130, %add3A_2132 : vector<16xi32>
        %swap3A_2134 = arith.index_cast %add3A_2127 : i32 to index
        %swap3A_2135 = tpu.vector_load %arg6[%swap3A_2134] {strides = array<i32>} : memref<8192xi32, #tpu.memory_space<vmem>>, vector<16xi32>,
        %swap3A_2136 = vector.shape_cast %swap3A_2135 : vector<16xi32> to vector<16xi32>
        %swap3A_2137 = vector.shape_cast %add3A_2133 : vector<16xi32> to vector<16xi32>
        tpu.vector_store %arg6[%swap3A_2134], %swap3A_2137 {strides = array<i32>} : memref<8192xi32, #tpu.memory_space<vmem>>, vector<16xi32>,
        %mul3A_2138 = arith.constant 512 : i32
        %mul3A_2139 = arith.muli %add3A_2109, %mul3A_2138 : i32
        %add3A_2140 = arith.constant 32 : i32
        %add3A_2141 = arith.addi %mul3A_2139, %add3A_2140 : i32
        %get3A_2142 = arith.index_cast %add3A_2141 : i32 to index
        %get3A_2143 = tpu.vector_load %arg6[%get3A_2142] {strides = array<i32>} : memref<8192xi32, #tpu.memory_space<vmem>>, vector<16xi32>,
        %get3A_2144 = vector.shape_cast %get3A_2143 : vector<16xi32> to vector<16xi32>
        %add3A_2145 = arith.constant 524288 : i32
        %add3A_2146 = vector.broadcast %add3A_2145 : i32 to vector<16xi32>
        %add3A_2147 = arith.addi %get3A_2144, %add3A_2146 : vector<16xi32>
        %swap3A_2148 = arith.index_cast %add3A_2141 : i32 to index
        %swap3A_2149 = tpu.vector_load %arg6[%swap3A_2148] {strides = array<i32>} : memref<8192xi32, #tpu.memory_space<vmem>>, vector<16xi32>,
        %swap3A_2150 = vector.shape_cast %swap3A_2149 : vector<16xi32> to vector<16xi32>
        %swap3A_2151 = vector.shape_cast %add3A_2147 : vector<16xi32> to vector<16xi32>
        tpu.vector_store %arg6[%swap3A_2148], %swap3A_2151 {strides = array<i32>} : memref<8192xi32, #tpu.memory_space<vmem>>, vector<16xi32>,
        %mul3A_2152 = arith.constant 512 : i32
        %mul3A_2153 = arith.muli %add3A_2109, %mul3A_2152 : i32
        %add3A_2154 = arith.constant 48 : i32
        %add3A_2155 = arith.addi %mul3A_2153, %add3A_2154 : i32
        %get3A_2156 = arith.index_cast %add3A_2155 : i32 to index
        %get3A_2157 = tpu.vector_load %arg6[%get3A_2156] {strides = array<i32>} : memref<8192xi32, #tpu.memory_space<vmem>>, vector<16xi32>,
        %get3A_2158 = vector.shape_cast %get3A_2157 : vector<16xi32> to vector<16xi32>
        %add3A_2159 = arith.constant 524288 : i32
        %add3A_2160 = vector.broadcast %add3A_2159 : i32 to vector<16xi32>
        %add3A_2161 = arith.addi %get3A_2158, %add3A_2160 : vector<16xi32>
        %swap3A_2162 = arith.index_cast %add3A_2155 : i32 to index
        %swap3A_2163 = tpu.vector_load %arg6[%swap3A_2162] {strides = array<i32>} : memref<8192xi32, #tpu.memory_space<vmem>>, vector<16xi32>,
        %swap3A_2164 = vector.shape_cast %swap3A_2163 : vector<16xi32> to vector<16xi32>
        %swap3A_2165 = vector.shape_cast %add3A_2161 : vector<16xi32> to vector<16xi32>
        tpu.vector_store %arg6[%swap3A_2162], %swap3A_2165 {strides = array<i32>} : memref<8192xi32, #tpu.memory_space<vmem>>, vector<16xi32>,
        %mul3A_2166 = arith.constant 512 : i32
        %mul3A_2167 = arith.muli %add3A_2109, %mul3A_2166 : i32
        %add3A_2168 = arith.constant 64 : i32
        %add3A_2169 = arith.addi %mul3A_2167, %add3A_2168 : i32
        %get3A_2170 = arith.index_cast %add3A_2169 : i32 to index
        %get3A_2171 = tpu.vector_load %arg6[%get3A_2170] {strides = array<i32>} : memref<8192xi32, #tpu.memory_space<vmem>>, vector<16xi32>,
        %get3A_2172 = vector.shape_cast %get3A_2171 : vector<16xi32> to vector<16xi32>
        %add3A_2173 = arith.constant 524288 : i32
        %add3A_2174 = vector.broadcast %add3A_2173 : i32 to vector<16xi32>
        %add3A_2175 = arith.addi %get3A_2172, %add3A_2174 : vector<16xi32>
        %swap3A_2176 = arith.index_cast %add3A_2169 : i32 to index
        %swap3A_2177 = tpu.vector_load %arg6[%swap3A_2176] {strides = array<i32>} : memref<8192xi32, #tpu.memory_space<vmem>>, vector<16xi32>,
        %swap3A_2178 = vector.shape_cast %swap3A_2177 : vector<16xi32> to vector<16xi32>
        %swap3A_2179 = vector.shape_cast %add3A_2175 : vector<16xi32> to vector<16xi32>
        tpu.vector_store %arg6[%swap3A_2176], %swap3A_2179 {strides = array<i32>} : memref<8192xi32, #tpu.memory_space<vmem>>, vector<16xi32>,
        %mul3A_2180 = arith.constant 512 : i32
        %mul3A_2181 = arith.muli %add3A_2109, %mul3A_2180 : i32
        %add3A_2182 = arith.constant 80 : i32
        %add3A_2183 = arith.addi %mul3A_2181, %add3A_2182 : i32
        %get3A_2184 = arith.index_cast %add3A_2183 : i32 to index
        %get3A_2185 = tpu.vector_load %arg6[%get3A_2184] {strides = array<i32>} : memref<8192xi32, #tpu.memory_space<vmem>>, vector<16xi32>,
        %get3A_2186 = vector.shape_cast %get3A_2185 : vector<16xi32> to vector<16xi32>
        %add3A_2187 = arith.constant 524288 : i32
        %add3A_2188 = vector.broadcast %add3A_2187 : i32 to vector<16xi32>
        %add3A_2189 = arith.addi %get3A_2186, %add3A_2188 : vector<16xi32>
        %swap3A_2190 = arith.index_cast %add3A_2183 : i32 to index
        %swap3A_2191 = tpu.vector_load %arg6[%swap3A_2190] {strides = array<i32>} : memref<8192xi32, #tpu.memory_space<vmem>>, vector<16xi32>,
        %swap3A_2192 = vector.shape_cast %swap3A_2191 : vector<16xi32> to vector<16xi32>
        %swap3A_2193 = vector.shape_cast %add3A_2189 : vector<16xi32> to vector<16xi32>
        tpu.vector_store %arg6[%swap3A_2190], %swap3A_2193 {strides = array<i32>} : memref<8192xi32, #tpu.memory_space<vmem>>, vector<16xi32>,
        %mul3A_2194 = arith.constant 512 : i32
        %mul3A_2195 = arith.muli %add3A_2109, %mul3A_2194 : i32
        %add3A_2196 = arith.constant 96 : i32
        %add3A_2197 = arith.addi %mul3A_2195, %add3A_2196 : i32
        %get3A_2198 = arith.index_cast %add3A_2197 : i32 to index
        %get3A_2199 = tpu.vector_load %arg6[%get3A_2198] {strides = array<i32>} : memref<8192xi32, #tpu.memory_space<vmem>>, vector<16xi32>,
        %get3A_2200 = vector.shape_cast %get3A_2199 : vector<16xi32> to vector<16xi32>
        %add3A_2201 = arith.constant 524288 : i32
        %add3A_2202 = vector.broadcast %add3A_2201 : i32 to vector<16xi32>
        %add3A_2203 = arith.addi %get3A_2200, %add3A_2202 : vector<16xi32>
        %swap3A_2204 = arith.index_cast %add3A_2197 : i32 to index
        %swap3A_2205 = tpu.vector_load %arg6[%swap3A_2204] {strides = array<i32>} : memref<8192xi32, #tpu.memory_space<vmem>>, vector<16xi32>,
        %swap3A_2206 = vector.shape_cast %swap3A_2205 : vector<16xi32> to vector<16xi32>
        %swap3A_2207 = vector.shape_cast %add3A_2203 : vector<16xi32> to vector<16xi32>
        tpu.vector_store %arg6[%swap3A_2204], %swap3A_2207 {strides = array<i32>} : memref<8192xi32, #tpu.memory_space<vmem>>, vector<16xi32>,
        %mul3A_2208 = arith.constant 512 : i32
        %mul3A_2209 = arith.muli %add3A_2109, %mul3A_2208 : i32
        %add3A_2210 = arith.constant 112 : i32
        %add3A_2211 = arith.addi %mul3A_2209, %add3A_2210 : i32
        %get3A_2212 = arith.index_cast %add3A_2211 : i32 to index
        %get3A_2213 = tpu.vector_load %arg6[%get3A_2212] {strides = array<i32>} : memref<8192xi32, #tpu.memory_space<vmem>>, vector<16xi32>,
        %get3A_2214 = vector.shape_cast %get3A_2213 : vector<16xi32> to vector<16xi32>
        %add3A_2215 = arith.constant 524288 : i32
        %add3A_2216 = vector.broadcast %add3A_2215 : i32 to vector<16xi32>
        %add3A_2217 = arith.addi %get3A_2214, %add3A_2216 : vector<16xi32>
        %swap3A_2218 = arith.index_cast %add3A_2211 : i32 to index
        %swap3A_2219 = tpu.vector_load %arg6[%swap3A_2218] {strides = array<i32>} : memref<8192xi32, #tpu.memory_space<vmem>>, vector<16xi32>,
        %swap3A_2220 = vector.shape_cast %swap3A_2219 : vector<16xi32> to vector<16xi32>
        %swap3A_2221 = vector.shape_cast %add3A_2217 : vector<16xi32> to vector<16xi32>
        tpu.vector_store %arg6[%swap3A_2218], %swap3A_2221 {strides = array<i32>} : memref<8192xi32, #tpu.memory_space<vmem>>, vector<16xi32>,
        %mul3A_2222 = arith.constant 512 : i32
        %mul3A_2223 = arith.muli %add3A_2109, %mul3A_2222 : i32
        %add3A_2224 = arith.constant 128 : i32
        %add3A_2225 = arith.addi %mul3A_2223, %add3A_2224 : i32
        %get3A_2226 = arith.index_cast %add3A_2225 : i32 to index
        %get3A_2227 = tpu.vector_load %arg6[%get3A_2226] {strides = array<i32>} : memref<8192xi32, #tpu.memory_space<vmem>>, vector<16xi32>,
        %get3A_2228 = vector.shape_cast %get3A_2227 : vector<16xi32> to vector<16xi32>
        %add3A_2229 = arith.constant 524288 : i32
        %add3A_2230 = vector.broadcast %add3A_2229 : i32 to vector<16xi32>
        %add3A_2231 = arith.addi %get3A_2228, %add3A_2230 : vector<16xi32>
        %swap3A_2232 = arith.index_cast %add3A_2225 : i32 to index
        %swap3A_2233 = tpu.vector_load %arg6[%swap3A_2232] {strides = array<i32>} : memref<8192xi32, #tpu.memory_space<vmem>>, vector<16xi32>,
        %swap3A_2234 = vector.shape_cast %swap3A_2233 : vector<16xi32> to vector<16xi32>
        %swap3A_2235 = vector.shape_cast %add3A_2231 : vector<16xi32> to vector<16xi32>
        tpu.vector_store %arg6[%swap3A_2232], %swap3A_2235 {strides = array<i32>} : memref<8192xi32, #tpu.memory_space<vmem>>, vector<16xi32>,
        %mul3A_2236 = arith.constant 512 : i32
        %mul3A_2237 = arith.muli %add3A_2109, %mul3A_2236 : i32
        %add3A_2238 = arith.constant 144 : i32
        %add3A_2239 = arith.addi %mul3A_2237, %add3A_2238 : i32
        %get3A_2240 = arith.index_cast %add3A_2239 : i32 to index
        %get3A_2241 = tpu.vector_load %arg6[%get3A_2240] {strides = array<i32>} : memref<8192xi32, #tpu.memory_space<vmem>>, vector<16xi32>,
        %get3A_2242 = vector.shape_cast %get3A_2241 : vector<16xi32> to vector<16xi32>
        %add3A_2243 = arith.constant 524288 : i32
        %add3A_2244 = vector.broadcast %add3A_2243 : i32 to vector<16xi32>
        %add3A_2245 = arith.addi %get3A_2242, %add3A_2244 : vector<16xi32>
        %swap3A_2246 = arith.index_cast %add3A_2239 : i32 to index
        %swap3A_2247 = tpu.vector_load %arg6[%swap3A_2246] {strides = array<i32>} : memref<8192xi32, #tpu.memory_space<vmem>>, vector<16xi32>,
        %swap3A_2248 = vector.shape_cast %swap3A_2247 : vector<16xi32> to vector<16xi32>
        %swap3A_2249 = vector.shape_cast %add3A_2245 : vector<16xi32> to vector<16xi32>
        tpu.vector_store %arg6[%swap3A_2246], %swap3A_2249 {strides = array<i32>} : memref<8192xi32, #tpu.memory_space<vmem>>, vector<16xi32>,
        %mul3A_2250 = arith.constant 512 : i32
        %mul3A_2251 = arith.muli %add3A_2109, %mul3A_2250 : i32
        %add3A_2252 = arith.constant 160 : i32
        %add3A_2253 = arith.addi %mul3A_2251, %add3A_2252 : i32
        %get3A_2254 = arith.index_cast %add3A_2253 : i32 to index
        %get3A_2255 = tpu.vector_load %arg6[%get3A_2254] {strides = array<i32>} : memref<8192xi32, #tpu.memory_space<vmem>>, vector<16xi32>,
        %get3A_2256 = vector.shape_cast %get3A_2255 : vector<16xi32> to vector<16xi32>
        %add3A_2257 = arith.constant 524288 : i32
        %add3A_2258 = vector.broadcast %add3A_2257 : i32 to vector<16xi32>
        %add3A_2259 = arith.addi %get3A_2256, %add3A_2258 : vector<16xi32>
        %swap3A_2260 = arith.index_cast %add3A_2253 : i32 to index
        %swap3A_2261 = tpu.vector_load %arg6[%swap3A_2260] {strides = array<i32>} : memref<8192xi32, #tpu.memory_space<vmem>>, vector<16xi32>,
        %swap3A_2262 = vector.shape_cast %swap3A_2261 : vector<16xi32> to vector<16xi32>
        %swap3A_2263 = vector.shape_cast %add3A_2259 : vector<16xi32> to vector<16xi32>
        tpu.vector_store %arg6[%swap3A_2260], %swap3A_2263 {strides = array<i32>} : memref<8192xi32, #tpu.memory_space<vmem>>, vector<16xi32>,
        %mul3A_2264 = arith.constant 512 : i32
        %mul3A_2265 = arith.muli %add3A_2109, %mul3A_2264 : i32
        %add3A_2266 = arith.constant 176 : i32
        %add3A_2267 = arith.addi %mul3A_2265, %add3A_2266 : i32
        %get3A_2268 = arith.index_cast %add3A_2267 : i32 to index
        %get3A_2269 = tpu.vector_load %arg6[%get3A_2268] {strides = array<i32>} : memref<8192xi32, #tpu.memory_space<vmem>>, vector<16xi32>,
        %get3A_2270 = vector.shape_cast %get3A_2269 : vector<16xi32> to vector<16xi32>
        %add3A_2271 = arith.constant 524288 : i32
        %add3A_2272 = vector.broadcast %add3A_2271 : i32 to vector<16xi32>
        %add3A_2273 = arith.addi %get3A_2270, %add3A_2272 : vector<16xi32>
        %swap3A_2274 = arith.index_cast %add3A_2267 : i32 to index
        %swap3A_2275 = tpu.vector_load %arg6[%swap3A_2274] {strides = array<i32>} : memref<8192xi32, #tpu.memory_space<vmem>>, vector<16xi32>,
        %swap3A_2276 = vector.shape_cast %swap3A_2275 : vector<16xi32> to vector<16xi32>
        %swap3A_2277 = vector.shape_cast %add3A_2273 : vector<16xi32> to vector<16xi32>
        tpu.vector_store %arg6[%swap3A_2274], %swap3A_2277 {strides = array<i32>} : memref<8192xi32, #tpu.memory_space<vmem>>, vector<16xi32>,
        %mul3A_2278 = arith.constant 512 : i32
        %mul3A_2279 = arith.muli %add3A_2109, %mul3A_2278 : i32
        %add3A_2280 = arith.constant 192 : i32
        %add3A_2281 = arith.addi %mul3A_2279, %add3A_2280 : i32
        %get3A_2282 = arith.index_cast %add3A_2281 : i32 to index
        %get3A_2283 = tpu.vector_load %arg6[%get3A_2282] {strides = array<i32>} : memref<8192xi32, #tpu.memory_space<vmem>>, vector<16xi32>,
        %get3A_2284 = vector.shape_cast %get3A_2283 : vector<16xi32> to vector<16xi32>
        %add3A_2285 = arith.constant 524288 : i32
        %add3A_2286 = vector.broadcast %add3A_2285 : i32 to vector<16xi32>
        %add3A_2287 = arith.addi %get3A_2284, %add3A_2286 : vector<16xi32>
        %swap3A_2288 = arith.index_cast %add3A_2281 : i32 to index
        %swap3A_2289 = tpu.vector_load %arg6[%swap3A_2288] {strides = array<i32>} : memref<8192xi32, #tpu.memory_space<vmem>>, vector<16xi32>,
        %swap3A_2290 = vector.shape_cast %swap3A_2289 : vector<16xi32> to vector<16xi32>
        %swap3A_2291 = vector.shape_cast %add3A_2287 : vector<16xi32> to vector<16xi32>
        tpu.vector_store %arg6[%swap3A_2288], %swap3A_2291 {strides = array<i32>} : memref<8192xi32, #tpu.memory_space<vmem>>, vector<16xi32>,
        %mul3A_2292 = arith.constant 512 : i32
        %mul3A_2293 = arith.muli %add3A_2109, %mul3A_2292 : i32
        %add3A_2294 = arith.constant 208 : i32
        %add3A_2295 = arith.addi %mul3A_2293, %add3A_2294 : i32
        %get3A_2296 = arith.index_cast %add3A_2295 : i32 to index
        %get3A_2297 = tpu.vector_load %arg6[%get3A_2296] {strides = array<i32>} : memref<8192xi32, #tpu.memory_space<vmem>>, vector<16xi32>,
        %get3A_2298 = vector.shape_cast %get3A_2297 : vector<16xi32> to vector<16xi32>
        %add3A_2299 = arith.constant 524288 : i32
        %add3A_2300 = vector.broadcast %add3A_2299 : i32 to vector<16xi32>
        %add3A_2301 = arith.addi %get3A_2298, %add3A_2300 : vector<16xi32>
        %swap3A_2302 = arith.index_cast %add3A_2295 : i32 to index
        %swap3A_2303 = tpu.vector_load %arg6[%swap3A_2302] {strides = array<i32>} : memref<8192xi32, #tpu.memory_space<vmem>>, vector<16xi32>,
        %swap3A_2304 = vector.shape_cast %swap3A_2303 : vector<16xi32> to vector<16xi32>
        %swap3A_2305 = vector.shape_cast %add3A_2301 : vector<16xi32> to vector<16xi32>
        tpu.vector_store %arg6[%swap3A_2302], %swap3A_2305 {strides = array<i32>} : memref<8192xi32, #tpu.memory_space<vmem>>, vector<16xi32>,
        %mul3A_2306 = arith.constant 512 : i32
        %mul3A_2307 = arith.muli %add3A_2109, %mul3A_2306 : i32
        %add3A_2308 = arith.constant 224 : i32
        %add3A_2309 = arith.addi %mul3A_2307, %add3A_2308 : i32
        %get3A_2310 = arith.index_cast %add3A_2309 : i32 to index
        %get3A_2311 = tpu.vector_load %arg6[%get3A_2310] {strides = array<i32>} : memref<8192xi32, #tpu.memory_space<vmem>>, vector<16xi32>,
        %get3A_2312 = vector.shape_cast %get3A_2311 : vector<16xi32> to vector<16xi32>
        %add3A_2313 = arith.constant 524288 : i32
        %add3A_2314 = vector.broadcast %add3A_2313 : i32 to vector<16xi32>
        %add3A_2315 = arith.addi %get3A_2312, %add3A_2314 : vector<16xi32>
        %swap3A_2316 = arith.index_cast %add3A_2309 : i32 to index
        %swap3A_2317 = tpu.vector_load %arg6[%swap3A_2316] {strides = array<i32>} : memref<8192xi32, #tpu.memory_space<vmem>>, vector<16xi32>,
        %swap3A_2318 = vector.shape_cast %swap3A_2317 : vector<16xi32> to vector<16xi32>
        %swap3A_2319 = vector.shape_cast %add3A_2315 : vector<16xi32> to vector<16xi32>
        tpu.vector_store %arg6[%swap3A_2316], %swap3A_2319 {strides = array<i32>} : memref<8192xi32, #tpu.memory_space<vmem>>, vector<16xi32>,
        %mul3A_2320 = arith.constant 512 : i32
        %mul3A_2321 = arith.muli %add3A_2109, %mul3A_2320 : i32
        %add3A_2322 = arith.constant 240 : i32
        %add3A_2323 = arith.addi %mul3A_2321, %add3A_2322 : i32
        %get3A_2324 = arith.index_cast %add3A_2323 : i32 to index
        %get3A_2325 = tpu.vector_load %arg6[%get3A_2324] {strides = array<i32>} : memref<8192xi32, #tpu.memory_space<vmem>>, vector<16xi32>,
        %get3A_2326 = vector.shape_cast %get3A_2325 : vector<16xi32> to vector<16xi32>
        %add3A_2327 = arith.constant 524288 : i32
        %add3A_2328 = vector.broadcast %add3A_2327 : i32 to vector<16xi32>
        %add3A_2329 = arith.addi %get3A_2326, %add3A_2328 : vector<16xi32>
        %swap3A_2330 = arith.index_cast %add3A_2323 : i32 to index
        %swap3A_2331 = tpu.vector_load %arg6[%swap3A_2330] {strides = array<i32>} : memref<8192xi32, #tpu.memory_space<vmem>>, vector<16xi32>,
        %swap3A_2332 = vector.shape_cast %swap3A_2331 : vector<16xi32> to vector<16xi32>
        %swap3A_2333 = vector.shape_cast %add3A_2329 : vector<16xi32> to vector<16xi32>
        tpu.vector_store %arg6[%swap3A_2330], %swap3A_2333 {strides = array<i32>} : memref<8192xi32, #tpu.memory_space<vmem>>, vector<16xi32>,
        %mul3A_2334 = arith.constant 512 : i32
        %mul3A_2335 = arith.muli %add3A_2109, %mul3A_2334 : i32
        %add3A_2336 = arith.constant 256 : i32
        %add3A_2337 = arith.addi %mul3A_2335, %add3A_2336 : i32
        %get3A_2338 = arith.index_cast %add3A_2337 : i32 to index
        %get3A_2339 = tpu.vector_load %arg6[%get3A_2338] {strides = array<i32>} : memref<8192xi32, #tpu.memory_space<vmem>>, vector<16xi32>,
        %get3A_2340 = vector.shape_cast %get3A_2339 : vector<16xi32> to vector<16xi32>
        %add3A_2341 = arith.constant 524288 : i32
        %add3A_2342 = vector.broadcast %add3A_2341 : i32 to vector<16xi32>
        %add3A_2343 = arith.addi %get3A_2340, %add3A_2342 : vector<16xi32>
        %swap3A_2344 = arith.index_cast %add3A_2337 : i32 to index
        %swap3A_2345 = tpu.vector_load %arg6[%swap3A_2344] {strides = array<i32>} : memref<8192xi32, #tpu.memory_space<vmem>>, vector<16xi32>,
        %swap3A_2346 = vector.shape_cast %swap3A_2345 : vector<16xi32> to vector<16xi32>
        %swap3A_2347 = vector.shape_cast %add3A_2343 : vector<16xi32> to vector<16xi32>
        tpu.vector_store %arg6[%swap3A_2344], %swap3A_2347 {strides = array<i32>} : memref<8192xi32, #tpu.memory_space<vmem>>, vector<16xi32>,
        %mul3A_2348 = arith.constant 512 : i32
        %mul3A_2349 = arith.muli %add3A_2109, %mul3A_2348 : i32
        %add3A_2350 = arith.constant 272 : i32
        %add3A_2351 = arith.addi %mul3A_2349, %add3A_2350 : i32
        %get3A_2352 = arith.index_cast %add3A_2351 : i32 to index
        %get3A_2353 = tpu.vector_load %arg6[%get3A_2352] {strides = array<i32>} : memref<8192xi32, #tpu.memory_space<vmem>>, vector<16xi32>,
        %get3A_2354 = vector.shape_cast %get3A_2353 : vector<16xi32> to vector<16xi32>
        %add3A_2355 = arith.constant 524288 : i32
        %add3A_2356 = vector.broadcast %add3A_2355 : i32 to vector<16xi32>
        %add3A_2357 = arith.addi %get3A_2354, %add3A_2356 : vector<16xi32>
        %swap3A_2358 = arith.index_cast %add3A_2351 : i32 to index
        %swap3A_2359 = tpu.vector_load %arg6[%swap3A_2358] {strides = array<i32>} : memref<8192xi32, #tpu.memory_space<vmem>>, vector<16xi32>,
        %swap3A_2360 = vector.shape_cast %swap3A_2359 : vector<16xi32> to vector<16xi32>
        %swap3A_2361 = vector.shape_cast %add3A_2357 : vector<16xi32> to vector<16xi32>
        tpu.vector_store %arg6[%swap3A_2358], %swap3A_2361 {strides = array<i32>} : memref<8192xi32, #tpu.memory_space<vmem>>, vector<16xi32>,
        %mul3A_2362 = arith.constant 512 : i32
        %mul3A_2363 = arith.muli %add3A_2109, %mul3A_2362 : i32
        %add3A_2364 = arith.constant 288 : i32
        %add3A_2365 = arith.addi %mul3A_2363, %add3A_2364 : i32
        %get3A_2366 = arith.index_cast %add3A_2365 : i32 to index
        %get3A_2367 = tpu.vector_load %arg6[%get3A_2366] {strides = array<i32>} : memref<8192xi32, #tpu.memory_space<vmem>>, vector<16xi32>,
        %get3A_2368 = vector.shape_cast %get3A_2367 : vector<16xi32> to vector<16xi32>
        %add3A_2369 = arith.constant 524288 : i32
        %add3A_2370 = vector.broadcast %add3A_2369 : i32 to vector<16xi32>
        %add3A_2371 = arith.addi %get3A_2368, %add3A_2370 : vector<16xi32>
        %swap3A_2372 = arith.index_cast %add3A_2365 : i32 to index
        %swap3A_2373 = tpu.vector_load %arg6[%swap3A_2372] {strides = array<i32>} : memref<8192xi32, #tpu.memory_space<vmem>>, vector<16xi32>,
        %swap3A_2374 = vector.shape_cast %swap3A_2373 : vector<16xi32> to vector<16xi32>
        %swap3A_2375 = vector.shape_cast %add3A_2371 : vector<16xi32> to vector<16xi32>
        tpu.vector_store %arg6[%swap3A_2372], %swap3A_2375 {strides = array<i32>} : memref<8192xi32, #tpu.memory_space<vmem>>, vector<16xi32>,
        %mul3A_2376 = arith.constant 512 : i32
        %mul3A_2377 = arith.muli %add3A_2109, %mul3A_2376 : i32
        %add3A_2378 = arith.constant 304 : i32
        %add3A_2379 = arith.addi %mul3A_2377, %add3A_2378 : i32
        %get3A_2380 = arith.index_cast %add3A_2379 : i32 to index
        %get3A_2381 = tpu.vector_load %arg6[%get3A_2380] {strides = array<i32>} : memref<8192xi32, #tpu.memory_space<vmem>>, vector<16xi32>,
        %get3A_2382 = vector.shape_cast %get3A_2381 : vector<16xi32> to vector<16xi32>
        %add3A_2383 = arith.constant 524288 : i32
        %add3A_2384 = vector.broadcast %add3A_2383 : i32 to vector<16xi32>
        %add3A_2385 = arith.addi %get3A_2382, %add3A_2384 : vector<16xi32>
        %swap3A_2386 = arith.index_cast %add3A_2379 : i32 to index
        %swap3A_2387 = tpu.vector_load %arg6[%swap3A_2386] {strides = array<i32>} : memref<8192xi32, #tpu.memory_space<vmem>>, vector<16xi32>,
        %swap3A_2388 = vector.shape_cast %swap3A_2387 : vector<16xi32> to vector<16xi32>
        %swap3A_2389 = vector.shape_cast %add3A_2385 : vector<16xi32> to vector<16xi32>
        tpu.vector_store %arg6[%swap3A_2386], %swap3A_2389 {strides = array<i32>} : memref<8192xi32, #tpu.memory_space<vmem>>, vector<16xi32>,
        %mul3A_2390 = arith.constant 512 : i32
        %mul3A_2391 = arith.muli %add3A_2109, %mul3A_2390 : i32
        %add3A_2392 = arith.constant 320 : i32
        %add3A_2393 = arith.addi %mul3A_2391, %add3A_2392 : i32
        %get3A_2394 = arith.index_cast %add3A_2393 : i32 to index
        %get3A_2395 = tpu.vector_load %arg6[%get3A_2394] {strides = array<i32>} : memref<8192xi32, #tpu.memory_space<vmem>>, vector<16xi32>,
        %get3A_2396 = vector.shape_cast %get3A_2395 : vector<16xi32> to vector<16xi32>
        %add3A_2397 = arith.constant 524288 : i32
        %add3A_2398 = vector.broadcast %add3A_2397 : i32 to vector<16xi32>
        %add3A_2399 = arith.addi %get3A_2396, %add3A_2398 : vector<16xi32>
        %swap3A_2400 = arith.index_cast %add3A_2393 : i32 to index
        %swap3A_2401 = tpu.vector_load %arg6[%swap3A_2400] {strides = array<i32>} : memref<8192xi32, #tpu.memory_space<vmem>>, vector<16xi32>,
        %swap3A_2402 = vector.shape_cast %swap3A_2401 : vector<16xi32> to vector<16xi32>
        %swap3A_2403 = vector.shape_cast %add3A_2399 : vector<16xi32> to vector<16xi32>
        tpu.vector_store %arg6[%swap3A_2400], %swap3A_2403 {strides = array<i32>} : memref<8192xi32, #tpu.memory_space<vmem>>, vector<16xi32>,
        %mul3A_2404 = arith.constant 512 : i32
        %mul3A_2405 = arith.muli %add3A_2109, %mul3A_2404 : i32
        %add3A_2406 = arith.constant 336 : i32
        %add3A_2407 = arith.addi %mul3A_2405, %add3A_2406 : i32
        %get3A_2408 = arith.index_cast %add3A_2407 : i32 to index
        %get3A_2409 = tpu.vector_load %arg6[%get3A_2408] {strides = array<i32>} : memref<8192xi32, #tpu.memory_space<vmem>>, vector<16xi32>,
        %get3A_2410 = vector.shape_cast %get3A_2409 : vector<16xi32> to vector<16xi32>
        %add3A_2411 = arith.constant 524288 : i32
        %add3A_2412 = vector.broadcast %add3A_2411 : i32 to vector<16xi32>
        %add3A_2413 = arith.addi %get3A_2410, %add3A_2412 : vector<16xi32>
        %swap3A_2414 = arith.index_cast %add3A_2407 : i32 to index
        %swap3A_2415 = tpu.vector_load %arg6[%swap3A_2414] {strides = array<i32>} : memref<8192xi32, #tpu.memory_space<vmem>>, vector<16xi32>,
        %swap3A_2416 = vector.shape_cast %swap3A_2415 : vector<16xi32> to vector<16xi32>
        %swap3A_2417 = vector.shape_cast %add3A_2413 : vector<16xi32> to vector<16xi32>
        tpu.vector_store %arg6[%swap3A_2414], %swap3A_2417 {strides = array<i32>} : memref<8192xi32, #tpu.memory_space<vmem>>, vector<16xi32>,
        %mul3A_2418 = arith.constant 512 : i32
        %mul3A_2419 = arith.muli %add3A_2109, %mul3A_2418 : i32
        %add3A_2420 = arith.constant 352 : i32
        %add3A_2421 = arith.addi %mul3A_2419, %add3A_2420 : i32
        %get3A_2422 = arith.index_cast %add3A_2421 : i32 to index
        %get3A_2423 = tpu.vector_load %arg6[%get3A_2422] {strides = array<i32>} : memref<8192xi32, #tpu.memory_space<vmem>>, vector<16xi32>,
        %get3A_2424 = vector.shape_cast %get3A_2423 : vector<16xi32> to vector<16xi32>
        %add3A_2425 = arith.constant 524288 : i32
        %add3A_2426 = vector.broadcast %add3A_2425 : i32 to vector<16xi32>
        %add3A_2427 = arith.addi %get3A_2424, %add3A_2426 : vector<16xi32>
        %swap3A_2428 = arith.index_cast %add3A_2421 : i32 to index
        %swap3A_2429 = tpu.vector_load %arg6[%swap3A_2428] {strides = array<i32>} : memref<8192xi32, #tpu.memory_space<vmem>>, vector<16xi32>,
        %swap3A_2430 = vector.shape_cast %swap3A_2429 : vector<16xi32> to vector<16xi32>
        %swap3A_2431 = vector.shape_cast %add3A_2427 : vector<16xi32> to vector<16xi32>
        tpu.vector_store %arg6[%swap3A_2428], %swap3A_2431 {strides = array<i32>} : memref<8192xi32, #tpu.memory_space<vmem>>, vector<16xi32>,
        %mul3A_2432 = arith.constant 512 : i32
        %mul3A_2433 = arith.muli %add3A_2109, %mul3A_2432 : i32
        %add3A_2434 = arith.constant 368 : i32
        %add3A_2435 = arith.addi %mul3A_2433, %add3A_2434 : i32
        %get3A_2436 = arith.index_cast %add3A_2435 : i32 to index
        %get3A_2437 = tpu.vector_load %arg6[%get3A_2436] {strides = array<i32>} : memref<8192xi32, #tpu.memory_space<vmem>>, vector<16xi32>,
        %get3A_2438 = vector.shape_cast %get3A_2437 : vector<16xi32> to vector<16xi32>
        %add3A_2439 = arith.constant 524288 : i32
        %add3A_2440 = vector.broadcast %add3A_2439 : i32 to vector<16xi32>
        %add3A_2441 = arith.addi %get3A_2438, %add3A_2440 : vector<16xi32>
        %swap3A_2442 = arith.index_cast %add3A_2435 : i32 to index
        %swap3A_2443 = tpu.vector_load %arg6[%swap3A_2442] {strides = array<i32>} : memref<8192xi32, #tpu.memory_space<vmem>>, vector<16xi32>,
        %swap3A_2444 = vector.shape_cast %swap3A_2443 : vector<16xi32> to vector<16xi32>
        %swap3A_2445 = vector.shape_cast %add3A_2441 : vector<16xi32> to vector<16xi32>
        tpu.vector_store %arg6[%swap3A_2442], %swap3A_2445 {strides = array<i32>} : memref<8192xi32, #tpu.memory_space<vmem>>, vector<16xi32>,
        %mul3A_2446 = arith.constant 512 : i32
        %mul3A_2447 = arith.muli %add3A_2109, %mul3A_2446 : i32
        %add3A_2448 = arith.constant 384 : i32
        %add3A_2449 = arith.addi %mul3A_2447, %add3A_2448 : i32
        %get3A_2450 = arith.index_cast %add3A_2449 : i32 to index
        %get3A_2451 = tpu.vector_load %arg6[%get3A_2450] {strides = array<i32>} : memref<8192xi32, #tpu.memory_space<vmem>>, vector<16xi32>,
        %get3A_2452 = vector.shape_cast %get3A_2451 : vector<16xi32> to vector<16xi32>
        %add3A_2453 = arith.constant 524288 : i32
        %add3A_2454 = vector.broadcast %add3A_2453 : i32 to vector<16xi32>
        %add3A_2455 = arith.addi %get3A_2452, %add3A_2454 : vector<16xi32>
        %swap3A_2456 = arith.index_cast %add3A_2449 : i32 to index
        %swap3A_2457 = tpu.vector_load %arg6[%swap3A_2456] {strides = array<i32>} : memref<8192xi32, #tpu.memory_space<vmem>>, vector<16xi32>,
        %swap3A_2458 = vector.shape_cast %swap3A_2457 : vector<16xi32> to vector<16xi32>
        %swap3A_2459 = vector.shape_cast %add3A_2455 : vector<16xi32> to vector<16xi32>
        tpu.vector_store %arg6[%swap3A_2456], %swap3A_2459 {strides = array<i32>} : memref<8192xi32, #tpu.memory_space<vmem>>, vector<16xi32>,
        %mul3A_2460 = arith.constant 512 : i32
        %mul3A_2461 = arith.muli %add3A_2109, %mul3A_2460 : i32
        %add3A_2462 = arith.constant 400 : i32
        %add3A_2463 = arith.addi %mul3A_2461, %add3A_2462 : i32
        %get3A_2464 = arith.index_cast %add3A_2463 : i32 to index
        %get3A_2465 = tpu.vector_load %arg6[%get3A_2464] {strides = array<i32>} : memref<8192xi32, #tpu.memory_space<vmem>>, vector<16xi32>,
        %get3A_2466 = vector.shape_cast %get3A_2465 : vector<16xi32> to vector<16xi32>
        %add3A_2467 = arith.constant 524288 : i32
        %add3A_2468 = vector.broadcast %add3A_2467 : i32 to vector<16xi32>
        %add3A_2469 = arith.addi %get3A_2466, %add3A_2468 : vector<16xi32>
        %swap3A_2470 = arith.index_cast %add3A_2463 : i32 to index
        %swap3A_2471 = tpu.vector_load %arg6[%swap3A_2470] {strides = array<i32>} : memref<8192xi32, #tpu.memory_space<vmem>>, vector<16xi32>,
        %swap3A_2472 = vector.shape_cast %swap3A_2471 : vector<16xi32> to vector<16xi32>
        %swap3A_2473 = vector.shape_cast %add3A_2469 : vector<16xi32> to vector<16xi32>
        tpu.vector_store %arg6[%swap3A_2470], %swap3A_2473 {strides = array<i32>} : memref<8192xi32, #tpu.memory_space<vmem>>, vector<16xi32>,
        %mul3A_2474 = arith.constant 512 : i32
        %mul3A_2475 = arith.muli %add3A_2109, %mul3A_2474 : i32
        %add3A_2476 = arith.constant 416 : i32
        %add3A_2477 = arith.addi %mul3A_2475, %add3A_2476 : i32
        %get3A_2478 = arith.index_cast %add3A_2477 : i32 to index
        %get3A_2479 = tpu.vector_load %arg6[%get3A_2478] {strides = array<i32>} : memref<8192xi32, #tpu.memory_space<vmem>>, vector<16xi32>,
        %get3A_2480 = vector.shape_cast %get3A_2479 : vector<16xi32> to vector<16xi32>
        %add3A_2481 = arith.constant 524288 : i32
        %add3A_2482 = vector.broadcast %add3A_2481 : i32 to vector<16xi32>
        %add3A_2483 = arith.addi %get3A_2480, %add3A_2482 : vector<16xi32>
        %swap3A_2484 = arith.index_cast %add3A_2477 : i32 to index
        %swap3A_2485 = tpu.vector_load %arg6[%swap3A_2484] {strides = array<i32>} : memref<8192xi32, #tpu.memory_space<vmem>>, vector<16xi32>,
        %swap3A_2486 = vector.shape_cast %swap3A_2485 : vector<16xi32> to vector<16xi32>
        %swap3A_2487 = vector.shape_cast %add3A_2483 : vector<16xi32> to vector<16xi32>
        tpu.vector_store %arg6[%swap3A_2484], %swap3A_2487 {strides = array<i32>} : memref<8192xi32, #tpu.memory_space<vmem>>, vector<16xi32>,
        %mul3A_2488 = arith.constant 512 : i32
        %mul3A_2489 = arith.muli %add3A_2109, %mul3A_2488 : i32
        %add3A_2490 = arith.constant 432 : i32
        %add3A_2491 = arith.addi %mul3A_2489, %add3A_2490 : i32
        %get3A_2492 = arith.index_cast %add3A_2491 : i32 to index
        %get3A_2493 = tpu.vector_load %arg6[%get3A_2492] {strides = array<i32>} : memref<8192xi32, #tpu.memory_space<vmem>>, vector<16xi32>,
        %get3A_2494 = vector.shape_cast %get3A_2493 : vector<16xi32> to vector<16xi32>
        %add3A_2495 = arith.constant 524288 : i32
        %add3A_2496 = vector.broadcast %add3A_2495 : i32 to vector<16xi32>
        %add3A_2497 = arith.addi %get3A_2494, %add3A_2496 : vector<16xi32>
        %swap3A_2498 = arith.index_cast %add3A_2491 : i32 to index
        %swap3A_2499 = tpu.vector_load %arg6[%swap3A_2498] {strides = array<i32>} : memref<8192xi32, #tpu.memory_space<vmem>>, vector<16xi32>,
        %swap3A_2500 = vector.shape_cast %swap3A_2499 : vector<16xi32> to vector<16xi32>
        %swap3A_2501 = vector.shape_cast %add3A_2497 : vector<16xi32> to vector<16xi32>
        tpu.vector_store %arg6[%swap3A_2498], %swap3A_2501 {strides = array<i32>} : memref<8192xi32, #tpu.memory_space<vmem>>, vector<16xi32>,
        %mul3A_2502 = arith.constant 512 : i32
        %mul3A_2503 = arith.muli %add3A_2109, %mul3A_2502 : i32
        %add3A_2504 = arith.constant 448 : i32
        %add3A_2505 = arith.addi %mul3A_2503, %add3A_2504 : i32
        %get3A_2506 = arith.index_cast %add3A_2505 : i32 to index
        %get3A_2507 = tpu.vector_load %arg6[%get3A_2506] {strides = array<i32>} : memref<8192xi32, #tpu.memory_space<vmem>>, vector<16xi32>,
        %get3A_2508 = vector.shape_cast %get3A_2507 : vector<16xi32> to vector<16xi32>
        %add3A_2509 = arith.constant 524288 : i32
        %add3A_2510 = vector.broadcast %add3A_2509 : i32 to vector<16xi32>
        %add3A_2511 = arith.addi %get3A_2508, %add3A_2510 : vector<16xi32>
        %swap3A_2512 = arith.index_cast %add3A_2505 : i32 to index
        %swap3A_2513 = tpu.vector_load %arg6[%swap3A_2512] {strides = array<i32>} : memref<8192xi32, #tpu.memory_space<vmem>>, vector<16xi32>,
        %swap3A_2514 = vector.shape_cast %swap3A_2513 : vector<16xi32> to vector<16xi32>
        %swap3A_2515 = vector.shape_cast %add3A_2511 : vector<16xi32> to vector<16xi32>
        tpu.vector_store %arg6[%swap3A_2512], %swap3A_2515 {strides = array<i32>} : memref<8192xi32, #tpu.memory_space<vmem>>, vector<16xi32>,
        %mul3A_2516 = arith.constant 512 : i32
        %mul3A_2517 = arith.muli %add3A_2109, %mul3A_2516 : i32
        %add3A_2518 = arith.constant 464 : i32
        %add3A_2519 = arith.addi %mul3A_2517, %add3A_2518 : i32
        %get3A_2520 = arith.index_cast %add3A_2519 : i32 to index
        %get3A_2521 = tpu.vector_load %arg6[%get3A_2520] {strides = array<i32>} : memref<8192xi32, #tpu.memory_space<vmem>>, vector<16xi32>,
        %get3A_2522 = vector.shape_cast %get3A_2521 : vector<16xi32> to vector<16xi32>
        %add3A_2523 = arith.constant 524288 : i32
        %add3A_2524 = vector.broadcast %add3A_2523 : i32 to vector<16xi32>
        %add3A_2525 = arith.addi %get3A_2522, %add3A_2524 : vector<16xi32>
        %swap3A_2526 = arith.index_cast %add3A_2519 : i32 to index
        %swap3A_2527 = tpu.vector_load %arg6[%swap3A_2526] {strides = array<i32>} : memref<8192xi32, #tpu.memory_space<vmem>>, vector<16xi32>,
        %swap3A_2528 = vector.shape_cast %swap3A_2527 : vector<16xi32> to vector<16xi32>
        %swap3A_2529 = vector.shape_cast %add3A_2525 : vector<16xi32> to vector<16xi32>
        tpu.vector_store %arg6[%swap3A_2526], %swap3A_2529 {strides = array<i32>} : memref<8192xi32, #tpu.memory_space<vmem>>, vector<16xi32>,
        %mul3A_2530 = arith.constant 512 : i32
        %mul3A_2531 = arith.muli %add3A_2109, %mul3A_2530 : i32
        %add3A_2532 = arith.constant 480 : i32
        %add3A_2533 = arith.addi %mul3A_2531, %add3A_2532 : i32
        %get3A_2534 = arith.index_cast %add3A_2533 : i32 to index
        %get3A_2535 = tpu.vector_load %arg6[%get3A_2534] {strides = array<i32>} : memref<8192xi32, #tpu.memory_space<vmem>>, vector<16xi32>,
        %get3A_2536 = vector.shape_cast %get3A_2535 : vector<16xi32> to vector<16xi32>
        %add3A_2537 = arith.constant 524288 : i32
        %add3A_2538 = vector.broadcast %add3A_2537 : i32 to vector<16xi32>
        %add3A_2539 = arith.addi %get3A_2536, %add3A_2538 : vector<16xi32>
        %swap3A_2540 = arith.index_cast %add3A_2533 : i32 to index
        %swap3A_2541 = tpu.vector_load %arg6[%swap3A_2540] {strides = array<i32>} : memref<8192xi32, #tpu.memory_space<vmem>>, vector<16xi32>,
        %swap3A_2542 = vector.shape_cast %swap3A_2541 : vector<16xi32> to vector<16xi32>
        %swap3A_2543 = vector.shape_cast %add3A_2539 : vector<16xi32> to vector<16xi32>
        tpu.vector_store %arg6[%swap3A_2540], %swap3A_2543 {strides = array<i32>} : memref<8192xi32, #tpu.memory_space<vmem>>, vector<16xi32>,
        %mul3A_2544 = arith.constant 512 : i32
        %mul3A_2545 = arith.muli %add3A_2109, %mul3A_2544 : i32
        %add3A_2546 = arith.constant 496 : i32
        %add3A_2547 = arith.addi %mul3A_2545, %add3A_2546 : i32
        %get3A_2548 = arith.index_cast %add3A_2547 : i32 to index
        %get3A_2549 = tpu.vector_load %arg6[%get3A_2548] {strides = array<i32>} : memref<8192xi32, #tpu.memory_space<vmem>>, vector<16xi32>,
        %get3A_2550 = vector.shape_cast %get3A_2549 : vector<16xi32> to vector<16xi32>
        %add3A_2551 = arith.constant 524288 : i32
        %add3A_2552 = vector.broadcast %add3A_2551 : i32 to vector<16xi32>
        %add3A_2553 = arith.addi %get3A_2550, %add3A_2552 : vector<16xi32>
        %swap3A_2554 = arith.index_cast %add3A_2547 : i32 to index
        %swap3A_2555 = tpu.vector_load %arg6[%swap3A_2554] {strides = array<i32>} : memref<8192xi32, #tpu.memory_space<vmem>>, vector<16xi32>,
        %swap3A_2556 = vector.shape_cast %swap3A_2555 : vector<16xi32> to vector<16xi32>
        %swap3A_2557 = vector.shape_cast %add3A_2553 : vector<16xi32> to vector<16xi32>
        tpu.vector_store %arg6[%swap3A_2554], %swap3A_2557 {strides = array<i32>} : memref<8192xi32, #tpu.memory_space<vmem>>, vector<16xi32>,
        %mul3A_2558 = arith.constant 8 : i32
        %mul3A_2559 = arith.muli %rem3A_299, %mul3A_2558 : i32
        %add3A_2560 = arith.constant 5 : i32
        %add3A_2561 = arith.addi %mul3A_2559, %add3A_2560 : i32
        %mul3A_2562 = arith.constant 512 : i32
        %mul3A_2563 = arith.muli %add3A_2561, %mul3A_2562 : i32
        %add3A_2564 = arith.constant 0 : i32
        %add3A_2565 = arith.addi %mul3A_2563, %add3A_2564 : i32
        %get3A_2566 = arith.index_cast %add3A_2565 : i32 to index
        %get3A_2567 = tpu.vector_load %arg6[%get3A_2566] {strides = array<i32>} : memref<8192xi32, #tpu.memory_space<vmem>>, vector<16xi32>,
        %get3A_2568 = vector.shape_cast %get3A_2567 : vector<16xi32> to vector<16xi32>
        %add3A_2569 = arith.constant 524288 : i32
        %add3A_2570 = vector.broadcast %add3A_2569 : i32 to vector<16xi32>
        %add3A_2571 = arith.addi %get3A_2568, %add3A_2570 : vector<16xi32>
        %swap3A_2572 = arith.index_cast %add3A_2565 : i32 to index
        %swap3A_2573 = tpu.vector_load %arg6[%swap3A_2572] {strides = array<i32>} : memref<8192xi32, #tpu.memory_space<vmem>>, vector<16xi32>,
        %swap3A_2574 = vector.shape_cast %swap3A_2573 : vector<16xi32> to vector<16xi32>
        %swap3A_2575 = vector.shape_cast %add3A_2571 : vector<16xi32> to vector<16xi32>
        tpu.vector_store %arg6[%swap3A_2572], %swap3A_2575 {strides = array<i32>} : memref<8192xi32, #tpu.memory_space<vmem>>, vector<16xi32>,
        %mul3A_2576 = arith.constant 512 : i32
        %mul3A_2577 = arith.muli %add3A_2561, %mul3A_2576 : i32
        %add3A_2578 = arith.constant 16 : i32
        %add3A_2579 = arith.addi %mul3A_2577, %add3A_2578 : i32
        %get3A_2580 = arith.index_cast %add3A_2579 : i32 to index
        %get3A_2581 = tpu.vector_load %arg6[%get3A_2580] {strides = array<i32>} : memref<8192xi32, #tpu.memory_space<vmem>>, vector<16xi32>,
        %get3A_2582 = vector.shape_cast %get3A_2581 : vector<16xi32> to vector<16xi32>
        %add3A_2583 = arith.constant 524288 : i32
        %add3A_2584 = vector.broadcast %add3A_2583 : i32 to vector<16xi32>
        %add3A_2585 = arith.addi %get3A_2582, %add3A_2584 : vector<16xi32>
        %swap3A_2586 = arith.index_cast %add3A_2579 : i32 to index
        %swap3A_2587 = tpu.vector_load %arg6[%swap3A_2586] {strides = array<i32>} : memref<8192xi32, #tpu.memory_space<vmem>>, vector<16xi32>,
        %swap3A_2588 = vector.shape_cast %swap3A_2587 : vector<16xi32> to vector<16xi32>
        %swap3A_2589 = vector.shape_cast %add3A_2585 : vector<16xi32> to vector<16xi32>
        tpu.vector_store %arg6[%swap3A_2586], %swap3A_2589 {strides = array<i32>} : memref<8192xi32, #tpu.memory_space<vmem>>, vector<16xi32>,
        %mul3A_2590 = arith.constant 512 : i32
        %mul3A_2591 = arith.muli %add3A_2561, %mul3A_2590 : i32
        %add3A_2592 = arith.constant 32 : i32
        %add3A_2593 = arith.addi %mul3A_2591, %add3A_2592 : i32
        %get3A_2594 = arith.index_cast %add3A_2593 : i32 to index
        %get3A_2595 = tpu.vector_load %arg6[%get3A_2594] {strides = array<i32>} : memref<8192xi32, #tpu.memory_space<vmem>>, vector<16xi32>,
        %get3A_2596 = vector.shape_cast %get3A_2595 : vector<16xi32> to vector<16xi32>
        %add3A_2597 = arith.constant 524288 : i32
        %add3A_2598 = vector.broadcast %add3A_2597 : i32 to vector<16xi32>
        %add3A_2599 = arith.addi %get3A_2596, %add3A_2598 : vector<16xi32>
        %swap3A_2600 = arith.index_cast %add3A_2593 : i32 to index
        %swap3A_2601 = tpu.vector_load %arg6[%swap3A_2600] {strides = array<i32>} : memref<8192xi32, #tpu.memory_space<vmem>>, vector<16xi32>,
        %swap3A_2602 = vector.shape_cast %swap3A_2601 : vector<16xi32> to vector<16xi32>
        %swap3A_2603 = vector.shape_cast %add3A_2599 : vector<16xi32> to vector<16xi32>
        tpu.vector_store %arg6[%swap3A_2600], %swap3A_2603 {strides = array<i32>} : memref<8192xi32, #tpu.memory_space<vmem>>, vector<16xi32>,
        %mul3A_2604 = arith.constant 512 : i32
        %mul3A_2605 = arith.muli %add3A_2561, %mul3A_2604 : i32
        %add3A_2606 = arith.constant 48 : i32
        %add3A_2607 = arith.addi %mul3A_2605, %add3A_2606 : i32
        %get3A_2608 = arith.index_cast %add3A_2607 : i32 to index
        %get3A_2609 = tpu.vector_load %arg6[%get3A_2608] {strides = array<i32>} : memref<8192xi32, #tpu.memory_space<vmem>>, vector<16xi32>,
        %get3A_2610 = vector.shape_cast %get3A_2609 : vector<16xi32> to vector<16xi32>
        %add3A_2611 = arith.constant 524288 : i32
        %add3A_2612 = vector.broadcast %add3A_2611 : i32 to vector<16xi32>
        %add3A_2613 = arith.addi %get3A_2610, %add3A_2612 : vector<16xi32>
        %swap3A_2614 = arith.index_cast %add3A_2607 : i32 to index
        %swap3A_2615 = tpu.vector_load %arg6[%swap3A_2614] {strides = array<i32>} : memref<8192xi32, #tpu.memory_space<vmem>>, vector<16xi32>,
        %swap3A_2616 = vector.shape_cast %swap3A_2615 : vector<16xi32> to vector<16xi32>
        %swap3A_2617 = vector.shape_cast %add3A_2613 : vector<16xi32> to vector<16xi32>
        tpu.vector_store %arg6[%swap3A_2614], %swap3A_2617 {strides = array<i32>} : memref<8192xi32, #tpu.memory_space<vmem>>, vector<16xi32>,
        %mul3A_2618 = arith.constant 512 : i32
        %mul3A_2619 = arith.muli %add3A_2561, %mul3A_2618 : i32
        %add3A_2620 = arith.constant 64 : i32
        %add3A_2621 = arith.addi %mul3A_2619, %add3A_2620 : i32
        %get3A_2622 = arith.index_cast %add3A_2621 : i32 to index
        %get3A_2623 = tpu.vector_load %arg6[%get3A_2622] {strides = array<i32>} : memref<8192xi32, #tpu.memory_space<vmem>>, vector<16xi32>,
        %get3A_2624 = vector.shape_cast %get3A_2623 : vector<16xi32> to vector<16xi32>
        %add3A_2625 = arith.constant 524288 : i32
        %add3A_2626 = vector.broadcast %add3A_2625 : i32 to vector<16xi32>
        %add3A_2627 = arith.addi %get3A_2624, %add3A_2626 : vector<16xi32>
        %swap3A_2628 = arith.index_cast %add3A_2621 : i32 to index
        %swap3A_2629 = tpu.vector_load %arg6[%swap3A_2628] {strides = array<i32>} : memref<8192xi32, #tpu.memory_space<vmem>>, vector<16xi32>,
        %swap3A_2630 = vector.shape_cast %swap3A_2629 : vector<16xi32> to vector<16xi32>
        %swap3A_2631 = vector.shape_cast %add3A_2627 : vector<16xi32> to vector<16xi32>
        tpu.vector_store %arg6[%swap3A_2628], %swap3A_2631 {strides = array<i32>} : memref<8192xi32, #tpu.memory_space<vmem>>, vector<16xi32>,
        %mul3A_2632 = arith.constant 512 : i32
        %mul3A_2633 = arith.muli %add3A_2561, %mul3A_2632 : i32
        %add3A_2634 = arith.constant 80 : i32
        %add3A_2635 = arith.addi %mul3A_2633, %add3A_2634 : i32
        %get3A_2636 = arith.index_cast %add3A_2635 : i32 to index
        %get3A_2637 = tpu.vector_load %arg6[%get3A_2636] {strides = array<i32>} : memref<8192xi32, #tpu.memory_space<vmem>>, vector<16xi32>,
        %get3A_2638 = vector.shape_cast %get3A_2637 : vector<16xi32> to vector<16xi32>
        %add3A_2639 = arith.constant 524288 : i32
        %add3A_2640 = vector.broadcast %add3A_2639 : i32 to vector<16xi32>
        %add3A_2641 = arith.addi %get3A_2638, %add3A_2640 : vector<16xi32>
        %swap3A_2642 = arith.index_cast %add3A_2635 : i32 to index
        %swap3A_2643 = tpu.vector_load %arg6[%swap3A_2642] {strides = array<i32>} : memref<8192xi32, #tpu.memory_space<vmem>>, vector<16xi32>,
        %swap3A_2644 = vector.shape_cast %swap3A_2643 : vector<16xi32> to vector<16xi32>
        %swap3A_2645 = vector.shape_cast %add3A_2641 : vector<16xi32> to vector<16xi32>
        tpu.vector_store %arg6[%swap3A_2642], %swap3A_2645 {strides = array<i32>} : memref<8192xi32, #tpu.memory_space<vmem>>, vector<16xi32>,
        %mul3A_2646 = arith.constant 512 : i32
        %mul3A_2647 = arith.muli %add3A_2561, %mul3A_2646 : i32
        %add3A_2648 = arith.constant 96 : i32
        %add3A_2649 = arith.addi %mul3A_2647, %add3A_2648 : i32
        %get3A_2650 = arith.index_cast %add3A_2649 : i32 to index
        %get3A_2651 = tpu.vector_load %arg6[%get3A_2650] {strides = array<i32>} : memref<8192xi32, #tpu.memory_space<vmem>>, vector<16xi32>,
        %get3A_2652 = vector.shape_cast %get3A_2651 : vector<16xi32> to vector<16xi32>
        %add3A_2653 = arith.constant 524288 : i32
        %add3A_2654 = vector.broadcast %add3A_2653 : i32 to vector<16xi32>
        %add3A_2655 = arith.addi %get3A_2652, %add3A_2654 : vector<16xi32>
        %swap3A_2656 = arith.index_cast %add3A_2649 : i32 to index
        %swap3A_2657 = tpu.vector_load %arg6[%swap3A_2656] {strides = array<i32>} : memref<8192xi32, #tpu.memory_space<vmem>>, vector<16xi32>,
        %swap3A_2658 = vector.shape_cast %swap3A_2657 : vector<16xi32> to vector<16xi32>
        %swap3A_2659 = vector.shape_cast %add3A_2655 : vector<16xi32> to vector<16xi32>
        tpu.vector_store %arg6[%swap3A_2656], %swap3A_2659 {strides = array<i32>} : memref<8192xi32, #tpu.memory_space<vmem>>, vector<16xi32>,
        %mul3A_2660 = arith.constant 512 : i32
        %mul3A_2661 = arith.muli %add3A_2561, %mul3A_2660 : i32
        %add3A_2662 = arith.constant 112 : i32
        %add3A_2663 = arith.addi %mul3A_2661, %add3A_2662 : i32
        %get3A_2664 = arith.index_cast %add3A_2663 : i32 to index
        %get3A_2665 = tpu.vector_load %arg6[%get3A_2664] {strides = array<i32>} : memref<8192xi32, #tpu.memory_space<vmem>>, vector<16xi32>,
        %get3A_2666 = vector.shape_cast %get3A_2665 : vector<16xi32> to vector<16xi32>
        %add3A_2667 = arith.constant 524288 : i32
        %add3A_2668 = vector.broadcast %add3A_2667 : i32 to vector<16xi32>
        %add3A_2669 = arith.addi %get3A_2666, %add3A_2668 : vector<16xi32>
        %swap3A_2670 = arith.index_cast %add3A_2663 : i32 to index
        %swap3A_2671 = tpu.vector_load %arg6[%swap3A_2670] {strides = array<i32>} : memref<8192xi32, #tpu.memory_space<vmem>>, vector<16xi32>,
        %swap3A_2672 = vector.shape_cast %swap3A_2671 : vector<16xi32> to vector<16xi32>
        %swap3A_2673 = vector.shape_cast %add3A_2669 : vector<16xi32> to vector<16xi32>
        tpu.vector_store %arg6[%swap3A_2670], %swap3A_2673 {strides = array<i32>} : memref<8192xi32, #tpu.memory_space<vmem>>, vector<16xi32>,
        %mul3A_2674 = arith.constant 512 : i32
        %mul3A_2675 = arith.muli %add3A_2561, %mul3A_2674 : i32
        %add3A_2676 = arith.constant 128 : i32
        %add3A_2677 = arith.addi %mul3A_2675, %add3A_2676 : i32
        %get3A_2678 = arith.index_cast %add3A_2677 : i32 to index
        %get3A_2679 = tpu.vector_load %arg6[%get3A_2678] {strides = array<i32>} : memref<8192xi32, #tpu.memory_space<vmem>>, vector<16xi32>,
        %get3A_2680 = vector.shape_cast %get3A_2679 : vector<16xi32> to vector<16xi32>
        %add3A_2681 = arith.constant 524288 : i32
        %add3A_2682 = vector.broadcast %add3A_2681 : i32 to vector<16xi32>
        %add3A_2683 = arith.addi %get3A_2680, %add3A_2682 : vector<16xi32>
        %swap3A_2684 = arith.index_cast %add3A_2677 : i32 to index
        %swap3A_2685 = tpu.vector_load %arg6[%swap3A_2684] {strides = array<i32>} : memref<8192xi32, #tpu.memory_space<vmem>>, vector<16xi32>,
        %swap3A_2686 = vector.shape_cast %swap3A_2685 : vector<16xi32> to vector<16xi32>
        %swap3A_2687 = vector.shape_cast %add3A_2683 : vector<16xi32> to vector<16xi32>
        tpu.vector_store %arg6[%swap3A_2684], %swap3A_2687 {strides = array<i32>} : memref<8192xi32, #tpu.memory_space<vmem>>, vector<16xi32>,
        %mul3A_2688 = arith.constant 512 : i32
        %mul3A_2689 = arith.muli %add3A_2561, %mul3A_2688 : i32
        %add3A_2690 = arith.constant 144 : i32
        %add3A_2691 = arith.addi %mul3A_2689, %add3A_2690 : i32
        %get3A_2692 = arith.index_cast %add3A_2691 : i32 to index
        %get3A_2693 = tpu.vector_load %arg6[%get3A_2692] {strides = array<i32>} : memref<8192xi32, #tpu.memory_space<vmem>>, vector<16xi32>,
        %get3A_2694 = vector.shape_cast %get3A_2693 : vector<16xi32> to vector<16xi32>
        %add3A_2695 = arith.constant 524288 : i32
        %add3A_2696 = vector.broadcast %add3A_2695 : i32 to vector<16xi32>
        %add3A_2697 = arith.addi %get3A_2694, %add3A_2696 : vector<16xi32>
        %swap3A_2698 = arith.index_cast %add3A_2691 : i32 to index
        %swap3A_2699 = tpu.vector_load %arg6[%swap3A_2698] {strides = array<i32>} : memref<8192xi32, #tpu.memory_space<vmem>>, vector<16xi32>,
        %swap3A_2700 = vector.shape_cast %swap3A_2699 : vector<16xi32> to vector<16xi32>
        %swap3A_2701 = vector.shape_cast %add3A_2697 : vector<16xi32> to vector<16xi32>
        tpu.vector_store %arg6[%swap3A_2698], %swap3A_2701 {strides = array<i32>} : memref<8192xi32, #tpu.memory_space<vmem>>, vector<16xi32>,
        %mul3A_2702 = arith.constant 512 : i32
        %mul3A_2703 = arith.muli %add3A_2561, %mul3A_2702 : i32
        %add3A_2704 = arith.constant 160 : i32
        %add3A_2705 = arith.addi %mul3A_2703, %add3A_2704 : i32
        %get3A_2706 = arith.index_cast %add3A_2705 : i32 to index
        %get3A_2707 = tpu.vector_load %arg6[%get3A_2706] {strides = array<i32>} : memref<8192xi32, #tpu.memory_space<vmem>>, vector<16xi32>,
        %get3A_2708 = vector.shape_cast %get3A_2707 : vector<16xi32> to vector<16xi32>
        %add3A_2709 = arith.constant 524288 : i32
        %add3A_2710 = vector.broadcast %add3A_2709 : i32 to vector<16xi32>
        %add3A_2711 = arith.addi %get3A_2708, %add3A_2710 : vector<16xi32>
        %swap3A_2712 = arith.index_cast %add3A_2705 : i32 to index
        %swap3A_2713 = tpu.vector_load %arg6[%swap3A_2712] {strides = array<i32>} : memref<8192xi32, #tpu.memory_space<vmem>>, vector<16xi32>,
        %swap3A_2714 = vector.shape_cast %swap3A_2713 : vector<16xi32> to vector<16xi32>
        %swap3A_2715 = vector.shape_cast %add3A_2711 : vector<16xi32> to vector<16xi32>
        tpu.vector_store %arg6[%swap3A_2712], %swap3A_2715 {strides = array<i32>} : memref<8192xi32, #tpu.memory_space<vmem>>, vector<16xi32>,
        %mul3A_2716 = arith.constant 512 : i32
        %mul3A_2717 = arith.muli %add3A_2561, %mul3A_2716 : i32
        %add3A_2718 = arith.constant 176 : i32
        %add3A_2719 = arith.addi %mul3A_2717, %add3A_2718 : i32
        %get3A_2720 = arith.index_cast %add3A_2719 : i32 to index
        %get3A_2721 = tpu.vector_load %arg6[%get3A_2720] {strides = array<i32>} : memref<8192xi32, #tpu.memory_space<vmem>>, vector<16xi32>,
        %get3A_2722 = vector.shape_cast %get3A_2721 : vector<16xi32> to vector<16xi32>
        %add3A_2723 = arith.constant 524288 : i32
        %add3A_2724 = vector.broadcast %add3A_2723 : i32 to vector<16xi32>
        %add3A_2725 = arith.addi %get3A_2722, %add3A_2724 : vector<16xi32>
        %swap3A_2726 = arith.index_cast %add3A_2719 : i32 to index
        %swap3A_2727 = tpu.vector_load %arg6[%swap3A_2726] {strides = array<i32>} : memref<8192xi32, #tpu.memory_space<vmem>>, vector<16xi32>,
        %swap3A_2728 = vector.shape_cast %swap3A_2727 : vector<16xi32> to vector<16xi32>
        %swap3A_2729 = vector.shape_cast %add3A_2725 : vector<16xi32> to vector<16xi32>
        tpu.vector_store %arg6[%swap3A_2726], %swap3A_2729 {strides = array<i32>} : memref<8192xi32, #tpu.memory_space<vmem>>, vector<16xi32>,
        %mul3A_2730 = arith.constant 512 : i32
        %mul3A_2731 = arith.muli %add3A_2561, %mul3A_2730 : i32
        %add3A_2732 = arith.constant 192 : i32
        %add3A_2733 = arith.addi %mul3A_2731, %add3A_2732 : i32
        %get3A_2734 = arith.index_cast %add3A_2733 : i32 to index
        %get3A_2735 = tpu.vector_load %arg6[%get3A_2734] {strides = array<i32>} : memref<8192xi32, #tpu.memory_space<vmem>>, vector<16xi32>,
        %get3A_2736 = vector.shape_cast %get3A_2735 : vector<16xi32> to vector<16xi32>
        %add3A_2737 = arith.constant 524288 : i32
        %add3A_2738 = vector.broadcast %add3A_2737 : i32 to vector<16xi32>
        %add3A_2739 = arith.addi %get3A_2736, %add3A_2738 : vector<16xi32>
        %swap3A_2740 = arith.index_cast %add3A_2733 : i32 to index
        %swap3A_2741 = tpu.vector_load %arg6[%swap3A_2740] {strides = array<i32>} : memref<8192xi32, #tpu.memory_space<vmem>>, vector<16xi32>,
        %swap3A_2742 = vector.shape_cast %swap3A_2741 : vector<16xi32> to vector<16xi32>
        %swap3A_2743 = vector.shape_cast %add3A_2739 : vector<16xi32> to vector<16xi32>
        tpu.vector_store %arg6[%swap3A_2740], %swap3A_2743 {strides = array<i32>} : memref<8192xi32, #tpu.memory_space<vmem>>, vector<16xi32>,
        %mul3A_2744 = arith.constant 512 : i32
        %mul3A_2745 = arith.muli %add3A_2561, %mul3A_2744 : i32
        %add3A_2746 = arith.constant 208 : i32
        %add3A_2747 = arith.addi %mul3A_2745, %add3A_2746 : i32
        %get3A_2748 = arith.index_cast %add3A_2747 : i32 to index
        %get3A_2749 = tpu.vector_load %arg6[%get3A_2748] {strides = array<i32>} : memref<8192xi32, #tpu.memory_space<vmem>>, vector<16xi32>,
        %get3A_2750 = vector.shape_cast %get3A_2749 : vector<16xi32> to vector<16xi32>
        %add3A_2751 = arith.constant 524288 : i32
        %add3A_2752 = vector.broadcast %add3A_2751 : i32 to vector<16xi32>
        %add3A_2753 = arith.addi %get3A_2750, %add3A_2752 : vector<16xi32>
        %swap3A_2754 = arith.index_cast %add3A_2747 : i32 to index
        %swap3A_2755 = tpu.vector_load %arg6[%swap3A_2754] {strides = array<i32>} : memref<8192xi32, #tpu.memory_space<vmem>>, vector<16xi32>,
        %swap3A_2756 = vector.shape_cast %swap3A_2755 : vector<16xi32> to vector<16xi32>
        %swap3A_2757 = vector.shape_cast %add3A_2753 : vector<16xi32> to vector<16xi32>
        tpu.vector_store %arg6[%swap3A_2754], %swap3A_2757 {strides = array<i32>} : memref<8192xi32, #tpu.memory_space<vmem>>, vector<16xi32>,
        %mul3A_2758 = arith.constant 512 : i32
        %mul3A_2759 = arith.muli %add3A_2561, %mul3A_2758 : i32
        %add3A_2760 = arith.constant 224 : i32
        %add3A_2761 = arith.addi %mul3A_2759, %add3A_2760 : i32
        %get3A_2762 = arith.index_cast %add3A_2761 : i32 to index
        %get3A_2763 = tpu.vector_load %arg6[%get3A_2762] {strides = array<i32>} : memref<8192xi32, #tpu.memory_space<vmem>>, vector<16xi32>,
        %get3A_2764 = vector.shape_cast %get3A_2763 : vector<16xi32> to vector<16xi32>
        %add3A_2765 = arith.constant 524288 : i32
        %add3A_2766 = vector.broadcast %add3A_2765 : i32 to vector<16xi32>
        %add3A_2767 = arith.addi %get3A_2764, %add3A_2766 : vector<16xi32>
        %swap3A_2768 = arith.index_cast %add3A_2761 : i32 to index
        %swap3A_2769 = tpu.vector_load %arg6[%swap3A_2768] {strides = array<i32>} : memref<8192xi32, #tpu.memory_space<vmem>>, vector<16xi32>,
        %swap3A_2770 = vector.shape_cast %swap3A_2769 : vector<16xi32> to vector<16xi32>
        %swap3A_2771 = vector.shape_cast %add3A_2767 : vector<16xi32> to vector<16xi32>
        tpu.vector_store %arg6[%swap3A_2768], %swap3A_2771 {strides = array<i32>} : memref<8192xi32, #tpu.memory_space<vmem>>, vector<16xi32>,
        %mul3A_2772 = arith.constant 512 : i32
        %mul3A_2773 = arith.muli %add3A_2561, %mul3A_2772 : i32
        %add3A_2774 = arith.constant 240 : i32
        %add3A_2775 = arith.addi %mul3A_2773, %add3A_2774 : i32
        %get3A_2776 = arith.index_cast %add3A_2775 : i32 to index
        %get3A_2777 = tpu.vector_load %arg6[%get3A_2776] {strides = array<i32>} : memref<8192xi32, #tpu.memory_space<vmem>>, vector<16xi32>,
        %get3A_2778 = vector.shape_cast %get3A_2777 : vector<16xi32> to vector<16xi32>
        %add3A_2779 = arith.constant 524288 : i32
        %add3A_2780 = vector.broadcast %add3A_2779 : i32 to vector<16xi32>
        %add3A_2781 = arith.addi %get3A_2778, %add3A_2780 : vector<16xi32>
        %swap3A_2782 = arith.index_cast %add3A_2775 : i32 to index
        %swap3A_2783 = tpu.vector_load %arg6[%swap3A_2782] {strides = array<i32>} : memref<8192xi32, #tpu.memory_space<vmem>>, vector<16xi32>,
        %swap3A_2784 = vector.shape_cast %swap3A_2783 : vector<16xi32> to vector<16xi32>
        %swap3A_2785 = vector.shape_cast %add3A_2781 : vector<16xi32> to vector<16xi32>
        tpu.vector_store %arg6[%swap3A_2782], %swap3A_2785 {strides = array<i32>} : memref<8192xi32, #tpu.memory_space<vmem>>, vector<16xi32>,
        %mul3A_2786 = arith.constant 512 : i32
        %mul3A_2787 = arith.muli %add3A_2561, %mul3A_2786 : i32
        %add3A_2788 = arith.constant 256 : i32
        %add3A_2789 = arith.addi %mul3A_2787, %add3A_2788 : i32
        %get3A_2790 = arith.index_cast %add3A_2789 : i32 to index
        %get3A_2791 = tpu.vector_load %arg6[%get3A_2790] {strides = array<i32>} : memref<8192xi32, #tpu.memory_space<vmem>>, vector<16xi32>,
        %get3A_2792 = vector.shape_cast %get3A_2791 : vector<16xi32> to vector<16xi32>
        %add3A_2793 = arith.constant 524288 : i32
        %add3A_2794 = vector.broadcast %add3A_2793 : i32 to vector<16xi32>
        %add3A_2795 = arith.addi %get3A_2792, %add3A_2794 : vector<16xi32>
        %swap3A_2796 = arith.index_cast %add3A_2789 : i32 to index
        %swap3A_2797 = tpu.vector_load %arg6[%swap3A_2796] {strides = array<i32>} : memref<8192xi32, #tpu.memory_space<vmem>>, vector<16xi32>,
        %swap3A_2798 = vector.shape_cast %swap3A_2797 : vector<16xi32> to vector<16xi32>
        %swap3A_2799 = vector.shape_cast %add3A_2795 : vector<16xi32> to vector<16xi32>
        tpu.vector_store %arg6[%swap3A_2796], %swap3A_2799 {strides = array<i32>} : memref<8192xi32, #tpu.memory_space<vmem>>, vector<16xi32>,
        %mul3A_2800 = arith.constant 512 : i32
        %mul3A_2801 = arith.muli %add3A_2561, %mul3A_2800 : i32
        %add3A_2802 = arith.constant 272 : i32
        %add3A_2803 = arith.addi %mul3A_2801, %add3A_2802 : i32
        %get3A_2804 = arith.index_cast %add3A_2803 : i32 to index
        %get3A_2805 = tpu.vector_load %arg6[%get3A_2804] {strides = array<i32>} : memref<8192xi32, #tpu.memory_space<vmem>>, vector<16xi32>,
        %get3A_2806 = vector.shape_cast %get3A_2805 : vector<16xi32> to vector<16xi32>
        %add3A_2807 = arith.constant 524288 : i32
        %add3A_2808 = vector.broadcast %add3A_2807 : i32 to vector<16xi32>
        %add3A_2809 = arith.addi %get3A_2806, %add3A_2808 : vector<16xi32>
        %swap3A_2810 = arith.index_cast %add3A_2803 : i32 to index
        %swap3A_2811 = tpu.vector_load %arg6[%swap3A_2810] {strides = array<i32>} : memref<8192xi32, #tpu.memory_space<vmem>>, vector<16xi32>,
        %swap3A_2812 = vector.shape_cast %swap3A_2811 : vector<16xi32> to vector<16xi32>
        %swap3A_2813 = vector.shape_cast %add3A_2809 : vector<16xi32> to vector<16xi32>
        tpu.vector_store %arg6[%swap3A_2810], %swap3A_2813 {strides = array<i32>} : memref<8192xi32, #tpu.memory_space<vmem>>, vector<16xi32>,
        %mul3A_2814 = arith.constant 512 : i32
        %mul3A_2815 = arith.muli %add3A_2561, %mul3A_2814 : i32
        %add3A_2816 = arith.constant 288 : i32
        %add3A_2817 = arith.addi %mul3A_2815, %add3A_2816 : i32
        %get3A_2818 = arith.index_cast %add3A_2817 : i32 to index
        %get3A_2819 = tpu.vector_load %arg6[%get3A_2818] {strides = array<i32>} : memref<8192xi32, #tpu.memory_space<vmem>>, vector<16xi32>,
        %get3A_2820 = vector.shape_cast %get3A_2819 : vector<16xi32> to vector<16xi32>
        %add3A_2821 = arith.constant 524288 : i32
        %add3A_2822 = vector.broadcast %add3A_2821 : i32 to vector<16xi32>
        %add3A_2823 = arith.addi %get3A_2820, %add3A_2822 : vector<16xi32>
        %swap3A_2824 = arith.index_cast %add3A_2817 : i32 to index
        %swap3A_2825 = tpu.vector_load %arg6[%swap3A_2824] {strides = array<i32>} : memref<8192xi32, #tpu.memory_space<vmem>>, vector<16xi32>,
        %swap3A_2826 = vector.shape_cast %swap3A_2825 : vector<16xi32> to vector<16xi32>
        %swap3A_2827 = vector.shape_cast %add3A_2823 : vector<16xi32> to vector<16xi32>
        tpu.vector_store %arg6[%swap3A_2824], %swap3A_2827 {strides = array<i32>} : memref<8192xi32, #tpu.memory_space<vmem>>, vector<16xi32>,
        %mul3A_2828 = arith.constant 512 : i32
        %mul3A_2829 = arith.muli %add3A_2561, %mul3A_2828 : i32
        %add3A_2830 = arith.constant 304 : i32
        %add3A_2831 = arith.addi %mul3A_2829, %add3A_2830 : i32
        %get3A_2832 = arith.index_cast %add3A_2831 : i32 to index
        %get3A_2833 = tpu.vector_load %arg6[%get3A_2832] {strides = array<i32>} : memref<8192xi32, #tpu.memory_space<vmem>>, vector<16xi32>,
        %get3A_2834 = vector.shape_cast %get3A_2833 : vector<16xi32> to vector<16xi32>
        %add3A_2835 = arith.constant 524288 : i32
        %add3A_2836 = vector.broadcast %add3A_2835 : i32 to vector<16xi32>
        %add3A_2837 = arith.addi %get3A_2834, %add3A_2836 : vector<16xi32>
        %swap3A_2838 = arith.index_cast %add3A_2831 : i32 to index
        %swap3A_2839 = tpu.vector_load %arg6[%swap3A_2838] {strides = array<i32>} : memref<8192xi32, #tpu.memory_space<vmem>>, vector<16xi32>,
        %swap3A_2840 = vector.shape_cast %swap3A_2839 : vector<16xi32> to vector<16xi32>
        %swap3A_2841 = vector.shape_cast %add3A_2837 : vector<16xi32> to vector<16xi32>
        tpu.vector_store %arg6[%swap3A_2838], %swap3A_2841 {strides = array<i32>} : memref<8192xi32, #tpu.memory_space<vmem>>, vector<16xi32>,
        %mul3A_2842 = arith.constant 512 : i32
        %mul3A_2843 = arith.muli %add3A_2561, %mul3A_2842 : i32
        %add3A_2844 = arith.constant 320 : i32
        %add3A_2845 = arith.addi %mul3A_2843, %add3A_2844 : i32
        %get3A_2846 = arith.index_cast %add3A_2845 : i32 to index
        %get3A_2847 = tpu.vector_load %arg6[%get3A_2846] {strides = array<i32>} : memref<8192xi32, #tpu.memory_space<vmem>>, vector<16xi32>,
        %get3A_2848 = vector.shape_cast %get3A_2847 : vector<16xi32> to vector<16xi32>
        %add3A_2849 = arith.constant 524288 : i32
        %add3A_2850 = vector.broadcast %add3A_2849 : i32 to vector<16xi32>
        %add3A_2851 = arith.addi %get3A_2848, %add3A_2850 : vector<16xi32>
        %swap3A_2852 = arith.index_cast %add3A_2845 : i32 to index
        %swap3A_2853 = tpu.vector_load %arg6[%swap3A_2852] {strides = array<i32>} : memref<8192xi32, #tpu.memory_space<vmem>>, vector<16xi32>,
        %swap3A_2854 = vector.shape_cast %swap3A_2853 : vector<16xi32> to vector<16xi32>
        %swap3A_2855 = vector.shape_cast %add3A_2851 : vector<16xi32> to vector<16xi32>
        tpu.vector_store %arg6[%swap3A_2852], %swap3A_2855 {strides = array<i32>} : memref<8192xi32, #tpu.memory_space<vmem>>, vector<16xi32>,
        %mul3A_2856 = arith.constant 512 : i32
        %mul3A_2857 = arith.muli %add3A_2561, %mul3A_2856 : i32
        %add3A_2858 = arith.constant 336 : i32
        %add3A_2859 = arith.addi %mul3A_2857, %add3A_2858 : i32
        %get3A_2860 = arith.index_cast %add3A_2859 : i32 to index
        %get3A_2861 = tpu.vector_load %arg6[%get3A_2860] {strides = array<i32>} : memref<8192xi32, #tpu.memory_space<vmem>>, vector<16xi32>,
        %get3A_2862 = vector.shape_cast %get3A_2861 : vector<16xi32> to vector<16xi32>
        %add3A_2863 = arith.constant 524288 : i32
        %add3A_2864 = vector.broadcast %add3A_2863 : i32 to vector<16xi32>
        %add3A_2865 = arith.addi %get3A_2862, %add3A_2864 : vector<16xi32>
        %swap3A_2866 = arith.index_cast %add3A_2859 : i32 to index
        %swap3A_2867 = tpu.vector_load %arg6[%swap3A_2866] {strides = array<i32>} : memref<8192xi32, #tpu.memory_space<vmem>>, vector<16xi32>,
        %swap3A_2868 = vector.shape_cast %swap3A_2867 : vector<16xi32> to vector<16xi32>
        %swap3A_2869 = vector.shape_cast %add3A_2865 : vector<16xi32> to vector<16xi32>
        tpu.vector_store %arg6[%swap3A_2866], %swap3A_2869 {strides = array<i32>} : memref<8192xi32, #tpu.memory_space<vmem>>, vector<16xi32>,
        %mul3A_2870 = arith.constant 512 : i32
        %mul3A_2871 = arith.muli %add3A_2561, %mul3A_2870 : i32
        %add3A_2872 = arith.constant 352 : i32
        %add3A_2873 = arith.addi %mul3A_2871, %add3A_2872 : i32
        %get3A_2874 = arith.index_cast %add3A_2873 : i32 to index
        %get3A_2875 = tpu.vector_load %arg6[%get3A_2874] {strides = array<i32>} : memref<8192xi32, #tpu.memory_space<vmem>>, vector<16xi32>,
        %get3A_2876 = vector.shape_cast %get3A_2875 : vector<16xi32> to vector<16xi32>
        %add3A_2877 = arith.constant 524288 : i32
        %add3A_2878 = vector.broadcast %add3A_2877 : i32 to vector<16xi32>
        %add3A_2879 = arith.addi %get3A_2876, %add3A_2878 : vector<16xi32>
        %swap3A_2880 = arith.index_cast %add3A_2873 : i32 to index
        %swap3A_2881 = tpu.vector_load %arg6[%swap3A_2880] {strides = array<i32>} : memref<8192xi32, #tpu.memory_space<vmem>>, vector<16xi32>,
        %swap3A_2882 = vector.shape_cast %swap3A_2881 : vector<16xi32> to vector<16xi32>
        %swap3A_2883 = vector.shape_cast %add3A_2879 : vector<16xi32> to vector<16xi32>
        tpu.vector_store %arg6[%swap3A_2880], %swap3A_2883 {strides = array<i32>} : memref<8192xi32, #tpu.memory_space<vmem>>, vector<16xi32>,
        %mul3A_2884 = arith.constant 512 : i32
        %mul3A_2885 = arith.muli %add3A_2561, %mul3A_2884 : i32
        %add3A_2886 = arith.constant 368 : i32
        %add3A_2887 = arith.addi %mul3A_2885, %add3A_2886 : i32
        %get3A_2888 = arith.index_cast %add3A_2887 : i32 to index
        %get3A_2889 = tpu.vector_load %arg6[%get3A_2888] {strides = array<i32>} : memref<8192xi32, #tpu.memory_space<vmem>>, vector<16xi32>,
        %get3A_2890 = vector.shape_cast %get3A_2889 : vector<16xi32> to vector<16xi32>
        %add3A_2891 = arith.constant 524288 : i32
        %add3A_2892 = vector.broadcast %add3A_2891 : i32 to vector<16xi32>
        %add3A_2893 = arith.addi %get3A_2890, %add3A_2892 : vector<16xi32>
        %swap3A_2894 = arith.index_cast %add3A_2887 : i32 to index
        %swap3A_2895 = tpu.vector_load %arg6[%swap3A_2894] {strides = array<i32>} : memref<8192xi32, #tpu.memory_space<vmem>>, vector<16xi32>,
        %swap3A_2896 = vector.shape_cast %swap3A_2895 : vector<16xi32> to vector<16xi32>
        %swap3A_2897 = vector.shape_cast %add3A_2893 : vector<16xi32> to vector<16xi32>
        tpu.vector_store %arg6[%swap3A_2894], %swap3A_2897 {strides = array<i32>} : memref<8192xi32, #tpu.memory_space<vmem>>, vector<16xi32>,
        %mul3A_2898 = arith.constant 512 : i32
        %mul3A_2899 = arith.muli %add3A_2561, %mul3A_2898 : i32
        %add3A_2900 = arith.constant 384 : i32
        %add3A_2901 = arith.addi %mul3A_2899, %add3A_2900 : i32
        %get3A_2902 = arith.index_cast %add3A_2901 : i32 to index
        %get3A_2903 = tpu.vector_load %arg6[%get3A_2902] {strides = array<i32>} : memref<8192xi32, #tpu.memory_space<vmem>>, vector<16xi32>,
        %get3A_2904 = vector.shape_cast %get3A_2903 : vector<16xi32> to vector<16xi32>
        %add3A_2905 = arith.constant 524288 : i32
        %add3A_2906 = vector.broadcast %add3A_2905 : i32 to vector<16xi32>
        %add3A_2907 = arith.addi %get3A_2904, %add3A_2906 : vector<16xi32>
        %swap3A_2908 = arith.index_cast %add3A_2901 : i32 to index
        %swap3A_2909 = tpu.vector_load %arg6[%swap3A_2908] {strides = array<i32>} : memref<8192xi32, #tpu.memory_space<vmem>>, vector<16xi32>,
        %swap3A_2910 = vector.shape_cast %swap3A_2909 : vector<16xi32> to vector<16xi32>
        %swap3A_2911 = vector.shape_cast %add3A_2907 : vector<16xi32> to vector<16xi32>
        tpu.vector_store %arg6[%swap3A_2908], %swap3A_2911 {strides = array<i32>} : memref<8192xi32, #tpu.memory_space<vmem>>, vector<16xi32>,
        %mul3A_2912 = arith.constant 512 : i32
        %mul3A_2913 = arith.muli %add3A_2561, %mul3A_2912 : i32
        %add3A_2914 = arith.constant 400 : i32
        %add3A_2915 = arith.addi %mul3A_2913, %add3A_2914 : i32
        %get3A_2916 = arith.index_cast %add3A_2915 : i32 to index
        %get3A_2917 = tpu.vector_load %arg6[%get3A_2916] {strides = array<i32>} : memref<8192xi32, #tpu.memory_space<vmem>>, vector<16xi32>,
        %get3A_2918 = vector.shape_cast %get3A_2917 : vector<16xi32> to vector<16xi32>
        %add3A_2919 = arith.constant 524288 : i32
        %add3A_2920 = vector.broadcast %add3A_2919 : i32 to vector<16xi32>
        %add3A_2921 = arith.addi %get3A_2918, %add3A_2920 : vector<16xi32>
        %swap3A_2922 = arith.index_cast %add3A_2915 : i32 to index
        %swap3A_2923 = tpu.vector_load %arg6[%swap3A_2922] {strides = array<i32>} : memref<8192xi32, #tpu.memory_space<vmem>>, vector<16xi32>,
        %swap3A_2924 = vector.shape_cast %swap3A_2923 : vector<16xi32> to vector<16xi32>
        %swap3A_2925 = vector.shape_cast %add3A_2921 : vector<16xi32> to vector<16xi32>
        tpu.vector_store %arg6[%swap3A_2922], %swap3A_2925 {strides = array<i32>} : memref<8192xi32, #tpu.memory_space<vmem>>, vector<16xi32>,
        %mul3A_2926 = arith.constant 512 : i32
        %mul3A_2927 = arith.muli %add3A_2561, %mul3A_2926 : i32
        %add3A_2928 = arith.constant 416 : i32
        %add3A_2929 = arith.addi %mul3A_2927, %add3A_2928 : i32
        %get3A_2930 = arith.index_cast %add3A_2929 : i32 to index
        %get3A_2931 = tpu.vector_load %arg6[%get3A_2930] {strides = array<i32>} : memref<8192xi32, #tpu.memory_space<vmem>>, vector<16xi32>,
        %get3A_2932 = vector.shape_cast %get3A_2931 : vector<16xi32> to vector<16xi32>
        %add3A_2933 = arith.constant 524288 : i32
        %add3A_2934 = vector.broadcast %add3A_2933 : i32 to vector<16xi32>
        %add3A_2935 = arith.addi %get3A_2932, %add3A_2934 : vector<16xi32>
        %swap3A_2936 = arith.index_cast %add3A_2929 : i32 to index
        %swap3A_2937 = tpu.vector_load %arg6[%swap3A_2936] {strides = array<i32>} : memref<8192xi32, #tpu.memory_space<vmem>>, vector<16xi32>,
        %swap3A_2938 = vector.shape_cast %swap3A_2937 : vector<16xi32> to vector<16xi32>
        %swap3A_2939 = vector.shape_cast %add3A_2935 : vector<16xi32> to vector<16xi32>
        tpu.vector_store %arg6[%swap3A_2936], %swap3A_2939 {strides = array<i32>} : memref<8192xi32, #tpu.memory_space<vmem>>, vector<16xi32>,
        %mul3A_2940 = arith.constant 512 : i32
        %mul3A_2941 = arith.muli %add3A_2561, %mul3A_2940 : i32
        %add3A_2942 = arith.constant 432 : i32
        %add3A_2943 = arith.addi %mul3A_2941, %add3A_2942 : i32
        %get3A_2944 = arith.index_cast %add3A_2943 : i32 to index
        %get3A_2945 = tpu.vector_load %arg6[%get3A_2944] {strides = array<i32>} : memref<8192xi32, #tpu.memory_space<vmem>>, vector<16xi32>,
        %get3A_2946 = vector.shape_cast %get3A_2945 : vector<16xi32> to vector<16xi32>
        %add3A_2947 = arith.constant 524288 : i32
        %add3A_2948 = vector.broadcast %add3A_2947 : i32 to vector<16xi32>
        %add3A_2949 = arith.addi %get3A_2946, %add3A_2948 : vector<16xi32>
        %swap3A_2950 = arith.index_cast %add3A_2943 : i32 to index
        %swap3A_2951 = tpu.vector_load %arg6[%swap3A_2950] {strides = array<i32>} : memref<8192xi32, #tpu.memory_space<vmem>>, vector<16xi32>,
        %swap3A_2952 = vector.shape_cast %swap3A_2951 : vector<16xi32> to vector<16xi32>
        %swap3A_2953 = vector.shape_cast %add3A_2949 : vector<16xi32> to vector<16xi32>
        tpu.vector_store %arg6[%swap3A_2950], %swap3A_2953 {strides = array<i32>} : memref<8192xi32, #tpu.memory_space<vmem>>, vector<16xi32>,
        %mul3A_2954 = arith.constant 512 : i32
        %mul3A_2955 = arith.muli %add3A_2561, %mul3A_2954 : i32
        %add3A_2956 = arith.constant 448 : i32
        %add3A_2957 = arith.addi %mul3A_2955, %add3A_2956 : i32
        %get3A_2958 = arith.index_cast %add3A_2957 : i32 to index
        %get3A_2959 = tpu.vector_load %arg6[%get3A_2958] {strides = array<i32>} : memref<8192xi32, #tpu.memory_space<vmem>>, vector<16xi32>,
        %get3A_2960 = vector.shape_cast %get3A_2959 : vector<16xi32> to vector<16xi32>
        %add3A_2961 = arith.constant 524288 : i32
        %add3A_2962 = vector.broadcast %add3A_2961 : i32 to vector<16xi32>
        %add3A_2963 = arith.addi %get3A_2960, %add3A_2962 : vector<16xi32>
        %swap3A_2964 = arith.index_cast %add3A_2957 : i32 to index
        %swap3A_2965 = tpu.vector_load %arg6[%swap3A_2964] {strides = array<i32>} : memref<8192xi32, #tpu.memory_space<vmem>>, vector<16xi32>,
        %swap3A_2966 = vector.shape_cast %swap3A_2965 : vector<16xi32> to vector<16xi32>
        %swap3A_2967 = vector.shape_cast %add3A_2963 : vector<16xi32> to vector<16xi32>
        tpu.vector_store %arg6[%swap3A_2964], %swap3A_2967 {strides = array<i32>} : memref<8192xi32, #tpu.memory_space<vmem>>, vector<16xi32>,
        %mul3A_2968 = arith.constant 512 : i32
        %mul3A_2969 = arith.muli %add3A_2561, %mul3A_2968 : i32
        %add3A_2970 = arith.constant 464 : i32
        %add3A_2971 = arith.addi %mul3A_2969, %add3A_2970 : i32
        %get3A_2972 = arith.index_cast %add3A_2971 : i32 to index
        %get3A_2973 = tpu.vector_load %arg6[%get3A_2972] {strides = array<i32>} : memref<8192xi32, #tpu.memory_space<vmem>>, vector<16xi32>,
        %get3A_2974 = vector.shape_cast %get3A_2973 : vector<16xi32> to vector<16xi32>
        %add3A_2975 = arith.constant 524288 : i32
        %add3A_2976 = vector.broadcast %add3A_2975 : i32 to vector<16xi32>
        %add3A_2977 = arith.addi %get3A_2974, %add3A_2976 : vector<16xi32>
        %swap3A_2978 = arith.index_cast %add3A_2971 : i32 to index
        %swap3A_2979 = tpu.vector_load %arg6[%swap3A_2978] {strides = array<i32>} : memref<8192xi32, #tpu.memory_space<vmem>>, vector<16xi32>,
        %swap3A_2980 = vector.shape_cast %swap3A_2979 : vector<16xi32> to vector<16xi32>
        %swap3A_2981 = vector.shape_cast %add3A_2977 : vector<16xi32> to vector<16xi32>
        tpu.vector_store %arg6[%swap3A_2978], %swap3A_2981 {strides = array<i32>} : memref<8192xi32, #tpu.memory_space<vmem>>, vector<16xi32>,
        %mul3A_2982 = arith.constant 512 : i32
        %mul3A_2983 = arith.muli %add3A_2561, %mul3A_2982 : i32
        %add3A_2984 = arith.constant 480 : i32
        %add3A_2985 = arith.addi %mul3A_2983, %add3A_2984 : i32
        %get3A_2986 = arith.index_cast %add3A_2985 : i32 to index
        %get3A_2987 = tpu.vector_load %arg6[%get3A_2986] {strides = array<i32>} : memref<8192xi32, #tpu.memory_space<vmem>>, vector<16xi32>,
        %get3A_2988 = vector.shape_cast %get3A_2987 : vector<16xi32> to vector<16xi32>
        %add3A_2989 = arith.constant 524288 : i32
        %add3A_2990 = vector.broadcast %add3A_2989 : i32 to vector<16xi32>
        %add3A_2991 = arith.addi %get3A_2988, %add3A_2990 : vector<16xi32>
        %swap3A_2992 = arith.index_cast %add3A_2985 : i32 to index
        %swap3A_2993 = tpu.vector_load %arg6[%swap3A_2992] {strides = array<i32>} : memref<8192xi32, #tpu.memory_space<vmem>>, vector<16xi32>,
        %swap3A_2994 = vector.shape_cast %swap3A_2993 : vector<16xi32> to vector<16xi32>
        %swap3A_2995 = vector.shape_cast %add3A_2991 : vector<16xi32> to vector<16xi32>
        tpu.vector_store %arg6[%swap3A_2992], %swap3A_2995 {strides = array<i32>} : memref<8192xi32, #tpu.memory_space<vmem>>, vector<16xi32>,
        %mul3A_2996 = arith.constant 512 : i32
        %mul3A_2997 = arith.muli %add3A_2561, %mul3A_2996 : i32
        %add3A_2998 = arith.constant 496 : i32
        %add3A_2999 = arith.addi %mul3A_2997, %add3A_2998 : i32
        %get3A_3000 = arith.index_cast %add3A_2999 : i32 to index
        %get3A_3001 = tpu.vector_load %arg6[%get3A_3000] {strides = array<i32>} : memref<8192xi32, #tpu.memory_space<vmem>>, vector<16xi32>,
        %get3A_3002 = vector.shape_cast %get3A_3001 : vector<16xi32> to vector<16xi32>
        %add3A_3003 = arith.constant 524288 : i32
        %add3A_3004 = vector.broadcast %add3A_3003 : i32 to vector<16xi32>
        %add3A_3005 = arith.addi %get3A_3002, %add3A_3004 : vector<16xi32>
        %swap3A_3006 = arith.index_cast %add3A_2999 : i32 to index
        %swap3A_3007 = tpu.vector_load %arg6[%swap3A_3006] {strides = array<i32>} : memref<8192xi32, #tpu.memory_space<vmem>>, vector<16xi32>,
        %swap3A_3008 = vector.shape_cast %swap3A_3007 : vector<16xi32> to vector<16xi32>
        %swap3A_3009 = vector.shape_cast %add3A_3005 : vector<16xi32> to vector<16xi32>
        tpu.vector_store %arg6[%swap3A_3006], %swap3A_3009 {strides = array<i32>} : memref<8192xi32, #tpu.memory_space<vmem>>, vector<16xi32>,
        %mul3A_3010 = arith.constant 8 : i32
        %mul3A_3011 = arith.muli %rem3A_299, %mul3A_3010 : i32
        %add3A_3012 = arith.constant 6 : i32
        %add3A_3013 = arith.addi %mul3A_3011, %add3A_3012 : i32
        %mul3A_3014 = arith.constant 512 : i32
        %mul3A_3015 = arith.muli %add3A_3013, %mul3A_3014 : i32
        %add3A_3016 = arith.constant 0 : i32
        %add3A_3017 = arith.addi %mul3A_3015, %add3A_3016 : i32
        %get3A_3018 = arith.index_cast %add3A_3017 : i32 to index
        %get3A_3019 = tpu.vector_load %arg6[%get3A_3018] {strides = array<i32>} : memref<8192xi32, #tpu.memory_space<vmem>>, vector<16xi32>,
        %get3A_3020 = vector.shape_cast %get3A_3019 : vector<16xi32> to vector<16xi32>
        %add3A_3021 = arith.constant 524288 : i32
        %add3A_3022 = vector.broadcast %add3A_3021 : i32 to vector<16xi32>
        %add3A_3023 = arith.addi %get3A_3020, %add3A_3022 : vector<16xi32>
        %swap3A_3024 = arith.index_cast %add3A_3017 : i32 to index
        %swap3A_3025 = tpu.vector_load %arg6[%swap3A_3024] {strides = array<i32>} : memref<8192xi32, #tpu.memory_space<vmem>>, vector<16xi32>,
        %swap3A_3026 = vector.shape_cast %swap3A_3025 : vector<16xi32> to vector<16xi32>
        %swap3A_3027 = vector.shape_cast %add3A_3023 : vector<16xi32> to vector<16xi32>
        tpu.vector_store %arg6[%swap3A_3024], %swap3A_3027 {strides = array<i32>} : memref<8192xi32, #tpu.memory_space<vmem>>, vector<16xi32>,
        %mul3A_3028 = arith.constant 512 : i32
        %mul3A_3029 = arith.muli %add3A_3013, %mul3A_3028 : i32
        %add3A_3030 = arith.constant 16 : i32
        %add3A_3031 = arith.addi %mul3A_3029, %add3A_3030 : i32
        %get3A_3032 = arith.index_cast %add3A_3031 : i32 to index
        %get3A_3033 = tpu.vector_load %arg6[%get3A_3032] {strides = array<i32>} : memref<8192xi32, #tpu.memory_space<vmem>>, vector<16xi32>,
        %get3A_3034 = vector.shape_cast %get3A_3033 : vector<16xi32> to vector<16xi32>
        %add3A_3035 = arith.constant 524288 : i32
        %add3A_3036 = vector.broadcast %add3A_3035 : i32 to vector<16xi32>
        %add3A_3037 = arith.addi %get3A_3034, %add3A_3036 : vector<16xi32>
        %swap3A_3038 = arith.index_cast %add3A_3031 : i32 to index
        %swap3A_3039 = tpu.vector_load %arg6[%swap3A_3038] {strides = array<i32>} : memref<8192xi32, #tpu.memory_space<vmem>>, vector<16xi32>,
        %swap3A_3040 = vector.shape_cast %swap3A_3039 : vector<16xi32> to vector<16xi32>
        %swap3A_3041 = vector.shape_cast %add3A_3037 : vector<16xi32> to vector<16xi32>
        tpu.vector_store %arg6[%swap3A_3038], %swap3A_3041 {strides = array<i32>} : memref<8192xi32, #tpu.memory_space<vmem>>, vector<16xi32>,
        %mul3A_3042 = arith.constant 512 : i32
        %mul3A_3043 = arith.muli %add3A_3013, %mul3A_3042 : i32
        %add3A_3044 = arith.constant 32 : i32
        %add3A_3045 = arith.addi %mul3A_3043, %add3A_3044 : i32
        %get3A_3046 = arith.index_cast %add3A_3045 : i32 to index
        %get3A_3047 = tpu.vector_load %arg6[%get3A_3046] {strides = array<i32>} : memref<8192xi32, #tpu.memory_space<vmem>>, vector<16xi32>,
        %get3A_3048 = vector.shape_cast %get3A_3047 : vector<16xi32> to vector<16xi32>
        %add3A_3049 = arith.constant 524288 : i32
        %add3A_3050 = vector.broadcast %add3A_3049 : i32 to vector<16xi32>
        %add3A_3051 = arith.addi %get3A_3048, %add3A_3050 : vector<16xi32>
        %swap3A_3052 = arith.index_cast %add3A_3045 : i32 to index
        %swap3A_3053 = tpu.vector_load %arg6[%swap3A_3052] {strides = array<i32>} : memref<8192xi32, #tpu.memory_space<vmem>>, vector<16xi32>,
        %swap3A_3054 = vector.shape_cast %swap3A_3053 : vector<16xi32> to vector<16xi32>
        %swap3A_3055 = vector.shape_cast %add3A_3051 : vector<16xi32> to vector<16xi32>
        tpu.vector_store %arg6[%swap3A_3052], %swap3A_3055 {strides = array<i32>} : memref<8192xi32, #tpu.memory_space<vmem>>, vector<16xi32>,
        %mul3A_3056 = arith.constant 512 : i32
        %mul3A_3057 = arith.muli %add3A_3013, %mul3A_3056 : i32
        %add3A_3058 = arith.constant 48 : i32
        %add3A_3059 = arith.addi %mul3A_3057, %add3A_3058 : i32
        %get3A_3060 = arith.index_cast %add3A_3059 : i32 to index
        %get3A_3061 = tpu.vector_load %arg6[%get3A_3060] {strides = array<i32>} : memref<8192xi32, #tpu.memory_space<vmem>>, vector<16xi32>,
        %get3A_3062 = vector.shape_cast %get3A_3061 : vector<16xi32> to vector<16xi32>
        %add3A_3063 = arith.constant 524288 : i32
        %add3A_3064 = vector.broadcast %add3A_3063 : i32 to vector<16xi32>
        %add3A_3065 = arith.addi %get3A_3062, %add3A_3064 : vector<16xi32>
        %swap3A_3066 = arith.index_cast %add3A_3059 : i32 to index
        %swap3A_3067 = tpu.vector_load %arg6[%swap3A_3066] {strides = array<i32>} : memref<8192xi32, #tpu.memory_space<vmem>>, vector<16xi32>,
        %swap3A_3068 = vector.shape_cast %swap3A_3067 : vector<16xi32> to vector<16xi32>
        %swap3A_3069 = vector.shape_cast %add3A_3065 : vector<16xi32> to vector<16xi32>
        tpu.vector_store %arg6[%swap3A_3066], %swap3A_3069 {strides = array<i32>} : memref<8192xi32, #tpu.memory_space<vmem>>, vector<16xi32>,
        %mul3A_3070 = arith.constant 512 : i32
        %mul3A_3071 = arith.muli %add3A_3013, %mul3A_3070 : i32
        %add3A_3072 = arith.constant 64 : i32
        %add3A_3073 = arith.addi %mul3A_3071, %add3A_3072 : i32
        %get3A_3074 = arith.index_cast %add3A_3073 : i32 to index
        %get3A_3075 = tpu.vector_load %arg6[%get3A_3074] {strides = array<i32>} : memref<8192xi32, #tpu.memory_space<vmem>>, vector<16xi32>,
        %get3A_3076 = vector.shape_cast %get3A_3075 : vector<16xi32> to vector<16xi32>
        %add3A_3077 = arith.constant 524288 : i32
        %add3A_3078 = vector.broadcast %add3A_3077 : i32 to vector<16xi32>
        %add3A_3079 = arith.addi %get3A_3076, %add3A_3078 : vector<16xi32>
        %swap3A_3080 = arith.index_cast %add3A_3073 : i32 to index
        %swap3A_3081 = tpu.vector_load %arg6[%swap3A_3080] {strides = array<i32>} : memref<8192xi32, #tpu.memory_space<vmem>>, vector<16xi32>,
        %swap3A_3082 = vector.shape_cast %swap3A_3081 : vector<16xi32> to vector<16xi32>
        %swap3A_3083 = vector.shape_cast %add3A_3079 : vector<16xi32> to vector<16xi32>
        tpu.vector_store %arg6[%swap3A_3080], %swap3A_3083 {strides = array<i32>} : memref<8192xi32, #tpu.memory_space<vmem>>, vector<16xi32>,
        %mul3A_3084 = arith.constant 512 : i32
        %mul3A_3085 = arith.muli %add3A_3013, %mul3A_3084 : i32
        %add3A_3086 = arith.constant 80 : i32
        %add3A_3087 = arith.addi %mul3A_3085, %add3A_3086 : i32
        %get3A_3088 = arith.index_cast %add3A_3087 : i32 to index
        %get3A_3089 = tpu.vector_load %arg6[%get3A_3088] {strides = array<i32>} : memref<8192xi32, #tpu.memory_space<vmem>>, vector<16xi32>,
        %get3A_3090 = vector.shape_cast %get3A_3089 : vector<16xi32> to vector<16xi32>
        %add3A_3091 = arith.constant 524288 : i32
        %add3A_3092 = vector.broadcast %add3A_3091 : i32 to vector<16xi32>
        %add3A_3093 = arith.addi %get3A_3090, %add3A_3092 : vector<16xi32>
        %swap3A_3094 = arith.index_cast %add3A_3087 : i32 to index
        %swap3A_3095 = tpu.vector_load %arg6[%swap3A_3094] {strides = array<i32>} : memref<8192xi32, #tpu.memory_space<vmem>>, vector<16xi32>,
        %swap3A_3096 = vector.shape_cast %swap3A_3095 : vector<16xi32> to vector<16xi32>
        %swap3A_3097 = vector.shape_cast %add3A_3093 : vector<16xi32> to vector<16xi32>
        tpu.vector_store %arg6[%swap3A_3094], %swap3A_3097 {strides = array<i32>} : memref<8192xi32, #tpu.memory_space<vmem>>, vector<16xi32>,
        %mul3A_3098 = arith.constant 512 : i32
        %mul3A_3099 = arith.muli %add3A_3013, %mul3A_3098 : i32
        %add3A_3100 = arith.constant 96 : i32
        %add3A_3101 = arith.addi %mul3A_3099, %add3A_3100 : i32
        %get3A_3102 = arith.index_cast %add3A_3101 : i32 to index
        %get3A_3103 = tpu.vector_load %arg6[%get3A_3102] {strides = array<i32>} : memref<8192xi32, #tpu.memory_space<vmem>>, vector<16xi32>,
        %get3A_3104 = vector.shape_cast %get3A_3103 : vector<16xi32> to vector<16xi32>
        %add3A_3105 = arith.constant 524288 : i32
        %add3A_3106 = vector.broadcast %add3A_3105 : i32 to vector<16xi32>
        %add3A_3107 = arith.addi %get3A_3104, %add3A_3106 : vector<16xi32>
        %swap3A_3108 = arith.index_cast %add3A_3101 : i32 to index
        %swap3A_3109 = tpu.vector_load %arg6[%swap3A_3108] {strides = array<i32>} : memref<8192xi32, #tpu.memory_space<vmem>>, vector<16xi32>,
        %swap3A_3110 = vector.shape_cast %swap3A_3109 : vector<16xi32> to vector<16xi32>
        %swap3A_3111 = vector.shape_cast %add3A_3107 : vector<16xi32> to vector<16xi32>
        tpu.vector_store %arg6[%swap3A_3108], %swap3A_3111 {strides = array<i32>} : memref<8192xi32, #tpu.memory_space<vmem>>, vector<16xi32>,
        %mul3A_3112 = arith.constant 512 : i32
        %mul3A_3113 = arith.muli %add3A_3013, %mul3A_3112 : i32
        %add3A_3114 = arith.constant 112 : i32
        %add3A_3115 = arith.addi %mul3A_3113, %add3A_3114 : i32
        %get3A_3116 = arith.index_cast %add3A_3115 : i32 to index
        %get3A_3117 = tpu.vector_load %arg6[%get3A_3116] {strides = array<i32>} : memref<8192xi32, #tpu.memory_space<vmem>>, vector<16xi32>,
        %get3A_3118 = vector.shape_cast %get3A_3117 : vector<16xi32> to vector<16xi32>
        %add3A_3119 = arith.constant 524288 : i32
        %add3A_3120 = vector.broadcast %add3A_3119 : i32 to vector<16xi32>
        %add3A_3121 = arith.addi %get3A_3118, %add3A_3120 : vector<16xi32>
        %swap3A_3122 = arith.index_cast %add3A_3115 : i32 to index
        %swap3A_3123 = tpu.vector_load %arg6[%swap3A_3122] {strides = array<i32>} : memref<8192xi32, #tpu.memory_space<vmem>>, vector<16xi32>,
        %swap3A_3124 = vector.shape_cast %swap3A_3123 : vector<16xi32> to vector<16xi32>
        %swap3A_3125 = vector.shape_cast %add3A_3121 : vector<16xi32> to vector<16xi32>
        tpu.vector_store %arg6[%swap3A_3122], %swap3A_3125 {strides = array<i32>} : memref<8192xi32, #tpu.memory_space<vmem>>, vector<16xi32>,
        %mul3A_3126 = arith.constant 512 : i32
        %mul3A_3127 = arith.muli %add3A_3013, %mul3A_3126 : i32
        %add3A_3128 = arith.constant 128 : i32
        %add3A_3129 = arith.addi %mul3A_3127, %add3A_3128 : i32
        %get3A_3130 = arith.index_cast %add3A_3129 : i32 to index
        %get3A_3131 = tpu.vector_load %arg6[%get3A_3130] {strides = array<i32>} : memref<8192xi32, #tpu.memory_space<vmem>>, vector<16xi32>,
        %get3A_3132 = vector.shape_cast %get3A_3131 : vector<16xi32> to vector<16xi32>
        %add3A_3133 = arith.constant 524288 : i32
        %add3A_3134 = vector.broadcast %add3A_3133 : i32 to vector<16xi32>
        %add3A_3135 = arith.addi %get3A_3132, %add3A_3134 : vector<16xi32>
        %swap3A_3136 = arith.index_cast %add3A_3129 : i32 to index
        %swap3A_3137 = tpu.vector_load %arg6[%swap3A_3136] {strides = array<i32>} : memref<8192xi32, #tpu.memory_space<vmem>>, vector<16xi32>,
        %swap3A_3138 = vector.shape_cast %swap3A_3137 : vector<16xi32> to vector<16xi32>
        %swap3A_3139 = vector.shape_cast %add3A_3135 : vector<16xi32> to vector<16xi32>
        tpu.vector_store %arg6[%swap3A_3136], %swap3A_3139 {strides = array<i32>} : memref<8192xi32, #tpu.memory_space<vmem>>, vector<16xi32>,
        %mul3A_3140 = arith.constant 512 : i32
        %mul3A_3141 = arith.muli %add3A_3013, %mul3A_3140 : i32
        %add3A_3142 = arith.constant 144 : i32
        %add3A_3143 = arith.addi %mul3A_3141, %add3A_3142 : i32
        %get3A_3144 = arith.index_cast %add3A_3143 : i32 to index
        %get3A_3145 = tpu.vector_load %arg6[%get3A_3144] {strides = array<i32>} : memref<8192xi32, #tpu.memory_space<vmem>>, vector<16xi32>,
        %get3A_3146 = vector.shape_cast %get3A_3145 : vector<16xi32> to vector<16xi32>
        %add3A_3147 = arith.constant 524288 : i32
        %add3A_3148 = vector.broadcast %add3A_3147 : i32 to vector<16xi32>
        %add3A_3149 = arith.addi %get3A_3146, %add3A_3148 : vector<16xi32>
        %swap3A_3150 = arith.index_cast %add3A_3143 : i32 to index
        %swap3A_3151 = tpu.vector_load %arg6[%swap3A_3150] {strides = array<i32>} : memref<8192xi32, #tpu.memory_space<vmem>>, vector<16xi32>,
        %swap3A_3152 = vector.shape_cast %swap3A_3151 : vector<16xi32> to vector<16xi32>
        %swap3A_3153 = vector.shape_cast %add3A_3149 : vector<16xi32> to vector<16xi32>
        tpu.vector_store %arg6[%swap3A_3150], %swap3A_3153 {strides = array<i32>} : memref<8192xi32, #tpu.memory_space<vmem>>, vector<16xi32>,
        %mul3A_3154 = arith.constant 512 : i32
        %mul3A_3155 = arith.muli %add3A_3013, %mul3A_3154 : i32
        %add3A_3156 = arith.constant 160 : i32
        %add3A_3157 = arith.addi %mul3A_3155, %add3A_3156 : i32
        %get3A_3158 = arith.index_cast %add3A_3157 : i32 to index
        %get3A_3159 = tpu.vector_load %arg6[%get3A_3158] {strides = array<i32>} : memref<8192xi32, #tpu.memory_space<vmem>>, vector<16xi32>,
        %get3A_3160 = vector.shape_cast %get3A_3159 : vector<16xi32> to vector<16xi32>
        %add3A_3161 = arith.constant 524288 : i32
        %add3A_3162 = vector.broadcast %add3A_3161 : i32 to vector<16xi32>
        %add3A_3163 = arith.addi %get3A_3160, %add3A_3162 : vector<16xi32>
        %swap3A_3164 = arith.index_cast %add3A_3157 : i32 to index
        %swap3A_3165 = tpu.vector_load %arg6[%swap3A_3164] {strides = array<i32>} : memref<8192xi32, #tpu.memory_space<vmem>>, vector<16xi32>,
        %swap3A_3166 = vector.shape_cast %swap3A_3165 : vector<16xi32> to vector<16xi32>
        %swap3A_3167 = vector.shape_cast %add3A_3163 : vector<16xi32> to vector<16xi32>
        tpu.vector_store %arg6[%swap3A_3164], %swap3A_3167 {strides = array<i32>} : memref<8192xi32, #tpu.memory_space<vmem>>, vector<16xi32>,
        %mul3A_3168 = arith.constant 512 : i32
        %mul3A_3169 = arith.muli %add3A_3013, %mul3A_3168 : i32
        %add3A_3170 = arith.constant 176 : i32
        %add3A_3171 = arith.addi %mul3A_3169, %add3A_3170 : i32
        %get3A_3172 = arith.index_cast %add3A_3171 : i32 to index
        %get3A_3173 = tpu.vector_load %arg6[%get3A_3172] {strides = array<i32>} : memref<8192xi32, #tpu.memory_space<vmem>>, vector<16xi32>,
        %get3A_3174 = vector.shape_cast %get3A_3173 : vector<16xi32> to vector<16xi32>
        %add3A_3175 = arith.constant 524288 : i32
        %add3A_3176 = vector.broadcast %add3A_3175 : i32 to vector<16xi32>
        %add3A_3177 = arith.addi %get3A_3174, %add3A_3176 : vector<16xi32>
        %swap3A_3178 = arith.index_cast %add3A_3171 : i32 to index
        %swap3A_3179 = tpu.vector_load %arg6[%swap3A_3178] {strides = array<i32>} : memref<8192xi32, #tpu.memory_space<vmem>>, vector<16xi32>,
        %swap3A_3180 = vector.shape_cast %swap3A_3179 : vector<16xi32> to vector<16xi32>
        %swap3A_3181 = vector.shape_cast %add3A_3177 : vector<16xi32> to vector<16xi32>
        tpu.vector_store %arg6[%swap3A_3178], %swap3A_3181 {strides = array<i32>} : memref<8192xi32, #tpu.memory_space<vmem>>, vector<16xi32>,
        %mul3A_3182 = arith.constant 512 : i32
        %mul3A_3183 = arith.muli %add3A_3013, %mul3A_3182 : i32
        %add3A_3184 = arith.constant 192 : i32
        %add3A_3185 = arith.addi %mul3A_3183, %add3A_3184 : i32
        %get3A_3186 = arith.index_cast %add3A_3185 : i32 to index
        %get3A_3187 = tpu.vector_load %arg6[%get3A_3186] {strides = array<i32>} : memref<8192xi32, #tpu.memory_space<vmem>>, vector<16xi32>,
        %get3A_3188 = vector.shape_cast %get3A_3187 : vector<16xi32> to vector<16xi32>
        %add3A_3189 = arith.constant 524288 : i32
        %add3A_3190 = vector.broadcast %add3A_3189 : i32 to vector<16xi32>
        %add3A_3191 = arith.addi %get3A_3188, %add3A_3190 : vector<16xi32>
        %swap3A_3192 = arith.index_cast %add3A_3185 : i32 to index
        %swap3A_3193 = tpu.vector_load %arg6[%swap3A_3192] {strides = array<i32>} : memref<8192xi32, #tpu.memory_space<vmem>>, vector<16xi32>,
        %swap3A_3194 = vector.shape_cast %swap3A_3193 : vector<16xi32> to vector<16xi32>
        %swap3A_3195 = vector.shape_cast %add3A_3191 : vector<16xi32> to vector<16xi32>
        tpu.vector_store %arg6[%swap3A_3192], %swap3A_3195 {strides = array<i32>} : memref<8192xi32, #tpu.memory_space<vmem>>, vector<16xi32>,
        %mul3A_3196 = arith.constant 512 : i32
        %mul3A_3197 = arith.muli %add3A_3013, %mul3A_3196 : i32
        %add3A_3198 = arith.constant 208 : i32
        %add3A_3199 = arith.addi %mul3A_3197, %add3A_3198 : i32
        %get3A_3200 = arith.index_cast %add3A_3199 : i32 to index
        %get3A_3201 = tpu.vector_load %arg6[%get3A_3200] {strides = array<i32>} : memref<8192xi32, #tpu.memory_space<vmem>>, vector<16xi32>,
        %get3A_3202 = vector.shape_cast %get3A_3201 : vector<16xi32> to vector<16xi32>
        %add3A_3203 = arith.constant 524288 : i32
        %add3A_3204 = vector.broadcast %add3A_3203 : i32 to vector<16xi32>
        %add3A_3205 = arith.addi %get3A_3202, %add3A_3204 : vector<16xi32>
        %swap3A_3206 = arith.index_cast %add3A_3199 : i32 to index
        %swap3A_3207 = tpu.vector_load %arg6[%swap3A_3206] {strides = array<i32>} : memref<8192xi32, #tpu.memory_space<vmem>>, vector<16xi32>,
        %swap3A_3208 = vector.shape_cast %swap3A_3207 : vector<16xi32> to vector<16xi32>
        %swap3A_3209 = vector.shape_cast %add3A_3205 : vector<16xi32> to vector<16xi32>
        tpu.vector_store %arg6[%swap3A_3206], %swap3A_3209 {strides = array<i32>} : memref<8192xi32, #tpu.memory_space<vmem>>, vector<16xi32>,
        %mul3A_3210 = arith.constant 512 : i32
        %mul3A_3211 = arith.muli %add3A_3013, %mul3A_3210 : i32
        %add3A_3212 = arith.constant 224 : i32
        %add3A_3213 = arith.addi %mul3A_3211, %add3A_3212 : i32
        %get3A_3214 = arith.index_cast %add3A_3213 : i32 to index
        %get3A_3215 = tpu.vector_load %arg6[%get3A_3214] {strides = array<i32>} : memref<8192xi32, #tpu.memory_space<vmem>>, vector<16xi32>,
        %get3A_3216 = vector.shape_cast %get3A_3215 : vector<16xi32> to vector<16xi32>
        %add3A_3217 = arith.constant 524288 : i32
        %add3A_3218 = vector.broadcast %add3A_3217 : i32 to vector<16xi32>
        %add3A_3219 = arith.addi %get3A_3216, %add3A_3218 : vector<16xi32>
        %swap3A_3220 = arith.index_cast %add3A_3213 : i32 to index
        %swap3A_3221 = tpu.vector_load %arg6[%swap3A_3220] {strides = array<i32>} : memref<8192xi32, #tpu.memory_space<vmem>>, vector<16xi32>,
        %swap3A_3222 = vector.shape_cast %swap3A_3221 : vector<16xi32> to vector<16xi32>
        %swap3A_3223 = vector.shape_cast %add3A_3219 : vector<16xi32> to vector<16xi32>
        tpu.vector_store %arg6[%swap3A_3220], %swap3A_3223 {strides = array<i32>} : memref<8192xi32, #tpu.memory_space<vmem>>, vector<16xi32>,
        %mul3A_3224 = arith.constant 512 : i32
        %mul3A_3225 = arith.muli %add3A_3013, %mul3A_3224 : i32
        %add3A_3226 = arith.constant 240 : i32
        %add3A_3227 = arith.addi %mul3A_3225, %add3A_3226 : i32
        %get3A_3228 = arith.index_cast %add3A_3227 : i32 to index
        %get3A_3229 = tpu.vector_load %arg6[%get3A_3228] {strides = array<i32>} : memref<8192xi32, #tpu.memory_space<vmem>>, vector<16xi32>,
        %get3A_3230 = vector.shape_cast %get3A_3229 : vector<16xi32> to vector<16xi32>
        %add3A_3231 = arith.constant 524288 : i32
        %add3A_3232 = vector.broadcast %add3A_3231 : i32 to vector<16xi32>
        %add3A_3233 = arith.addi %get3A_3230, %add3A_3232 : vector<16xi32>
        %swap3A_3234 = arith.index_cast %add3A_3227 : i32 to index
        %swap3A_3235 = tpu.vector_load %arg6[%swap3A_3234] {strides = array<i32>} : memref<8192xi32, #tpu.memory_space<vmem>>, vector<16xi32>,
        %swap3A_3236 = vector.shape_cast %swap3A_3235 : vector<16xi32> to vector<16xi32>
        %swap3A_3237 = vector.shape_cast %add3A_3233 : vector<16xi32> to vector<16xi32>
        tpu.vector_store %arg6[%swap3A_3234], %swap3A_3237 {strides = array<i32>} : memref<8192xi32, #tpu.memory_space<vmem>>, vector<16xi32>,
        %mul3A_3238 = arith.constant 512 : i32
        %mul3A_3239 = arith.muli %add3A_3013, %mul3A_3238 : i32
        %add3A_3240 = arith.constant 256 : i32
        %add3A_3241 = arith.addi %mul3A_3239, %add3A_3240 : i32
        %get3A_3242 = arith.index_cast %add3A_3241 : i32 to index
        %get3A_3243 = tpu.vector_load %arg6[%get3A_3242] {strides = array<i32>} : memref<8192xi32, #tpu.memory_space<vmem>>, vector<16xi32>,
        %get3A_3244 = vector.shape_cast %get3A_3243 : vector<16xi32> to vector<16xi32>
        %add3A_3245 = arith.constant 524288 : i32
        %add3A_3246 = vector.broadcast %add3A_3245 : i32 to vector<16xi32>
        %add3A_3247 = arith.addi %get3A_3244, %add3A_3246 : vector<16xi32>
        %swap3A_3248 = arith.index_cast %add3A_3241 : i32 to index
        %swap3A_3249 = tpu.vector_load %arg6[%swap3A_3248] {strides = array<i32>} : memref<8192xi32, #tpu.memory_space<vmem>>, vector<16xi32>,
        %swap3A_3250 = vector.shape_cast %swap3A_3249 : vector<16xi32> to vector<16xi32>
        %swap3A_3251 = vector.shape_cast %add3A_3247 : vector<16xi32> to vector<16xi32>
        tpu.vector_store %arg6[%swap3A_3248], %swap3A_3251 {strides = array<i32>} : memref<8192xi32, #tpu.memory_space<vmem>>, vector<16xi32>,
        %mul3A_3252 = arith.constant 512 : i32
        %mul3A_3253 = arith.muli %add3A_3013, %mul3A_3252 : i32
        %add3A_3254 = arith.constant 272 : i32
        %add3A_3255 = arith.addi %mul3A_3253, %add3A_3254 : i32
        %get3A_3256 = arith.index_cast %add3A_3255 : i32 to index
        %get3A_3257 = tpu.vector_load %arg6[%get3A_3256] {strides = array<i32>} : memref<8192xi32, #tpu.memory_space<vmem>>, vector<16xi32>,
        %get3A_3258 = vector.shape_cast %get3A_3257 : vector<16xi32> to vector<16xi32>
        %add3A_3259 = arith.constant 524288 : i32
        %add3A_3260 = vector.broadcast %add3A_3259 : i32 to vector<16xi32>
        %add3A_3261 = arith.addi %get3A_3258, %add3A_3260 : vector<16xi32>
        %swap3A_3262 = arith.index_cast %add3A_3255 : i32 to index
        %swap3A_3263 = tpu.vector_load %arg6[%swap3A_3262] {strides = array<i32>} : memref<8192xi32, #tpu.memory_space<vmem>>, vector<16xi32>,
        %swap3A_3264 = vector.shape_cast %swap3A_3263 : vector<16xi32> to vector<16xi32>
        %swap3A_3265 = vector.shape_cast %add3A_3261 : vector<16xi32> to vector<16xi32>
        tpu.vector_store %arg6[%swap3A_3262], %swap3A_3265 {strides = array<i32>} : memref<8192xi32, #tpu.memory_space<vmem>>, vector<16xi32>,
        %mul3A_3266 = arith.constant 512 : i32
        %mul3A_3267 = arith.muli %add3A_3013, %mul3A_3266 : i32
        %add3A_3268 = arith.constant 288 : i32
        %add3A_3269 = arith.addi %mul3A_3267, %add3A_3268 : i32
        %get3A_3270 = arith.index_cast %add3A_3269 : i32 to index
        %get3A_3271 = tpu.vector_load %arg6[%get3A_3270] {strides = array<i32>} : memref<8192xi32, #tpu.memory_space<vmem>>, vector<16xi32>,
        %get3A_3272 = vector.shape_cast %get3A_3271 : vector<16xi32> to vector<16xi32>
        %add3A_3273 = arith.constant 524288 : i32
        %add3A_3274 = vector.broadcast %add3A_3273 : i32 to vector<16xi32>
        %add3A_3275 = arith.addi %get3A_3272, %add3A_3274 : vector<16xi32>
        %swap3A_3276 = arith.index_cast %add3A_3269 : i32 to index
        %swap3A_3277 = tpu.vector_load %arg6[%swap3A_3276] {strides = array<i32>} : memref<8192xi32, #tpu.memory_space<vmem>>, vector<16xi32>,
        %swap3A_3278 = vector.shape_cast %swap3A_3277 : vector<16xi32> to vector<16xi32>
        %swap3A_3279 = vector.shape_cast %add3A_3275 : vector<16xi32> to vector<16xi32>
        tpu.vector_store %arg6[%swap3A_3276], %swap3A_3279 {strides = array<i32>} : memref<8192xi32, #tpu.memory_space<vmem>>, vector<16xi32>,
        %mul3A_3280 = arith.constant 512 : i32
        %mul3A_3281 = arith.muli %add3A_3013, %mul3A_3280 : i32
        %add3A_3282 = arith.constant 304 : i32
        %add3A_3283 = arith.addi %mul3A_3281, %add3A_3282 : i32
        %get3A_3284 = arith.index_cast %add3A_3283 : i32 to index
        %get3A_3285 = tpu.vector_load %arg6[%get3A_3284] {strides = array<i32>} : memref<8192xi32, #tpu.memory_space<vmem>>, vector<16xi32>,
        %get3A_3286 = vector.shape_cast %get3A_3285 : vector<16xi32> to vector<16xi32>
        %add3A_3287 = arith.constant 524288 : i32
        %add3A_3288 = vector.broadcast %add3A_3287 : i32 to vector<16xi32>
        %add3A_3289 = arith.addi %get3A_3286, %add3A_3288 : vector<16xi32>
        %swap3A_3290 = arith.index_cast %add3A_3283 : i32 to index
        %swap3A_3291 = tpu.vector_load %arg6[%swap3A_3290] {strides = array<i32>} : memref<8192xi32, #tpu.memory_space<vmem>>, vector<16xi32>,
        %swap3A_3292 = vector.shape_cast %swap3A_3291 : vector<16xi32> to vector<16xi32>
        %swap3A_3293 = vector.shape_cast %add3A_3289 : vector<16xi32> to vector<16xi32>
        tpu.vector_store %arg6[%swap3A_3290], %swap3A_3293 {strides = array<i32>} : memref<8192xi32, #tpu.memory_space<vmem>>, vector<16xi32>,
        %mul3A_3294 = arith.constant 512 : i32
        %mul3A_3295 = arith.muli %add3A_3013, %mul3A_3294 : i32
        %add3A_3296 = arith.constant 320 : i32
        %add3A_3297 = arith.addi %mul3A_3295, %add3A_3296 : i32
        %get3A_3298 = arith.index_cast %add3A_3297 : i32 to index
        %get3A_3299 = tpu.vector_load %arg6[%get3A_3298] {strides = array<i32>} : memref<8192xi32, #tpu.memory_space<vmem>>, vector<16xi32>,
        %get3A_3300 = vector.shape_cast %get3A_3299 : vector<16xi32> to vector<16xi32>
        %add3A_3301 = arith.constant 524288 : i32
        %add3A_3302 = vector.broadcast %add3A_3301 : i32 to vector<16xi32>
        %add3A_3303 = arith.addi %get3A_3300, %add3A_3302 : vector<16xi32>
        %swap3A_3304 = arith.index_cast %add3A_3297 : i32 to index
        %swap3A_3305 = tpu.vector_load %arg6[%swap3A_3304] {strides = array<i32>} : memref<8192xi32, #tpu.memory_space<vmem>>, vector<16xi32>,
        %swap3A_3306 = vector.shape_cast %swap3A_3305 : vector<16xi32> to vector<16xi32>
        %swap3A_3307 = vector.shape_cast %add3A_3303 : vector<16xi32> to vector<16xi32>
        tpu.vector_store %arg6[%swap3A_3304], %swap3A_3307 {strides = array<i32>} : memref<8192xi32, #tpu.memory_space<vmem>>, vector<16xi32>,
        %mul3A_3308 = arith.constant 512 : i32
        %mul3A_3309 = arith.muli %add3A_3013, %mul3A_3308 : i32
        %add3A_3310 = arith.constant 336 : i32
        %add3A_3311 = arith.addi %mul3A_3309, %add3A_3310 : i32
        %get3A_3312 = arith.index_cast %add3A_3311 : i32 to index
        %get3A_3313 = tpu.vector_load %arg6[%get3A_3312] {strides = array<i32>} : memref<8192xi32, #tpu.memory_space<vmem>>, vector<16xi32>,
        %get3A_3314 = vector.shape_cast %get3A_3313 : vector<16xi32> to vector<16xi32>
        %add3A_3315 = arith.constant 524288 : i32
        %add3A_3316 = vector.broadcast %add3A_3315 : i32 to vector<16xi32>
        %add3A_3317 = arith.addi %get3A_3314, %add3A_3316 : vector<16xi32>
        %swap3A_3318 = arith.index_cast %add3A_3311 : i32 to index
        %swap3A_3319 = tpu.vector_load %arg6[%swap3A_3318] {strides = array<i32>} : memref<8192xi32, #tpu.memory_space<vmem>>, vector<16xi32>,
        %swap3A_3320 = vector.shape_cast %swap3A_3319 : vector<16xi32> to vector<16xi32>
        %swap3A_3321 = vector.shape_cast %add3A_3317 : vector<16xi32> to vector<16xi32>
        tpu.vector_store %arg6[%swap3A_3318], %swap3A_3321 {strides = array<i32>} : memref<8192xi32, #tpu.memory_space<vmem>>, vector<16xi32>,
        %mul3A_3322 = arith.constant 512 : i32
        %mul3A_3323 = arith.muli %add3A_3013, %mul3A_3322 : i32
        %add3A_3324 = arith.constant 352 : i32
        %add3A_3325 = arith.addi %mul3A_3323, %add3A_3324 : i32
        %get3A_3326 = arith.index_cast %add3A_3325 : i32 to index
        %get3A_3327 = tpu.vector_load %arg6[%get3A_3326] {strides = array<i32>} : memref<8192xi32, #tpu.memory_space<vmem>>, vector<16xi32>,
        %get3A_3328 = vector.shape_cast %get3A_3327 : vector<16xi32> to vector<16xi32>
        %add3A_3329 = arith.constant 524288 : i32
        %add3A_3330 = vector.broadcast %add3A_3329 : i32 to vector<16xi32>
        %add3A_3331 = arith.addi %get3A_3328, %add3A_3330 : vector<16xi32>
        %swap3A_3332 = arith.index_cast %add3A_3325 : i32 to index
        %swap3A_3333 = tpu.vector_load %arg6[%swap3A_3332] {strides = array<i32>} : memref<8192xi32, #tpu.memory_space<vmem>>, vector<16xi32>,
        %swap3A_3334 = vector.shape_cast %swap3A_3333 : vector<16xi32> to vector<16xi32>
        %swap3A_3335 = vector.shape_cast %add3A_3331 : vector<16xi32> to vector<16xi32>
        tpu.vector_store %arg6[%swap3A_3332], %swap3A_3335 {strides = array<i32>} : memref<8192xi32, #tpu.memory_space<vmem>>, vector<16xi32>,
        %mul3A_3336 = arith.constant 512 : i32
        %mul3A_3337 = arith.muli %add3A_3013, %mul3A_3336 : i32
        %add3A_3338 = arith.constant 368 : i32
        %add3A_3339 = arith.addi %mul3A_3337, %add3A_3338 : i32
        %get3A_3340 = arith.index_cast %add3A_3339 : i32 to index
        %get3A_3341 = tpu.vector_load %arg6[%get3A_3340] {strides = array<i32>} : memref<8192xi32, #tpu.memory_space<vmem>>, vector<16xi32>,
        %get3A_3342 = vector.shape_cast %get3A_3341 : vector<16xi32> to vector<16xi32>
        %add3A_3343 = arith.constant 524288 : i32
        %add3A_3344 = vector.broadcast %add3A_3343 : i32 to vector<16xi32>
        %add3A_3345 = arith.addi %get3A_3342, %add3A_3344 : vector<16xi32>
        %swap3A_3346 = arith.index_cast %add3A_3339 : i32 to index
        %swap3A_3347 = tpu.vector_load %arg6[%swap3A_3346] {strides = array<i32>} : memref<8192xi32, #tpu.memory_space<vmem>>, vector<16xi32>,
        %swap3A_3348 = vector.shape_cast %swap3A_3347 : vector<16xi32> to vector<16xi32>
        %swap3A_3349 = vector.shape_cast %add3A_3345 : vector<16xi32> to vector<16xi32>
        tpu.vector_store %arg6[%swap3A_3346], %swap3A_3349 {strides = array<i32>} : memref<8192xi32, #tpu.memory_space<vmem>>, vector<16xi32>,
        %mul3A_3350 = arith.constant 512 : i32
        %mul3A_3351 = arith.muli %add3A_3013, %mul3A_3350 : i32
        %add3A_3352 = arith.constant 384 : i32
        %add3A_3353 = arith.addi %mul3A_3351, %add3A_3352 : i32
        %get3A_3354 = arith.index_cast %add3A_3353 : i32 to index
        %get3A_3355 = tpu.vector_load %arg6[%get3A_3354] {strides = array<i32>} : memref<8192xi32, #tpu.memory_space<vmem>>, vector<16xi32>,
        %get3A_3356 = vector.shape_cast %get3A_3355 : vector<16xi32> to vector<16xi32>
        %add3A_3357 = arith.constant 524288 : i32
        %add3A_3358 = vector.broadcast %add3A_3357 : i32 to vector<16xi32>
        %add3A_3359 = arith.addi %get3A_3356, %add3A_3358 : vector<16xi32>
        %swap3A_3360 = arith.index_cast %add3A_3353 : i32 to index
        %swap3A_3361 = tpu.vector_load %arg6[%swap3A_3360] {strides = array<i32>} : memref<8192xi32, #tpu.memory_space<vmem>>, vector<16xi32>,
        %swap3A_3362 = vector.shape_cast %swap3A_3361 : vector<16xi32> to vector<16xi32>
        %swap3A_3363 = vector.shape_cast %add3A_3359 : vector<16xi32> to vector<16xi32>
        tpu.vector_store %arg6[%swap3A_3360], %swap3A_3363 {strides = array<i32>} : memref<8192xi32, #tpu.memory_space<vmem>>, vector<16xi32>,
        %mul3A_3364 = arith.constant 512 : i32
        %mul3A_3365 = arith.muli %add3A_3013, %mul3A_3364 : i32
        %add3A_3366 = arith.constant 400 : i32
        %add3A_3367 = arith.addi %mul3A_3365, %add3A_3366 : i32
        %get3A_3368 = arith.index_cast %add3A_3367 : i32 to index
        %get3A_3369 = tpu.vector_load %arg6[%get3A_3368] {strides = array<i32>} : memref<8192xi32, #tpu.memory_space<vmem>>, vector<16xi32>,
        %get3A_3370 = vector.shape_cast %get3A_3369 : vector<16xi32> to vector<16xi32>
        %add3A_3371 = arith.constant 524288 : i32
        %add3A_3372 = vector.broadcast %add3A_3371 : i32 to vector<16xi32>
        %add3A_3373 = arith.addi %get3A_3370, %add3A_3372 : vector<16xi32>
        %swap3A_3374 = arith.index_cast %add3A_3367 : i32 to index
        %swap3A_3375 = tpu.vector_load %arg6[%swap3A_3374] {strides = array<i32>} : memref<8192xi32, #tpu.memory_space<vmem>>, vector<16xi32>,
        %swap3A_3376 = vector.shape_cast %swap3A_3375 : vector<16xi32> to vector<16xi32>
        %swap3A_3377 = vector.shape_cast %add3A_3373 : vector<16xi32> to vector<16xi32>
        tpu.vector_store %arg6[%swap3A_3374], %swap3A_3377 {strides = array<i32>} : memref<8192xi32, #tpu.memory_space<vmem>>, vector<16xi32>,
        %mul3A_3378 = arith.constant 512 : i32
        %mul3A_3379 = arith.muli %add3A_3013, %mul3A_3378 : i32
        %add3A_3380 = arith.constant 416 : i32
        %add3A_3381 = arith.addi %mul3A_3379, %add3A_3380 : i32
        %get3A_3382 = arith.index_cast %add3A_3381 : i32 to index
        %get3A_3383 = tpu.vector_load %arg6[%get3A_3382] {strides = array<i32>} : memref<8192xi32, #tpu.memory_space<vmem>>, vector<16xi32>,
        %get3A_3384 = vector.shape_cast %get3A_3383 : vector<16xi32> to vector<16xi32>
        %add3A_3385 = arith.constant 524288 : i32
        %add3A_3386 = vector.broadcast %add3A_3385 : i32 to vector<16xi32>
        %add3A_3387 = arith.addi %get3A_3384, %add3A_3386 : vector<16xi32>
        %swap3A_3388 = arith.index_cast %add3A_3381 : i32 to index
        %swap3A_3389 = tpu.vector_load %arg6[%swap3A_3388] {strides = array<i32>} : memref<8192xi32, #tpu.memory_space<vmem>>, vector<16xi32>,
        %swap3A_3390 = vector.shape_cast %swap3A_3389 : vector<16xi32> to vector<16xi32>
        %swap3A_3391 = vector.shape_cast %add3A_3387 : vector<16xi32> to vector<16xi32>
        tpu.vector_store %arg6[%swap3A_3388], %swap3A_3391 {strides = array<i32>} : memref<8192xi32, #tpu.memory_space<vmem>>, vector<16xi32>,
        %mul3A_3392 = arith.constant 512 : i32
        %mul3A_3393 = arith.muli %add3A_3013, %mul3A_3392 : i32
        %add3A_3394 = arith.constant 432 : i32
        %add3A_3395 = arith.addi %mul3A_3393, %add3A_3394 : i32
        %get3A_3396 = arith.index_cast %add3A_3395 : i32 to index
        %get3A_3397 = tpu.vector_load %arg6[%get3A_3396] {strides = array<i32>} : memref<8192xi32, #tpu.memory_space<vmem>>, vector<16xi32>,
        %get3A_3398 = vector.shape_cast %get3A_3397 : vector<16xi32> to vector<16xi32>
        %add3A_3399 = arith.constant 524288 : i32
        %add3A_3400 = vector.broadcast %add3A_3399 : i32 to vector<16xi32>
        %add3A_3401 = arith.addi %get3A_3398, %add3A_3400 : vector<16xi32>
        %swap3A_3402 = arith.index_cast %add3A_3395 : i32 to index
        %swap3A_3403 = tpu.vector_load %arg6[%swap3A_3402] {strides = array<i32>} : memref<8192xi32, #tpu.memory_space<vmem>>, vector<16xi32>,
        %swap3A_3404 = vector.shape_cast %swap3A_3403 : vector<16xi32> to vector<16xi32>
        %swap3A_3405 = vector.shape_cast %add3A_3401 : vector<16xi32> to vector<16xi32>
        tpu.vector_store %arg6[%swap3A_3402], %swap3A_3405 {strides = array<i32>} : memref<8192xi32, #tpu.memory_space<vmem>>, vector<16xi32>,
        %mul3A_3406 = arith.constant 512 : i32
        %mul3A_3407 = arith.muli %add3A_3013, %mul3A_3406 : i32
        %add3A_3408 = arith.constant 448 : i32
        %add3A_3409 = arith.addi %mul3A_3407, %add3A_3408 : i32
        %get3A_3410 = arith.index_cast %add3A_3409 : i32 to index
        %get3A_3411 = tpu.vector_load %arg6[%get3A_3410] {strides = array<i32>} : memref<8192xi32, #tpu.memory_space<vmem>>, vector<16xi32>,
        %get3A_3412 = vector.shape_cast %get3A_3411 : vector<16xi32> to vector<16xi32>
        %add3A_3413 = arith.constant 524288 : i32
        %add3A_3414 = vector.broadcast %add3A_3413 : i32 to vector<16xi32>
        %add3A_3415 = arith.addi %get3A_3412, %add3A_3414 : vector<16xi32>
        %swap3A_3416 = arith.index_cast %add3A_3409 : i32 to index
        %swap3A_3417 = tpu.vector_load %arg6[%swap3A_3416] {strides = array<i32>} : memref<8192xi32, #tpu.memory_space<vmem>>, vector<16xi32>,
        %swap3A_3418 = vector.shape_cast %swap3A_3417 : vector<16xi32> to vector<16xi32>
        %swap3A_3419 = vector.shape_cast %add3A_3415 : vector<16xi32> to vector<16xi32>
        tpu.vector_store %arg6[%swap3A_3416], %swap3A_3419 {strides = array<i32>} : memref<8192xi32, #tpu.memory_space<vmem>>, vector<16xi32>,
        %mul3A_3420 = arith.constant 512 : i32
        %mul3A_3421 = arith.muli %add3A_3013, %mul3A_3420 : i32
        %add3A_3422 = arith.constant 464 : i32
        %add3A_3423 = arith.addi %mul3A_3421, %add3A_3422 : i32
        %get3A_3424 = arith.index_cast %add3A_3423 : i32 to index
        %get3A_3425 = tpu.vector_load %arg6[%get3A_3424] {strides = array<i32>} : memref<8192xi32, #tpu.memory_space<vmem>>, vector<16xi32>,
        %get3A_3426 = vector.shape_cast %get3A_3425 : vector<16xi32> to vector<16xi32>
        %add3A_3427 = arith.constant 524288 : i32
        %add3A_3428 = vector.broadcast %add3A_3427 : i32 to vector<16xi32>
        %add3A_3429 = arith.addi %get3A_3426, %add3A_3428 : vector<16xi32>
        %swap3A_3430 = arith.index_cast %add3A_3423 : i32 to index
        %swap3A_3431 = tpu.vector_load %arg6[%swap3A_3430] {strides = array<i32>} : memref<8192xi32, #tpu.memory_space<vmem>>, vector<16xi32>,
        %swap3A_3432 = vector.shape_cast %swap3A_3431 : vector<16xi32> to vector<16xi32>
        %swap3A_3433 = vector.shape_cast %add3A_3429 : vector<16xi32> to vector<16xi32>
        tpu.vector_store %arg6[%swap3A_3430], %swap3A_3433 {strides = array<i32>} : memref<8192xi32, #tpu.memory_space<vmem>>, vector<16xi32>,
        %mul3A_3434 = arith.constant 512 : i32
        %mul3A_3435 = arith.muli %add3A_3013, %mul3A_3434 : i32
        %add3A_3436 = arith.constant 480 : i32
        %add3A_3437 = arith.addi %mul3A_3435, %add3A_3436 : i32
        %get3A_3438 = arith.index_cast %add3A_3437 : i32 to index
        %get3A_3439 = tpu.vector_load %arg6[%get3A_3438] {strides = array<i32>} : memref<8192xi32, #tpu.memory_space<vmem>>, vector<16xi32>,
        %get3A_3440 = vector.shape_cast %get3A_3439 : vector<16xi32> to vector<16xi32>
        %add3A_3441 = arith.constant 524288 : i32
        %add3A_3442 = vector.broadcast %add3A_3441 : i32 to vector<16xi32>
        %add3A_3443 = arith.addi %get3A_3440, %add3A_3442 : vector<16xi32>
        %swap3A_3444 = arith.index_cast %add3A_3437 : i32 to index
        %swap3A_3445 = tpu.vector_load %arg6[%swap3A_3444] {strides = array<i32>} : memref<8192xi32, #tpu.memory_space<vmem>>, vector<16xi32>,
        %swap3A_3446 = vector.shape_cast %swap3A_3445 : vector<16xi32> to vector<16xi32>
        %swap3A_3447 = vector.shape_cast %add3A_3443 : vector<16xi32> to vector<16xi32>
        tpu.vector_store %arg6[%swap3A_3444], %swap3A_3447 {strides = array<i32>} : memref<8192xi32, #tpu.memory_space<vmem>>, vector<16xi32>,
        %mul3A_3448 = arith.constant 512 : i32
        %mul3A_3449 = arith.muli %add3A_3013, %mul3A_3448 : i32
        %add3A_3450 = arith.constant 496 : i32
        %add3A_3451 = arith.addi %mul3A_3449, %add3A_3450 : i32
        %get3A_3452 = arith.index_cast %add3A_3451 : i32 to index
        %get3A_3453 = tpu.vector_load %arg6[%get3A_3452] {strides = array<i32>} : memref<8192xi32, #tpu.memory_space<vmem>>, vector<16xi32>,
        %get3A_3454 = vector.shape_cast %get3A_3453 : vector<16xi32> to vector<16xi32>
        %add3A_3455 = arith.constant 524288 : i32
        %add3A_3456 = vector.broadcast %add3A_3455 : i32 to vector<16xi32>
        %add3A_3457 = arith.addi %get3A_3454, %add3A_3456 : vector<16xi32>
        %swap3A_3458 = arith.index_cast %add3A_3451 : i32 to index
        %swap3A_3459 = tpu.vector_load %arg6[%swap3A_3458] {strides = array<i32>} : memref<8192xi32, #tpu.memory_space<vmem>>, vector<16xi32>,
        %swap3A_3460 = vector.shape_cast %swap3A_3459 : vector<16xi32> to vector<16xi32>
        %swap3A_3461 = vector.shape_cast %add3A_3457 : vector<16xi32> to vector<16xi32>
        tpu.vector_store %arg6[%swap3A_3458], %swap3A_3461 {strides = array<i32>} : memref<8192xi32, #tpu.memory_space<vmem>>, vector<16xi32>,
        %mul3A_3462 = arith.constant 8 : i32
        %mul3A_3463 = arith.muli %rem3A_299, %mul3A_3462 : i32
        %add3A_3464 = arith.constant 7 : i32
        %add3A_3465 = arith.addi %mul3A_3463, %add3A_3464 : i32
        %mul3A_3466 = arith.constant 512 : i32
        %mul3A_3467 = arith.muli %add3A_3465, %mul3A_3466 : i32
        %add3A_3468 = arith.constant 0 : i32
        %add3A_3469 = arith.addi %mul3A_3467, %add3A_3468 : i32
        %get3A_3470 = arith.index_cast %add3A_3469 : i32 to index
        %get3A_3471 = tpu.vector_load %arg6[%get3A_3470] {strides = array<i32>} : memref<8192xi32, #tpu.memory_space<vmem>>, vector<16xi32>,
        %get3A_3472 = vector.shape_cast %get3A_3471 : vector<16xi32> to vector<16xi32>
        %add3A_3473 = arith.constant 524288 : i32
        %add3A_3474 = vector.broadcast %add3A_3473 : i32 to vector<16xi32>
        %add3A_3475 = arith.addi %get3A_3472, %add3A_3474 : vector<16xi32>
        %swap3A_3476 = arith.index_cast %add3A_3469 : i32 to index
        %swap3A_3477 = tpu.vector_load %arg6[%swap3A_3476] {strides = array<i32>} : memref<8192xi32, #tpu.memory_space<vmem>>, vector<16xi32>,
        %swap3A_3478 = vector.shape_cast %swap3A_3477 : vector<16xi32> to vector<16xi32>
        %swap3A_3479 = vector.shape_cast %add3A_3475 : vector<16xi32> to vector<16xi32>
        tpu.vector_store %arg6[%swap3A_3476], %swap3A_3479 {strides = array<i32>} : memref<8192xi32, #tpu.memory_space<vmem>>, vector<16xi32>,
        %mul3A_3480 = arith.constant 512 : i32
        %mul3A_3481 = arith.muli %add3A_3465, %mul3A_3480 : i32
        %add3A_3482 = arith.constant 16 : i32
        %add3A_3483 = arith.addi %mul3A_3481, %add3A_3482 : i32
        %get3A_3484 = arith.index_cast %add3A_3483 : i32 to index
        %get3A_3485 = tpu.vector_load %arg6[%get3A_3484] {strides = array<i32>} : memref<8192xi32, #tpu.memory_space<vmem>>, vector<16xi32>,
        %get3A_3486 = vector.shape_cast %get3A_3485 : vector<16xi32> to vector<16xi32>
        %add3A_3487 = arith.constant 524288 : i32
        %add3A_3488 = vector.broadcast %add3A_3487 : i32 to vector<16xi32>
        %add3A_3489 = arith.addi %get3A_3486, %add3A_3488 : vector<16xi32>
        %swap3A_3490 = arith.index_cast %add3A_3483 : i32 to index
        %swap3A_3491 = tpu.vector_load %arg6[%swap3A_3490] {strides = array<i32>} : memref<8192xi32, #tpu.memory_space<vmem>>, vector<16xi32>,
        %swap3A_3492 = vector.shape_cast %swap3A_3491 : vector<16xi32> to vector<16xi32>
        %swap3A_3493 = vector.shape_cast %add3A_3489 : vector<16xi32> to vector<16xi32>
        tpu.vector_store %arg6[%swap3A_3490], %swap3A_3493 {strides = array<i32>} : memref<8192xi32, #tpu.memory_space<vmem>>, vector<16xi32>,
        %mul3A_3494 = arith.constant 512 : i32
        %mul3A_3495 = arith.muli %add3A_3465, %mul3A_3494 : i32
        %add3A_3496 = arith.constant 32 : i32
        %add3A_3497 = arith.addi %mul3A_3495, %add3A_3496 : i32
        %get3A_3498 = arith.index_cast %add3A_3497 : i32 to index
        %get3A_3499 = tpu.vector_load %arg6[%get3A_3498] {strides = array<i32>} : memref<8192xi32, #tpu.memory_space<vmem>>, vector<16xi32>,
        %get3A_3500 = vector.shape_cast %get3A_3499 : vector<16xi32> to vector<16xi32>
        %add3A_3501 = arith.constant 524288 : i32
        %add3A_3502 = vector.broadcast %add3A_3501 : i32 to vector<16xi32>
        %add3A_3503 = arith.addi %get3A_3500, %add3A_3502 : vector<16xi32>
        %swap3A_3504 = arith.index_cast %add3A_3497 : i32 to index
        %swap3A_3505 = tpu.vector_load %arg6[%swap3A_3504] {strides = array<i32>} : memref<8192xi32, #tpu.memory_space<vmem>>, vector<16xi32>,
        %swap3A_3506 = vector.shape_cast %swap3A_3505 : vector<16xi32> to vector<16xi32>
        %swap3A_3507 = vector.shape_cast %add3A_3503 : vector<16xi32> to vector<16xi32>
        tpu.vector_store %arg6[%swap3A_3504], %swap3A_3507 {strides = array<i32>} : memref<8192xi32, #tpu.memory_space<vmem>>, vector<16xi32>,
        %mul3A_3508 = arith.constant 512 : i32
        %mul3A_3509 = arith.muli %add3A_3465, %mul3A_3508 : i32
        %add3A_3510 = arith.constant 48 : i32
        %add3A_3511 = arith.addi %mul3A_3509, %add3A_3510 : i32
        %get3A_3512 = arith.index_cast %add3A_3511 : i32 to index
        %get3A_3513 = tpu.vector_load %arg6[%get3A_3512] {strides = array<i32>} : memref<8192xi32, #tpu.memory_space<vmem>>, vector<16xi32>,
        %get3A_3514 = vector.shape_cast %get3A_3513 : vector<16xi32> to vector<16xi32>
        %add3A_3515 = arith.constant 524288 : i32
        %add3A_3516 = vector.broadcast %add3A_3515 : i32 to vector<16xi32>
        %add3A_3517 = arith.addi %get3A_3514, %add3A_3516 : vector<16xi32>
        %swap3A_3518 = arith.index_cast %add3A_3511 : i32 to index
        %swap3A_3519 = tpu.vector_load %arg6[%swap3A_3518] {strides = array<i32>} : memref<8192xi32, #tpu.memory_space<vmem>>, vector<16xi32>,
        %swap3A_3520 = vector.shape_cast %swap3A_3519 : vector<16xi32> to vector<16xi32>
        %swap3A_3521 = vector.shape_cast %add3A_3517 : vector<16xi32> to vector<16xi32>
        tpu.vector_store %arg6[%swap3A_3518], %swap3A_3521 {strides = array<i32>} : memref<8192xi32, #tpu.memory_space<vmem>>, vector<16xi32>,
        %mul3A_3522 = arith.constant 512 : i32
        %mul3A_3523 = arith.muli %add3A_3465, %mul3A_3522 : i32
        %add3A_3524 = arith.constant 64 : i32
        %add3A_3525 = arith.addi %mul3A_3523, %add3A_3524 : i32
        %get3A_3526 = arith.index_cast %add3A_3525 : i32 to index
        %get3A_3527 = tpu.vector_load %arg6[%get3A_3526] {strides = array<i32>} : memref<8192xi32, #tpu.memory_space<vmem>>, vector<16xi32>,
        %get3A_3528 = vector.shape_cast %get3A_3527 : vector<16xi32> to vector<16xi32>
        %add3A_3529 = arith.constant 524288 : i32
        %add3A_3530 = vector.broadcast %add3A_3529 : i32 to vector<16xi32>
        %add3A_3531 = arith.addi %get3A_3528, %add3A_3530 : vector<16xi32>
        %swap3A_3532 = arith.index_cast %add3A_3525 : i32 to index
        %swap3A_3533 = tpu.vector_load %arg6[%swap3A_3532] {strides = array<i32>} : memref<8192xi32, #tpu.memory_space<vmem>>, vector<16xi32>,
        %swap3A_3534 = vector.shape_cast %swap3A_3533 : vector<16xi32> to vector<16xi32>
        %swap3A_3535 = vector.shape_cast %add3A_3531 : vector<16xi32> to vector<16xi32>
        tpu.vector_store %arg6[%swap3A_3532], %swap3A_3535 {strides = array<i32>} : memref<8192xi32, #tpu.memory_space<vmem>>, vector<16xi32>,
        %mul3A_3536 = arith.constant 512 : i32
        %mul3A_3537 = arith.muli %add3A_3465, %mul3A_3536 : i32
        %add3A_3538 = arith.constant 80 : i32
        %add3A_3539 = arith.addi %mul3A_3537, %add3A_3538 : i32
        %get3A_3540 = arith.index_cast %add3A_3539 : i32 to index
        %get3A_3541 = tpu.vector_load %arg6[%get3A_3540] {strides = array<i32>} : memref<8192xi32, #tpu.memory_space<vmem>>, vector<16xi32>,
        %get3A_3542 = vector.shape_cast %get3A_3541 : vector<16xi32> to vector<16xi32>
        %add3A_3543 = arith.constant 524288 : i32
        %add3A_3544 = vector.broadcast %add3A_3543 : i32 to vector<16xi32>
        %add3A_3545 = arith.addi %get3A_3542, %add3A_3544 : vector<16xi32>
        %swap3A_3546 = arith.index_cast %add3A_3539 : i32 to index
        %swap3A_3547 = tpu.vector_load %arg6[%swap3A_3546] {strides = array<i32>} : memref<8192xi32, #tpu.memory_space<vmem>>, vector<16xi32>,
        %swap3A_3548 = vector.shape_cast %swap3A_3547 : vector<16xi32> to vector<16xi32>
        %swap3A_3549 = vector.shape_cast %add3A_3545 : vector<16xi32> to vector<16xi32>
        tpu.vector_store %arg6[%swap3A_3546], %swap3A_3549 {strides = array<i32>} : memref<8192xi32, #tpu.memory_space<vmem>>, vector<16xi32>,
        %mul3A_3550 = arith.constant 512 : i32
        %mul3A_3551 = arith.muli %add3A_3465, %mul3A_3550 : i32
        %add3A_3552 = arith.constant 96 : i32
        %add3A_3553 = arith.addi %mul3A_3551, %add3A_3552 : i32
        %get3A_3554 = arith.index_cast %add3A_3553 : i32 to index
        %get3A_3555 = tpu.vector_load %arg6[%get3A_3554] {strides = array<i32>} : memref<8192xi32, #tpu.memory_space<vmem>>, vector<16xi32>,
        %get3A_3556 = vector.shape_cast %get3A_3555 : vector<16xi32> to vector<16xi32>
        %add3A_3557 = arith.constant 524288 : i32
        %add3A_3558 = vector.broadcast %add3A_3557 : i32 to vector<16xi32>
        %add3A_3559 = arith.addi %get3A_3556, %add3A_3558 : vector<16xi32>
        %swap3A_3560 = arith.index_cast %add3A_3553 : i32 to index
        %swap3A_3561 = tpu.vector_load %arg6[%swap3A_3560] {strides = array<i32>} : memref<8192xi32, #tpu.memory_space<vmem>>, vector<16xi32>,
        %swap3A_3562 = vector.shape_cast %swap3A_3561 : vector<16xi32> to vector<16xi32>
        %swap3A_3563 = vector.shape_cast %add3A_3559 : vector<16xi32> to vector<16xi32>
        tpu.vector_store %arg6[%swap3A_3560], %swap3A_3563 {strides = array<i32>} : memref<8192xi32, #tpu.memory_space<vmem>>, vector<16xi32>,
        %mul3A_3564 = arith.constant 512 : i32
        %mul3A_3565 = arith.muli %add3A_3465, %mul3A_3564 : i32
        %add3A_3566 = arith.constant 112 : i32
        %add3A_3567 = arith.addi %mul3A_3565, %add3A_3566 : i32
        %get3A_3568 = arith.index_cast %add3A_3567 : i32 to index
        %get3A_3569 = tpu.vector_load %arg6[%get3A_3568] {strides = array<i32>} : memref<8192xi32, #tpu.memory_space<vmem>>, vector<16xi32>,
        %get3A_3570 = vector.shape_cast %get3A_3569 : vector<16xi32> to vector<16xi32>
        %add3A_3571 = arith.constant 524288 : i32
        %add3A_3572 = vector.broadcast %add3A_3571 : i32 to vector<16xi32>
        %add3A_3573 = arith.addi %get3A_3570, %add3A_3572 : vector<16xi32>
        %swap3A_3574 = arith.index_cast %add3A_3567 : i32 to index
        %swap3A_3575 = tpu.vector_load %arg6[%swap3A_3574] {strides = array<i32>} : memref<8192xi32, #tpu.memory_space<vmem>>, vector<16xi32>,
        %swap3A_3576 = vector.shape_cast %swap3A_3575 : vector<16xi32> to vector<16xi32>
        %swap3A_3577 = vector.shape_cast %add3A_3573 : vector<16xi32> to vector<16xi32>
        tpu.vector_store %arg6[%swap3A_3574], %swap3A_3577 {strides = array<i32>} : memref<8192xi32, #tpu.memory_space<vmem>>, vector<16xi32>,
        %mul3A_3578 = arith.constant 512 : i32
        %mul3A_3579 = arith.muli %add3A_3465, %mul3A_3578 : i32
        %add3A_3580 = arith.constant 128 : i32
        %add3A_3581 = arith.addi %mul3A_3579, %add3A_3580 : i32
        %get3A_3582 = arith.index_cast %add3A_3581 : i32 to index
        %get3A_3583 = tpu.vector_load %arg6[%get3A_3582] {strides = array<i32>} : memref<8192xi32, #tpu.memory_space<vmem>>, vector<16xi32>,
        %get3A_3584 = vector.shape_cast %get3A_3583 : vector<16xi32> to vector<16xi32>
        %add3A_3585 = arith.constant 524288 : i32
        %add3A_3586 = vector.broadcast %add3A_3585 : i32 to vector<16xi32>
        %add3A_3587 = arith.addi %get3A_3584, %add3A_3586 : vector<16xi32>
        %swap3A_3588 = arith.index_cast %add3A_3581 : i32 to index
        %swap3A_3589 = tpu.vector_load %arg6[%swap3A_3588] {strides = array<i32>} : memref<8192xi32, #tpu.memory_space<vmem>>, vector<16xi32>,
        %swap3A_3590 = vector.shape_cast %swap3A_3589 : vector<16xi32> to vector<16xi32>
        %swap3A_3591 = vector.shape_cast %add3A_3587 : vector<16xi32> to vector<16xi32>
        tpu.vector_store %arg6[%swap3A_3588], %swap3A_3591 {strides = array<i32>} : memref<8192xi32, #tpu.memory_space<vmem>>, vector<16xi32>,
        %mul3A_3592 = arith.constant 512 : i32
        %mul3A_3593 = arith.muli %add3A_3465, %mul3A_3592 : i32
        %add3A_3594 = arith.constant 144 : i32
        %add3A_3595 = arith.addi %mul3A_3593, %add3A_3594 : i32
        %get3A_3596 = arith.index_cast %add3A_3595 : i32 to index
        %get3A_3597 = tpu.vector_load %arg6[%get3A_3596] {strides = array<i32>} : memref<8192xi32, #tpu.memory_space<vmem>>, vector<16xi32>,
        %get3A_3598 = vector.shape_cast %get3A_3597 : vector<16xi32> to vector<16xi32>
        %add3A_3599 = arith.constant 524288 : i32
        %add3A_3600 = vector.broadcast %add3A_3599 : i32 to vector<16xi32>
        %add3A_3601 = arith.addi %get3A_3598, %add3A_3600 : vector<16xi32>
        %swap3A_3602 = arith.index_cast %add3A_3595 : i32 to index
        %swap3A_3603 = tpu.vector_load %arg6[%swap3A_3602] {strides = array<i32>} : memref<8192xi32, #tpu.memory_space<vmem>>, vector<16xi32>,
        %swap3A_3604 = vector.shape_cast %swap3A_3603 : vector<16xi32> to vector<16xi32>
        %swap3A_3605 = vector.shape_cast %add3A_3601 : vector<16xi32> to vector<16xi32>
        tpu.vector_store %arg6[%swap3A_3602], %swap3A_3605 {strides = array<i32>} : memref<8192xi32, #tpu.memory_space<vmem>>, vector<16xi32>,
        %mul3A_3606 = arith.constant 512 : i32
        %mul3A_3607 = arith.muli %add3A_3465, %mul3A_3606 : i32
        %add3A_3608 = arith.constant 160 : i32
        %add3A_3609 = arith.addi %mul3A_3607, %add3A_3608 : i32
        %get3A_3610 = arith.index_cast %add3A_3609 : i32 to index
        %get3A_3611 = tpu.vector_load %arg6[%get3A_3610] {strides = array<i32>} : memref<8192xi32, #tpu.memory_space<vmem>>, vector<16xi32>,
        %get3A_3612 = vector.shape_cast %get3A_3611 : vector<16xi32> to vector<16xi32>
        %add3A_3613 = arith.constant 524288 : i32
        %add3A_3614 = vector.broadcast %add3A_3613 : i32 to vector<16xi32>
        %add3A_3615 = arith.addi %get3A_3612, %add3A_3614 : vector<16xi32>
        %swap3A_3616 = arith.index_cast %add3A_3609 : i32 to index
        %swap3A_3617 = tpu.vector_load %arg6[%swap3A_3616] {strides = array<i32>} : memref<8192xi32, #tpu.memory_space<vmem>>, vector<16xi32>,
        %swap3A_3618 = vector.shape_cast %swap3A_3617 : vector<16xi32> to vector<16xi32>
        %swap3A_3619 = vector.shape_cast %add3A_3615 : vector<16xi32> to vector<16xi32>
        tpu.vector_store %arg6[%swap3A_3616], %swap3A_3619 {strides = array<i32>} : memref<8192xi32, #tpu.memory_space<vmem>>, vector<16xi32>,
        %mul3A_3620 = arith.constant 512 : i32
        %mul3A_3621 = arith.muli %add3A_3465, %mul3A_3620 : i32
        %add3A_3622 = arith.constant 176 : i32
        %add3A_3623 = arith.addi %mul3A_3621, %add3A_3622 : i32
        %get3A_3624 = arith.index_cast %add3A_3623 : i32 to index
        %get3A_3625 = tpu.vector_load %arg6[%get3A_3624] {strides = array<i32>} : memref<8192xi32, #tpu.memory_space<vmem>>, vector<16xi32>,
        %get3A_3626 = vector.shape_cast %get3A_3625 : vector<16xi32> to vector<16xi32>
        %add3A_3627 = arith.constant 524288 : i32
        %add3A_3628 = vector.broadcast %add3A_3627 : i32 to vector<16xi32>
        %add3A_3629 = arith.addi %get3A_3626, %add3A_3628 : vector<16xi32>
        %swap3A_3630 = arith.index_cast %add3A_3623 : i32 to index
        %swap3A_3631 = tpu.vector_load %arg6[%swap3A_3630] {strides = array<i32>} : memref<8192xi32, #tpu.memory_space<vmem>>, vector<16xi32>,
        %swap3A_3632 = vector.shape_cast %swap3A_3631 : vector<16xi32> to vector<16xi32>
        %swap3A_3633 = vector.shape_cast %add3A_3629 : vector<16xi32> to vector<16xi32>
        tpu.vector_store %arg6[%swap3A_3630], %swap3A_3633 {strides = array<i32>} : memref<8192xi32, #tpu.memory_space<vmem>>, vector<16xi32>,
        %mul3A_3634 = arith.constant 512 : i32
        %mul3A_3635 = arith.muli %add3A_3465, %mul3A_3634 : i32
        %add3A_3636 = arith.constant 192 : i32
        %add3A_3637 = arith.addi %mul3A_3635, %add3A_3636 : i32
        %get3A_3638 = arith.index_cast %add3A_3637 : i32 to index
        %get3A_3639 = tpu.vector_load %arg6[%get3A_3638] {strides = array<i32>} : memref<8192xi32, #tpu.memory_space<vmem>>, vector<16xi32>,
        %get3A_3640 = vector.shape_cast %get3A_3639 : vector<16xi32> to vector<16xi32>
        %add3A_3641 = arith.constant 524288 : i32
        %add3A_3642 = vector.broadcast %add3A_3641 : i32 to vector<16xi32>
        %add3A_3643 = arith.addi %get3A_3640, %add3A_3642 : vector<16xi32>
        %swap3A_3644 = arith.index_cast %add3A_3637 : i32 to index
        %swap3A_3645 = tpu.vector_load %arg6[%swap3A_3644] {strides = array<i32>} : memref<8192xi32, #tpu.memory_space<vmem>>, vector<16xi32>,
        %swap3A_3646 = vector.shape_cast %swap3A_3645 : vector<16xi32> to vector<16xi32>
        %swap3A_3647 = vector.shape_cast %add3A_3643 : vector<16xi32> to vector<16xi32>
        tpu.vector_store %arg6[%swap3A_3644], %swap3A_3647 {strides = array<i32>} : memref<8192xi32, #tpu.memory_space<vmem>>, vector<16xi32>,
        %mul3A_3648 = arith.constant 512 : i32
        %mul3A_3649 = arith.muli %add3A_3465, %mul3A_3648 : i32
        %add3A_3650 = arith.constant 208 : i32
        %add3A_3651 = arith.addi %mul3A_3649, %add3A_3650 : i32
        %get3A_3652 = arith.index_cast %add3A_3651 : i32 to index
        %get3A_3653 = tpu.vector_load %arg6[%get3A_3652] {strides = array<i32>} : memref<8192xi32, #tpu.memory_space<vmem>>, vector<16xi32>,
        %get3A_3654 = vector.shape_cast %get3A_3653 : vector<16xi32> to vector<16xi32>
        %add3A_3655 = arith.constant 524288 : i32
        %add3A_3656 = vector.broadcast %add3A_3655 : i32 to vector<16xi32>
        %add3A_3657 = arith.addi %get3A_3654, %add3A_3656 : vector<16xi32>
        %swap3A_3658 = arith.index_cast %add3A_3651 : i32 to index
        %swap3A_3659 = tpu.vector_load %arg6[%swap3A_3658] {strides = array<i32>} : memref<8192xi32, #tpu.memory_space<vmem>>, vector<16xi32>,
        %swap3A_3660 = vector.shape_cast %swap3A_3659 : vector<16xi32> to vector<16xi32>
        %swap3A_3661 = vector.shape_cast %add3A_3657 : vector<16xi32> to vector<16xi32>
        tpu.vector_store %arg6[%swap3A_3658], %swap3A_3661 {strides = array<i32>} : memref<8192xi32, #tpu.memory_space<vmem>>, vector<16xi32>,
        %mul3A_3662 = arith.constant 512 : i32
        %mul3A_3663 = arith.muli %add3A_3465, %mul3A_3662 : i32
        %add3A_3664 = arith.constant 224 : i32
        %add3A_3665 = arith.addi %mul3A_3663, %add3A_3664 : i32
        %get3A_3666 = arith.index_cast %add3A_3665 : i32 to index
        %get3A_3667 = tpu.vector_load %arg6[%get3A_3666] {strides = array<i32>} : memref<8192xi32, #tpu.memory_space<vmem>>, vector<16xi32>,
        %get3A_3668 = vector.shape_cast %get3A_3667 : vector<16xi32> to vector<16xi32>
        %add3A_3669 = arith.constant 524288 : i32
        %add3A_3670 = vector.broadcast %add3A_3669 : i32 to vector<16xi32>
        %add3A_3671 = arith.addi %get3A_3668, %add3A_3670 : vector<16xi32>
        %swap3A_3672 = arith.index_cast %add3A_3665 : i32 to index
        %swap3A_3673 = tpu.vector_load %arg6[%swap3A_3672] {strides = array<i32>} : memref<8192xi32, #tpu.memory_space<vmem>>, vector<16xi32>,
        %swap3A_3674 = vector.shape_cast %swap3A_3673 : vector<16xi32> to vector<16xi32>
        %swap3A_3675 = vector.shape_cast %add3A_3671 : vector<16xi32> to vector<16xi32>
        tpu.vector_store %arg6[%swap3A_3672], %swap3A_3675 {strides = array<i32>} : memref<8192xi32, #tpu.memory_space<vmem>>, vector<16xi32>,
        %mul3A_3676 = arith.constant 512 : i32
        %mul3A_3677 = arith.muli %add3A_3465, %mul3A_3676 : i32
        %add3A_3678 = arith.constant 240 : i32
        %add3A_3679 = arith.addi %mul3A_3677, %add3A_3678 : i32
        %get3A_3680 = arith.index_cast %add3A_3679 : i32 to index
        %get3A_3681 = tpu.vector_load %arg6[%get3A_3680] {strides = array<i32>} : memref<8192xi32, #tpu.memory_space<vmem>>, vector<16xi32>,
        %get3A_3682 = vector.shape_cast %get3A_3681 : vector<16xi32> to vector<16xi32>
        %add3A_3683 = arith.constant 524288 : i32
        %add3A_3684 = vector.broadcast %add3A_3683 : i32 to vector<16xi32>
        %add3A_3685 = arith.addi %get3A_3682, %add3A_3684 : vector<16xi32>
        %swap3A_3686 = arith.index_cast %add3A_3679 : i32 to index
        %swap3A_3687 = tpu.vector_load %arg6[%swap3A_3686] {strides = array<i32>} : memref<8192xi32, #tpu.memory_space<vmem>>, vector<16xi32>,
        %swap3A_3688 = vector.shape_cast %swap3A_3687 : vector<16xi32> to vector<16xi32>
        %swap3A_3689 = vector.shape_cast %add3A_3685 : vector<16xi32> to vector<16xi32>
        tpu.vector_store %arg6[%swap3A_3686], %swap3A_3689 {strides = array<i32>} : memref<8192xi32, #tpu.memory_space<vmem>>, vector<16xi32>,
        %mul3A_3690 = arith.constant 512 : i32
        %mul3A_3691 = arith.muli %add3A_3465, %mul3A_3690 : i32
        %add3A_3692 = arith.constant 256 : i32
        %add3A_3693 = arith.addi %mul3A_3691, %add3A_3692 : i32
        %get3A_3694 = arith.index_cast %add3A_3693 : i32 to index
        %get3A_3695 = tpu.vector_load %arg6[%get3A_3694] {strides = array<i32>} : memref<8192xi32, #tpu.memory_space<vmem>>, vector<16xi32>,
        %get3A_3696 = vector.shape_cast %get3A_3695 : vector<16xi32> to vector<16xi32>
        %add3A_3697 = arith.constant 524288 : i32
        %add3A_3698 = vector.broadcast %add3A_3697 : i32 to vector<16xi32>
        %add3A_3699 = arith.addi %get3A_3696, %add3A_3698 : vector<16xi32>
        %swap3A_3700 = arith.index_cast %add3A_3693 : i32 to index
        %swap3A_3701 = tpu.vector_load %arg6[%swap3A_3700] {strides = array<i32>} : memref<8192xi32, #tpu.memory_space<vmem>>, vector<16xi32>,
        %swap3A_3702 = vector.shape_cast %swap3A_3701 : vector<16xi32> to vector<16xi32>
        %swap3A_3703 = vector.shape_cast %add3A_3699 : vector<16xi32> to vector<16xi32>
        tpu.vector_store %arg6[%swap3A_3700], %swap3A_3703 {strides = array<i32>} : memref<8192xi32, #tpu.memory_space<vmem>>, vector<16xi32>,
        %mul3A_3704 = arith.constant 512 : i32
        %mul3A_3705 = arith.muli %add3A_3465, %mul3A_3704 : i32
        %add3A_3706 = arith.constant 272 : i32
        %add3A_3707 = arith.addi %mul3A_3705, %add3A_3706 : i32
        %get3A_3708 = arith.index_cast %add3A_3707 : i32 to index
        %get3A_3709 = tpu.vector_load %arg6[%get3A_3708] {strides = array<i32>} : memref<8192xi32, #tpu.memory_space<vmem>>, vector<16xi32>,
        %get3A_3710 = vector.shape_cast %get3A_3709 : vector<16xi32> to vector<16xi32>
        %add3A_3711 = arith.constant 524288 : i32
        %add3A_3712 = vector.broadcast %add3A_3711 : i32 to vector<16xi32>
        %add3A_3713 = arith.addi %get3A_3710, %add3A_3712 : vector<16xi32>
        %swap3A_3714 = arith.index_cast %add3A_3707 : i32 to index
        %swap3A_3715 = tpu.vector_load %arg6[%swap3A_3714] {strides = array<i32>} : memref<8192xi32, #tpu.memory_space<vmem>>, vector<16xi32>,
        %swap3A_3716 = vector.shape_cast %swap3A_3715 : vector<16xi32> to vector<16xi32>
        %swap3A_3717 = vector.shape_cast %add3A_3713 : vector<16xi32> to vector<16xi32>
        tpu.vector_store %arg6[%swap3A_3714], %swap3A_3717 {strides = array<i32>} : memref<8192xi32, #tpu.memory_space<vmem>>, vector<16xi32>,
        %mul3A_3718 = arith.constant 512 : i32
        %mul3A_3719 = arith.muli %add3A_3465, %mul3A_3718 : i32
        %add3A_3720 = arith.constant 288 : i32
        %add3A_3721 = arith.addi %mul3A_3719, %add3A_3720 : i32
        %get3A_3722 = arith.index_cast %add3A_3721 : i32 to index
        %get3A_3723 = tpu.vector_load %arg6[%get3A_3722] {strides = array<i32>} : memref<8192xi32, #tpu.memory_space<vmem>>, vector<16xi32>,
        %get3A_3724 = vector.shape_cast %get3A_3723 : vector<16xi32> to vector<16xi32>
        %add3A_3725 = arith.constant 524288 : i32
        %add3A_3726 = vector.broadcast %add3A_3725 : i32 to vector<16xi32>
        %add3A_3727 = arith.addi %get3A_3724, %add3A_3726 : vector<16xi32>
        %swap3A_3728 = arith.index_cast %add3A_3721 : i32 to index
        %swap3A_3729 = tpu.vector_load %arg6[%swap3A_3728] {strides = array<i32>} : memref<8192xi32, #tpu.memory_space<vmem>>, vector<16xi32>,
        %swap3A_3730 = vector.shape_cast %swap3A_3729 : vector<16xi32> to vector<16xi32>
        %swap3A_3731 = vector.shape_cast %add3A_3727 : vector<16xi32> to vector<16xi32>
        tpu.vector_store %arg6[%swap3A_3728], %swap3A_3731 {strides = array<i32>} : memref<8192xi32, #tpu.memory_space<vmem>>, vector<16xi32>,
        %mul3A_3732 = arith.constant 512 : i32
        %mul3A_3733 = arith.muli %add3A_3465, %mul3A_3732 : i32
        %add3A_3734 = arith.constant 304 : i32
        %add3A_3735 = arith.addi %mul3A_3733, %add3A_3734 : i32
        %get3A_3736 = arith.index_cast %add3A_3735 : i32 to index
        %get3A_3737 = tpu.vector_load %arg6[%get3A_3736] {strides = array<i32>} : memref<8192xi32, #tpu.memory_space<vmem>>, vector<16xi32>,
        %get3A_3738 = vector.shape_cast %get3A_3737 : vector<16xi32> to vector<16xi32>
        %add3A_3739 = arith.constant 524288 : i32
        %add3A_3740 = vector.broadcast %add3A_3739 : i32 to vector<16xi32>
        %add3A_3741 = arith.addi %get3A_3738, %add3A_3740 : vector<16xi32>
        %swap3A_3742 = arith.index_cast %add3A_3735 : i32 to index
        %swap3A_3743 = tpu.vector_load %arg6[%swap3A_3742] {strides = array<i32>} : memref<8192xi32, #tpu.memory_space<vmem>>, vector<16xi32>,
        %swap3A_3744 = vector.shape_cast %swap3A_3743 : vector<16xi32> to vector<16xi32>
        %swap3A_3745 = vector.shape_cast %add3A_3741 : vector<16xi32> to vector<16xi32>
        tpu.vector_store %arg6[%swap3A_3742], %swap3A_3745 {strides = array<i32>} : memref<8192xi32, #tpu.memory_space<vmem>>, vector<16xi32>,
        %mul3A_3746 = arith.constant 512 : i32
        %mul3A_3747 = arith.muli %add3A_3465, %mul3A_3746 : i32
        %add3A_3748 = arith.constant 320 : i32
        %add3A_3749 = arith.addi %mul3A_3747, %add3A_3748 : i32
        %get3A_3750 = arith.index_cast %add3A_3749 : i32 to index
        %get3A_3751 = tpu.vector_load %arg6[%get3A_3750] {strides = array<i32>} : memref<8192xi32, #tpu.memory_space<vmem>>, vector<16xi32>,
        %get3A_3752 = vector.shape_cast %get3A_3751 : vector<16xi32> to vector<16xi32>
        %add3A_3753 = arith.constant 524288 : i32
        %add3A_3754 = vector.broadcast %add3A_3753 : i32 to vector<16xi32>
        %add3A_3755 = arith.addi %get3A_3752, %add3A_3754 : vector<16xi32>
        %swap3A_3756 = arith.index_cast %add3A_3749 : i32 to index
        %swap3A_3757 = tpu.vector_load %arg6[%swap3A_3756] {strides = array<i32>} : memref<8192xi32, #tpu.memory_space<vmem>>, vector<16xi32>,
        %swap3A_3758 = vector.shape_cast %swap3A_3757 : vector<16xi32> to vector<16xi32>
        %swap3A_3759 = vector.shape_cast %add3A_3755 : vector<16xi32> to vector<16xi32>
        tpu.vector_store %arg6[%swap3A_3756], %swap3A_3759 {strides = array<i32>} : memref<8192xi32, #tpu.memory_space<vmem>>, vector<16xi32>,
        %mul3A_3760 = arith.constant 512 : i32
        %mul3A_3761 = arith.muli %add3A_3465, %mul3A_3760 : i32
        %add3A_3762 = arith.constant 336 : i32
        %add3A_3763 = arith.addi %mul3A_3761, %add3A_3762 : i32
        %get3A_3764 = arith.index_cast %add3A_3763 : i32 to index
        %get3A_3765 = tpu.vector_load %arg6[%get3A_3764] {strides = array<i32>} : memref<8192xi32, #tpu.memory_space<vmem>>, vector<16xi32>,
        %get3A_3766 = vector.shape_cast %get3A_3765 : vector<16xi32> to vector<16xi32>
        %add3A_3767 = arith.constant 524288 : i32
        %add3A_3768 = vector.broadcast %add3A_3767 : i32 to vector<16xi32>
        %add3A_3769 = arith.addi %get3A_3766, %add3A_3768 : vector<16xi32>
        %swap3A_3770 = arith.index_cast %add3A_3763 : i32 to index
        %swap3A_3771 = tpu.vector_load %arg6[%swap3A_3770] {strides = array<i32>} : memref<8192xi32, #tpu.memory_space<vmem>>, vector<16xi32>,
        %swap3A_3772 = vector.shape_cast %swap3A_3771 : vector<16xi32> to vector<16xi32>
        %swap3A_3773 = vector.shape_cast %add3A_3769 : vector<16xi32> to vector<16xi32>
        tpu.vector_store %arg6[%swap3A_3770], %swap3A_3773 {strides = array<i32>} : memref<8192xi32, #tpu.memory_space<vmem>>, vector<16xi32>,
        %mul3A_3774 = arith.constant 512 : i32
        %mul3A_3775 = arith.muli %add3A_3465, %mul3A_3774 : i32
        %add3A_3776 = arith.constant 352 : i32
        %add3A_3777 = arith.addi %mul3A_3775, %add3A_3776 : i32
        %get3A_3778 = arith.index_cast %add3A_3777 : i32 to index
        %get3A_3779 = tpu.vector_load %arg6[%get3A_3778] {strides = array<i32>} : memref<8192xi32, #tpu.memory_space<vmem>>, vector<16xi32>,
        %get3A_3780 = vector.shape_cast %get3A_3779 : vector<16xi32> to vector<16xi32>
        %add3A_3781 = arith.constant 524288 : i32
        %add3A_3782 = vector.broadcast %add3A_3781 : i32 to vector<16xi32>
        %add3A_3783 = arith.addi %get3A_3780, %add3A_3782 : vector<16xi32>
        %swap3A_3784 = arith.index_cast %add3A_3777 : i32 to index
        %swap3A_3785 = tpu.vector_load %arg6[%swap3A_3784] {strides = array<i32>} : memref<8192xi32, #tpu.memory_space<vmem>>, vector<16xi32>,
        %swap3A_3786 = vector.shape_cast %swap3A_3785 : vector<16xi32> to vector<16xi32>
        %swap3A_3787 = vector.shape_cast %add3A_3783 : vector<16xi32> to vector<16xi32>
        tpu.vector_store %arg6[%swap3A_3784], %swap3A_3787 {strides = array<i32>} : memref<8192xi32, #tpu.memory_space<vmem>>, vector<16xi32>,
        %mul3A_3788 = arith.constant 512 : i32
        %mul3A_3789 = arith.muli %add3A_3465, %mul3A_3788 : i32
        %add3A_3790 = arith.constant 368 : i32
        %add3A_3791 = arith.addi %mul3A_3789, %add3A_3790 : i32
        %get3A_3792 = arith.index_cast %add3A_3791 : i32 to index
        %get3A_3793 = tpu.vector_load %arg6[%get3A_3792] {strides = array<i32>} : memref<8192xi32, #tpu.memory_space<vmem>>, vector<16xi32>,
        %get3A_3794 = vector.shape_cast %get3A_3793 : vector<16xi32> to vector<16xi32>
        %add3A_3795 = arith.constant 524288 : i32
        %add3A_3796 = vector.broadcast %add3A_3795 : i32 to vector<16xi32>
        %add3A_3797 = arith.addi %get3A_3794, %add3A_3796 : vector<16xi32>
        %swap3A_3798 = arith.index_cast %add3A_3791 : i32 to index
        %swap3A_3799 = tpu.vector_load %arg6[%swap3A_3798] {strides = array<i32>} : memref<8192xi32, #tpu.memory_space<vmem>>, vector<16xi32>,
        %swap3A_3800 = vector.shape_cast %swap3A_3799 : vector<16xi32> to vector<16xi32>
        %swap3A_3801 = vector.shape_cast %add3A_3797 : vector<16xi32> to vector<16xi32>
        tpu.vector_store %arg6[%swap3A_3798], %swap3A_3801 {strides = array<i32>} : memref<8192xi32, #tpu.memory_space<vmem>>, vector<16xi32>,
        %mul3A_3802 = arith.constant 512 : i32
        %mul3A_3803 = arith.muli %add3A_3465, %mul3A_3802 : i32
        %add3A_3804 = arith.constant 384 : i32
        %add3A_3805 = arith.addi %mul3A_3803, %add3A_3804 : i32
        %get3A_3806 = arith.index_cast %add3A_3805 : i32 to index
        %get3A_3807 = tpu.vector_load %arg6[%get3A_3806] {strides = array<i32>} : memref<8192xi32, #tpu.memory_space<vmem>>, vector<16xi32>,
        %get3A_3808 = vector.shape_cast %get3A_3807 : vector<16xi32> to vector<16xi32>
        %add3A_3809 = arith.constant 524288 : i32
        %add3A_3810 = vector.broadcast %add3A_3809 : i32 to vector<16xi32>
        %add3A_3811 = arith.addi %get3A_3808, %add3A_3810 : vector<16xi32>
        %swap3A_3812 = arith.index_cast %add3A_3805 : i32 to index
        %swap3A_3813 = tpu.vector_load %arg6[%swap3A_3812] {strides = array<i32>} : memref<8192xi32, #tpu.memory_space<vmem>>, vector<16xi32>,
        %swap3A_3814 = vector.shape_cast %swap3A_3813 : vector<16xi32> to vector<16xi32>
        %swap3A_3815 = vector.shape_cast %add3A_3811 : vector<16xi32> to vector<16xi32>
        tpu.vector_store %arg6[%swap3A_3812], %swap3A_3815 {strides = array<i32>} : memref<8192xi32, #tpu.memory_space<vmem>>, vector<16xi32>,
        %mul3A_3816 = arith.constant 512 : i32
        %mul3A_3817 = arith.muli %add3A_3465, %mul3A_3816 : i32
        %add3A_3818 = arith.constant 400 : i32
        %add3A_3819 = arith.addi %mul3A_3817, %add3A_3818 : i32
        %get3A_3820 = arith.index_cast %add3A_3819 : i32 to index
        %get3A_3821 = tpu.vector_load %arg6[%get3A_3820] {strides = array<i32>} : memref<8192xi32, #tpu.memory_space<vmem>>, vector<16xi32>,
        %get3A_3822 = vector.shape_cast %get3A_3821 : vector<16xi32> to vector<16xi32>
        %add3A_3823 = arith.constant 524288 : i32
        %add3A_3824 = vector.broadcast %add3A_3823 : i32 to vector<16xi32>
        %add3A_3825 = arith.addi %get3A_3822, %add3A_3824 : vector<16xi32>
        %swap3A_3826 = arith.index_cast %add3A_3819 : i32 to index
        %swap3A_3827 = tpu.vector_load %arg6[%swap3A_3826] {strides = array<i32>} : memref<8192xi32, #tpu.memory_space<vmem>>, vector<16xi32>,
        %swap3A_3828 = vector.shape_cast %swap3A_3827 : vector<16xi32> to vector<16xi32>
        %swap3A_3829 = vector.shape_cast %add3A_3825 : vector<16xi32> to vector<16xi32>
        tpu.vector_store %arg6[%swap3A_3826], %swap3A_3829 {strides = array<i32>} : memref<8192xi32, #tpu.memory_space<vmem>>, vector<16xi32>,
        %mul3A_3830 = arith.constant 512 : i32
        %mul3A_3831 = arith.muli %add3A_3465, %mul3A_3830 : i32
        %add3A_3832 = arith.constant 416 : i32
        %add3A_3833 = arith.addi %mul3A_3831, %add3A_3832 : i32
        %get3A_3834 = arith.index_cast %add3A_3833 : i32 to index
        %get3A_3835 = tpu.vector_load %arg6[%get3A_3834] {strides = array<i32>} : memref<8192xi32, #tpu.memory_space<vmem>>, vector<16xi32>,
        %get3A_3836 = vector.shape_cast %get3A_3835 : vector<16xi32> to vector<16xi32>
        %add3A_3837 = arith.constant 524288 : i32
        %add3A_3838 = vector.broadcast %add3A_3837 : i32 to vector<16xi32>
        %add3A_3839 = arith.addi %get3A_3836, %add3A_3838 : vector<16xi32>
        %swap3A_3840 = arith.index_cast %add3A_3833 : i32 to index
        %swap3A_3841 = tpu.vector_load %arg6[%swap3A_3840] {strides = array<i32>} : memref<8192xi32, #tpu.memory_space<vmem>>, vector<16xi32>,
        %swap3A_3842 = vector.shape_cast %swap3A_3841 : vector<16xi32> to vector<16xi32>
        %swap3A_3843 = vector.shape_cast %add3A_3839 : vector<16xi32> to vector<16xi32>
        tpu.vector_store %arg6[%swap3A_3840], %swap3A_3843 {strides = array<i32>} : memref<8192xi32, #tpu.memory_space<vmem>>, vector<16xi32>,
        %mul3A_3844 = arith.constant 512 : i32
        %mul3A_3845 = arith.muli %add3A_3465, %mul3A_3844 : i32
        %add3A_3846 = arith.constant 432 : i32
        %add3A_3847 = arith.addi %mul3A_3845, %add3A_3846 : i32
        %get3A_3848 = arith.index_cast %add3A_3847 : i32 to index
        %get3A_3849 = tpu.vector_load %arg6[%get3A_3848] {strides = array<i32>} : memref<8192xi32, #tpu.memory_space<vmem>>, vector<16xi32>,
        %get3A_3850 = vector.shape_cast %get3A_3849 : vector<16xi32> to vector<16xi32>
        %add3A_3851 = arith.constant 524288 : i32
        %add3A_3852 = vector.broadcast %add3A_3851 : i32 to vector<16xi32>
        %add3A_3853 = arith.addi %get3A_3850, %add3A_3852 : vector<16xi32>
        %swap3A_3854 = arith.index_cast %add3A_3847 : i32 to index
        %swap3A_3855 = tpu.vector_load %arg6[%swap3A_3854] {strides = array<i32>} : memref<8192xi32, #tpu.memory_space<vmem>>, vector<16xi32>,
        %swap3A_3856 = vector.shape_cast %swap3A_3855 : vector<16xi32> to vector<16xi32>
        %swap3A_3857 = vector.shape_cast %add3A_3853 : vector<16xi32> to vector<16xi32>
        tpu.vector_store %arg6[%swap3A_3854], %swap3A_3857 {strides = array<i32>} : memref<8192xi32, #tpu.memory_space<vmem>>, vector<16xi32>,
        %mul3A_3858 = arith.constant 512 : i32
        %mul3A_3859 = arith.muli %add3A_3465, %mul3A_3858 : i32
        %add3A_3860 = arith.constant 448 : i32
        %add3A_3861 = arith.addi %mul3A_3859, %add3A_3860 : i32
        %get3A_3862 = arith.index_cast %add3A_3861 : i32 to index
        %get3A_3863 = tpu.vector_load %arg6[%get3A_3862] {strides = array<i32>} : memref<8192xi32, #tpu.memory_space<vmem>>, vector<16xi32>,
        %get3A_3864 = vector.shape_cast %get3A_3863 : vector<16xi32> to vector<16xi32>
        %add3A_3865 = arith.constant 524288 : i32
        %add3A_3866 = vector.broadcast %add3A_3865 : i32 to vector<16xi32>
        %add3A_3867 = arith.addi %get3A_3864, %add3A_3866 : vector<16xi32>
        %swap3A_3868 = arith.index_cast %add3A_3861 : i32 to index
        %swap3A_3869 = tpu.vector_load %arg6[%swap3A_3868] {strides = array<i32>} : memref<8192xi32, #tpu.memory_space<vmem>>, vector<16xi32>,
        %swap3A_3870 = vector.shape_cast %swap3A_3869 : vector<16xi32> to vector<16xi32>
        %swap3A_3871 = vector.shape_cast %add3A_3867 : vector<16xi32> to vector<16xi32>
        tpu.vector_store %arg6[%swap3A_3868], %swap3A_3871 {strides = array<i32>} : memref<8192xi32, #tpu.memory_space<vmem>>, vector<16xi32>,
        %mul3A_3872 = arith.constant 512 : i32
        %mul3A_3873 = arith.muli %add3A_3465, %mul3A_3872 : i32
        %add3A_3874 = arith.constant 464 : i32
        %add3A_3875 = arith.addi %mul3A_3873, %add3A_3874 : i32
        %get3A_3876 = arith.index_cast %add3A_3875 : i32 to index
        %get3A_3877 = tpu.vector_load %arg6[%get3A_3876] {strides = array<i32>} : memref<8192xi32, #tpu.memory_space<vmem>>, vector<16xi32>,
        %get3A_3878 = vector.shape_cast %get3A_3877 : vector<16xi32> to vector<16xi32>
        %add3A_3879 = arith.constant 524288 : i32
        %add3A_3880 = vector.broadcast %add3A_3879 : i32 to vector<16xi32>
        %add3A_3881 = arith.addi %get3A_3878, %add3A_3880 : vector<16xi32>
        %swap3A_3882 = arith.index_cast %add3A_3875 : i32 to index
        %swap3A_3883 = tpu.vector_load %arg6[%swap3A_3882] {strides = array<i32>} : memref<8192xi32, #tpu.memory_space<vmem>>, vector<16xi32>,
        %swap3A_3884 = vector.shape_cast %swap3A_3883 : vector<16xi32> to vector<16xi32>
        %swap3A_3885 = vector.shape_cast %add3A_3881 : vector<16xi32> to vector<16xi32>
        tpu.vector_store %arg6[%swap3A_3882], %swap3A_3885 {strides = array<i32>} : memref<8192xi32, #tpu.memory_space<vmem>>, vector<16xi32>,
        %mul3A_3886 = arith.constant 512 : i32
        %mul3A_3887 = arith.muli %add3A_3465, %mul3A_3886 : i32
        %add3A_3888 = arith.constant 480 : i32
        %add3A_3889 = arith.addi %mul3A_3887, %add3A_3888 : i32
        %get3A_3890 = arith.index_cast %add3A_3889 : i32 to index
        %get3A_3891 = tpu.vector_load %arg6[%get3A_3890] {strides = array<i32>} : memref<8192xi32, #tpu.memory_space<vmem>>, vector<16xi32>,
        %get3A_3892 = vector.shape_cast %get3A_3891 : vector<16xi32> to vector<16xi32>
        %add3A_3893 = arith.constant 524288 : i32
        %add3A_3894 = vector.broadcast %add3A_3893 : i32 to vector<16xi32>
        %add3A_3895 = arith.addi %get3A_3892, %add3A_3894 : vector<16xi32>
        %swap3A_3896 = arith.index_cast %add3A_3889 : i32 to index
        %swap3A_3897 = tpu.vector_load %arg6[%swap3A_3896] {strides = array<i32>} : memref<8192xi32, #tpu.memory_space<vmem>>, vector<16xi32>,
        %swap3A_3898 = vector.shape_cast %swap3A_3897 : vector<16xi32> to vector<16xi32>
        %swap3A_3899 = vector.shape_cast %add3A_3895 : vector<16xi32> to vector<16xi32>
        tpu.vector_store %arg6[%swap3A_3896], %swap3A_3899 {strides = array<i32>} : memref<8192xi32, #tpu.memory_space<vmem>>, vector<16xi32>,
        %mul3A_3900 = arith.constant 512 : i32
        %mul3A_3901 = arith.muli %add3A_3465, %mul3A_3900 : i32
        %add3A_3902 = arith.constant 496 : i32
        %add3A_3903 = arith.addi %mul3A_3901, %add3A_3902 : i32
        %get3A_3904 = arith.index_cast %add3A_3903 : i32 to index
        %get3A_3905 = tpu.vector_load %arg6[%get3A_3904] {strides = array<i32>} : memref<8192xi32, #tpu.memory_space<vmem>>, vector<16xi32>,
        %get3A_3906 = vector.shape_cast %get3A_3905 : vector<16xi32> to vector<16xi32>
        %add3A_3907 = arith.constant 524288 : i32
        %add3A_3908 = vector.broadcast %add3A_3907 : i32 to vector<16xi32>
        %add3A_3909 = arith.addi %get3A_3906, %add3A_3908 : vector<16xi32>
        %swap3A_3910 = arith.index_cast %add3A_3903 : i32 to index
        %swap3A_3911 = tpu.vector_load %arg6[%swap3A_3910] {strides = array<i32>} : memref<8192xi32, #tpu.memory_space<vmem>>, vector<16xi32>,
        %swap3A_3912 = vector.shape_cast %swap3A_3911 : vector<16xi32> to vector<16xi32>
        %swap3A_3913 = vector.shape_cast %add3A_3909 : vector<16xi32> to vector<16xi32>
        tpu.vector_store %arg6[%swap3A_3910], %swap3A_3913 {strides = array<i32>} : memref<8192xi32, #tpu.memory_space<vmem>>, vector<16xi32>,
      } else {
      }
    }
    %scan3A_13 = arith.constant 16 : i32
    %rem3A = arith.constant 15 : i32
    %rem3A_14 = arith.constant 2 : i32
    %rem3A_15 = arith.remsi %rem3A, %rem3A_14 : i32
    %dma_wait3A = arith.constant 0 : i32
    %dma_wait3A_16 = tpu.memref_slice %arg7[%dma_wait3A] : memref<65536xf32, #tpu.memory_space<vmem>> -> memref<512xf32, #tpu.memory_space<vmem>>
    %dma_wait3A_17 = arith.constant 0 : i32
    %dma_wait3A_18 = tpu.memref_slice %arg6[%dma_wait3A_17] : memref<8192xi32, #tpu.memory_space<vmem>> -> memref<512xi32, #tpu.memory_space<vmem>>
    %dma_wait3A_19 = arith.constant 0 : i32
    %dma_wait3A_20 = tpu.memref_slice %arg2[%dma_wait3A_19] : memref<134217728xf32, #tpu.memory_space<hbm>> -> memref<134217728xf32, #tpu.memory_space<hbm>>
    %dma_wait3A_21 = tpu.memref_slice %arg8[%rem3A_15] : memref<2x!tpu.dma_semaphore, #tpu.memory_space<semaphore_mem>> -> memref<1x!tpu.dma_semaphore, #tpu.memory_space<semaphore_mem>>
    %dma_wait3A_22 = tpu.memref_squeeze %dma_wait3A_21 : memref<1x!tpu.dma_semaphore, #tpu.memory_space<semaphore_mem>> -> memref<!tpu.dma_semaphore, #tpu.memory_space<semaphore_mem>>
    tpu.wait_indirect_dma semaphore(%dma_wait3A_22 : memref<!tpu.dma_semaphore, #tpu.memory_space<semaphore_mem>>) src(%dma_wait3A_20 : memref<134217728xf32, #tpu.memory_space<hbm>>) dst(%dma_wait3A_16 : memref<512xf32, #tpu.memory_space<vmem>>)
    %dma_wait3A_23 = arith.constant 0 : i32
    %dma_wait3A_24 = tpu.memref_slice %arg7[%dma_wait3A_23] : memref<65536xf32, #tpu.memory_space<vmem>> -> memref<512xf32, #tpu.memory_space<vmem>>
    %dma_wait3A_25 = arith.constant 0 : i32
    %dma_wait3A_26 = tpu.memref_slice %arg6[%dma_wait3A_25] : memref<8192xi32, #tpu.memory_space<vmem>> -> memref<512xi32, #tpu.memory_space<vmem>>
    %dma_wait3A_27 = arith.constant 0 : i32
    %dma_wait3A_28 = tpu.memref_slice %arg2[%dma_wait3A_27] : memref<134217728xf32, #tpu.memory_space<hbm>> -> memref<134217728xf32, #tpu.memory_space<hbm>>
    %dma_wait3A_29 = tpu.memref_slice %arg8[%rem3A_15] : memref<2x!tpu.dma_semaphore, #tpu.memory_space<semaphore_mem>> -> memref<1x!tpu.dma_semaphore, #tpu.memory_space<semaphore_mem>>
    %dma_wait3A_30 = tpu.memref_squeeze %dma_wait3A_29 : memref<1x!tpu.dma_semaphore, #tpu.memory_space<semaphore_mem>> -> memref<!tpu.dma_semaphore, #tpu.memory_space<semaphore_mem>>
    tpu.wait_indirect_dma semaphore(%dma_wait3A_30 : memref<!tpu.dma_semaphore, #tpu.memory_space<semaphore_mem>>) src(%dma_wait3A_28 : memref<134217728xf32, #tpu.memory_space<hbm>>) dst(%dma_wait3A_24 : memref<512xf32, #tpu.memory_space<vmem>>)
    %dma_wait3A_31 = arith.constant 0 : i32
    %dma_wait3A_32 = tpu.memref_slice %arg7[%dma_wait3A_31] : memref<65536xf32, #tpu.memory_space<vmem>> -> memref<512xf32, #tpu.memory_space<vmem>>
    %dma_wait3A_33 = arith.constant 0 : i32
    %dma_wait3A_34 = tpu.memref_slice %arg6[%dma_wait3A_33] : memref<8192xi32, #tpu.memory_space<vmem>> -> memref<512xi32, #tpu.memory_space<vmem>>
    %dma_wait3A_35 = arith.constant 0 : i32
    %dma_wait3A_36 = tpu.memref_slice %arg2[%dma_wait3A_35] : memref<134217728xf32, #tpu.memory_space<hbm>> -> memref<134217728xf32, #tpu.memory_space<hbm>>
    %dma_wait3A_37 = tpu.memref_slice %arg8[%rem3A_15] : memref<2x!tpu.dma_semaphore, #tpu.memory_space<semaphore_mem>> -> memref<1x!tpu.dma_semaphore, #tpu.memory_space<semaphore_mem>>
    %dma_wait3A_38 = tpu.memref_squeeze %dma_wait3A_37 : memref<1x!tpu.dma_semaphore, #tpu.memory_space<semaphore_mem>> -> memref<!tpu.dma_semaphore, #tpu.memory_space<semaphore_mem>>
    tpu.wait_indirect_dma semaphore(%dma_wait3A_38 : memref<!tpu.dma_semaphore, #tpu.memory_space<semaphore_mem>>) src(%dma_wait3A_36 : memref<134217728xf32, #tpu.memory_space<hbm>>) dst(%dma_wait3A_32 : memref<512xf32, #tpu.memory_space<vmem>>)
    %dma_wait3A_39 = arith.constant 0 : i32
    %dma_wait3A_40 = tpu.memref_slice %arg7[%dma_wait3A_39] : memref<65536xf32, #tpu.memory_space<vmem>> -> memref<512xf32, #tpu.memory_space<vmem>>
    %dma_wait3A_41 = arith.constant 0 : i32
    %dma_wait3A_42 = tpu.memref_slice %arg6[%dma_wait3A_41] : memref<8192xi32, #tpu.memory_space<vmem>> -> memref<512xi32, #tpu.memory_space<vmem>>
    %dma_wait3A_43 = arith.constant 0 : i32
    %dma_wait3A_44 = tpu.memref_slice %arg2[%dma_wait3A_43] : memref<134217728xf32, #tpu.memory_space<hbm>> -> memref<134217728xf32, #tpu.memory_space<hbm>>
    %dma_wait3A_45 = tpu.memref_slice %arg8[%rem3A_15] : memref<2x!tpu.dma_semaphore, #tpu.memory_space<semaphore_mem>> -> memref<1x!tpu.dma_semaphore, #tpu.memory_space<semaphore_mem>>
    %dma_wait3A_46 = tpu.memref_squeeze %dma_wait3A_45 : memref<1x!tpu.dma_semaphore, #tpu.memory_space<semaphore_mem>> -> memref<!tpu.dma_semaphore, #tpu.memory_space<semaphore_mem>>
    tpu.wait_indirect_dma semaphore(%dma_wait3A_46 : memref<!tpu.dma_semaphore, #tpu.memory_space<semaphore_mem>>) src(%dma_wait3A_44 : memref<134217728xf32, #tpu.memory_space<hbm>>) dst(%dma_wait3A_40 : memref<512xf32, #tpu.memory_space<vmem>>)
    %dma_wait3A_47 = arith.constant 0 : i32
    %dma_wait3A_48 = tpu.memref_slice %arg7[%dma_wait3A_47] : memref<65536xf32, #tpu.memory_space<vmem>> -> memref<512xf32, #tpu.memory_space<vmem>>
    %dma_wait3A_49 = arith.constant 0 : i32
    %dma_wait3A_50 = tpu.memref_slice %arg6[%dma_wait3A_49] : memref<8192xi32, #tpu.memory_space<vmem>> -> memref<512xi32, #tpu.memory_space<vmem>>
    %dma_wait3A_51 = arith.constant 0 : i32
    %dma_wait3A_52 = tpu.memref_slice %arg2[%dma_wait3A_51] : memref<134217728xf32, #tpu.memory_space<hbm>> -> memref<134217728xf32, #tpu.memory_space<hbm>>
    %dma_wait3A_53 = tpu.memref_slice %arg8[%rem3A_15] : memref<2x!tpu.dma_semaphore, #tpu.memory_space<semaphore_mem>> -> memref<1x!tpu.dma_semaphore, #tpu.memory_space<semaphore_mem>>
    %dma_wait3A_54 = tpu.memref_squeeze %dma_wait3A_53 : memref<1x!tpu.dma_semaphore, #tpu.memory_space<semaphore_mem>> -> memref<!tpu.dma_semaphore, #tpu.memory_space<semaphore_mem>>
    tpu.wait_indirect_dma semaphore(%dma_wait3A_54 : memref<!tpu.dma_semaphore, #tpu.memory_space<semaphore_mem>>) src(%dma_wait3A_52 : memref<134217728xf32, #tpu.memory_space<hbm>>) dst(%dma_wait3A_48 : memref<512xf32, #tpu.memory_space<vmem>>)
    %dma_wait3A_55 = arith.constant 0 : i32
    %dma_wait3A_56 = tpu.memref_slice %arg7[%dma_wait3A_55] : memref<65536xf32, #tpu.memory_space<vmem>> -> memref<512xf32, #tpu.memory_space<vmem>>
    %dma_wait3A_57 = arith.constant 0 : i32
    %dma_wait3A_58 = tpu.memref_slice %arg6[%dma_wait3A_57] : memref<8192xi32, #tpu.memory_space<vmem>> -> memref<512xi32, #tpu.memory_space<vmem>>
    %dma_wait3A_59 = arith.constant 0 : i32
    %dma_wait3A_60 = tpu.memref_slice %arg2[%dma_wait3A_59] : memref<134217728xf32, #tpu.memory_space<hbm>> -> memref<134217728xf32, #tpu.memory_space<hbm>>
    %dma_wait3A_61 = tpu.memref_slice %arg8[%rem3A_15] : memref<2x!tpu.dma_semaphore, #tpu.memory_space<semaphore_mem>> -> memref<1x!tpu.dma_semaphore, #tpu.memory_space<semaphore_mem>>
    %dma_wait3A_62 = tpu.memref_squeeze %dma_wait3A_61 : memref<1x!tpu.dma_semaphore, #tpu.memory_space<semaphore_mem>> -> memref<!tpu.dma_semaphore, #tpu.memory_space<semaphore_mem>>
    tpu.wait_indirect_dma semaphore(%dma_wait3A_62 : memref<!tpu.dma_semaphore, #tpu.memory_space<semaphore_mem>>) src(%dma_wait3A_60 : memref<134217728xf32, #tpu.memory_space<hbm>>) dst(%dma_wait3A_56 : memref<512xf32, #tpu.memory_space<vmem>>)
    %dma_wait3A_63 = arith.constant 0 : i32
    %dma_wait3A_64 = tpu.memref_slice %arg7[%dma_wait3A_63] : memref<65536xf32, #tpu.memory_space<vmem>> -> memref<512xf32, #tpu.memory_space<vmem>>
    %dma_wait3A_65 = arith.constant 0 : i32
    %dma_wait3A_66 = tpu.memref_slice %arg6[%dma_wait3A_65] : memref<8192xi32, #tpu.memory_space<vmem>> -> memref<512xi32, #tpu.memory_space<vmem>>
    %dma_wait3A_67 = arith.constant 0 : i32
    %dma_wait3A_68 = tpu.memref_slice %arg2[%dma_wait3A_67] : memref<134217728xf32, #tpu.memory_space<hbm>> -> memref<134217728xf32, #tpu.memory_space<hbm>>
    %dma_wait3A_69 = tpu.memref_slice %arg8[%rem3A_15] : memref<2x!tpu.dma_semaphore, #tpu.memory_space<semaphore_mem>> -> memref<1x!tpu.dma_semaphore, #tpu.memory_space<semaphore_mem>>
    %dma_wait3A_70 = tpu.memref_squeeze %dma_wait3A_69 : memref<1x!tpu.dma_semaphore, #tpu.memory_space<semaphore_mem>> -> memref<!tpu.dma_semaphore, #tpu.memory_space<semaphore_mem>>
    tpu.wait_indirect_dma semaphore(%dma_wait3A_70 : memref<!tpu.dma_semaphore, #tpu.memory_space<semaphore_mem>>) src(%dma_wait3A_68 : memref<134217728xf32, #tpu.memory_space<hbm>>) dst(%dma_wait3A_64 : memref<512xf32, #tpu.memory_space<vmem>>)
    %dma_wait3A_71 = arith.constant 0 : i32
    %dma_wait3A_72 = tpu.memref_slice %arg7[%dma_wait3A_71] : memref<65536xf32, #tpu.memory_space<vmem>> -> memref<512xf32, #tpu.memory_space<vmem>>
    %dma_wait3A_73 = arith.constant 0 : i32
    %dma_wait3A_74 = tpu.memref_slice %arg6[%dma_wait3A_73] : memref<8192xi32, #tpu.memory_space<vmem>> -> memref<512xi32, #tpu.memory_space<vmem>>
    %dma_wait3A_75 = arith.constant 0 : i32
    %dma_wait3A_76 = tpu.memref_slice %arg2[%dma_wait3A_75] : memref<134217728xf32, #tpu.memory_space<hbm>> -> memref<134217728xf32, #tpu.memory_space<hbm>>
    %dma_wait3A_77 = tpu.memref_slice %arg8[%rem3A_15] : memref<2x!tpu.dma_semaphore, #tpu.memory_space<semaphore_mem>> -> memref<1x!tpu.dma_semaphore, #tpu.memory_space<semaphore_mem>>
    %dma_wait3A_78 = tpu.memref_squeeze %dma_wait3A_77 : memref<1x!tpu.dma_semaphore, #tpu.memory_space<semaphore_mem>> -> memref<!tpu.dma_semaphore, #tpu.memory_space<semaphore_mem>>
    tpu.wait_indirect_dma semaphore(%dma_wait3A_78 : memref<!tpu.dma_semaphore, #tpu.memory_space<semaphore_mem>>) src(%dma_wait3A_76 : memref<134217728xf32, #tpu.memory_space<hbm>>) dst(%dma_wait3A_72 : memref<512xf32, #tpu.memory_space<vmem>>)
    %mul3A_79 = arith.constant 128 : i32
    %mul3A_80 = arith.muli %mul3A_2, %mul3A_79 : i32
    "tpu.region"() ({
      %run_scoped3A = tpu.sem_alloc : memref<!tpu.dma_semaphore, #tpu.memory_space<semaphore_mem>>
      %dma_start3A = tpu.memref_slice %arg4[%mul3A_80] : memref<2097152xf32, #tpu.memory_space<hbm>> -> memref<65536xf32, #tpu.memory_space<hbm>>
      %dma_start3A_81 = tpu.memref_slice %arg4[%mul3A_80] : memref<2097152xf32, #tpu.memory_space<hbm>> -> memref<65536xf32, #tpu.memory_space<hbm>>
      tpu.enqueue_dma source(%arg7 : memref<65536xf32, #tpu.memory_space<vmem>>) target(%dma_start3A_81 : memref<65536xf32, #tpu.memory_space<hbm>>) target_semaphore(%run_scoped3A : memref<!tpu.dma_semaphore, #tpu.memory_space<semaphore_mem>>)
      %dma_wait3A_82 = tpu.memref_slice %arg4[%mul3A_80] : memref<2097152xf32, #tpu.memory_space<hbm>> -> memref<65536xf32, #tpu.memory_space<hbm>>
      %dma_wait3A_83 = tpu.memref_slice %arg4[%mul3A_80] : memref<2097152xf32, #tpu.memory_space<hbm>> -> memref<65536xf32, #tpu.memory_space<hbm>>
      tpu.wait_dma2 semaphore(%run_scoped3A : memref<!tpu.dma_semaphore, #tpu.memory_space<semaphore_mem>>) src(%arg7 : memref<65536xf32, #tpu.memory_space<vmem>>) dst(%dma_wait3A_83 : memref<65536xf32, #tpu.memory_space<hbm>>)
      tpu.yield
    }) : () -> ()
    return
  }
}

</mosaic_0001>

<sc_bundles>
// kernel: kernel.3.cloned.1.call-start
scs
__scs_entry_jumppad:
0x0: {  	(pc) =	sbr.rel $0x88, $3  }
0x1: {  	(tag) =	ssettag $0x0;
	lr =	simm.s32 $0x1  }
0x2: {  	[smem:$0x3F9F] =	sst lr;
	_ =	strace $0xD0000000  }
0x3: {  	_ = 	snop  }
0x4: {  	_ = 	snop  }
0x5: {  	_ = 	snop  }
0x6: {  	_ = 	snop  }
0x7: {  	_ = 	snop  }
__scs_overlays_trampoline_lowered:
0x8: {  	[smem:$0x3FAE] =	sst s0  }
0x9: {  	[smem:$0x3FAF] =	sst s1  }
0xa: {  	[smem:$0x3FB0] =	sst s2  }
0xb: {  	[smem:$0x3FB1] =	sst s3  }
0xc: {  	[smem:$0x3FB2] =	sst s4  }
0xd: {  	[smem:$0x3FB3] =	sst s5  }
0xe: {  	[smem:$0x3FB4] =	sst s6  }
0xf: {  	[smem:$0x3FB5] =	sst s7  }
0x10: {  	[smem:$0x3FB6] =	sst s8  }
0x11: {  	[smem:$0x3FB7] =	sst s9;
	s0 =	simm.s32 @!p0 $0x0  }
0x12: {  	s1 =	sld [smem:$0x3F9D];
	s0 =	simm.s32 @p0 $0x1  }
0x13: {  	[smem:$0x3FB8] =	sst s0;
	s0 =	simm.s32 @!p1 $0x0  }
0x14: {  	s2 =	sld [smem:$0x3F9C];
	s0 =	simm.s32 @p1 $0x1  }
0x15: {  	[smem:$0x3FB9] =	sst s0;
	s0 =	simm.s32 @!p2 $0x0  }
0x16: {  	s3 =	sld [smem:$0x3FDB];
	s0 =	simm.s32 @p2 $0x1  }
0x17: {  	s4 =	simm.s32 $0x1BF5;
	[smem:$0x3FBB] =	sst s0  }
0x18: {  	s0 =	sld [smem:$0x3F9E];
	_ =	swait.ge [sflag:s4], $0x0  }
0x19: {  	s7 =	sld [smem:$0x3F9F]  }
0x1a: {  	s8 =	sadd.s32 $0xFFFFE003, lr  }
0x1b: {  	s9 =	sadd.s32 $0xFFFFFEF7, lr;
	s5 =	simm.s32 $0xFFFFFFFF;
	p2 =	slt.u32 s8, $0xFFFFF086  }
0x1c: {  	p1 =	slt.u32 s9, $0xF7A;
	s5 =	simm.s32 @!p2 $0x0  }
0x1d: {  	s5 =	simm.s32 @p1 $0x1;
	p0 =	seq.s32 s7, s2  }
0x1e: {  	s7 =	smul.u32 @!p0 $0xF7A, s2;
	p2 =	seq.s32 @!p0 s5, $0x0  }
0x1f: {  	s9 =	smul.u32 $0xF7A, s1;
	s8 =	simm.s32 @!p0 $0x1BF5;
	p2 =	por !p2, p0  }
0x20: {  	[sflag:s8] =	ssyncset.s32 @!p0 $0xFFFFF086;
	s6 =	sadd.s32 @!p0 s3, s7;
	s7 =	simm.s32 @!p0 $0x108  }
0x21: {  	s3 =	sadd.s32 s3, s9;
	s6 =	sadd.s32 @!p0 $0x88, s6;
	s7 =	simm.s32 @p2 $0x1082  }
0x22: {  	[simem:s7], [sflag:s8] =	dma.local @!p0 [hbm:s6], $0xF7A  }
0x23: {  	s9 =	sor.u32 $0xD0000000, s2;
	s6 =	simm.s32 $0x108;
	_ =	swait.ge @!p0 [sflag:s8], $0x0  }
0x24: {  	s3 =	sadd.s32 $0x88, s3;
	s6 =	simm.s32 @!p1 $0x1082;
	[sflag:s4] =	ssyncset.s32 $0xFFFFF086  }
0x25: {  	[simem:s6], [sflag:s4] =	dma.local [hbm:s3], $0xF7A  }
0x26: {  	[smem:$0x3F9F] =	sst s1;
	(tag) =	ssettag s2;
	_ =	strace s9  }
0x27: {  	s1 =	sld [smem:$0x3FAF]  }
0x28: {  	s2 =	sld [smem:$0x3FB0]  }
0x29: {  	s4 =	sld [smem:$0x3FB2]  }
0x2a: {  	p0 =	seq.s32 s5, $0x0;
	s5 =	sld [smem:$0x3FB3]  }
0x2b: {  	s6 =	sld [smem:$0x3FB4]  }
0x2c: {  	s7 =	sld [smem:$0x3FB5]  }
0x2d: {  	s3 =	simm.s32 $0x108;
	s8 =	sld [smem:$0x3FB6]  }
0x2e: {  	s3 =	simm.s32 @!p0 $0x1082;
	s9 =	sld [smem:$0x3FB7]  }
0x2f: {  	lr =	sadd.s32 s0, s3;
	s0 =	sld [smem:$0x3FAE]  }
0x30: {  	s3 =	sld [smem:$0x3FB1]  }
0x31: {  	[smem:$0x3FBA] =	sst s10  }
0x32: {  	s10 =	sld [smem:$0x3FB8];
	_ =	sdelay $0x3  }
0x33: {  	p0 =	seq.s32 s10, $0x1;
	s10 =	sld [smem:$0x3FBA];
	_ =	sdelay $0x3  }
0x34: {  	[smem:$0x3FBA] =	sst s10  }
0x35: {  	s10 =	sld [smem:$0x3FB9];
	_ =	sdelay $0x3  }
0x36: {  	p1 =	seq.s32 s10, $0x1;
	s10 =	sld [smem:$0x3FBA];
	_ =	sdelay $0x3  }
0x37: {  	[smem:$0x3FBA] =	sst s10  }
0x38: {  	s10 =	sld [smem:$0x3FBB]  }
0x39: {  	_ = 	snop;
	(pc) =	sbr.ind lr, $3  }
0x3a: {  	_ = 	snop  }
0x3b: {  	_ = 	snop  }
0x3c: {  	p2 =	seq.s32 s10, $0x1;
	s10 =	sld [smem:$0x3FBA]  }
0x3d: {  	_ =	shalt  }
0x3e: {  	_ =	shalt  }
0x3f: {  	_ =	shalt  }
0x40: {  	_ =	shalt  }
0x41: {  	_ =	shalt  }
0x42: {  	_ =	shalt  }
0x43: {  	_ =	shalt  }
0x44: {  	_ =	shalt  }
0x45: {  	_ =	shalt  }
0x46: {  	_ =	shalt  }
0x47: {  	_ =	shalt  }
0x48: {  	_ =	shalt  }
0x49: {  	_ =	shalt  }
0x4a: {  	_ =	shalt  }
0x4b: {  	_ =	shalt  }
0x4c: {  	_ =	shalt  }
0x4d: {  	_ =	shalt  }
0x4e: {  	_ =	shalt  }
0x4f: {  	_ =	shalt  }
0x50: {  	_ =	shalt  }
0x51: {  	_ =	shalt  }
0x52: {  	_ =	shalt  }
0x53: {  	_ =	shalt  }
0x54: {  	_ =	shalt  }
0x55: {  	_ =	shalt  }
0x56: {  	_ =	shalt  }
0x57: {  	_ =	shalt  }
0x58: {  	_ =	shalt  }
0x59: {  	_ =	shalt  }
0x5a: {  	_ =	shalt  }
0x5b: {  	_ =	shalt  }
0x5c: {  	_ =	shalt  }
0x5d: {  	_ =	shalt  }
0x5e: {  	_ =	shalt  }
0x5f: {  	_ =	shalt  }
0x60: {  	_ =	shalt  }
0x61: {  	_ =	shalt  }
0x62: {  	_ =	shalt  }
0x63: {  	_ =	shalt  }
0x64: {  	_ =	shalt  }
0x65: {  	_ =	shalt  }
0x66: {  	_ =	shalt  }
0x67: {  	_ =	shalt  }
0x68: {  	_ =	shalt  }
0x69: {  	_ =	shalt  }
0x6a: {  	_ =	shalt  }
0x6b: {  	_ =	shalt  }
0x6c: {  	_ =	shalt  }
0x6d: {  	_ =	shalt  }
0x6e: {  	_ =	shalt  }
0x6f: {  	_ =	shalt  }
0x70: {  	_ =	shalt  }
0x71: {  	_ =	shalt  }
0x72: {  	_ =	shalt  }
0x73: {  	_ =	shalt  }
0x74: {  	_ =	shalt  }
0x75: {  	_ =	shalt  }
0x76: {  	_ =	shalt  }
0x77: {  	_ =	shalt  }
0x78: {  	_ =	shalt  }
0x79: {  	_ =	shalt  }
0x7a: {  	_ =	shalt  }
0x7b: {  	_ =	shalt  }
0x7c: {  	_ =	shalt  }
0x7d: {  	_ =	shalt  }
0x7e: {  	_ =	shalt  }
0x7f: {  	_ =	shalt  }
0x80: {  	_ =	shalt  }
0x81: {  	_ =	shalt  }
0x82: {  	_ =	shalt  }
0x83: {  	_ =	shalt  }
0x84: {  	_ =	shalt  }
0x85: {  	_ =	shalt  }
0x86: {  	_ =	shalt  }
0x87: {  	_ =	shalt  }
.Lfunc_end0:
.L_simem_size_0:
called_computation.1_lowered:
.L_overlay_start_0:
0x88: {  	s2 =	sld [smem:$0x3FD9]  }
0x89: {  	s3 =	sld [smem:$0x3FFE];
	_ =	sdelay $0x1  }
0x8a: {  	s1 =	srdreg.scid  }
0x8b: {  	s0 =	sand.u32 $0x1, s1  }
0x8c: {  	s17 =	sshll.u32 s0, $0xA;
	s2 =	sadd.s32 s3, s2  }
0x8d: {  	s2 =	sadd.s32 s2, s17  }
0x8e: {  	[smem:$0x3FC6] =	sst s2  }
0x8f: {  	_ = 	snop  }
0x90: {  	s2 =	sld [smem:$0x3FC8]  }
0x91: {  	s18 =	sld [smem:$0x3FD0];
	(tm) =	ssettm $0x1  }
0x92: {  	s4 =	sld [smem:$0x3FFB];
	_ =	sdelay $0x3  }
0x93: {  	_ =	strace s4  }
0x94: {  	s4 =	sld [smem:$0x3FFC];
	_ =	sdelay $0x3  }
0x95: {  	_ =	strace s4  }
0x96: {  	s4 =	sld [smem:$0x3FFD];
	_ =	sdelay $0x3  }
0x97: {  	_ =	strace s4  }
0x98: {  	_ =	strace $0x8FFFFFFF  }
0x99: {  	s19 =	sld [smem:$0x3FDB];
	_ =	sdelay $0x1  }
0x9a: {  	s5 =	simm.s32 $_scs_section_size  }
0x9b: {  	s6 =	simm.s32 $_size__tile_overlayer_lowered;
	s7 =	simm.s32 $_tile_overlayer_lowered  }
0x9c: {  	s22 =	simm.s32 $0x1BFF;
	s21 =	sshll.u32 s7, $0x1;
	s4 =	sadd.s32 s5, s19  }
0x9d: {  	s8 =	simm.s32 $0x0;
	s20 =	sshll.u32 s6, $0x1;
	s6 =	sadd.s32 s21, s4  }
0x9e: {  	[timem:s8], [sflag:s22] =	dma.local [hbm:s6], s20  }
0x9f: {  	_ =	swait.ge [sflag:s22], s20  }
0xa0: {  	s5 =	ssub.s32 $0x0, s20;
	[sflag:s22] =	ssyncset.done $0x0  }
0xa1: {  	[sflag:s22] =	ssyncadd.s32 s5;
	_ =	sdelay $0x1  }
0xa2: {  	s23 =	simm.s32 $0x1B8B  }
0xa3: {  	_ =	swait.ge [sflag:s23], $0x1  }
0xa4: {  	[sflag:s23] =	ssyncset.done $0x0  }
0xa5: {  	s25 =	simm.s32 $0x1B8E;
	s24 =	sld [smem:$0x3FFE];
	[sflag:s23] =	ssyncadd.s32 $0xFFFFFFFF  }
0xa6: {  	s26 =	simm.s32 $execute0_lowered;
	[smem:$0x3FD2] =	sst s25  }
0xa7: {  	s6 =	sshll.u32 s26, $0x1;
	_ =	strace $0x80000049;
	[dreg:$0x1] =	wrdreg $0xFFFFFFFF  }
0xa8: {  	s28 =	simm.s32 $_size_execute0_lowered;
	s4 =	sadd.s32 s4, s6;
	[dreg:$0x0] =	wrdreg $0x0  }
0xa9: {  	s6 =	sshll.u32 s28, $0x1;
	[dreg:$0x2] =	wrdreg s4  }
0xaa: {  	[dreg:$0x3] =	wrdreg s6  }
0xab: {  	[dreg:$0x4] =	wrdreg $0xC0  }
0xac: {  	_ =	task [dreg:s8], $0x5FFFF  }
0xad: {  	[dreg:$0x1] =	wrdreg $0xFFFFFFFF  }
0xae: {  	[dreg:$0x0] =	wrdreg $0x60  }
0xaf: {  	[dreg:$0x2] =	wrdreg s24  }
0xb0: {  	[dreg:$0x3] =	wrdreg s2  }
0xb1: {  	[dreg:$0x4] =	wrdreg s18  }
0xb2: {  	[dreg:$0x5] =	wrdreg $0x9  }
0xb3: {  	_ =	task.clear_ibuf [dreg:s8], $0x6FFFF;
	_ =	strace $0x90000049  }
0xb4: {  	s29 =	simm.s32 $0x9;
	_ =	strace $0x8000004B  }
0xb5: {  	_ =	swait.ge [sflag:s29], $0x1  }
0xb6: {  	[sflag:s29] =	ssyncadd.s32 $0xFFFFFFFF  }
0xb7: {  	_ =	strace $0x9000004B  }
0xb8: {  	_ =	sfence  }
0xb9: {  	s30 =	sld [smem:$0x0];
	_ =	sdelay $0x2  }
0xba: {  	s31 =	sshll.u32 s1, $0xD;
	s1 =	sshrl.u32 s1, $0x2  }
0xbb: {  	s3 =	sand.u32 $0x4000, s31;
	s1 =	sadd.s32 s1, s30  }
0xbc: {  	s0 =	sor.u32 s3, s0;
	s1 =	sshll.u32 s1, $0x11  }
0xbd: {  	s0 =	sor.u32 s1, s0  }
0xbe: {  	s0 =	sadd.s32 $0x8F2B, s0  }
0xbf: {  	[sflag:s0] =	ssyncadd.remote.s32 $0x1  }
0xc0: {  	_ =	sfence.sel $0xFFFF  }
0xc1: {  	[dreg:$0x0] =	wrdreg $0xFFFFFFFF;
	(pc) =	sbr.abs _section_cstart, $3  }
0xc2: {  	[dreg:$0x1] =	wrdreg $0xFFFFFFFF  }
0xc3: {  	_ =	task.clear_ibuf [dreg:s8], $0x2FFFF;
	_ =	strace $0x9FFFFFFF  }
0xc4: {  	(tm) =	ssettm $0x7FFFFFFF  }
0xc5: {  	_ =	shalt  }
tec
execute0_lowered:
.L_overlay_start_1:
0x0: {  	(tag) =	ssettag $0x1  }
0x1: {  	s4 =	rddreg [dreg:$0x0]  }
0x2: {  	s1 =	rddreg [dreg:$0x1]  }
0x3: {  	s5 =	rddreg [dreg:$0x2]  }
0x4: {  	s0 =	rddreg [dreg:$0x3]  }
0x5: {  	s3 =	simm.s32 $0x0;
	s6 =	srdreg.scid;
	s2 =	stileid.u32  }
0x6: {  	s11 =	simm.s32 $0x2080;
	s12 =	simm.s32 $0x0;
	[smem:$0x7FF] =	sst s3  }
0x7: {  	s7 =	sand.u32 $0x1, s6;
	s8 =	sshll.u32 s2, $0xE;
	s4 =	sadd.s32 $0x800, s4  }
.Ltmp0:
0x8: {  	s31 =	sshll.u32 s2, $0x17;
	s6 =	ssub.s32 $0x2, s7;
	(pc) =	sbr.rel .LBB2_1-.Ltmp0, $4  }
0x9: {  	s9 =	sshll.u32 s7, $0xD;
	_ =	strace $0x8000004A;
	s7 =	sshll.u32 s7, $0x16  }
0xa: {  	s10 =	sshrl.u32 s6, $0x1;
	s8 =	sor.u32 s9, s8;
	s7 =	sor.u32 s7, s31  }
0xb: {  	s9 =	simm.s32 $0x200;
	s6 =	ssub.s32 s6, s10;
	s5 =	sadd.s32 s5, s8  }
0xc: {  	s8 =	simm.s32 $0x3;
	s10 =	simm.s32 $0x2;
	s6 =	smax.u32 s6, $0x1  }
.LBB2_7:
0xd: {  	_ =	swait.ge [sflag:s10], $0x200  }
0xe: {  	[sflag:s10] =	ssyncset.done $0x0  }
0xf: {  	[sflag:s10] =	ssyncadd.s32 $0xFFFFFE00  }
0x10: {  	_ =	swait.ge [sflag:s10], $0x200  }
0x11: {  	[sflag:s10] =	ssyncset.done $0x0  }
0x12: {  	[sflag:s10] =	ssyncadd.s32 $0xFFFFFE00  }
0x13: {  	_ =	swait.ge [sflag:s10], $0x200  }
0x14: {  	[sflag:s10] =	ssyncset.done $0x0  }
0x15: {  	[sflag:s10] =	ssyncadd.s32 $0xFFFFFE00  }
0x16: {  	_ =	swait.ge [sflag:s10], $0x200  }
0x17: {  	[sflag:s10] =	ssyncset.done $0x0  }
0x18: {  	[sflag:s10] =	ssyncadd.s32 $0xFFFFFE00  }
0x19: {  	_ =	swait.ge [sflag:s10], $0x200  }
0x1a: {  	[sflag:s10] =	ssyncset.done $0x0  }
0x1b: {  	[sflag:s10] =	ssyncadd.s32 $0xFFFFFE00  }
0x1c: {  	_ =	swait.ge [sflag:s10], $0x200  }
0x1d: {  	[sflag:s10] =	ssyncset.done $0x0  }
0x1e: {  	[sflag:s10] =	ssyncadd.s32 $0xFFFFFE00  }
0x1f: {  	_ =	swait.ge [sflag:s10], $0x200  }
0x20: {  	[sflag:s10] =	ssyncset.done $0x0  }
0x21: {  	[sflag:s10] =	ssyncadd.s32 $0xFFFFFE00  }
0x22: {  	s12 =	sadd.s32 $0x1, s12;
	_ =	swait.ge [sflag:s10], $0x200  }
0x23: {  	p0 =	sne.s32 s12, s6;
	[sflag:s10] =	ssyncset.done $0x0  }
.Ltmp1:
0x24: {  	[sflag:s10] =	ssyncadd.s32 $0xFFFFFE00;
	(pc) =	sbr.rel @!p0 .LBB2_8-.Ltmp1, $4  }
0x25: {  	[hbm4b:s5+s3] =	stream.linear.scatter [tilespmem:s11], [sflag:$0x3], $0x10000, $0x38;
	[tilespmem:$0x12080] =	vst v63  }
0x26: {  	_ =	swait.ge [sflag:s8], $0x10000  }
0x27: {  	[sflag:s8] =	ssyncset.done $0x0  }
0x28: {  	[sflag:s8] =	ssyncadd.s32 $0xFFFF0000  }
.LBB2_1:
0x29: {  	[tilespmem:s3], [sflag:$0x3] =	stream.linear.gather [hbm4b:s1+s3], $0x80, $0x38;
	[tilespmem:$0x12080] =	vst v63  }
0x2a: {  	_ =	swait.ge [sflag:s8], $0x80  }
0x2b: {  	[sflag:s8] =	ssyncset.done $0x0  }
0x2c: {  	[sflag:s8] =	ssyncadd.s32 $0xFFFFFF80  }
0x2d: {  	v0 =	vld [tilespmem:$0x0];
	_ =	sdelay $0x3  }
0x2e: {  	s14 =	sadd.s32 $0x0, s7  }
0x2f: {  	s13 =	simm.s32 $0x180;
	v0 =	vadd.s32 s14, v0  }
0x30: {  	[tilespmem:s13+$0xFFFFFF00] =	vst v0  }
0x31: {  	v0 =	vld [tilespmem:$0x10];
	_ =	sdelay $0x4  }
0x32: {  	v0 =	vadd.s32 s14, v0  }
0x33: {  	[tilespmem:s13+$0xFFFFFF10] =	vst v0  }
0x34: {  	v0 =	vld [tilespmem:$0x20];
	_ =	sdelay $0x4  }
0x35: {  	v0 =	vadd.s32 s14, v0  }
0x36: {  	[tilespmem:s13+$0xFFFFFF20] =	vst v0  }
0x37: {  	v0 =	vld [tilespmem:$0x30];
	_ =	sdelay $0x4  }
0x38: {  	v0 =	vadd.s32 s14, v0  }
0x39: {  	[tilespmem:s13+$0xFFFFFF30] =	vst v0  }
0x3a: {  	v0 =	vld [tilespmem:$0x40];
	_ =	sdelay $0x4  }
0x3b: {  	v0 =	vadd.s32 s14, v0  }
0x3c: {  	[tilespmem:s13+$0xFFFFFF40] =	vst v0  }
0x3d: {  	v0 =	vld [tilespmem:$0x50];
	_ =	sdelay $0x4  }
0x3e: {  	v0 =	vadd.s32 s14, v0  }
0x3f: {  	[tilespmem:s13+$0xFFFFFF50] =	vst v0  }
0x40: {  	v0 =	vld [tilespmem:$0x60];
	_ =	sdelay $0x4  }
0x41: {  	v0 =	vadd.s32 s14, v0  }
0x42: {  	[tilespmem:s13+$0xFFFFFF60] =	vst v0  }
0x43: {  	v0 =	vld [tilespmem:$0x70];
	_ =	sdelay $0x4  }
0x44: {  	v0 =	vadd.s32 s14, v0  }
0x45: {  	[tilespmem:s13+$0xFFFFFF70] =	vst v0  }
0x46: {  	v0 =	vld [tilespmem:$0x0];
	_ =	sdelay $0x3  }
0x47: {  	s15 =	sadd.s32 $0x2000, s14  }
0x48: {  	v0 =	vadd.s32 s15, v0  }
0x49: {  	[tilespmem:s13+$0xFFFFFF80] =	vst v0  }
0x4a: {  	v0 =	vld [tilespmem:$0x10];
	_ =	sdelay $0x4  }
0x4b: {  	v0 =	vadd.s32 s15, v0  }
0x4c: {  	[tilespmem:s13+$0xFFFFFF90] =	vst v0  }
0x4d: {  	v0 =	vld [tilespmem:$0x20];
	_ =	sdelay $0x4  }
0x4e: {  	v0 =	vadd.s32 s15, v0  }
0x4f: {  	[tilespmem:s13+$0xFFFFFFA0] =	vst v0  }
0x50: {  	v0 =	vld [tilespmem:$0x30];
	_ =	sdelay $0x4  }
0x51: {  	v0 =	vadd.s32 s15, v0  }
0x52: {  	[tilespmem:s13+$0xFFFFFFB0] =	vst v0  }
0x53: {  	v0 =	vld [tilespmem:$0x40];
	_ =	sdelay $0x4  }
0x54: {  	v0 =	vadd.s32 s15, v0  }
0x55: {  	[tilespmem:s13+$0xFFFFFFC0] =	vst v0  }
0x56: {  	v0 =	vld [tilespmem:$0x50];
	_ =	sdelay $0x4  }
0x57: {  	v0 =	vadd.s32 s15, v0  }
0x58: {  	[tilespmem:s13+$0xFFFFFFD0] =	vst v0  }
0x59: {  	v0 =	vld [tilespmem:$0x60];
	_ =	sdelay $0x4  }
0x5a: {  	v0 =	vadd.s32 s15, v0  }
0x5b: {  	[tilespmem:s13+$0xFFFFFFE0] =	vst v0  }
0x5c: {  	v0 =	vld [tilespmem:$0x70];
	_ =	sdelay $0x4  }
0x5d: {  	v0 =	vadd.s32 s15, v0  }
0x5e: {  	[tilespmem:s13+$0xFFFFFFF0] =	vst v0  }
0x5f: {  	v0 =	vld [tilespmem:$0x0];
	_ =	sdelay $0x3  }
0x60: {  	s31 =	sadd.s32 $0x4000, s14  }
0x61: {  	v0 =	vadd.s32 s31, v0  }
0x62: {  	[tilespmem:s13+$0x0] =	vst v0  }
0x63: {  	v0 =	vld [tilespmem:$0x10];
	_ =	sdelay $0x4  }
0x64: {  	v0 =	vadd.s32 s31, v0  }
0x65: {  	[tilespmem:s13+$0x10] =	vst v0  }
0x66: {  	v0 =	vld [tilespmem:$0x20];
	_ =	sdelay $0x4  }
0x67: {  	v0 =	vadd.s32 s31, v0  }
0x68: {  	[tilespmem:s13+$0x20] =	vst v0  }
0x69: {  	v0 =	vld [tilespmem:$0x30];
	_ =	sdelay $0x4  }
0x6a: {  	v0 =	vadd.s32 s31, v0  }
0x6b: {  	[tilespmem:s13+$0x30] =	vst v0  }
0x6c: {  	v0 =	vld [tilespmem:$0x40];
	_ =	sdelay $0x4  }
0x6d: {  	v0 =	vadd.s32 s31, v0  }
0x6e: {  	[tilespmem:s13+$0x40] =	vst v0  }
0x6f: {  	v0 =	vld [tilespmem:$0x50];
	_ =	sdelay $0x4  }
0x70: {  	v0 =	vadd.s32 s31, v0  }
0x71: {  	[tilespmem:s13+$0x50] =	vst v0  }
0x72: {  	v0 =	vld [tilespmem:$0x60];
	_ =	sdelay $0x4  }
0x73: {  	v0 =	vadd.s32 s31, v0  }
0x74: {  	[tilespmem:s13+$0x60] =	vst v0  }
0x75: {  	v0 =	vld [tilespmem:$0x70];
	_ =	sdelay $0x4  }
0x76: {  	v0 =	vadd.s32 s31, v0  }
0x77: {  	[tilespmem:s13+$0x70] =	vst v0  }
0x78: {  	v0 =	vld [tilespmem:$0x0];
	_ =	sdelay $0x3  }
0x79: {  	s14 =	sadd.s32 $0x6000, s14  }
0x7a: {  	v0 =	vadd.s32 s14, v0  }
0x7b: {  	[tilespmem:s13+$0x80] =	vst v0  }
0x7c: {  	v0 =	vld [tilespmem:$0x10];
	_ =	sdelay $0x4  }
0x7d: {  	v0 =	vadd.s32 s14, v0  }
0x7e: {  	[tilespmem:s13+$0x90] =	vst v0  }
0x7f: {  	v0 =	vld [tilespmem:$0x20];
	_ =	sdelay $0x4  }
0x80: {  	v0 =	vadd.s32 s14, v0  }
0x81: {  	[tilespmem:s13+$0xA0] =	vst v0  }
0x82: {  	v0 =	vld [tilespmem:$0x30];
	_ =	sdelay $0x4  }
0x83: {  	v0 =	vadd.s32 s14, v0  }
0x84: {  	[tilespmem:s13+$0xB0] =	vst v0  }
0x85: {  	v0 =	vld [tilespmem:$0x40];
	_ =	sdelay $0x4  }
0x86: {  	v0 =	vadd.s32 s14, v0  }
0x87: {  	[tilespmem:s13+$0xC0] =	vst v0  }
0x88: {  	v0 =	vld [tilespmem:$0x50];
	_ =	sdelay $0x4  }
0x89: {  	v0 =	vadd.s32 s14, v0  }
0x8a: {  	[tilespmem:s13+$0xD0] =	vst v0  }
0x8b: {  	v0 =	vld [tilespmem:$0x60];
	_ =	sdelay $0x4  }
0x8c: {  	v0 =	vadd.s32 s14, v0  }
0x8d: {  	[tilespmem:s13+$0xE0] =	vst v0  }
0x8e: {  	v0 =	vld [tilespmem:$0x70];
	_ =	sdelay $0x4  }
0x8f: {  	v0 =	vadd.s32 s14, v0  }
0x90: {  	[tilespmem:s13+$0xF0] =	vst v0  }
0x91: {  	s15 =	simm.s32 $0x10000;
	s14 =	simm.s32 $0x8000;
	v0 =	vld [tilespmem:$0x0]  }
.LBB2_2:
0x92: {  	p0 =	sne.s32 s15, $0x78000;
	_ =	sdelay $0x2  }
0x93: {  	s16 =	sadd.s32 s14, s7;
	s14 =	smov.u32 s15  }
0x94: {  	s13 =	sadd.s32 $0x200, s13;
	v0 =	vadd.s32 s16, v0  }
0x95: {  	[tilespmem:s13+$0xFFFFFF00] =	vst v0  }
0x96: {  	v0 =	vld [tilespmem:$0x10];
	_ =	sdelay $0x4  }
0x97: {  	v0 =	vadd.s32 s16, v0  }
0x98: {  	[tilespmem:s13+$0xFFFFFF10] =	vst v0  }
0x99: {  	v0 =	vld [tilespmem:$0x20];
	_ =	sdelay $0x4  }
0x9a: {  	v0 =	vadd.s32 s16, v0  }
0x9b: {  	[tilespmem:s13+$0xFFFFFF20] =	vst v0  }
0x9c: {  	v0 =	vld [tilespmem:$0x30];
	_ =	sdelay $0x4  }
0x9d: {  	v0 =	vadd.s32 s16, v0  }
0x9e: {  	[tilespmem:s13+$0xFFFFFF30] =	vst v0  }
0x9f: {  	v0 =	vld [tilespmem:$0x40];
	_ =	sdelay $0x4  }
0xa0: {  	v0 =	vadd.s32 s16, v0  }
0xa1: {  	[tilespmem:s13+$0xFFFFFF40] =	vst v0  }
0xa2: {  	v0 =	vld [tilespmem:$0x50];
	_ =	sdelay $0x4  }
0xa3: {  	v0 =	vadd.s32 s16, v0  }
0xa4: {  	[tilespmem:s13+$0xFFFFFF50] =	vst v0  }
0xa5: {  	v0 =	vld [tilespmem:$0x60];
	_ =	sdelay $0x4  }
0xa6: {  	v0 =	vadd.s32 s16, v0  }
0xa7: {  	[tilespmem:s13+$0xFFFFFF60] =	vst v0  }
0xa8: {  	v0 =	vld [tilespmem:$0x70];
	_ =	sdelay $0x4  }
0xa9: {  	v0 =	vadd.s32 s16, v0  }
0xaa: {  	[tilespmem:s13+$0xFFFFFF70] =	vst v0  }
0xab: {  	v0 =	vld [tilespmem:$0x0];
	_ =	sdelay $0x3  }
0xac: {  	s17 =	sadd.s32 $0x2000, s16  }
0xad: {  	v0 =	vadd.s32 s17, v0  }
0xae: {  	[tilespmem:s13+$0xFFFFFF80] =	vst v0  }
0xaf: {  	v0 =	vld [tilespmem:$0x10];
	_ =	sdelay $0x4  }
0xb0: {  	v0 =	vadd.s32 s17, v0  }
0xb1: {  	[tilespmem:s13+$0xFFFFFF90] =	vst v0  }
0xb2: {  	v0 =	vld [tilespmem:$0x20];
	_ =	sdelay $0x4  }
0xb3: {  	v0 =	vadd.s32 s17, v0  }
0xb4: {  	[tilespmem:s13+$0xFFFFFFA0] =	vst v0  }
0xb5: {  	v0 =	vld [tilespmem:$0x30];
	_ =	sdelay $0x4  }
0xb6: {  	v0 =	vadd.s32 s17, v0  }
0xb7: {  	[tilespmem:s13+$0xFFFFFFB0] =	vst v0  }
0xb8: {  	v0 =	vld [tilespmem:$0x40];
	_ =	sdelay $0x4  }
0xb9: {  	v0 =	vadd.s32 s17, v0  }
0xba: {  	[tilespmem:s13+$0xFFFFFFC0] =	vst v0  }
0xbb: {  	v0 =	vld [tilespmem:$0x50];
	_ =	sdelay $0x4  }
0xbc: {  	v0 =	vadd.s32 s17, v0  }
0xbd: {  	[tilespmem:s13+$0xFFFFFFD0] =	vst v0  }
0xbe: {  	v0 =	vld [tilespmem:$0x60];
	_ =	sdelay $0x4  }
0xbf: {  	v0 =	vadd.s32 s17, v0  }
0xc0: {  	[tilespmem:s13+$0xFFFFFFE0] =	vst v0  }
0xc1: {  	v0 =	vld [tilespmem:$0x70];
	_ =	sdelay $0x4  }
0xc2: {  	v0 =	vadd.s32 s17, v0  }
0xc3: {  	[tilespmem:s13+$0xFFFFFFF0] =	vst v0  }
0xc4: {  	v0 =	vld [tilespmem:$0x0];
	_ =	sdelay $0x3  }
0xc5: {  	s17 =	sadd.s32 $0x4000, s16  }
0xc6: {  	v0 =	vadd.s32 s17, v0  }
0xc7: {  	[tilespmem:s13+$0x0] =	vst v0  }
0xc8: {  	v0 =	vld [tilespmem:$0x10];
	_ =	sdelay $0x4  }
0xc9: {  	v0 =	vadd.s32 s17, v0  }
0xca: {  	[tilespmem:s13+$0x10] =	vst v0  }
0xcb: {  	v0 =	vld [tilespmem:$0x20];
	_ =	sdelay $0x4  }
0xcc: {  	v0 =	vadd.s32 s17, v0  }
0xcd: {  	[tilespmem:s13+$0x20] =	vst v0  }
0xce: {  	v0 =	vld [tilespmem:$0x30];
	_ =	sdelay $0x4  }
0xcf: {  	v0 =	vadd.s32 s17, v0  }
0xd0: {  	[tilespmem:s13+$0x30] =	vst v0  }
0xd1: {  	v0 =	vld [tilespmem:$0x40];
	_ =	sdelay $0x4  }
0xd2: {  	v0 =	vadd.s32 s17, v0  }
0xd3: {  	[tilespmem:s13+$0x40] =	vst v0  }
0xd4: {  	v0 =	vld [tilespmem:$0x50];
	_ =	sdelay $0x4  }
0xd5: {  	v0 =	vadd.s32 s17, v0  }
0xd6: {  	[tilespmem:s13+$0x50] =	vst v0  }
0xd7: {  	v0 =	vld [tilespmem:$0x60];
	_ =	sdelay $0x4  }
0xd8: {  	v0 =	vadd.s32 s17, v0  }
0xd9: {  	[tilespmem:s13+$0x60] =	vst v0  }
0xda: {  	v0 =	vld [tilespmem:$0x70];
	_ =	sdelay $0x4  }
0xdb: {  	v0 =	vadd.s32 s17, v0  }
0xdc: {  	[tilespmem:s13+$0x70] =	vst v0  }
0xdd: {  	v0 =	vld [tilespmem:$0x0];
	_ =	sdelay $0x3  }
0xde: {  	s16 =	sadd.s32 $0x6000, s16  }
0xdf: {  	v0 =	vadd.s32 s16, v0  }
0xe0: {  	[tilespmem:s13+$0x80] =	vst v0  }
0xe1: {  	v0 =	vld [tilespmem:$0x10];
	_ =	sdelay $0x4  }
0xe2: {  	v0 =	vadd.s32 s16, v0  }
0xe3: {  	[tilespmem:s13+$0x90] =	vst v0  }
0xe4: {  	v0 =	vld [tilespmem:$0x20];
	_ =	sdelay $0x4  }
0xe5: {  	v0 =	vadd.s32 s16, v0  }
0xe6: {  	[tilespmem:s13+$0xA0] =	vst v0  }
0xe7: {  	v0 =	vld [tilespmem:$0x30];
	_ =	sdelay $0x4  }
0xe8: {  	v0 =	vadd.s32 s16, v0  }
0xe9: {  	[tilespmem:s13+$0xB0] =	vst v0  }
0xea: {  	v0 =	vld [tilespmem:$0x40];
	_ =	sdelay $0x4  }
0xeb: {  	v0 =	vadd.s32 s16, v0  }
0xec: {  	[tilespmem:s13+$0xC0] =	vst v0  }
0xed: {  	v0 =	vld [tilespmem:$0x50];
	_ =	sdelay $0x4  }
0xee: {  	v0 =	vadd.s32 s16, v0  }
0xef: {  	[tilespmem:s13+$0xD0] =	vst v0  }
0xf0: {  	v0 =	vld [tilespmem:$0x60];
	_ =	sdelay $0x4  }
0xf1: {  	v0 =	vadd.s32 s16, v0  }
0xf2: {  	[tilespmem:s13+$0xE0] =	vst v0  }
0xf3: {  	v0 =	vld [tilespmem:$0x70];
	_ =	sdelay $0x2  }
.Ltmp2:
0xf4: {  	(pc) =	sbr.rel @p0 .LBB2_2-.Ltmp2, $4  }
0xf5: {  	_ = 	snop  }
0xf6: {  	v0 =	vadd.s32 s16, v0  }
0xf7: {  	[tilespmem:s13+$0xF0] =	vst v0  }
0xf8: {  	s15 =	sadd.s32 $0x8000, s15;
	v0 =	vld [tilespmem:$0x0]  }
0xf9: {  	_ =	sdelay $0x2  }
0xfa: {  	s14 =	sadd.s32 s14, s7  }
0xfb: {  	s13 =	sadd.s32 $0x200, s13;
	v0 =	vadd.s32 s14, v0  }
0xfc: {  	[tilespmem:s13+$0xFFFFFF00] =	vst v0  }
0xfd: {  	v0 =	vld [tilespmem:$0x10];
	_ =	sdelay $0x4  }
0xfe: {  	v0 =	vadd.s32 s14, v0  }
0xff: {  	[tilespmem:s13+$0xFFFFFF10] =	vst v0  }
0x100: {  	v0 =	vld [tilespmem:$0x20];
	_ =	sdelay $0x4  }
0x101: {  	v0 =	vadd.s32 s14, v0  }
0x102: {  	[tilespmem:s13+$0xFFFFFF20] =	vst v0  }
0x103: {  	v0 =	vld [tilespmem:$0x30];
	_ =	sdelay $0x4  }
0x104: {  	v0 =	vadd.s32 s14, v0  }
0x105: {  	[tilespmem:s13+$0xFFFFFF30] =	vst v0  }
0x106: {  	v0 =	vld [tilespmem:$0x40];
	_ =	sdelay $0x4  }
0x107: {  	v0 =	vadd.s32 s14, v0  }
0x108: {  	[tilespmem:s13+$0xFFFFFF40] =	vst v0  }
0x109: {  	v0 =	vld [tilespmem:$0x50];
	_ =	sdelay $0x4  }
0x10a: {  	v0 =	vadd.s32 s14, v0  }
0x10b: {  	[tilespmem:s13+$0xFFFFFF50] =	vst v0  }
0x10c: {  	v0 =	vld [tilespmem:$0x60];
	_ =	sdelay $0x4  }
0x10d: {  	v0 =	vadd.s32 s14, v0  }
0x10e: {  	[tilespmem:s13+$0xFFFFFF60] =	vst v0  }
0x10f: {  	v0 =	vld [tilespmem:$0x70];
	_ =	sdelay $0x4  }
0x110: {  	v0 =	vadd.s32 s14, v0  }
0x111: {  	[tilespmem:s13+$0xFFFFFF70] =	vst v0  }
0x112: {  	v0 =	vld [tilespmem:$0x0];
	_ =	sdelay $0x3  }
0x113: {  	s15 =	sadd.s32 $0x2000, s14  }
0x114: {  	v0 =	vadd.s32 s15, v0  }
0x115: {  	[tilespmem:s13+$0xFFFFFF80] =	vst v0  }
0x116: {  	v0 =	vld [tilespmem:$0x10];
	_ =	sdelay $0x4  }
0x117: {  	v0 =	vadd.s32 s15, v0  }
0x118: {  	[tilespmem:s13+$0xFFFFFF90] =	vst v0  }
0x119: {  	v0 =	vld [tilespmem:$0x20];
	_ =	sdelay $0x4  }
0x11a: {  	v0 =	vadd.s32 s15, v0  }
0x11b: {  	[tilespmem:s13+$0xFFFFFFA0] =	vst v0  }
0x11c: {  	v0 =	vld [tilespmem:$0x30];
	_ =	sdelay $0x4  }
0x11d: {  	v0 =	vadd.s32 s15, v0  }
0x11e: {  	[tilespmem:s13+$0xFFFFFFB0] =	vst v0  }
0x11f: {  	v0 =	vld [tilespmem:$0x40];
	_ =	sdelay $0x4  }
0x120: {  	v0 =	vadd.s32 s15, v0  }
0x121: {  	[tilespmem:s13+$0xFFFFFFC0] =	vst v0  }
0x122: {  	v0 =	vld [tilespmem:$0x50];
	_ =	sdelay $0x4  }
0x123: {  	v0 =	vadd.s32 s15, v0  }
0x124: {  	[tilespmem:s13+$0xFFFFFFD0] =	vst v0  }
0x125: {  	v0 =	vld [tilespmem:$0x60];
	_ =	sdelay $0x4  }
0x126: {  	v0 =	vadd.s32 s15, v0  }
0x127: {  	[tilespmem:s13+$0xFFFFFFE0] =	vst v0  }
0x128: {  	v0 =	vld [tilespmem:$0x70];
	_ =	sdelay $0x4  }
0x129: {  	v0 =	vadd.s32 s15, v0  }
0x12a: {  	[tilespmem:s13+$0xFFFFFFF0] =	vst v0  }
0x12b: {  	v0 =	vld [tilespmem:$0x0];
	_ =	sdelay $0x3  }
0x12c: {  	s31 =	sadd.s32 $0x4000, s14  }
0x12d: {  	v0 =	vadd.s32 s31, v0  }
0x12e: {  	[tilespmem:s13+$0x0] =	vst v0  }
0x12f: {  	v0 =	vld [tilespmem:$0x10];
	_ =	sdelay $0x4  }
0x130: {  	v0 =	vadd.s32 s31, v0  }
0x131: {  	[tilespmem:s13+$0x10] =	vst v0  }
0x132: {  	v0 =	vld [tilespmem:$0x20];
	_ =	sdelay $0x4  }
0x133: {  	v0 =	vadd.s32 s31, v0  }
0x134: {  	[tilespmem:s13+$0x20] =	vst v0  }
0x135: {  	v0 =	vld [tilespmem:$0x30];
	_ =	sdelay $0x4  }
0x136: {  	v0 =	vadd.s32 s31, v0  }
0x137: {  	[tilespmem:s13+$0x30] =	vst v0  }
0x138: {  	v0 =	vld [tilespmem:$0x40];
	_ =	sdelay $0x4  }
0x139: {  	v0 =	vadd.s32 s31, v0  }
0x13a: {  	[tilespmem:s13+$0x40] =	vst v0  }
0x13b: {  	v0 =	vld [tilespmem:$0x50];
	_ =	sdelay $0x4  }
0x13c: {  	v0 =	vadd.s32 s31, v0  }
0x13d: {  	[tilespmem:s13+$0x50] =	vst v0  }
0x13e: {  	v0 =	vld [tilespmem:$0x60];
	_ =	sdelay $0x4  }
0x13f: {  	v0 =	vadd.s32 s31, v0  }
0x140: {  	[tilespmem:s13+$0x60] =	vst v0  }
0x141: {  	v0 =	vld [tilespmem:$0x70];
	_ =	sdelay $0x4  }
0x142: {  	v0 =	vadd.s32 s31, v0  }
0x143: {  	[tilespmem:s13+$0x70] =	vst v0  }
0x144: {  	v0 =	vld [tilespmem:$0x0];
	_ =	sdelay $0x3  }
0x145: {  	s14 =	sadd.s32 $0x6000, s14  }
0x146: {  	v0 =	vadd.s32 s14, v0  }
0x147: {  	[tilespmem:s13+$0x80] =	vst v0  }
0x148: {  	v0 =	vld [tilespmem:$0x10];
	_ =	sdelay $0x4  }
0x149: {  	v0 =	vadd.s32 s14, v0  }
0x14a: {  	[tilespmem:s13+$0x90] =	vst v0  }
0x14b: {  	v0 =	vld [tilespmem:$0x20];
	_ =	sdelay $0x4  }
0x14c: {  	v0 =	vadd.s32 s14, v0  }
0x14d: {  	[tilespmem:s13+$0xA0] =	vst v0  }
0x14e: {  	v0 =	vld [tilespmem:$0x30];
	_ =	sdelay $0x4  }
0x14f: {  	v0 =	vadd.s32 s14, v0  }
0x150: {  	[tilespmem:s13+$0xB0] =	vst v0  }
0x151: {  	v0 =	vld [tilespmem:$0x40];
	_ =	sdelay $0x4  }
0x152: {  	v0 =	vadd.s32 s14, v0  }
0x153: {  	[tilespmem:s13+$0xC0] =	vst v0  }
0x154: {  	v0 =	vld [tilespmem:$0x50];
	_ =	sdelay $0x4  }
0x155: {  	v0 =	vadd.s32 s14, v0  }
0x156: {  	[tilespmem:s13+$0xD0] =	vst v0  }
0x157: {  	v0 =	vld [tilespmem:$0x60];
	_ =	sdelay $0x4  }
0x158: {  	v0 =	vadd.s32 s14, v0  }
0x159: {  	[tilespmem:s13+$0xE0] =	vst v0  }
0x15a: {  	v0 =	vld [tilespmem:$0x70];
	_ =	sdelay $0x1  }
.Ltmp3:
0x15b: {  	_ = 	snop;
	(pc) =	sbr.rel .LBB2_4-.Ltmp3, $3  }
0x15c: {  	_ =	sdelay $0x1  }
0x15d: {  	v0 =	vadd.s32 s14, v0  }
0x15e: {  	s14 =	simm.s32 $0x0;
	[tilespmem:s13+$0xF0] =	vst v0;
	s13 =	simm.s32 $0x0  }
.LBB2_6:
0x15f: {  	s13 =	sadd.s32 $0x4000, s13  }
0x160: {  	p0 =	sne.s32 s13, $0x40000  }
.Ltmp4:
0x161: {  	_ = 	snop;
	(pc) =	sbr.rel @!p0 .LBB2_7-.Ltmp4, $2  }
0x162: {  	_ =	sdelay $0x2  }
0x163: {  	s14 =	sadd.s32 $0x1, s14  }
.LBB2_4:
0x164: {  	s15 =	sand.u32 $0x1, s14  }
0x165: {  	s16 =	sshra.s32 s13, $0x2;
	s17 =	sshll.u32 s15, $0xC  }
0x166: {  	s18 =	sadd.s32 $0x2080, s16;
	s20 =	sadd.s32 $0x1, s15;
	s19 =	sor.u32 $0x80, s17  }
0x167: {  	[tilespmem:s18], [sflag:s20] =	stream.indirect.gather [hbm4b:s4+s9], $0x1, s19, s9, $0xb8;
	[tilespmem:$0x12080] =	vst v63  }
0x168: {  	s30 =	sadd.s32 $0x2280, s16;
	s31 =	sor.u32 $0x280, s17  }
0x169: {  	[tilespmem:s30], [sflag:s20] =	stream.indirect.gather [hbm4b:s4+s9], $0x1, s31, s9, $0xb8;
	[tilespmem:$0x12080] =	vst v63  }
0x16a: {  	s21 =	sadd.s32 $0x2480, s16;
	s22 =	sor.u32 $0x480, s17  }
0x16b: {  	[tilespmem:s21], [sflag:s20] =	stream.indirect.gather [hbm4b:s4+s9], $0x1, s22, s9, $0xb8;
	[tilespmem:$0x12080] =	vst v63  }
0x16c: {  	s23 =	sadd.s32 $0x2680, s16;
	s24 =	sor.u32 $0x680, s17  }
0x16d: {  	[tilespmem:s23], [sflag:s20] =	stream.indirect.gather [hbm4b:s4+s9], $0x1, s24, s9, $0xb8;
	[tilespmem:$0x12080] =	vst v63  }
0x16e: {  	s25 =	sadd.s32 $0x2880, s16;
	s26 =	sor.u32 $0x880, s17  }
0x16f: {  	[tilespmem:s25], [sflag:s20] =	stream.indirect.gather [hbm4b:s4+s9], $0x1, s26, s9, $0xb8;
	[tilespmem:$0x12080] =	vst v63  }
0x170: {  	p0 =	seq.s32 s13, $0x0;
	s28 =	sadd.s32 $0x2A80, s16;
	s29 =	sor.u32 $0xA80, s17  }
0x171: {  	[tilespmem:s28], [sflag:s20] =	stream.indirect.gather [hbm4b:s4+s9], $0x1, s29, s9, $0xb8;
	[tilespmem:$0x12080] =	vst v63  }
.Ltmp5:
0x172: {  	_ = 	snop;
	(pc) =	sbr.rel @p0 .LBB2_6-.Ltmp5, $4  }
0x173: {  	s30 =	sadd.s32 $0x2C80, s16;
	s31 =	sor.u32 $0xC80, s17  }
0x174: {  	[tilespmem:s30], [sflag:s20] =	stream.indirect.gather [hbm4b:s4+s9], $0x1, s31, s9, $0xb8;
	[tilespmem:$0x12080] =	vst v63  }
0x175: {  	s16 =	sadd.s32 $0x2E80, s16;
	s17 =	sor.u32 $0xE80, s17  }
0x176: {  	[tilespmem:s16], [sflag:s20] =	stream.indirect.gather [hbm4b:s4+s9], $0x1, s17, s9, $0xb8;
	[tilespmem:$0x12080] =	vst v63  }
0x177: {  	s15 =	sxor.u32 $0x1, s15  }
0x178: {  	s16 =	sadd.s32 $0x1, s15  }
0x179: {  	_ =	swait.ge [sflag:s16], $0x200  }
0x17a: {  	[sflag:s16] =	ssyncset.done $0x0  }
0x17b: {  	[sflag:s16] =	ssyncadd.s32 $0xFFFFFE00  }
0x17c: {  	_ =	swait.ge [sflag:s16], $0x200  }
0x17d: {  	[sflag:s16] =	ssyncset.done $0x0  }
0x17e: {  	[sflag:s16] =	ssyncadd.s32 $0xFFFFFE00  }
0x17f: {  	_ =	swait.ge [sflag:s16], $0x200  }
0x180: {  	[sflag:s16] =	ssyncset.done $0x0  }
0x181: {  	[sflag:s16] =	ssyncadd.s32 $0xFFFFFE00  }
0x182: {  	_ =	swait.ge [sflag:s16], $0x200  }
0x183: {  	[sflag:s16] =	ssyncset.done $0x0  }
0x184: {  	[sflag:s16] =	ssyncadd.s32 $0xFFFFFE00  }
0x185: {  	_ =	swait.ge [sflag:s16], $0x200  }
0x186: {  	[sflag:s16] =	ssyncset.done $0x0  }
0x187: {  	[sflag:s16] =	ssyncadd.s32 $0xFFFFFE00  }
0x188: {  	_ =	swait.ge [sflag:s16], $0x200  }
0x189: {  	[sflag:s16] =	ssyncset.done $0x0  }
0x18a: {  	[sflag:s16] =	ssyncadd.s32 $0xFFFFFE00  }
0x18b: {  	_ =	swait.ge [sflag:s16], $0x200  }
0x18c: {  	[sflag:s16] =	ssyncset.done $0x0  }
0x18d: {  	[sflag:s16] =	ssyncadd.s32 $0xFFFFFE00  }
0x18e: {  	_ =	swait.ge [sflag:s16], $0x200  }
0x18f: {  	[sflag:s16] =	ssyncset.done $0x0  }
0x190: {  	s15 =	sshll.u32 s15, $0xC;
	[sflag:s16] =	ssyncadd.s32 $0xFFFFFE00  }
0x191: {  	v0 =	vld [tilespmem:s15+$0x80]  }
0x192: {  	v1 =	vld [tilespmem:s15+$0x90]  }
0x193: {  	v2 =	vld [tilespmem:s15+$0xA0]  }
0x194: {  	v3 =	vld [tilespmem:s15+$0xB0]  }
0x195: {  	v4 =	vld [tilespmem:s15+$0xC0]  }
0x196: {  	v5 =	vld [tilespmem:s15+$0xD0];
	v0 =	vadd.s32 $0x80000, v0  }
0x197: {  	v10 =	vadd.s32 $0x80000, v1;
	[tilespmem:s15+$0x80] =	vst v0  }
0x198: {  	v11 =	vadd.s32 $0x80000, v2;
	[tilespmem:s15+$0x90] =	vst v10  }
0x199: {  	v12 =	vadd.s32 $0x80000, v3;
	[tilespmem:s15+$0xA0] =	vst v11  }
0x19a: {  	v13 =	vadd.s32 $0x80000, v4;
	[tilespmem:s15+$0xB0] =	vst v12  }
0x19b: {  	v14 =	vadd.s32 $0x80000, v5;
	[tilespmem:s15+$0xC0] =	vst v13  }
0x19c: {  	[tilespmem:s15+$0xD0] =	vst v14  }
0x19d: {  	v0 =	vld [tilespmem:s15+$0xE0]  }
0x19e: {  	v15 =	vld [tilespmem:s15+$0xF0]  }
0x19f: {  	v16 =	vld [tilespmem:s15+$0x100]  }
0x1a0: {  	v17 =	vld [tilespmem:s15+$0x110]  }
0x1a1: {  	v18 =	vld [tilespmem:s15+$0x120]  }
0x1a2: {  	v19 =	vld [tilespmem:s15+$0x130];
	v0 =	vadd.s32 $0x80000, v0  }
0x1a3: {  	v21 =	vld [tilespmem:s15+$0x140];
	v20 =	vadd.s32 $0x80000, v15;
	[tilespmem:s15+$0xE0] =	vst v0  }
0x1a4: {  	v23 =	vld [tilespmem:s15+$0x150];
	v22 =	vadd.s32 $0x80000, v16;
	[tilespmem:s15+$0xF0] =	vst v20  }
0x1a5: {  	v25 =	vld [tilespmem:s15+$0x160];
	v24 =	vadd.s32 $0x80000, v17;
	[tilespmem:s15+$0x100] =	vst v22  }
0x1a6: {  	v27 =	vld [tilespmem:s15+$0x170];
	v26 =	vadd.s32 $0x80000, v18;
	[tilespmem:s15+$0x110] =	vst v24  }
0x1a7: {  	v29 =	vld [tilespmem:s15+$0x180];
	v28 =	vadd.s32 $0x80000, v19;
	[tilespmem:s15+$0x120] =	vst v26  }
0x1a8: {  	v31 =	vld [tilespmem:s15+$0x190];
	v30 =	vadd.s32 $0x80000, v21;
	[tilespmem:s15+$0x130] =	vst v28  }
0x1a9: {  	v33 =	vld [tilespmem:s15+$0x1A0];
	v32 =	vadd.s32 $0x80000, v23;
	[tilespmem:s15+$0x140] =	vst v30  }
0x1aa: {  	v35 =	vld [tilespmem:s15+$0x1B0];
	v34 =	vadd.s32 $0x80000, v25;
	[tilespmem:s15+$0x150] =	vst v32  }
0x1ab: {  	v37 =	vld [tilespmem:s15+$0x1C0];
	v36 =	vadd.s32 $0x80000, v27;
	[tilespmem:s15+$0x160] =	vst v34  }
0x1ac: {  	v39 =	vld [tilespmem:s15+$0x1D0];
	v38 =	vadd.s32 $0x80000, v29;
	[tilespmem:s15+$0x170] =	vst v36  }
0x1ad: {  	v41 =	vld [tilespmem:s15+$0x1E0];
	v40 =	vadd.s32 $0x80000, v31;
	[tilespmem:s15+$0x180] =	vst v38  }
0x1ae: {  	v43 =	vld [tilespmem:s15+$0x1F0];
	v42 =	vadd.s32 $0x80000, v33;
	[tilespmem:s15+$0x190] =	vst v40  }
0x1af: {  	v45 =	vld [tilespmem:s15+$0x200];
	v44 =	vadd.s32 $0x80000, v35;
	[tilespmem:s15+$0x1A0] =	vst v42  }
0x1b0: {  	v47 =	vld [tilespmem:s15+$0x210];
	v46 =	vadd.s32 $0x80000, v37;
	[tilespmem:s15+$0x1B0] =	vst v44  }
0x1b1: {  	v49 =	vld [tilespmem:s15+$0x220];
	v48 =	vadd.s32 $0x80000, v39;
	[tilespmem:s15+$0x1C0] =	vst v46  }
0x1b2: {  	v51 =	vld [tilespmem:s15+$0x230];
	v50 =	vadd.s32 $0x80000, v41;
	[tilespmem:s15+$0x1D0] =	vst v48  }
0x1b3: {  	v53 =	vld [tilespmem:s15+$0x240];
	v52 =	vadd.s32 $0x80000, v43;
	[tilespmem:s15+$0x1E0] =	vst v50  }
0x1b4: {  	v55 =	vld [tilespmem:s15+$0x250];
	v54 =	vadd.s32 $0x80000, v45;
	[tilespmem:s15+$0x1F0] =	vst v52  }
0x1b5: {  	v57 =	vld [tilespmem:s15+$0x260];
	v56 =	vadd.s32 $0x80000, v47;
	[tilespmem:s15+$0x200] =	vst v54  }
0x1b6: {  	v59 =	vld [tilespmem:s15+$0x270];
	v58 =	vadd.s32 $0x80000, v49;
	[tilespmem:s15+$0x210] =	vst v56  }
0x1b7: {  	v61 =	vld [tilespmem:s15+$0x280];
	v60 =	vadd.s32 $0x80000, v51;
	[tilespmem:s15+$0x220] =	vst v58  }
0x1b8: {  	v63 =	vld [tilespmem:s15+$0x290];
	v62 =	vadd.s32 $0x80000, v53;
	[tilespmem:s15+$0x230] =	vst v60  }
0x1b9: {  	v9 =	vld [tilespmem:s15+$0x2A0];
	v8 =	vadd.s32 $0x80000, v55;
	[tilespmem:s15+$0x240] =	vst v62  }
0x1ba: {  	v11 =	vld [tilespmem:s15+$0x2B0];
	v10 =	vadd.s32 $0x80000, v57;
	[tilespmem:s15+$0x250] =	vst v8  }
0x1bb: {  	v13 =	vld [tilespmem:s15+$0x2C0];
	v12 =	vadd.s32 $0x80000, v59;
	[tilespmem:s15+$0x260] =	vst v10  }
0x1bc: {  	v14 =	vadd.s32 $0x80000, v61;
	v15 =	vld [tilespmem:s15+$0x2D0];
	[tilespmem:s15+$0x270] =	vst v12  }
0x1bd: {  	v16 =	vadd.s32 $0x80000, v63;
	v17 =	vld [tilespmem:s15+$0x2E0];
	[tilespmem:s15+$0x280] =	vst v14  }
0x1be: {  	v18 =	vadd.s32 $0x80000, v9;
	v19 =	vld [tilespmem:s15+$0x2F0];
	[tilespmem:s15+$0x290] =	vst v16  }
0x1bf: {  	v21 =	vld [tilespmem:s15+$0x300];
	[tilespmem:s15+$0x2A0] =	vst v18;
	v20 =	vadd.s32 $0x80000, v11  }
0x1c0: {  	v23 =	vld [tilespmem:s15+$0x310];
	v22 =	vadd.s32 $0x80000, v13;
	[tilespmem:s15+$0x2B0] =	vst v20  }
0x1c1: {  	v25 =	vld [tilespmem:s15+$0x320];
	[tilespmem:s15+$0x2C0] =	vst v22;
	v24 =	vadd.s32 $0x80000, v15  }
0x1c2: {  	v27 =	vld [tilespmem:s15+$0x330];
	v26 =	vadd.s32 $0x80000, v17;
	[tilespmem:s15+$0x2D0] =	vst v24  }
0x1c3: {  	v29 =	vld [tilespmem:s15+$0x340];
	v28 =	vadd.s32 $0x80000, v19;
	[tilespmem:s15+$0x2E0] =	vst v26  }
0x1c4: {  	v31 =	vld [tilespmem:s15+$0x350];
	v30 =	vadd.s32 $0x80000, v21;
	[tilespmem:s15+$0x2F0] =	vst v28  }
0x1c5: {  	v33 =	vld [tilespmem:s15+$0x360];
	v32 =	vadd.s32 $0x80000, v23;
	[tilespmem:s15+$0x300] =	vst v30  }
0x1c6: {  	v35 =	vld [tilespmem:s15+$0x370];
	v34 =	vadd.s32 $0x80000, v25;
	[tilespmem:s15+$0x310] =	vst v32  }
0x1c7: {  	v37 =	vld [tilespmem:s15+$0x380];
	v36 =	vadd.s32 $0x80000, v27;
	[tilespmem:s15+$0x320] =	vst v34  }
0x1c8: {  	v39 =	vld [tilespmem:s15+$0x390];
	v38 =	vadd.s32 $0x80000, v29;
	[tilespmem:s15+$0x330] =	vst v36  }
0x1c9: {  	v41 =	vld [tilespmem:s15+$0x3A0];
	v40 =	vadd.s32 $0x80000, v31;
	[tilespmem:s15+$0x340] =	vst v38  }
0x1ca: {  	v43 =	vld [tilespmem:s15+$0x3B0];
	v42 =	vadd.s32 $0x80000, v33;
	[tilespmem:s15+$0x350] =	vst v40  }
0x1cb: {  	v45 =	vld [tilespmem:s15+$0x3C0];
	v44 =	vadd.s32 $0x80000, v35;
	[tilespmem:s15+$0x360] =	vst v42  }
0x1cc: {  	v47 =	vld [tilespmem:s15+$0x3D0];
	v46 =	vadd.s32 $0x80000, v37;
	[tilespmem:s15+$0x370] =	vst v44  }
0x1cd: {  	v49 =	vld [tilespmem:s15+$0x3E0];
	v48 =	vadd.s32 $0x80000, v39;
	[tilespmem:s15+$0x380] =	vst v46  }
0x1ce: {  	v51 =	vld [tilespmem:s15+$0x3F0];
	v50 =	vadd.s32 $0x80000, v41;
	[tilespmem:s15+$0x390] =	vst v48  }
0x1cf: {  	v53 =	vld [tilespmem:s15+$0x400];
	v52 =	vadd.s32 $0x80000, v43;
	[tilespmem:s15+$0x3A0] =	vst v50  }
0x1d0: {  	v55 =	vld [tilespmem:s15+$0x410];
	v54 =	vadd.s32 $0x80000, v45;
	[tilespmem:s15+$0x3B0] =	vst v52  }
0x1d1: {  	v57 =	vld [tilespmem:s15+$0x420];
	v56 =	vadd.s32 $0x80000, v47;
	[tilespmem:s15+$0x3C0] =	vst v54  }
0x1d2: {  	v59 =	vld [tilespmem:s15+$0x430];
	v58 =	vadd.s32 $0x80000, v49;
	[tilespmem:s15+$0x3D0] =	vst v56  }
0x1d3: {  	v61 =	vld [tilespmem:s15+$0x440];
	v60 =	vadd.s32 $0x80000, v51;
	[tilespmem:s15+$0x3E0] =	vst v58  }
0x1d4: {  	v63 =	vld [tilespmem:s15+$0x450];
	v62 =	vadd.s32 $0x80000, v53;
	[tilespmem:s15+$0x3F0] =	vst v60  }
0x1d5: {  	v9 =	vld [tilespmem:s15+$0x460];
	v8 =	vadd.s32 $0x80000, v55;
	[tilespmem:s15+$0x400] =	vst v62  }
0x1d6: {  	v11 =	vld [tilespmem:s15+$0x470];
	v10 =	vadd.s32 $0x80000, v57;
	[tilespmem:s15+$0x410] =	vst v8  }
0x1d7: {  	v13 =	vld [tilespmem:s15+$0x480];
	v12 =	vadd.s32 $0x80000, v59;
	[tilespmem:s15+$0x420] =	vst v10  }
0x1d8: {  	v14 =	vadd.s32 $0x80000, v61;
	v15 =	vld [tilespmem:s15+$0x490];
	[tilespmem:s15+$0x430] =	vst v12  }
0x1d9: {  	v16 =	vadd.s32 $0x80000, v63;
	v17 =	vld [tilespmem:s15+$0x4A0];
	[tilespmem:s15+$0x440] =	vst v14  }
0x1da: {  	v18 =	vadd.s32 $0x80000, v9;
	v19 =	vld [tilespmem:s15+$0x4B0];
	[tilespmem:s15+$0x450] =	vst v16  }
0x1db: {  	v21 =	vld [tilespmem:s15+$0x4C0];
	[tilespmem:s15+$0x460] =	vst v18;
	v20 =	vadd.s32 $0x80000, v11  }
0x1dc: {  	v23 =	vld [tilespmem:s15+$0x4D0];
	v22 =	vadd.s32 $0x80000, v13;
	[tilespmem:s15+$0x470] =	vst v20  }
0x1dd: {  	v25 =	vld [tilespmem:s15+$0x4E0];
	[tilespmem:s15+$0x480] =	vst v22;
	v24 =	vadd.s32 $0x80000, v15  }
0x1de: {  	v27 =	vld [tilespmem:s15+$0x4F0];
	v26 =	vadd.s32 $0x80000, v17;
	[tilespmem:s15+$0x490] =	vst v24  }
0x1df: {  	v29 =	vld [tilespmem:s15+$0x500];
	v28 =	vadd.s32 $0x80000, v19;
	[tilespmem:s15+$0x4A0] =	vst v26  }
0x1e0: {  	v31 =	vld [tilespmem:s15+$0x510];
	v30 =	vadd.s32 $0x80000, v21;
	[tilespmem:s15+$0x4B0] =	vst v28  }
0x1e1: {  	v33 =	vld [tilespmem:s15+$0x520];
	v32 =	vadd.s32 $0x80000, v23;
	[tilespmem:s15+$0x4C0] =	vst v30  }
0x1e2: {  	v35 =	vld [tilespmem:s15+$0x530];
	v34 =	vadd.s32 $0x80000, v25;
	[tilespmem:s15+$0x4D0] =	vst v32  }
0x1e3: {  	v37 =	vld [tilespmem:s15+$0x540];
	v36 =	vadd.s32 $0x80000, v27;
	[tilespmem:s15+$0x4E0] =	vst v34  }
0x1e4: {  	v39 =	vld [tilespmem:s15+$0x550];
	v38 =	vadd.s32 $0x80000, v29;
	[tilespmem:s15+$0x4F0] =	vst v36  }
0x1e5: {  	v41 =	vld [tilespmem:s15+$0x560];
	v40 =	vadd.s32 $0x80000, v31;
	[tilespmem:s15+$0x500] =	vst v38  }
0x1e6: {  	v43 =	vld [tilespmem:s15+$0x570];
	v42 =	vadd.s32 $0x80000, v33;
	[tilespmem:s15+$0x510] =	vst v40  }
0x1e7: {  	v45 =	vld [tilespmem:s15+$0x580];
	v44 =	vadd.s32 $0x80000, v35;
	[tilespmem:s15+$0x520] =	vst v42  }
0x1e8: {  	v47 =	vld [tilespmem:s15+$0x590];
	v46 =	vadd.s32 $0x80000, v37;
	[tilespmem:s15+$0x530] =	vst v44  }
0x1e9: {  	v49 =	vld [tilespmem:s15+$0x5A0];
	v48 =	vadd.s32 $0x80000, v39;
	[tilespmem:s15+$0x540] =	vst v46  }
0x1ea: {  	v51 =	vld [tilespmem:s15+$0x5B0];
	v50 =	vadd.s32 $0x80000, v41;
	[tilespmem:s15+$0x550] =	vst v48  }
0x1eb: {  	v53 =	vld [tilespmem:s15+$0x5C0];
	v52 =	vadd.s32 $0x80000, v43;
	[tilespmem:s15+$0x560] =	vst v50  }
0x1ec: {  	v55 =	vld [tilespmem:s15+$0x5D0];
	v54 =	vadd.s32 $0x80000, v45;
	[tilespmem:s15+$0x570] =	vst v52  }
0x1ed: {  	v57 =	vld [tilespmem:s15+$0x5E0];
	v56 =	vadd.s32 $0x80000, v47;
	[tilespmem:s15+$0x580] =	vst v54  }
0x1ee: {  	v59 =	vld [tilespmem:s15+$0x5F0];
	v58 =	vadd.s32 $0x80000, v49;
	[tilespmem:s15+$0x590] =	vst v56  }
0x1ef: {  	v61 =	vld [tilespmem:s15+$0x600];
	v60 =	vadd.s32 $0x80000, v51;
	[tilespmem:s15+$0x5A0] =	vst v58  }
0x1f0: {  	v63 =	vld [tilespmem:s15+$0x610];
	v62 =	vadd.s32 $0x80000, v53;
	[tilespmem:s15+$0x5B0] =	vst v60  }
0x1f1: {  	v9 =	vld [tilespmem:s15+$0x620];
	v8 =	vadd.s32 $0x80000, v55;
	[tilespmem:s15+$0x5C0] =	vst v62  }
0x1f2: {  	v11 =	vld [tilespmem:s15+$0x630];
	v10 =	vadd.s32 $0x80000, v57;
	[tilespmem:s15+$0x5D0] =	vst v8  }
0x1f3: {  	v13 =	vld [tilespmem:s15+$0x640];
	v12 =	vadd.s32 $0x80000, v59;
	[tilespmem:s15+$0x5E0] =	vst v10  }
0x1f4: {  	v14 =	vadd.s32 $0x80000, v61;
	v15 =	vld [tilespmem:s15+$0x650];
	[tilespmem:s15+$0x5F0] =	vst v12  }
0x1f5: {  	v16 =	vadd.s32 $0x80000, v63;
	v17 =	vld [tilespmem:s15+$0x660];
	[tilespmem:s15+$0x600] =	vst v14  }
0x1f6: {  	v18 =	vadd.s32 $0x80000, v9;
	v19 =	vld [tilespmem:s15+$0x670];
	[tilespmem:s15+$0x610] =	vst v16  }
0x1f7: {  	v21 =	vld [tilespmem:s15+$0x680];
	[tilespmem:s15+$0x620] =	vst v18;
	v20 =	vadd.s32 $0x80000, v11  }
0x1f8: {  	v23 =	vld [tilespmem:s15+$0x690];
	v22 =	vadd.s32 $0x80000, v13;
	[tilespmem:s15+$0x630] =	vst v20  }
0x1f9: {  	v25 =	vld [tilespmem:s15+$0x6A0];
	[tilespmem:s15+$0x640] =	vst v22;
	v24 =	vadd.s32 $0x80000, v15  }
0x1fa: {  	v27 =	vld [tilespmem:s15+$0x6B0];
	v26 =	vadd.s32 $0x80000, v17;
	[tilespmem:s15+$0x650] =	vst v24  }
0x1fb: {  	v29 =	vld [tilespmem:s15+$0x6C0];
	v28 =	vadd.s32 $0x80000, v19;
	[tilespmem:s15+$0x660] =	vst v26  }
0x1fc: {  	v31 =	vld [tilespmem:s15+$0x6D0];
	v30 =	vadd.s32 $0x80000, v21;
	[tilespmem:s15+$0x670] =	vst v28  }
0x1fd: {  	v33 =	vld [tilespmem:s15+$0x6E0];
	v32 =	vadd.s32 $0x80000, v23;
	[tilespmem:s15+$0x680] =	vst v30  }
0x1fe: {  	v35 =	vld [tilespmem:s15+$0x6F0];
	v34 =	vadd.s32 $0x80000, v25;
	[tilespmem:s15+$0x690] =	vst v32  }
0x1ff: {  	v37 =	vld [tilespmem:s15+$0x700];
	v36 =	vadd.s32 $0x80000, v27;
	[tilespmem:s15+$0x6A0] =	vst v34  }
0x200: {  	v39 =	vld [tilespmem:s15+$0x710];
	v38 =	vadd.s32 $0x80000, v29;
	[tilespmem:s15+$0x6B0] =	vst v36  }
0x201: {  	v41 =	vld [tilespmem:s15+$0x720];
	v40 =	vadd.s32 $0x80000, v31;
	[tilespmem:s15+$0x6C0] =	vst v38  }
0x202: {  	v43 =	vld [tilespmem:s15+$0x730];
	v42 =	vadd.s32 $0x80000, v33;
	[tilespmem:s15+$0x6D0] =	vst v40  }
0x203: {  	v45 =	vld [tilespmem:s15+$0x740];
	v44 =	vadd.s32 $0x80000, v35;
	[tilespmem:s15+$0x6E0] =	vst v42  }
0x204: {  	v47 =	vld [tilespmem:s15+$0x750];
	v46 =	vadd.s32 $0x80000, v37;
	[tilespmem:s15+$0x6F0] =	vst v44  }
0x205: {  	v49 =	vld [tilespmem:s15+$0x760];
	v48 =	vadd.s32 $0x80000, v39;
	[tilespmem:s15+$0x700] =	vst v46  }
0x206: {  	v51 =	vld [tilespmem:s15+$0x770];
	v50 =	vadd.s32 $0x80000, v41;
	[tilespmem:s15+$0x710] =	vst v48  }
0x207: {  	v53 =	vld [tilespmem:s15+$0x780];
	v52 =	vadd.s32 $0x80000, v43;
	[tilespmem:s15+$0x720] =	vst v50  }
0x208: {  	v55 =	vld [tilespmem:s15+$0x790];
	v54 =	vadd.s32 $0x80000, v45;
	[tilespmem:s15+$0x730] =	vst v52  }
0x209: {  	v57 =	vld [tilespmem:s15+$0x7A0];
	v56 =	vadd.s32 $0x80000, v47;
	[tilespmem:s15+$0x740] =	vst v54  }
0x20a: {  	v59 =	vld [tilespmem:s15+$0x7B0];
	v58 =	vadd.s32 $0x80000, v49;
	[tilespmem:s15+$0x750] =	vst v56  }
0x20b: {  	v61 =	vld [tilespmem:s15+$0x7C0];
	v60 =	vadd.s32 $0x80000, v51;
	[tilespmem:s15+$0x760] =	vst v58  }
0x20c: {  	v63 =	vld [tilespmem:s15+$0x7D0];
	v62 =	vadd.s32 $0x80000, v53;
	[tilespmem:s15+$0x770] =	vst v60  }
0x20d: {  	v9 =	vld [tilespmem:s15+$0x7E0];
	v8 =	vadd.s32 $0x80000, v55;
	[tilespmem:s15+$0x780] =	vst v62  }
0x20e: {  	v11 =	vld [tilespmem:s15+$0x7F0];
	v10 =	vadd.s32 $0x80000, v57;
	[tilespmem:s15+$0x790] =	vst v8  }
0x20f: {  	v13 =	vld [tilespmem:s15+$0x800];
	v12 =	vadd.s32 $0x80000, v59;
	[tilespmem:s15+$0x7A0] =	vst v10  }
0x210: {  	v14 =	vadd.s32 $0x80000, v61;
	v15 =	vld [tilespmem:s15+$0x810];
	[tilespmem:s15+$0x7B0] =	vst v12  }
0x211: {  	v16 =	vadd.s32 $0x80000, v63;
	v17 =	vld [tilespmem:s15+$0x820];
	[tilespmem:s15+$0x7C0] =	vst v14  }
0x212: {  	v18 =	vadd.s32 $0x80000, v9;
	v19 =	vld [tilespmem:s15+$0x830];
	[tilespmem:s15+$0x7D0] =	vst v16  }
0x213: {  	v21 =	vld [tilespmem:s15+$0x840];
	[tilespmem:s15+$0x7E0] =	vst v18;
	v20 =	vadd.s32 $0x80000, v11  }
0x214: {  	v23 =	vld [tilespmem:s15+$0x850];
	v22 =	vadd.s32 $0x80000, v13;
	[tilespmem:s15+$0x7F0] =	vst v20  }
0x215: {  	v25 =	vld [tilespmem:s15+$0x860];
	[tilespmem:s15+$0x800] =	vst v22;
	v24 =	vadd.s32 $0x80000, v15  }
0x216: {  	v27 =	vld [tilespmem:s15+$0x870];
	v26 =	vadd.s32 $0x80000, v17;
	[tilespmem:s15+$0x810] =	vst v24  }
0x217: {  	v29 =	vld [tilespmem:s15+$0x880];
	v28 =	vadd.s32 $0x80000, v19;
	[tilespmem:s15+$0x820] =	vst v26  }
0x218: {  	v31 =	vld [tilespmem:s15+$0x890];
	v30 =	vadd.s32 $0x80000, v21;
	[tilespmem:s15+$0x830] =	vst v28  }
0x219: {  	v33 =	vld [tilespmem:s15+$0x8A0];
	v32 =	vadd.s32 $0x80000, v23;
	[tilespmem:s15+$0x840] =	vst v30  }
0x21a: {  	v35 =	vld [tilespmem:s15+$0x8B0];
	v34 =	vadd.s32 $0x80000, v25;
	[tilespmem:s15+$0x850] =	vst v32  }
0x21b: {  	v37 =	vld [tilespmem:s15+$0x8C0];
	v36 =	vadd.s32 $0x80000, v27;
	[tilespmem:s15+$0x860] =	vst v34  }
0x21c: {  	v39 =	vld [tilespmem:s15+$0x8D0];
	v38 =	vadd.s32 $0x80000, v29;
	[tilespmem:s15+$0x870] =	vst v36  }
0x21d: {  	v41 =	vld [tilespmem:s15+$0x8E0];
	v40 =	vadd.s32 $0x80000, v31;
	[tilespmem:s15+$0x880] =	vst v38  }
0x21e: {  	v43 =	vld [tilespmem:s15+$0x8F0];
	v42 =	vadd.s32 $0x80000, v33;
	[tilespmem:s15+$0x890] =	vst v40  }
0x21f: {  	v45 =	vld [tilespmem:s15+$0x900];
	v44 =	vadd.s32 $0x80000, v35;
	[tilespmem:s15+$0x8A0] =	vst v42  }
0x220: {  	v47 =	vld [tilespmem:s15+$0x910];
	v46 =	vadd.s32 $0x80000, v37;
	[tilespmem:s15+$0x8B0] =	vst v44  }
0x221: {  	v49 =	vld [tilespmem:s15+$0x920];
	v48 =	vadd.s32 $0x80000, v39;
	[tilespmem:s15+$0x8C0] =	vst v46  }
0x222: {  	v51 =	vld [tilespmem:s15+$0x930];
	v50 =	vadd.s32 $0x80000, v41;
	[tilespmem:s15+$0x8D0] =	vst v48  }
0x223: {  	v53 =	vld [tilespmem:s15+$0x940];
	v52 =	vadd.s32 $0x80000, v43;
	[tilespmem:s15+$0x8E0] =	vst v50  }
0x224: {  	v55 =	vld [tilespmem:s15+$0x950];
	v54 =	vadd.s32 $0x80000, v45;
	[tilespmem:s15+$0x8F0] =	vst v52  }
0x225: {  	v57 =	vld [tilespmem:s15+$0x960];
	v56 =	vadd.s32 $0x80000, v47;
	[tilespmem:s15+$0x900] =	vst v54  }
0x226: {  	v59 =	vld [tilespmem:s15+$0x970];
	v58 =	vadd.s32 $0x80000, v49;
	[tilespmem:s15+$0x910] =	vst v56  }
0x227: {  	v61 =	vld [tilespmem:s15+$0x980];
	v60 =	vadd.s32 $0x80000, v51;
	[tilespmem:s15+$0x920] =	vst v58  }
0x228: {  	v63 =	vld [tilespmem:s15+$0x990];
	v62 =	vadd.s32 $0x80000, v53;
	[tilespmem:s15+$0x930] =	vst v60  }
0x229: {  	v9 =	vld [tilespmem:s15+$0x9A0];
	v8 =	vadd.s32 $0x80000, v55;
	[tilespmem:s15+$0x940] =	vst v62  }
0x22a: {  	v11 =	vld [tilespmem:s15+$0x9B0];
	v10 =	vadd.s32 $0x80000, v57;
	[tilespmem:s15+$0x950] =	vst v8  }
0x22b: {  	v13 =	vld [tilespmem:s15+$0x9C0];
	v12 =	vadd.s32 $0x80000, v59;
	[tilespmem:s15+$0x960] =	vst v10  }
0x22c: {  	v14 =	vadd.s32 $0x80000, v61;
	v15 =	vld [tilespmem:s15+$0x9D0];
	[tilespmem:s15+$0x970] =	vst v12  }
0x22d: {  	v16 =	vadd.s32 $0x80000, v63;
	v17 =	vld [tilespmem:s15+$0x9E0];
	[tilespmem:s15+$0x980] =	vst v14  }
0x22e: {  	v18 =	vadd.s32 $0x80000, v9;
	v19 =	vld [tilespmem:s15+$0x9F0];
	[tilespmem:s15+$0x990] =	vst v16  }
0x22f: {  	v21 =	vld [tilespmem:s15+$0xA00];
	[tilespmem:s15+$0x9A0] =	vst v18;
	v20 =	vadd.s32 $0x80000, v11  }
0x230: {  	v23 =	vld [tilespmem:s15+$0xA10];
	v22 =	vadd.s32 $0x80000, v13;
	[tilespmem:s15+$0x9B0] =	vst v20  }
0x231: {  	v25 =	vld [tilespmem:s15+$0xA20];
	[tilespmem:s15+$0x9C0] =	vst v22;
	v24 =	vadd.s32 $0x80000, v15  }
0x232: {  	v27 =	vld [tilespmem:s15+$0xA30];
	v26 =	vadd.s32 $0x80000, v17;
	[tilespmem:s15+$0x9D0] =	vst v24  }
0x233: {  	v29 =	vld [tilespmem:s15+$0xA40];
	v28 =	vadd.s32 $0x80000, v19;
	[tilespmem:s15+$0x9E0] =	vst v26  }
0x234: {  	v31 =	vld [tilespmem:s15+$0xA50];
	v30 =	vadd.s32 $0x80000, v21;
	[tilespmem:s15+$0x9F0] =	vst v28  }
0x235: {  	v33 =	vld [tilespmem:s15+$0xA60];
	v32 =	vadd.s32 $0x80000, v23;
	[tilespmem:s15+$0xA00] =	vst v30  }
0x236: {  	v35 =	vld [tilespmem:s15+$0xA70];
	v34 =	vadd.s32 $0x80000, v25;
	[tilespmem:s15+$0xA10] =	vst v32  }
0x237: {  	v37 =	vld [tilespmem:s15+$0xA80];
	v36 =	vadd.s32 $0x80000, v27;
	[tilespmem:s15+$0xA20] =	vst v34  }
0x238: {  	v39 =	vld [tilespmem:s15+$0xA90];
	v38 =	vadd.s32 $0x80000, v29;
	[tilespmem:s15+$0xA30] =	vst v36  }
0x239: {  	v41 =	vld [tilespmem:s15+$0xAA0];
	v40 =	vadd.s32 $0x80000, v31;
	[tilespmem:s15+$0xA40] =	vst v38  }
0x23a: {  	v43 =	vld [tilespmem:s15+$0xAB0];
	v42 =	vadd.s32 $0x80000, v33;
	[tilespmem:s15+$0xA50] =	vst v40  }
0x23b: {  	v45 =	vld [tilespmem:s15+$0xAC0];
	v44 =	vadd.s32 $0x80000, v35;
	[tilespmem:s15+$0xA60] =	vst v42  }
0x23c: {  	v47 =	vld [tilespmem:s15+$0xAD0];
	v46 =	vadd.s32 $0x80000, v37;
	[tilespmem:s15+$0xA70] =	vst v44  }
0x23d: {  	v49 =	vld [tilespmem:s15+$0xAE0];
	v48 =	vadd.s32 $0x80000, v39;
	[tilespmem:s15+$0xA80] =	vst v46  }
0x23e: {  	v51 =	vld [tilespmem:s15+$0xAF0];
	v50 =	vadd.s32 $0x80000, v41;
	[tilespmem:s15+$0xA90] =	vst v48  }
0x23f: {  	v53 =	vld [tilespmem:s15+$0xB00];
	v52 =	vadd.s32 $0x80000, v43;
	[tilespmem:s15+$0xAA0] =	vst v50  }
0x240: {  	v55 =	vld [tilespmem:s15+$0xB10];
	v54 =	vadd.s32 $0x80000, v45;
	[tilespmem:s15+$0xAB0] =	vst v52  }
0x241: {  	v57 =	vld [tilespmem:s15+$0xB20];
	v56 =	vadd.s32 $0x80000, v47;
	[tilespmem:s15+$0xAC0] =	vst v54  }
0x242: {  	v59 =	vld [tilespmem:s15+$0xB30];
	v58 =	vadd.s32 $0x80000, v49;
	[tilespmem:s15+$0xAD0] =	vst v56  }
0x243: {  	v61 =	vld [tilespmem:s15+$0xB40];
	v60 =	vadd.s32 $0x80000, v51;
	[tilespmem:s15+$0xAE0] =	vst v58  }
0x244: {  	v63 =	vld [tilespmem:s15+$0xB50];
	v62 =	vadd.s32 $0x80000, v53;
	[tilespmem:s15+$0xAF0] =	vst v60  }
0x245: {  	v9 =	vld [tilespmem:s15+$0xB60];
	v8 =	vadd.s32 $0x80000, v55;
	[tilespmem:s15+$0xB00] =	vst v62  }
0x246: {  	v11 =	vld [tilespmem:s15+$0xB70];
	v10 =	vadd.s32 $0x80000, v57;
	[tilespmem:s15+$0xB10] =	vst v8  }
0x247: {  	v13 =	vld [tilespmem:s15+$0xB80];
	v12 =	vadd.s32 $0x80000, v59;
	[tilespmem:s15+$0xB20] =	vst v10  }
0x248: {  	v14 =	vadd.s32 $0x80000, v61;
	v15 =	vld [tilespmem:s15+$0xB90];
	[tilespmem:s15+$0xB30] =	vst v12  }
0x249: {  	v16 =	vadd.s32 $0x80000, v63;
	v17 =	vld [tilespmem:s15+$0xBA0];
	[tilespmem:s15+$0xB40] =	vst v14  }
0x24a: {  	v18 =	vadd.s32 $0x80000, v9;
	v19 =	vld [tilespmem:s15+$0xBB0];
	[tilespmem:s15+$0xB50] =	vst v16  }
0x24b: {  	v21 =	vld [tilespmem:s15+$0xBC0];
	[tilespmem:s15+$0xB60] =	vst v18;
	v20 =	vadd.s32 $0x80000, v11  }
0x24c: {  	v23 =	vld [tilespmem:s15+$0xBD0];
	v22 =	vadd.s32 $0x80000, v13;
	[tilespmem:s15+$0xB70] =	vst v20  }
0x24d: {  	v25 =	vld [tilespmem:s15+$0xBE0];
	[tilespmem:s15+$0xB80] =	vst v22;
	v24 =	vadd.s32 $0x80000, v15  }
0x24e: {  	v27 =	vld [tilespmem:s15+$0xBF0];
	v26 =	vadd.s32 $0x80000, v17;
	[tilespmem:s15+$0xB90] =	vst v24  }
0x24f: {  	v29 =	vld [tilespmem:s15+$0xC00];
	v28 =	vadd.s32 $0x80000, v19;
	[tilespmem:s15+$0xBA0] =	vst v26  }
0x250: {  	v31 =	vld [tilespmem:s15+$0xC10];
	v30 =	vadd.s32 $0x80000, v21;
	[tilespmem:s15+$0xBB0] =	vst v28  }
0x251: {  	v33 =	vld [tilespmem:s15+$0xC20];
	v32 =	vadd.s32 $0x80000, v23;
	[tilespmem:s15+$0xBC0] =	vst v30  }
0x252: {  	v35 =	vld [tilespmem:s15+$0xC30];
	v34 =	vadd.s32 $0x80000, v25;
	[tilespmem:s15+$0xBD0] =	vst v32  }
0x253: {  	v37 =	vld [tilespmem:s15+$0xC40];
	v36 =	vadd.s32 $0x80000, v27;
	[tilespmem:s15+$0xBE0] =	vst v34  }
0x254: {  	v39 =	vld [tilespmem:s15+$0xC50];
	v38 =	vadd.s32 $0x80000, v29;
	[tilespmem:s15+$0xBF0] =	vst v36  }
0x255: {  	v41 =	vld [tilespmem:s15+$0xC60];
	v40 =	vadd.s32 $0x80000, v31;
	[tilespmem:s15+$0xC00] =	vst v38  }
0x256: {  	v43 =	vld [tilespmem:s15+$0xC70];
	v42 =	vadd.s32 $0x80000, v33;
	[tilespmem:s15+$0xC10] =	vst v40  }
0x257: {  	v45 =	vld [tilespmem:s15+$0xC80];
	v44 =	vadd.s32 $0x80000, v35;
	[tilespmem:s15+$0xC20] =	vst v42  }
0x258: {  	v47 =	vld [tilespmem:s15+$0xC90];
	v46 =	vadd.s32 $0x80000, v37;
	[tilespmem:s15+$0xC30] =	vst v44  }
0x259: {  	v49 =	vld [tilespmem:s15+$0xCA0];
	v48 =	vadd.s32 $0x80000, v39;
	[tilespmem:s15+$0xC40] =	vst v46  }
0x25a: {  	v51 =	vld [tilespmem:s15+$0xCB0];
	v50 =	vadd.s32 $0x80000, v41;
	[tilespmem:s15+$0xC50] =	vst v48  }
0x25b: {  	v53 =	vld [tilespmem:s15+$0xCC0];
	v52 =	vadd.s32 $0x80000, v43;
	[tilespmem:s15+$0xC60] =	vst v50  }
0x25c: {  	v55 =	vld [tilespmem:s15+$0xCD0];
	v54 =	vadd.s32 $0x80000, v45;
	[tilespmem:s15+$0xC70] =	vst v52  }
0x25d: {  	v57 =	vld [tilespmem:s15+$0xCE0];
	v56 =	vadd.s32 $0x80000, v47;
	[tilespmem:s15+$0xC80] =	vst v54  }
0x25e: {  	v59 =	vld [tilespmem:s15+$0xCF0];
	v58 =	vadd.s32 $0x80000, v49;
	[tilespmem:s15+$0xC90] =	vst v56  }
0x25f: {  	v61 =	vld [tilespmem:s15+$0xD00];
	v60 =	vadd.s32 $0x80000, v51;
	[tilespmem:s15+$0xCA0] =	vst v58  }
0x260: {  	v63 =	vld [tilespmem:s15+$0xD10];
	v62 =	vadd.s32 $0x80000, v53;
	[tilespmem:s15+$0xCB0] =	vst v60  }
0x261: {  	v8 =	vld [tilespmem:s15+$0xD20];
	v7 =	vadd.s32 $0x80000, v55;
	[tilespmem:s15+$0xCC0] =	vst v62  }
0x262: {  	v10 =	vld [tilespmem:s15+$0xD30];
	v9 =	vadd.s32 $0x80000, v57;
	[tilespmem:s15+$0xCD0] =	vst v7  }
0x263: {  	v12 =	vld [tilespmem:s15+$0xD40];
	v11 =	vadd.s32 $0x80000, v59;
	[tilespmem:s15+$0xCE0] =	vst v9  }
0x264: {  	v14 =	vld [tilespmem:s15+$0xD50];
	v13 =	vadd.s32 $0x80000, v61;
	[tilespmem:s15+$0xCF0] =	vst v11  }
0x265: {  	v16 =	vld [tilespmem:s15+$0xD60];
	v15 =	vadd.s32 $0x80000, v63;
	[tilespmem:s15+$0xD00] =	vst v13  }
0x266: {  	v18 =	vld [tilespmem:s15+$0xD70];
	[tilespmem:s15+$0xD10] =	vst v15;
	v17 =	vadd.s32 $0x80000, v8  }
0x267: {  	v20 =	vld [tilespmem:s15+$0xD80];
	v19 =	vadd.s32 $0x80000, v10;
	[tilespmem:s15+$0xD20] =	vst v17  }
0x268: {  	v22 =	vld [tilespmem:s15+$0xD90];
	v21 =	vadd.s32 $0x80000, v12;
	[tilespmem:s15+$0xD30] =	vst v19  }
0x269: {  	v23 =	vadd.s32 $0x80000, v14;
	v24 =	vld [tilespmem:s15+$0xDA0];
	[tilespmem:s15+$0xD40] =	vst v21  }
0x26a: {  	v25 =	vadd.s32 $0x80000, v16;
	v26 =	vld [tilespmem:s15+$0xDB0];
	[tilespmem:s15+$0xD50] =	vst v23  }
0x26b: {  	v27 =	vadd.s32 $0x80000, v18;
	v28 =	vld [tilespmem:s15+$0xDC0];
	[tilespmem:s15+$0xD60] =	vst v25  }
0x26c: {  	v30 =	vld [tilespmem:s15+$0xDD0];
	[tilespmem:s15+$0xD70] =	vst v27;
	v29 =	vadd.s32 $0x80000, v20  }
0x26d: {  	v32 =	vld [tilespmem:s15+$0xDE0];
	v31 =	vadd.s32 $0x80000, v22;
	[tilespmem:s15+$0xD80] =	vst v29  }
0x26e: {  	v34 =	vld [tilespmem:s15+$0xDF0];
	[tilespmem:s15+$0xD90] =	vst v31;
	v33 =	vadd.s32 $0x80000, v24  }
0x26f: {  	v36 =	vld [tilespmem:s15+$0xE00];
	v35 =	vadd.s32 $0x80000, v26;
	[tilespmem:s15+$0xDA0] =	vst v33  }
0x270: {  	v38 =	vld [tilespmem:s15+$0xE10];
	v37 =	vadd.s32 $0x80000, v28;
	[tilespmem:s15+$0xDB0] =	vst v35  }
0x271: {  	v40 =	vld [tilespmem:s15+$0xE20];
	v39 =	vadd.s32 $0x80000, v30;
	[tilespmem:s15+$0xDC0] =	vst v37  }
0x272: {  	v42 =	vld [tilespmem:s15+$0xE30];
	v41 =	vadd.s32 $0x80000, v32;
	[tilespmem:s15+$0xDD0] =	vst v39  }
0x273: {  	v44 =	vld [tilespmem:s15+$0xE40];
	v43 =	vadd.s32 $0x80000, v34;
	[tilespmem:s15+$0xDE0] =	vst v41  }
0x274: {  	v46 =	vld [tilespmem:s15+$0xE50];
	v45 =	vadd.s32 $0x80000, v36;
	[tilespmem:s15+$0xDF0] =	vst v43  }
0x275: {  	v48 =	vld [tilespmem:s15+$0xE60];
	v47 =	vadd.s32 $0x80000, v38;
	[tilespmem:s15+$0xE00] =	vst v45  }
0x276: {  	v50 =	vld [tilespmem:s15+$0xE70];
	v49 =	vadd.s32 $0x80000, v40;
	[tilespmem:s15+$0xE10] =	vst v47  }
0x277: {  	v52 =	vld [tilespmem:s15+$0xE80];
	v51 =	vadd.s32 $0x80000, v42;
	[tilespmem:s15+$0xE20] =	vst v49  }
0x278: {  	v54 =	vld [tilespmem:s15+$0xE90];
	v53 =	vadd.s32 $0x80000, v44;
	[tilespmem:s15+$0xE30] =	vst v51  }
0x279: {  	v56 =	vld [tilespmem:s15+$0xEA0];
	v55 =	vadd.s32 $0x80000, v46;
	[tilespmem:s15+$0xE40] =	vst v53  }
0x27a: {  	v58 =	vld [tilespmem:s15+$0xEB0];
	v57 =	vadd.s32 $0x80000, v48;
	[tilespmem:s15+$0xE50] =	vst v55  }
0x27b: {  	v60 =	vld [tilespmem:s15+$0xEC0];
	v59 =	vadd.s32 $0x80000, v50;
	[tilespmem:s15+$0xE60] =	vst v57  }
0x27c: {  	v62 =	vld [tilespmem:s15+$0xED0];
	v61 =	vadd.s32 $0x80000, v52;
	[tilespmem:s15+$0xE70] =	vst v59  }
0x27d: {  	v8 =	vld [tilespmem:s15+$0xEE0];
	v63 =	vadd.s32 $0x80000, v54;
	[tilespmem:s15+$0xE80] =	vst v61  }
0x27e: {  	v10 =	vld [tilespmem:s15+$0xEF0];
	v9 =	vadd.s32 $0x80000, v56;
	[tilespmem:s15+$0xE90] =	vst v63  }
0x27f: {  	v12 =	vld [tilespmem:s15+$0xF00];
	v11 =	vadd.s32 $0x80000, v58;
	[tilespmem:s15+$0xEA0] =	vst v9  }
0x280: {  	v14 =	vld [tilespmem:s15+$0xF10];
	v13 =	vadd.s32 $0x80000, v60;
	[tilespmem:s15+$0xEB0] =	vst v11  }
0x281: {  	v16 =	vld [tilespmem:s15+$0xF20];
	v15 =	vadd.s32 $0x80000, v62;
	[tilespmem:s15+$0xEC0] =	vst v13  }
0x282: {  	v18 =	vld [tilespmem:s15+$0xF30];
	v17 =	vadd.s32 $0x80000, v8;
	[tilespmem:s15+$0xED0] =	vst v15  }
0x283: {  	v20 =	vld [tilespmem:s15+$0xF40];
	v19 =	vadd.s32 $0x80000, v10;
	[tilespmem:s15+$0xEE0] =	vst v17  }
0x284: {  	v22 =	vld [tilespmem:s15+$0xF50];
	v21 =	vadd.s32 $0x80000, v12;
	[tilespmem:s15+$0xEF0] =	vst v19  }
0x285: {  	v23 =	vadd.s32 $0x80000, v14;
	v24 =	vld [tilespmem:s15+$0xF60];
	[tilespmem:s15+$0xF00] =	vst v21  }
0x286: {  	v25 =	vadd.s32 $0x80000, v16;
	v26 =	vld [tilespmem:s15+$0xF70];
	[tilespmem:s15+$0xF10] =	vst v23  }
0x287: {  	v27 =	vadd.s32 $0x80000, v18;
	v28 =	vld [tilespmem:s15+$0xF80];
	[tilespmem:s15+$0xF20] =	vst v25  }
0x288: {  	v30 =	vld [tilespmem:s15+$0xF90];
	[tilespmem:s15+$0xF30] =	vst v27;
	v29 =	vadd.s32 $0x80000, v20  }
0x289: {  	v32 =	vld [tilespmem:s15+$0xFA0];
	v31 =	vadd.s32 $0x80000, v22;
	[tilespmem:s15+$0xF40] =	vst v29  }
0x28a: {  	v34 =	vld [tilespmem:s15+$0xFB0];
	[tilespmem:s15+$0xF50] =	vst v31;
	v33 =	vadd.s32 $0x80000, v24  }
0x28b: {  	v36 =	vld [tilespmem:s15+$0xFC0];
	v35 =	vadd.s32 $0x80000, v26;
	[tilespmem:s15+$0xF60] =	vst v33  }
0x28c: {  	v38 =	vld [tilespmem:s15+$0xFD0];
	v37 =	vadd.s32 $0x80000, v28;
	[tilespmem:s15+$0xF70] =	vst v35  }
0x28d: {  	v40 =	vld [tilespmem:s15+$0xFE0];
	v39 =	vadd.s32 $0x80000, v30;
	[tilespmem:s15+$0xF80] =	vst v37  }
0x28e: {  	v42 =	vld [tilespmem:s15+$0xFF0];
	v41 =	vadd.s32 $0x80000, v32;
	[tilespmem:s15+$0xF90] =	vst v39  }
0x28f: {  	v44 =	vld [tilespmem:s15+$0x1000];
	v43 =	vadd.s32 $0x80000, v34;
	[tilespmem:s15+$0xFA0] =	vst v41  }
0x290: {  	v46 =	vld [tilespmem:s15+$0x1010];
	v45 =	vadd.s32 $0x80000, v36;
	[tilespmem:s15+$0xFB0] =	vst v43  }
0x291: {  	v48 =	vld [tilespmem:s15+$0x1020];
	v47 =	vadd.s32 $0x80000, v38;
	[tilespmem:s15+$0xFC0] =	vst v45  }
0x292: {  	v50 =	vld [tilespmem:s15+$0x1030];
	v49 =	vadd.s32 $0x80000, v40;
	[tilespmem:s15+$0xFD0] =	vst v47  }
0x293: {  	v52 =	vld [tilespmem:s15+$0x1040];
	v51 =	vadd.s32 $0x80000, v42;
	[tilespmem:s15+$0xFE0] =	vst v49  }
0x294: {  	v54 =	vld [tilespmem:s15+$0x1050];
	v53 =	vadd.s32 $0x80000, v44;
	[tilespmem:s15+$0xFF0] =	vst v51  }
0x295: {  	v56 =	vld [tilespmem:s15+$0x1060];
	v55 =	vadd.s32 $0x80000, v46;
	[tilespmem:s15+$0x1000] =	vst v53  }
0x296: {  	v58 =	vld [tilespmem:s15+$0x1070];
	v57 =	vadd.s32 $0x80000, v48;
	[tilespmem:s15+$0x1010] =	vst v55  }
0x297: {  	v59 =	vadd.s32 $0x80000, v50;
	[tilespmem:s15+$0x1020] =	vst v57  }
.Ltmp6:
0x298: {  	v60 =	vadd.s32 $0x80000, v52;
	[tilespmem:s15+$0x1030] =	vst v59;
	(pc) =	sbr.rel .LBB2_6-.Ltmp6, $4  }
0x299: {  	v61 =	vadd.s32 $0x80000, v54;
	[tilespmem:s15+$0x1040] =	vst v60  }
0x29a: {  	v62 =	vadd.s32 $0x80000, v56;
	[tilespmem:s15+$0x1050] =	vst v61  }
0x29b: {  	v63 =	vadd.s32 $0x80000, v58;
	[tilespmem:s15+$0x1060] =	vst v62  }
0x29c: {  	[tilespmem:s15+$0x1070] =	vst v63  }
.LBB2_8:
0x29d: {  	_ =	sfence.sel $0x180000  }
0x29e: {  	[bflag:$0x0] =	sbarrier.arrive $0xFFFF  }
0x29f: {  	p0 =	sne.s32 s2, $0x0;
	_ =	strace $0x9000004A  }
0x2a0: {  	s0 =	sadd.s32 @!p0 $0x100000, s0;
	[bflag:$0x2] =	sbarrier.arrive $0xFFFF  }
0x2a1: {  	[sflag:s0] =	ssyncadd.tile.s32 @!p0 $0x1;
	_ =	shalt  }
.Lfunc_end2:
_tile_overlayer_lowered:
.L_overlay_start_2:
0x2a2: {  	(tag) =	ssettag $0x2  }
0x2a3: {  	s0 =	rddreg [dreg:$0x0];
	s2 =	stileid.u32  }
0x2a4: {  	s1 =	rddreg [dreg:$0x1];
	p0 =	sne.s32 s2, $0x0  }
0x2a5: {  	s3 =	rddreg [dreg:$0x2];
	[bflag:$0x3] =	sbarrier.arrive $0xFFFF;
	s2 =	simm.s32 @!p0 $0x1C03  }
0x2a6: {  	[timem:s3], [sflag:s2] =	dma.local @!p0 [hbm:s0], s1  }
0x2a7: {  	s0 =	simm.s32 @!p0 $0x3  }
0x2a8: {  	_ =	swait.ge @!p0 [sflag:s0], s1  }
0x2a9: {  	s1 =	ssub.s32 @!p0 $0x0, s1;
	[sflag:s0] =	ssyncset.done @!p0 $0x0  }
0x2aa: {  	[sflag:s0] =	ssyncadd.s32 @!p0 s1  }
0x2ab: {  	[bflag:$0x3] =	sbarrier.arrive $0xFFFF  }
0x2ac: {  	_ =	shalt  }

// kernel: sparse-core-data-format-call.cloned.1.call-start
scs
called_computation_lowered:
.L_overlay_start_0:
0x0: {  	s2 =	sld [smem:$0x3FD9]  }
0x1: {  	s3 =	sld [smem:$0x3FFE];
	_ =	sdelay $0x1  }
0x2: {  	s1 =	srdreg.scid  }
0x3: {  	s0 =	sand.u32 $0x1, s1  }
0x4: {  	s18 =	sshll.u32 s0, $0xA;
	s2 =	sadd.s32 s3, s2  }
0x5: {  	s2 =	sadd.s32 s2, s18  }
0x6: {  	[smem:$0x3FC6] =	sst s2  }
0x7: {  	_ = 	snop  }
0x8: {  	s2 =	sld [smem:$0x3FC9];
	(tm) =	ssettm $0x1  }
0x9: {  	s19 =	sld [smem:$0x3FFB];
	_ =	sdelay $0x3  }
0xa: {  	_ =	strace s19  }
0xb: {  	s3 =	sld [smem:$0x3FFC];
	_ =	sdelay $0x3  }
0xc: {  	_ =	strace s3  }
0xd: {  	s3 =	sld [smem:$0x3FFD];
	_ =	sdelay $0x3  }
0xe: {  	_ =	strace s3  }
0xf: {  	_ =	strace $0x8FFFFFFF  }
0x10: {  	s20 =	sld [smem:$0x3FDB];
	_ =	sdelay $0x1  }
0x11: {  	s4 =	simm.s32 $_scs_section_size  }
0x12: {  	s5 =	simm.s32 $_size__tile_overlayer_lowered;
	s6 =	simm.s32 $_tile_overlayer_lowered  }
0x13: {  	s23 =	simm.s32 $0x1BFF;
	s22 =	sshll.u32 s6, $0x1;
	s3 =	sadd.s32 s4, s20  }
0x14: {  	s7 =	simm.s32 $0x0;
	s21 =	sshll.u32 s5, $0x1;
	s5 =	sadd.s32 s22, s3  }
0x15: {  	[timem:s7], [sflag:s23] =	dma.local [hbm:s5], s21  }
0x16: {  	_ =	swait.ge [sflag:s23], s21  }
0x17: {  	s4 =	ssub.s32 $0x0, s21;
	[sflag:s23] =	ssyncset.done $0x0  }
0x18: {  	[sflag:s23] =	ssyncadd.s32 s4;
	_ =	sdelay $0x1  }
0x19: {  	s24 =	simm.s32 $0x1B8B  }
0x1a: {  	_ =	swait.ge [sflag:s24], $0x1  }
0x1b: {  	[sflag:s24] =	ssyncset.done $0x0  }
0x1c: {  	s26 =	simm.s32 $0x1B8E;
	s25 =	sld [smem:$0x3FFE];
	[sflag:s24] =	ssyncadd.s32 $0xFFFFFFFF  }
0x1d: {  	s27 =	simm.s32 $execute0_lowered;
	[smem:$0x3FD2] =	sst s26  }
0x1e: {  	s5 =	sshll.u32 s27, $0x1;
	_ =	strace $0x80000046;
	[dreg:$0x1] =	wrdreg $0xFFFFFFFF  }
0x1f: {  	s28 =	simm.s32 $_size_execute0_lowered;
	s3 =	sadd.s32 s3, s5;
	[dreg:$0x0] =	wrdreg $0x0  }
0x20: {  	s5 =	sshll.u32 s28, $0x1;
	[dreg:$0x2] =	wrdreg s3  }
0x21: {  	[dreg:$0x3] =	wrdreg s5  }
0x22: {  	[dreg:$0x4] =	wrdreg $0xC0  }
0x23: {  	_ =	task [dreg:s7], $0x5FFFF  }
0x24: {  	[dreg:$0x1] =	wrdreg $0xFFFFFFFF  }
0x25: {  	[dreg:$0x0] =	wrdreg $0x60  }
0x26: {  	[dreg:$0x2] =	wrdreg s2  }
0x27: {  	[dreg:$0x3] =	wrdreg s25  }
0x28: {  	[dreg:$0x4] =	wrdreg $0x9  }
0x29: {  	_ =	task.clear_ibuf [dreg:s7], $0x5FFFF;
	_ =	strace $0x90000046  }
0x2a: {  	s29 =	simm.s32 $0x9;
	_ =	strace $0x80000048  }
0x2b: {  	_ =	swait.ge [sflag:s29], $0x1  }
0x2c: {  	[sflag:s29] =	ssyncadd.s32 $0xFFFFFFFF  }
0x2d: {  	_ =	strace $0x90000048  }
0x2e: {  	_ =	sfence  }
0x2f: {  	s30 =	sld [smem:$0x0];
	_ =	sdelay $0x2  }
0x30: {  	s31 =	sshll.u32 s1, $0xD;
	s1 =	sshrl.u32 s1, $0x2  }
0x31: {  	s3 =	sand.u32 $0x4000, s31;
	s1 =	sadd.s32 s1, s30  }
0x32: {  	s0 =	sor.u32 s3, s0;
	s1 =	sshll.u32 s1, $0x11  }
0x33: {  	s0 =	sor.u32 s1, s0  }
0x34: {  	s0 =	sadd.s32 $0x8F2B, s0  }
0x35: {  	[sflag:s0] =	ssyncadd.remote.s32 $0x1  }
0x36: {  	_ =	sfence.sel $0xFFFF  }
0x37: {  	[dreg:$0x0] =	wrdreg $0xFFFFFFFF;
	(pc) =	sbr.abs _section_cstart, $3  }
0x38: {  	[dreg:$0x1] =	wrdreg $0xFFFFFFFF  }
0x39: {  	_ =	task.clear_ibuf [dreg:s7], $0x2FFFF;
	_ =	strace $0x9FFFFFFF  }
0x3a: {  	(tm) =	ssettm $0x7FFFFFFF  }
0x3b: {  	_ =	shalt  }
tec
execute0_lowered:
.L_overlay_start_1:
0x0: {  	(tag) =	ssettag $0x1  }
0x1: {  	s2 =	rddreg [dreg:$0x0]  }
0x2: {  	s1 =	rddreg [dreg:$0x1]  }
0x3: {  	s0 =	rddreg [dreg:$0x2];
	_ =	strace $0x80000047;
	s4 =	srdreg.scid  }
0x4: {  	s6 =	simm.s32 $0x2;
	s11 =	simm.s32 $0x0;
	p0 =	por $0x0, $0x0  }
.Ltmp0:
0x5: {  	s7 =	simm.s32 $0x2000;
	s12 =	simm.s32 $0x0;
	(pc) =	sbr.rel .LBB1_1-.Ltmp0, $4  }
0x6: {  	s9 =	simm.s32 $0x0;
	s3 =	sadd.s32 $0x800, s1;
	s5 =	sshll.u32 s4, $0x4  }
0x7: {  	s1 =	stileid.u32;
	s4 =	simm.s32 $0x1;
	s5 =	sand.u32 $0x10, s5  }
0x8: {  	s8 =	simm.s32 $0x0;
	[sflag:s4] =	ssyncpa.u1 $0x0;
	s5 =	sor.u32 s1, s5  }
0x9: {  	[sflag:s6] =	ssyncpa.u1 $0x0;
	s6 =	simm.s32 $0x800;
	s10 =	smov.u32 s5  }
.LBB1_7:
0xa: {  	s13 =	sadd.s32 $0x10, s9  }
0xb: {  	s11 =	sadd.s32 $0x20, s10;
	s15 =	smov.u32 s10;
	p2 =	sgt.s32 s13, $0x3F  }
0xc: {  	p1 =	slt.u32 s8, $0x2;
	s15 =	smov.u32 @p2 s11  }
0xd: {  	s8 =	sadd.s32 $0x1, s8;
	s13 =	simm.s32 @p2 $0x0;
	p2 =	sgt.s32 s15, $0x7FF  }
0xe: {  	s15 =	smov.u32 @p2 s5;
	p2 =	sne.s32 s8, $0x102  }
.Ltmp1:
0xf: {  	_ = 	snop;
	(pc) =	sbr.rel @!p2 .LBB1_8-.Ltmp1, $4  }
0x10: {  	s14 =	simm.s32 @!p1 $0x2  }
0x11: {  	s12 =	smov.u32 s10;
	_ =	swait.ge @!p1 [sflag:s14], $0x4000  }
0x12: {  	p0 =	por !p0, !p0;
	s11 =	smov.u32 s9;
	[sflag:s14] =	ssyncset.done @!p1 $0x0  }
0x13: {  	s9 =	smov.u32 s13;
	[sflag:s14] =	ssyncadd.s32 @!p1 $0xFFFFC000;
	s10 =	smov.u32 s15  }
.LBB1_1:
0x14: {  	p1 =	sgt.u32 s8, $0xFF  }
0x15: {  	s13 =	sxor.u32 @!p1 $0xFFFFFFFF, s8;
	s14 =	sshll.u32 @!p1 s10, $0xD  }
0x16: {  	s15 =	sshll.u32 @!p1 s9, $0x7;
	s13 =	sshll.u32 @!p1 s13, $0xE;
	s14 =	sadd.s32 @!p1 s2, s14  }
0x17: {  	s13 =	sand.u32 @!p1 $0x4000, s13;
	s14 =	sadd.s32 @!p1 s15, s14;
	s15 =	simm.s32 @!p1 $0x0  }
0x18: {  	[tilespmem:s13], [sflag:$0x1] =	stream.linear.gather @!p1 [hbm4b:s14+s15], $0x4000, $0x38;
	[tilespmem:$0x10000] =	vst v63  }
0x19: {  	p1 =	seq.s32 s8, $0x0  }
0x1a: {  	p2 =	seq.s32 @!p1 s8, $0x101  }
0x1b: {  	p1 =	por p1, p2  }
.Ltmp2:
0x1c: {  	_ = 	snop;
	(pc) =	sbr.rel @p1 .LBB1_7-.Ltmp2, $1  }
0x1d: {  	_ =	sdelay $0x3  }
0x1e: {  	s13 =	simm.s32 $0x1;
	_ =	swait.ge [sflag:s4], $0x4000;
	s16 =	sshll.u32 s8, $0xE  }
0x1f: {  	s13 =	simm.s32 @!p0 $0x0;
	[sflag:s4] =	ssyncset.done $0x0;
	s31 =	sand.u32 $0x4000, s16  }
0x20: {  	s16 =	simm.s32 $0x0;
	s14 =	sshll.u32 s13, $0xE;
	[sflag:s4] =	ssyncadd.s32 $0xFFFFC000  }
0x21: {  	s13 =	sor.u32 $0x8040, s14;
	s15 =	sor.u32 $0x40, s14;
	s14 =	sor.u32 $0x8000, s31  }
.LBB1_3:
0x22: {  	v0 =	vmov s15;
	_ =	sdelay $0x3  }
0x23: {  	s18 =	simm.s32 $0x0  }
0x24: {  	v6 =	vld.idx.msk [tilespmem:v0+s18+$0x30 ss:$0x1], $0xffff  }
0x25: {  	v7 =	vld.idx.msk [tilespmem:v0+s18+$0xFFFFFFC0 ss:$0x1], $0xffff  }
0x26: {  	v5 =	vld.idx.msk [tilespmem:v0+s18+$0xFFFFFFD0 ss:$0x1], $0xffff  }
0x27: {  	v4 =	vld.idx.msk [tilespmem:v0+s18+$0xFFFFFFE0 ss:$0x1], $0xffff  }
0x28: {  	v3 =	vld.idx.msk [tilespmem:v0+s18+$0xFFFFFFF0 ss:$0x1], $0xffff  }
0x29: {  	v1 =	vld.idx.msk [tilespmem:v0+s18+$0x0 ss:$0x1], $0xffff  }
0x2a: {  	v2 =	vld.idx.msk [tilespmem:v0+s18+$0x10 ss:$0x1], $0xffff;
	[tilespmem:s13+$0x30] =	vst v6  }
0x2b: {  	s17 =	simm.s32 $0x80;
	s19 =	simm.s32 $0x400;
	[tilespmem:s13+$0xFFFFFFC0] =	vst v7;
	v6 =	vld.idx.msk [tilespmem:v0+s18+$0x20 ss:$0x1], $0xffff;
	s18 =	smov.u32 s13  }
.LBB1_4:
0x2c: {  	p1 =	sne.s32 s19, $0xE00;
	v7 =	vld.idx.msk [tilespmem:v0+s17+$0x30 ss:$0x1], $0xffff;
	[tilespmem:s18+$0xFFFFFFD0] =	vst v5  }
0x2d: {  	v8 =	vld.idx.msk [tilespmem:v0+s17+$0xFFFFFFC0 ss:$0x1], $0xffff;
	[tilespmem:s18+$0xFFFFFFE0] =	vst v4  }
0x2e: {  	v5 =	vld.idx.msk [tilespmem:v0+s17+$0xFFFFFFD0 ss:$0x1], $0xffff;
	[tilespmem:s18+$0xFFFFFFF0] =	vst v3  }
.Ltmp3:
0x2f: {  	v4 =	vld.idx.msk [tilespmem:v0+s17+$0xFFFFFFE0 ss:$0x1], $0xffff;
	[tilespmem:s18+$0x0] =	vst v1;
	(pc) =	sbr.rel @p1 .LBB1_4-.Ltmp3, $4  }
0x30: {  	v3 =	vld.idx.msk [tilespmem:v0+s17+$0xFFFFFFF0 ss:$0x1], $0xffff;
	[tilespmem:s18+$0x10] =	vst v2  }
0x31: {  	v1 =	vld.idx.msk [tilespmem:v0+s17+$0x0 ss:$0x1], $0xffff;
	[tilespmem:s18+$0x20] =	vst v6;
	s18 =	sadd.s32 $0x800, s18  }
0x32: {  	v2 =	vld.idx.msk [tilespmem:v0+s17+$0x10 ss:$0x1], $0xffff;
	[tilespmem:s18+$0x30] =	vst v7  }
0x33: {  	[tilespmem:s18+$0xFFFFFFC0] =	vst v8;
	v6 =	vld.idx.msk [tilespmem:v0+s17+$0x20 ss:$0x1], $0xffff;
	s17 =	sshra.s32 s19, $0x2;
	s19 =	sadd.s32 $0x200, s19  }
0x34: {  	_ =	sdelay $0x2  }
0x35: {  	[tilespmem:s18+$0xFFFFFFD0] =	vst v5  }
0x36: {  	v56 =	vld.idx.msk [tilespmem:v0+s17+$0x30 ss:$0x1], $0xffff;
	[tilespmem:s18+$0xFFFFFFE0] =	vst v4  }
0x37: {  	v57 =	vld.idx.msk [tilespmem:v0+s17+$0xFFFFFFC0 ss:$0x1], $0xffff;
	[tilespmem:s18+$0xFFFFFFF0] =	vst v3  }
0x38: {  	v58 =	vld.idx.msk [tilespmem:v0+s17+$0xFFFFFFD0 ss:$0x1], $0xffff;
	[tilespmem:s18+$0x0] =	vst v1  }
0x39: {  	v59 =	vld.idx.msk [tilespmem:v0+s17+$0xFFFFFFE0 ss:$0x1], $0xffff;
	[tilespmem:s18+$0x10] =	vst v2  }
0x3a: {  	v60 =	vld.idx.msk [tilespmem:v0+s17+$0xFFFFFFF0 ss:$0x1], $0xffff;
	s31 =	sadd.s32 $0x800, s18;
	[tilespmem:s18+$0x20] =	vst v6  }
0x3b: {  	v61 =	vld.idx.msk [tilespmem:v0+s17+$0x0 ss:$0x1], $0xffff;
	[tilespmem:s31+$0x30] =	vst v56  }
0x3c: {  	v62 =	vld.idx.msk [tilespmem:v0+s17+$0x10 ss:$0x1], $0xffff;
	s16 =	sadd.s32 $0x1, s16;
	[tilespmem:s31+$0xFFFFFFC0] =	vst v57  }
0x3d: {  	v63 =	vld.idx.msk [tilespmem:v0+s17+$0x20 ss:$0x1], $0xffff;
	p1 =	sne.s32 s16, $0x10;
	[tilespmem:s31+$0xFFFFFFD0] =	vst v58  }
.Ltmp4:
0x3e: {  	[tilespmem:s31+$0xFFFFFFE0] =	vst v59;
	(pc) =	sbr.rel @p1 .LBB1_3-.Ltmp4, $4  }
0x3f: {  	[tilespmem:s31+$0xFFFFFFF0] =	vst v60  }
0x40: {  	[tilespmem:s31+$0x0] =	vst v61  }
0x41: {  	[tilespmem:s31+$0x10] =	vst v62  }
0x42: {  	s13 =	sadd.s32 $0x80, s13;
	s15 =	sadd.s32 $0x400, s15;
	[tilespmem:s31+$0x20] =	vst v63  }
.Ltmp5:
0x43: {  	(pc) =	sbr.rel .LBB1_7-.Ltmp5, $4  }
0x44: {  	s12 =	sshll.u32 s12, $0xD;
	s11 =	sshll.u32 s11, $0x4  }
0x45: {  	s11 =	sand.u32 $0x3F0, s11;
	s12 =	sadd.s32 s3, s12  }
0x46: {  	s11 =	sadd.s32 s11, s12  }
0x47: {  	[hbm4b:s11+s6] =	stream.strided.scatter [tilespmem:s14], [sflag:$0x2], $0x4000, s7, s6, $0x38;
	[tilespmem:$0x10000] =	vst v63  }
.LBB1_8:
0x48: {  	_ =	sfence.sel $0x180000  }
0x49: {  	s2 =	simm.s32 $0x1;
	[bflag:$0x0] =	sbarrier.arrive $0xFFFF  }
0x4a: {  	s31 =	simm.s32 $0x2;
	[sflag:s2] =	ssyncpa.u1 $0x1  }
0x4b: {  	[sflag:s31] =	ssyncpa.u1 $0x1  }
0x4c: {  	p0 =	sne.s32 s1, $0x0;
	_ =	strace $0x90000047  }
0x4d: {  	s0 =	sadd.s32 @!p0 $0x100000, s0;
	[bflag:$0x2] =	sbarrier.arrive $0xFFFF  }
0x4e: {  	[sflag:s0] =	ssyncadd.tile.s32 @!p0 $0x1;
	_ =	shalt  }
.Lfunc_end1:
_tile_overlayer_lowered:
.L_overlay_start_2:
0x4f: {  	(tag) =	ssettag $0x2  }
0x50: {  	s0 =	rddreg [dreg:$0x0];
	s2 =	stileid.u32  }
0x51: {  	s1 =	rddreg [dreg:$0x1];
	p0 =	sne.s32 s2, $0x0  }
0x52: {  	s3 =	rddreg [dreg:$0x2];
	[bflag:$0x3] =	sbarrier.arrive $0xFFFF;
	s2 =	simm.s32 @!p0 $0x1C01  }
0x53: {  	[timem:s3], [sflag:s2] =	dma.local @!p0 [hbm:s0], s1  }
0x54: {  	s0 =	simm.s32 @!p0 $0x1  }
0x55: {  	_ =	swait.ge @!p0 [sflag:s0], s1  }
0x56: {  	s1 =	ssub.s32 @!p0 $0x0, s1;
	[sflag:s0] =	ssyncset.done @!p0 $0x0  }
0x57: {  	[sflag:s0] =	ssyncadd.s32 @!p0 s1  }
0x58: {  	[bflag:$0x3] =	sbarrier.arrive $0xFFFF  }
0x59: {  	_ =	shalt  }

</sc_bundles>
